<compile_context>
chip_gen: v7x
topology: tpu7x:2x2x1
jax: 0.10.2.dev20260603
libtpu: 0.0.44.dev20260713+nightly
codegen_flags: <defaults>
</compile_context>

<pallas_src>
import functools

import jax
import jax.numpy as jnp
from jax import lax
from jax.experimental import pallas as pl
from jax.experimental.pallas import tpu as pltpu
from jax.experimental.pallas import tpu_sc as plsc

B = 100
A = 100
N = B * A
D = 128
E = 320000
K = 8192

NC = 2
NS = 16
NW = NC * NS
EC = 80
CHUNKS_PER_TILE = E // (NW * EC)
NP = 10240
ROWS_PER_TILE = NP // NS
GC = 64
KCH = K // (NW * GC)

_mesh = plsc.VectorSubcoreMesh(core_axis_name="c", subcore_axis_name="s")


def _edge_body(with_extras, *refs):
    if with_extras:
        (x_hbm, src_hbm, dst_hbm, zD_hbm, oD_hbm,
         agg_out, deg_out,
         agg_sh, rows0, rows1,
         sidx0, sidx1, sidx2, sidx3, didx0, didx1, didx2, didx3,
         sg0, sg1, ss0, ss1, sw0, sw1, si0, si1, si2, si3) = refs
    else:
        (x_hbm, src_hbm, dst_hbm, zD_hbm,
         agg_out,
         agg_sh, rows0, rows1,
         sidx0, sidx1, sidx2, sidx3, didx0, didx1, didx2, didx3,
         sg0, sg1, ss0, ss1, sw0, sw1, si0, si1, si2, si3) = refs

    c = lax.axis_index("c")
    s = lax.axis_index("s")
    wid = s * NC + c
    rows = (rows0, rows1)
    sidx = (sidx0, sidx1, sidx2, sidx3)
    didx = (didx0, didx1, didx2, didx3)
    sg = (sg0, sg1)
    ss = (ss0, ss1)
    sw = (sw0, sw1)
    si = (si0, si1, si2, si3)

    def ebase(t):
        return (wid * CHUNKS_PER_TILE + t) * EC

    def zero_stripes():
        pltpu.sync_copy(zD_hbm, rows0)
        for k in range(ROWS_PER_TILE // EC):
            pltpu.sync_copy(
                rows0, agg_sh.at[pl.ds(s * ROWS_PER_TILE + k * EC, EC)])

    def copy_stripes_out(out_hbm, width=D):
        nck = ROWS_PER_TILE // EC
        for k in range(nck):
            b = k % 2
            r = s * ROWS_PER_TILE + k * EC
            if k >= 2:
                pltpu.make_async_copy(
                    agg_sh.at[pl.ds(r - 2 * EC, EC), pl.ds(0, width)],
                    out_hbm.at[c, pl.ds(r - 2 * EC, EC)], sw[b]).wait()
            pltpu.async_copy(agg_sh.at[pl.ds(r, EC), pl.ds(0, width)],
                             out_hbm.at[c, pl.ds(r, EC)], sw[b])
        for k in range(nck - 2, nck):
            b = k % 2
            r = s * ROWS_PER_TILE + k * EC
            pltpu.make_async_copy(
                agg_sh.at[pl.ds(r, EC), pl.ds(0, width)],
                out_hbm.at[c, pl.ds(r, EC)], sw[b]).wait()


    def prefetch_idx(t, q, with_src=True):
        pltpu.async_copy(dst_hbm.at[pl.ds(ebase(t), EC)], didx[q], si[q])
        if with_src:
            pltpu.async_copy(src_hbm.at[pl.ds(ebase(t), EC)], sidx[q], si[q])

    def wait_idx(t, q, with_src=True):
        pltpu.make_async_copy(
            dst_hbm.at[pl.ds(ebase(t), EC)], didx[q], si[q]).wait()
        if with_src:
            pltpu.make_async_copy(
                src_hbm.at[pl.ds(ebase(t), EC)], sidx[q], si[q]).wait()

    def start_gather(q, b):
        pltpu.async_copy(x_hbm.at[sidx[q]], rows[b], sg[b])

    def wait_gather(q, b):
        pltpu.make_async_copy(x_hbm.at[sidx[q]], rows[b], sg[b]).wait()

    def start_scatter(q, b):
        return pltpu.async_copy(rows[b], agg_sh.at[didx[q]], ss[b], add=True)

    LAST = CHUNKS_PER_TILE - 1

    def agg_pass():
        for t in range(4):
            prefetch_idx(t, t)
        wait_idx(0, 0)
        start_gather(0, 0)

        def quad(kk, carry):
            T = 4 * kk
            wait_idx(T + 1, 1)
            start_gather(1, 1)
            wait_gather(0, 0)
            d_s0 = start_scatter(0, 0)
            wait_gather(1, 1)
            d_s1 = start_scatter(1, 1)
            d_s0.wait()
            prefetch_idx(T + 4, 0)
            wait_idx(T + 2, 2)
            start_gather(2, 0)
            d_s1.wait()

            @pl.when(T + 5 <= LAST)
            def _():
                prefetch_idx(T + 5, 1)

            wait_idx(T + 3, 3)
            start_gather(3, 1)
            wait_gather(2, 0)
            d_s2 = start_scatter(2, 0)
            wait_gather(3, 1)
            d_s3 = start_scatter(3, 1)
            d_s2.wait()

            @pl.when(T + 6 <= LAST)
            def _():
                prefetch_idx(T + 6, 2)

            d_s3.wait()

            @pl.when(T + 7 <= LAST)
            def _():
                prefetch_idx(T + 7, 3)

            wait_idx(T + 4, 0)
            start_gather(0, 0)
            return carry

        lax.fori_loop(0, LAST // 4, quad, 0)

        wait_gather(0, 0)
        start_scatter(0, 0).wait()

    def ones_pass():
        for t in range(4):
            prefetch_idx(t, t, with_src=False)

        def src_free_scatter(q, b):
            return pltpu.async_copy(rows0, agg_sh.at[didx[q]], ss[b], add=True)

        def quad(kk, carry):
            T = 4 * kk
            wait_idx(T, 0, with_src=False)
            dA = src_free_scatter(0, 0)
            wait_idx(T + 1, 1, with_src=False)
            dB = src_free_scatter(1, 1)
            dA.wait()
            prefetch_idx(T + 4, 0, with_src=False)
            wait_idx(T + 2, 2, with_src=False)
            dC = src_free_scatter(2, 0)
            dB.wait()

            @pl.when(T + 5 <= LAST)
            def _():
                prefetch_idx(T + 5, 1, with_src=False)

            wait_idx(T + 3, 3, with_src=False)
            dD = src_free_scatter(3, 1)
            dC.wait()

            @pl.when(T + 6 <= LAST)
            def _():
                prefetch_idx(T + 6, 2, with_src=False)

            dD.wait()

            @pl.when(T + 7 <= LAST)
            def _():
                prefetch_idx(T + 7, 3, with_src=False)

            return carry

        lax.fori_loop(0, LAST // 4, quad, 0)

        wait_idx(LAST, 0, with_src=False)
        src_free_scatter(0, 0).wait()


    zero_stripes()

    if with_extras:
        pltpu.sync_copy(oD_hbm, rows0)
        plsc.subcore_barrier()
        ones_pass()
        plsc.subcore_barrier()
        copy_stripes_out(deg_out)
        zero_stripes()

    plsc.subcore_barrier()

    agg_pass()

    plsc.subcore_barrier()

    copy_stripes_out(agg_out)


def _make_edge_kernel(with_extras):
    out_type = [jax.ShapeDtypeStruct((NC, NP, D), jnp.float32)]
    scratch = [
        pltpu.MemorySpace.VMEM_SHARED((NP, D), jnp.float32),
        pltpu.VMEM((EC, D), jnp.float32),
        pltpu.VMEM((EC, D), jnp.float32),
        pltpu.VMEM((EC,), jnp.int32),
        pltpu.VMEM((EC,), jnp.int32),
        pltpu.VMEM((EC,), jnp.int32),
        pltpu.VMEM((EC,), jnp.int32),
        pltpu.VMEM((EC,), jnp.int32),
        pltpu.VMEM((EC,), jnp.int32),
        pltpu.VMEM((EC,), jnp.int32),
        pltpu.VMEM((EC,), jnp.int32),
        pltpu.SemaphoreType.DMA,
        pltpu.SemaphoreType.DMA,
        pltpu.SemaphoreType.DMA,
        pltpu.SemaphoreType.DMA,
        pltpu.SemaphoreType.DMA,
        pltpu.SemaphoreType.DMA,
        pltpu.SemaphoreType.DMA,
        pltpu.SemaphoreType.DMA,
        pltpu.SemaphoreType.DMA,
        pltpu.SemaphoreType.DMA,
    ]
    if with_extras:
        out_type += [jax.ShapeDtypeStruct((NC, NP, D), jnp.float32)]
    return pl.kernel(
        functools.partial(_edge_body, with_extras),
        out_type=out_type,
        mesh=_mesh,
        scratch_types=scratch,
    )


def _gather_body(z0_hbm, z1_hbm, flat0_hbm, flat1_hbm, out,
                 sidx, rows, sem, sw0, sw1):
    c = lax.axis_index("c")
    s = lax.axis_index("s")
    wid = s * NC + c
    sw = (sw0, sw1)
    for which, (tbl, flat) in enumerate(((z0_hbm, flat0_hbm),
                                         (z1_hbm, flat1_hbm))):
        for k in range(KCH):
            b = k % 2
            off = (wid * KCH + k) * GC
            if which + k > 0:
                pb = (k + 1) % 2
                pltpu.make_async_copy(
                    rows.at[pb], out.at[0, pl.ds(0, GC)], sw[pb]).wait()
            pltpu.sync_copy(flat.at[pl.ds(off, GC)], sidx)
            pltpu.async_copy(tbl.at[sidx], rows.at[b], sem).wait()
            pltpu.async_copy(rows.at[b], out.at[which, pl.ds(off, GC)], sw[b])
    pltpu.make_async_copy(
        rows.at[(KCH - 1) % 2], out.at[0, pl.ds(0, GC)],
        sw[(KCH - 1) % 2]).wait()


_gather_kernel = pl.kernel(
    _gather_body,
    out_type=[jax.ShapeDtypeStruct((2, K, D), jnp.float32)],
    mesh=_mesh,
    scratch_types=[
        pltpu.VMEM((GC,), jnp.int32),
        pltpu.VMEM((2, GC, D), jnp.float32),
        pltpu.SemaphoreType.DMA,
        pltpu.SemaphoreType.DMA,
        pltpu.SemaphoreType.DMA,
    ],
)


_ROWS_TC = 2000


def _layer_tc_body(x_ref, aggp_ref, degp_ref, w_ref, b_ref, o_ref):
    agg = aggp_ref[0] + aggp_ref[1]
    deg = degp_ref[0, :, 0:1] + degp_ref[1, :, 0:1]
    rdeg = 1.0 / jnp.maximum(deg, 1.0)
    h = jnp.dot(x_ref[...] + agg * rdeg, w_ref[...],
                preferred_element_type=jnp.float32) + b_ref[...]
    o_ref[...] = jnp.maximum(h, 0.0)


def _layer_tc(x, aggp, degp, w, b):
    grid = (N // _ROWS_TC,)
    return pl.pallas_call(
        _layer_tc_body,
        grid=grid,
        in_specs=[
            pl.BlockSpec((_ROWS_TC, D), lambda i: (i, 0)),
            pl.BlockSpec((NC, _ROWS_TC, D), lambda i: (0, i, 0)),
            pl.BlockSpec((NC, _ROWS_TC, D), lambda i: (0, i, 0)),
            pl.BlockSpec((D, D), lambda i: (0, 0)),
            pl.BlockSpec((1, D), lambda i: (0, 0)),
        ],
        out_specs=pl.BlockSpec((_ROWS_TC, D), lambda i: (i, 0)),
        out_shape=jax.ShapeDtypeStruct((N, D), jnp.float32),
    )(x, aggp, degp, w, b)


def _layer2_tc_body(x_ref, aggp_ref, degp_ref, w_ref, b_ref, lw_ref,
                    lb_ref, z_ref):
    agg = aggp_ref[0] + aggp_ref[1]
    deg = degp_ref[0, :, 0:1] + degp_ref[1, :, 0:1]
    rdeg = 1.0 / jnp.maximum(deg, 1.0)
    h = jnp.dot(x_ref[...] + agg * rdeg, w_ref[...],
                preferred_element_type=jnp.float32) + b_ref[...]
    y = jnp.maximum(h, 0.0)
    z_ref[...] = jnp.dot(y, lw_ref[...],
                         preferred_element_type=jnp.float32) + lb_ref[...]


def _layer2_tc(x, aggp, degp, w, b, lw, lb):
    grid = (N // _ROWS_TC,)
    return pl.pallas_call(
        _layer2_tc_body,
        grid=grid,
        in_specs=[
            pl.BlockSpec((_ROWS_TC, D), lambda i: (i, 0)),
            pl.BlockSpec((NC, _ROWS_TC, D), lambda i: (0, i, 0)),
            pl.BlockSpec((NC, _ROWS_TC, D), lambda i: (0, i, 0)),
            pl.BlockSpec((D, D), lambda i: (0, 0)),
            pl.BlockSpec((1, D), lambda i: (0, 0)),
            pl.BlockSpec((D, D), lambda i: (0, 0)),
            pl.BlockSpec((1, D), lambda i: (0, 0)),
        ],
        out_specs=[pl.BlockSpec((_ROWS_TC, D), lambda i: (i, 0))],
        out_shape=[jax.ShapeDtypeStruct((N, D), jnp.float32)],
    )(x, aggp, degp, w, b, lw, lb)


def _project_tc_body(x_ref, w_ref, b_ref, o_ref):
    o_ref[...] = jnp.dot(x_ref[...], w_ref[...],
                         preferred_element_type=jnp.float32) + b_ref[...]


def _project_tc(x, w, b):
    grid = (N // _ROWS_TC,)
    return pl.pallas_call(
        _project_tc_body,
        grid=grid,
        in_specs=[
            pl.BlockSpec((_ROWS_TC, D), lambda i: (i, 0)),
            pl.BlockSpec((D, D), lambda i: (0, 0)),
            pl.BlockSpec((1, D), lambda i: (0, 0)),
        ],
        out_specs=pl.BlockSpec((_ROWS_TC, D), lambda i: (i, 0)),
        out_shape=jax.ShapeDtypeStruct((N, D), jnp.float32),
    )(x, w, b)


_edge_extras = _make_edge_kernel(True)
_edge_plain = _make_edge_kernel(False)


def kernel(x0, x1, edge_index1, adj1_0, adj1_1, gnn1_W, gnn1_b, gnn2_W,
           gnn2_b, lin_W, lin_b, fcin_W, fcin_b):
    src = edge_index1[0]
    dst = edge_index1[1]
    flat0 = adj1_0[:, 0] * A + adj1_0[:, 1]
    flat1 = adj1_1[:, 0] * A + adj1_1[:, 1]
    zD = jnp.zeros((EC, D), jnp.float32)
    oD = jnp.ones((EC, D), jnp.float32)

    z0 = _project_tc(x0, fcin_W, fcin_b.reshape(1, D))
    agg1, deg = _edge_extras(x1, src, dst, zD, oD)
    y1 = _layer_tc(x1, agg1, deg, gnn1_W, gnn1_b.reshape(1, D))
    (agg2,) = _edge_plain(y1, src, dst, zD)
    (z1,) = _layer2_tc(y1, agg2, deg, gnn2_W, gnn2_b.reshape(1, D),
                       lin_W, lin_b.reshape(1, D))
    (out,) = _gather_kernel(z0, z1, flat0, flat1)
    return out

# --- scband reference (transcript-rebuilt; emitter-appended) ---
"""Pipeline reference for scband-my-gnn-45397804319006 (READ-ONLY COPY).

The authoritative reference and input builder live on the scoring server;
editing this copy changes nothing except your own understanding.
"""

import jax, jax.numpy as jnp
import numpy as np

B = 100      # batch_size (num_graphs)
A = 100      # adj_shape (nodes per graph)
D = 128      # in_dim
O = 128      # out_dim
E = 320000   # num edges
K = 8192     # rows selected by adj1 indexing


def setup_inputs(seed: int = 0):
    key = jax.random.key(seed)
    ks = jax.random.split(key, 14)
    s = 1.0 / np.sqrt(D)
    x0 = jax.random.normal(ks[0], (B * A, D), dtype=jnp.float32)
    x1 = jax.random.normal(ks[1], (B * A, D), dtype=jnp.float32)
    edge_index1 = jax.random.randint(ks[2], (2, E), 0, B * A, dtype=jnp.int32)
    adj1_0 = jax.random.randint(ks[3], (K, 2), 0, 100, dtype=jnp.int32)
    adj1_1 = jax.random.randint(ks[4], (K, 2), 0, 100, dtype=jnp.int32)
    gnn1_W = jax.random.uniform(ks[5], (D, D), jnp.float32, -s, s)
    gnn1_b = jax.random.uniform(ks[6], (D,), jnp.float32, -s, s)
    gnn2_W = jax.random.uniform(ks[7], (D, D), jnp.float32, -s, s)
    gnn2_b = jax.random.uniform(ks[8], (D,), jnp.float32, -s, s)
    lin_W = jax.random.uniform(ks[9], (D, O), jnp.float32, -s, s)
    lin_b = jax.random.uniform(ks[10], (O,), jnp.float32, -s, s)
    fcin_W = jax.random.uniform(ks[11], (D, O), jnp.float32, -s, s)
    fcin_b = jax.random.uniform(ks[12], (O,), jnp.float32, -s, s)
    return {"x0": x0, "x1": x1, "edge_index1": edge_index1, "adj1_0": adj1_0,
            "adj1_1": adj1_1, "gnn1_W": gnn1_W, "gnn1_b": gnn1_b,
            "gnn2_W": gnn2_W, "gnn2_b": gnn2_b, "lin_W": lin_W, "lin_b": lin_b,
            "fcin_W": fcin_W, "fcin_b": fcin_b}


def _gnn_layer(x, edge_index, W, b):
    # GCN-style message passing: mean-aggregate neighbor features into dst,
    # add self feature, then linear + relu.
    src = edge_index[0]
    dst = edge_index[1]
    msg = jnp.take(x, src, axis=0)
    agg = jax.ops.segment_sum(msg, dst, num_segments=x.shape[0])
    deg = jax.ops.segment_sum(jnp.ones((edge_index.shape[1],), jnp.float32), dst,
                              num_segments=x.shape[0])
    agg = agg / jnp.maximum(deg, 1.0)[:, None]
    return jax.nn.relu((x + agg) @ W + b)


def reference(x0, x1, edge_index1, adj1_0, adj1_1, gnn1_W, gnn1_b, gnn2_W,
              gnn2_b, lin_W, lin_b, fcin_W, fcin_b):
    # i == 0 branch (no GNN): reshape -> gather rows -> fc_in
    d0 = x0.reshape(B, A, -1)
    d0 = d0[adj1_0[:, 0], adj1_0[:, 1]]
    d0 = d0 @ fcin_W + fcin_b
    # i == 1 branch (observ=True): gnn1 -> dropout(identity at eval) -> gnn2
    d1 = _gnn_layer(x1, edge_index1, gnn1_W, gnn1_b)
    # F.dropout(d, p=0.2) treated as identity for deterministic reference
    d1 = _gnn_layer(d1, edge_index1, gnn2_W, gnn2_b)
    d1 = d1.reshape(B, A, -1)
    d1 = d1[adj1_1[:, 0], adj1_1[:, 1]]
    d1 = d1 @ lin_W + lin_b
    # fc_out is None -> skip
    return jnp.stack([d0, d1])

if __name__ == "__main__":
    import jax
    _d = setup_inputs()
    print(jax.jit(kernel)(*tuple(_d.values())))

</pallas_src>

<mosaic_0001>
#map = affine_map<(d0, d1) -> (0, 0)>
#map1 = affine_map<(d0, d1) -> (0)>
#map2 = affine_map<(d0, d1) -> (0, 0, 0)>
module attributes {stable_mosaic.version = 14 : i64} {
  func.func @_edge_body(%arg0: i32, %arg1: i32, %arg2: memref<10000x128xf32, #tpu.memory_space<hbm>>, %arg3: memref<320000xi32, #tpu.memory_space<hbm>>, %arg4: memref<320000xi32, #tpu.memory_space<hbm>>, %arg5: memref<80x128xf32, #tpu.memory_space<hbm>>, %arg6: memref<2x10240x128xf32, #tpu.memory_space<hbm>>, %arg7: memref<10240x128xf32, #tpu.memory_space<vmem_shared>>, %arg8: memref<80x128xf32, #tpu.memory_space<vmem>>, %arg9: memref<80x128xf32, #tpu.memory_space<vmem>>, %arg10: memref<80xi32, #tpu.memory_space<vmem>>, %arg11: memref<80xi32, #tpu.memory_space<vmem>>, %arg12: memref<80xi32, #tpu.memory_space<vmem>>, %arg13: memref<80xi32, #tpu.memory_space<vmem>>, %arg14: memref<80xi32, #tpu.memory_space<vmem>>, %arg15: memref<80xi32, #tpu.memory_space<vmem>>, %arg16: memref<80xi32, #tpu.memory_space<vmem>>, %arg17: memref<80xi32, #tpu.memory_space<vmem>>, %arg18: memref<!tpu.dma_semaphore, #tpu.memory_space<semaphore_mem>>, %arg19: memref<!tpu.dma_semaphore, #tpu.memory_space<semaphore_mem>>, %arg20: memref<!tpu.dma_semaphore, #tpu.memory_space<semaphore_mem>>, %arg21: memref<!tpu.dma_semaphore, #tpu.memory_space<semaphore_mem>>, %arg22: memref<!tpu.dma_semaphore, #tpu.memory_space<semaphore_mem>>, %arg23: memref<!tpu.dma_semaphore, #tpu.memory_space<semaphore_mem>>, %arg24: memref<!tpu.dma_semaphore, #tpu.memory_space<semaphore_mem>>, %arg25: memref<!tpu.dma_semaphore, #tpu.memory_space<semaphore_mem>>, %arg26: memref<!tpu.dma_semaphore, #tpu.memory_space<semaphore_mem>>, %arg27: memref<!tpu.dma_semaphore, #tpu.memory_space<semaphore_mem>>) attributes {dimension_semantics = [#tpu.dimension_semantics<core_parallel>, #tpu.dimension_semantics<subcore_parallel>], iteration_bounds = array<i64: 2, 16>, scalar_prefetch = 0 : i64, scratch_operands = 21 : i64, tpu.core_type = #tpu.core_type<sc_vector_subcore>, window_params = [{transform_indices = #map}, {transform_indices = #map1}, {transform_indices = #map1}, {transform_indices = #map}, {transform_indices = #map2}]} {
    %mul3A = arith.constant 2 : i32
    %mul3A_0 = arith.muli %arg1, %mul3A : i32
    %add3A = arith.addi %mul3A_0, %arg0 : i32
    "tpu.region"() ({
      %run_scoped3A = tpu.sem_alloc : memref<!tpu.dma_semaphore, #tpu.memory_space<semaphore_mem>>
      tpu.enqueue_dma source(%arg5 : memref<80x128xf32, #tpu.memory_space<hbm>>) target(%arg8 : memref<80x128xf32, #tpu.memory_space<vmem>>) target_semaphore(%run_scoped3A : memref<!tpu.dma_semaphore, #tpu.memory_space<semaphore_mem>>)
      tpu.wait_dma2 semaphore(%run_scoped3A : memref<!tpu.dma_semaphore, #tpu.memory_space<semaphore_mem>>) src(%arg5 : memref<80x128xf32, #tpu.memory_space<hbm>>) dst(%arg8 : memref<80x128xf32, #tpu.memory_space<vmem>>)
      tpu.yield
    }) : () -> ()
    %mul3A_1 = arith.constant 640 : i32
    %mul3A_2 = arith.muli %arg1, %mul3A_1 : i32
    %add3A_3 = arith.constant 0 : i32
    %add3A_4 = arith.addi %mul3A_2, %add3A_3 : i32
    "tpu.region"() ({
      %run_scoped3A = tpu.sem_alloc : memref<!tpu.dma_semaphore, #tpu.memory_space<semaphore_mem>>
      %dma_start3A_272 = arith.constant 0 : i32
      %dma_start3A_273 = tpu.memref_slice %arg7[%add3A_4, %dma_start3A_272] : memref<10240x128xf32, #tpu.memory_space<vmem_shared>> -> memref<80x128xf32, #tpu.memory_space<vmem_shared>>
      %dma_start3A_274 = arith.constant 0 : i32
      %dma_start3A_275 = tpu.memref_slice %arg7[%add3A_4, %dma_start3A_274] : memref<10240x128xf32, #tpu.memory_space<vmem_shared>> -> memref<80x128xf32, #tpu.memory_space<vmem_shared>>
      tpu.enqueue_dma source(%arg8 : memref<80x128xf32, #tpu.memory_space<vmem>>) target(%dma_start3A_275 : memref<80x128xf32, #tpu.memory_space<vmem_shared>>) target_semaphore(%run_scoped3A : memref<!tpu.dma_semaphore, #tpu.memory_space<semaphore_mem>>)
      %dma_wait3A_276 = arith.constant 0 : i32
      %dma_wait3A_277 = tpu.memref_slice %arg7[%add3A_4, %dma_wait3A_276] : memref<10240x128xf32, #tpu.memory_space<vmem_shared>> -> memref<80x128xf32, #tpu.memory_space<vmem_shared>>
      %dma_wait3A_278 = arith.constant 0 : i32
      %dma_wait3A_279 = tpu.memref_slice %arg7[%add3A_4, %dma_wait3A_278] : memref<10240x128xf32, #tpu.memory_space<vmem_shared>> -> memref<80x128xf32, #tpu.memory_space<vmem_shared>>
      tpu.wait_dma2 semaphore(%run_scoped3A : memref<!tpu.dma_semaphore, #tpu.memory_space<semaphore_mem>>) src(%arg8 : memref<80x128xf32, #tpu.memory_space<vmem>>) dst(%dma_wait3A_279 : memref<80x128xf32, #tpu.memory_space<vmem_shared>>)
      tpu.yield
    }) : () -> ()
    %mul3A_5 = arith.constant 640 : i32
    %mul3A_6 = arith.muli %arg1, %mul3A_5 : i32
    %add3A_7 = arith.constant 80 : i32
    %add3A_8 = arith.addi %mul3A_6, %add3A_7 : i32
    "tpu.region"() ({
      %run_scoped3A = tpu.sem_alloc : memref<!tpu.dma_semaphore, #tpu.memory_space<semaphore_mem>>
      %dma_start3A_272 = arith.constant 0 : i32
      %dma_start3A_273 = tpu.memref_slice %arg7[%add3A_8, %dma_start3A_272] : memref<10240x128xf32, #tpu.memory_space<vmem_shared>> -> memref<80x128xf32, #tpu.memory_space<vmem_shared>>
      %dma_start3A_274 = arith.constant 0 : i32
      %dma_start3A_275 = tpu.memref_slice %arg7[%add3A_8, %dma_start3A_274] : memref<10240x128xf32, #tpu.memory_space<vmem_shared>> -> memref<80x128xf32, #tpu.memory_space<vmem_shared>>
      tpu.enqueue_dma source(%arg8 : memref<80x128xf32, #tpu.memory_space<vmem>>) target(%dma_start3A_275 : memref<80x128xf32, #tpu.memory_space<vmem_shared>>) target_semaphore(%run_scoped3A : memref<!tpu.dma_semaphore, #tpu.memory_space<semaphore_mem>>)
      %dma_wait3A_276 = arith.constant 0 : i32
      %dma_wait3A_277 = tpu.memref_slice %arg7[%add3A_8, %dma_wait3A_276] : memref<10240x128xf32, #tpu.memory_space<vmem_shared>> -> memref<80x128xf32, #tpu.memory_space<vmem_shared>>
      %dma_wait3A_278 = arith.constant 0 : i32
      %dma_wait3A_279 = tpu.memref_slice %arg7[%add3A_8, %dma_wait3A_278] : memref<10240x128xf32, #tpu.memory_space<vmem_shared>> -> memref<80x128xf32, #tpu.memory_space<vmem_shared>>
      tpu.wait_dma2 semaphore(%run_scoped3A : memref<!tpu.dma_semaphore, #tpu.memory_space<semaphore_mem>>) src(%arg8 : memref<80x128xf32, #tpu.memory_space<vmem>>) dst(%dma_wait3A_279 : memref<80x128xf32, #tpu.memory_space<vmem_shared>>)
      tpu.yield
    }) : () -> ()
    %mul3A_9 = arith.constant 640 : i32
    %mul3A_10 = arith.muli %arg1, %mul3A_9 : i32
    %add3A_11 = arith.constant 160 : i32
    %add3A_12 = arith.addi %mul3A_10, %add3A_11 : i32
    "tpu.region"() ({
      %run_scoped3A = tpu.sem_alloc : memref<!tpu.dma_semaphore, #tpu.memory_space<semaphore_mem>>
      %dma_start3A_272 = arith.constant 0 : i32
      %dma_start3A_273 = tpu.memref_slice %arg7[%add3A_12, %dma_start3A_272] : memref<10240x128xf32, #tpu.memory_space<vmem_shared>> -> memref<80x128xf32, #tpu.memory_space<vmem_shared>>
      %dma_start3A_274 = arith.constant 0 : i32
      %dma_start3A_275 = tpu.memref_slice %arg7[%add3A_12, %dma_start3A_274] : memref<10240x128xf32, #tpu.memory_space<vmem_shared>> -> memref<80x128xf32, #tpu.memory_space<vmem_shared>>
      tpu.enqueue_dma source(%arg8 : memref<80x128xf32, #tpu.memory_space<vmem>>) target(%dma_start3A_275 : memref<80x128xf32, #tpu.memory_space<vmem_shared>>) target_semaphore(%run_scoped3A : memref<!tpu.dma_semaphore, #tpu.memory_space<semaphore_mem>>)
      %dma_wait3A_276 = arith.constant 0 : i32
      %dma_wait3A_277 = tpu.memref_slice %arg7[%add3A_12, %dma_wait3A_276] : memref<10240x128xf32, #tpu.memory_space<vmem_shared>> -> memref<80x128xf32, #tpu.memory_space<vmem_shared>>
      %dma_wait3A_278 = arith.constant 0 : i32
      %dma_wait3A_279 = tpu.memref_slice %arg7[%add3A_12, %dma_wait3A_278] : memref<10240x128xf32, #tpu.memory_space<vmem_shared>> -> memref<80x128xf32, #tpu.memory_space<vmem_shared>>
      tpu.wait_dma2 semaphore(%run_scoped3A : memref<!tpu.dma_semaphore, #tpu.memory_space<semaphore_mem>>) src(%arg8 : memref<80x128xf32, #tpu.memory_space<vmem>>) dst(%dma_wait3A_279 : memref<80x128xf32, #tpu.memory_space<vmem_shared>>)
      tpu.yield
    }) : () -> ()
    %mul3A_13 = arith.constant 640 : i32
    %mul3A_14 = arith.muli %arg1, %mul3A_13 : i32
    %add3A_15 = arith.constant 240 : i32
    %add3A_16 = arith.addi %mul3A_14, %add3A_15 : i32
    "tpu.region"() ({
      %run_scoped3A = tpu.sem_alloc : memref<!tpu.dma_semaphore, #tpu.memory_space<semaphore_mem>>
      %dma_start3A_272 = arith.constant 0 : i32
      %dma_start3A_273 = tpu.memref_slice %arg7[%add3A_16, %dma_start3A_272] : memref<10240x128xf32, #tpu.memory_space<vmem_shared>> -> memref<80x128xf32, #tpu.memory_space<vmem_shared>>
      %dma_start3A_274 = arith.constant 0 : i32
      %dma_start3A_275 = tpu.memref_slice %arg7[%add3A_16, %dma_start3A_274] : memref<10240x128xf32, #tpu.memory_space<vmem_shared>> -> memref<80x128xf32, #tpu.memory_space<vmem_shared>>
      tpu.enqueue_dma source(%arg8 : memref<80x128xf32, #tpu.memory_space<vmem>>) target(%dma_start3A_275 : memref<80x128xf32, #tpu.memory_space<vmem_shared>>) target_semaphore(%run_scoped3A : memref<!tpu.dma_semaphore, #tpu.memory_space<semaphore_mem>>)
      %dma_wait3A_276 = arith.constant 0 : i32
      %dma_wait3A_277 = tpu.memref_slice %arg7[%add3A_16, %dma_wait3A_276] : memref<10240x128xf32, #tpu.memory_space<vmem_shared>> -> memref<80x128xf32, #tpu.memory_space<vmem_shared>>
      %dma_wait3A_278 = arith.constant 0 : i32
      %dma_wait3A_279 = tpu.memref_slice %arg7[%add3A_16, %dma_wait3A_278] : memref<10240x128xf32, #tpu.memory_space<vmem_shared>> -> memref<80x128xf32, #tpu.memory_space<vmem_shared>>
      tpu.wait_dma2 semaphore(%run_scoped3A : memref<!tpu.dma_semaphore, #tpu.memory_space<semaphore_mem>>) src(%arg8 : memref<80x128xf32, #tpu.memory_space<vmem>>) dst(%dma_wait3A_279 : memref<80x128xf32, #tpu.memory_space<vmem_shared>>)
      tpu.yield
    }) : () -> ()
    %mul3A_17 = arith.constant 640 : i32
    %mul3A_18 = arith.muli %arg1, %mul3A_17 : i32
    %add3A_19 = arith.constant 320 : i32
    %add3A_20 = arith.addi %mul3A_18, %add3A_19 : i32
    "tpu.region"() ({
      %run_scoped3A = tpu.sem_alloc : memref<!tpu.dma_semaphore, #tpu.memory_space<semaphore_mem>>
      %dma_start3A_272 = arith.constant 0 : i32
      %dma_start3A_273 = tpu.memref_slice %arg7[%add3A_20, %dma_start3A_272] : memref<10240x128xf32, #tpu.memory_space<vmem_shared>> -> memref<80x128xf32, #tpu.memory_space<vmem_shared>>
      %dma_start3A_274 = arith.constant 0 : i32
      %dma_start3A_275 = tpu.memref_slice %arg7[%add3A_20, %dma_start3A_274] : memref<10240x128xf32, #tpu.memory_space<vmem_shared>> -> memref<80x128xf32, #tpu.memory_space<vmem_shared>>
      tpu.enqueue_dma source(%arg8 : memref<80x128xf32, #tpu.memory_space<vmem>>) target(%dma_start3A_275 : memref<80x128xf32, #tpu.memory_space<vmem_shared>>) target_semaphore(%run_scoped3A : memref<!tpu.dma_semaphore, #tpu.memory_space<semaphore_mem>>)
      %dma_wait3A_276 = arith.constant 0 : i32
      %dma_wait3A_277 = tpu.memref_slice %arg7[%add3A_20, %dma_wait3A_276] : memref<10240x128xf32, #tpu.memory_space<vmem_shared>> -> memref<80x128xf32, #tpu.memory_space<vmem_shared>>
      %dma_wait3A_278 = arith.constant 0 : i32
      %dma_wait3A_279 = tpu.memref_slice %arg7[%add3A_20, %dma_wait3A_278] : memref<10240x128xf32, #tpu.memory_space<vmem_shared>> -> memref<80x128xf32, #tpu.memory_space<vmem_shared>>
      tpu.wait_dma2 semaphore(%run_scoped3A : memref<!tpu.dma_semaphore, #tpu.memory_space<semaphore_mem>>) src(%arg8 : memref<80x128xf32, #tpu.memory_space<vmem>>) dst(%dma_wait3A_279 : memref<80x128xf32, #tpu.memory_space<vmem_shared>>)
      tpu.yield
    }) : () -> ()
    %mul3A_21 = arith.constant 640 : i32
    %mul3A_22 = arith.muli %arg1, %mul3A_21 : i32
    %add3A_23 = arith.constant 400 : i32
    %add3A_24 = arith.addi %mul3A_22, %add3A_23 : i32
    "tpu.region"() ({
      %run_scoped3A = tpu.sem_alloc : memref<!tpu.dma_semaphore, #tpu.memory_space<semaphore_mem>>
      %dma_start3A_272 = arith.constant 0 : i32
      %dma_start3A_273 = tpu.memref_slice %arg7[%add3A_24, %dma_start3A_272] : memref<10240x128xf32, #tpu.memory_space<vmem_shared>> -> memref<80x128xf32, #tpu.memory_space<vmem_shared>>
      %dma_start3A_274 = arith.constant 0 : i32
      %dma_start3A_275 = tpu.memref_slice %arg7[%add3A_24, %dma_start3A_274] : memref<10240x128xf32, #tpu.memory_space<vmem_shared>> -> memref<80x128xf32, #tpu.memory_space<vmem_shared>>
      tpu.enqueue_dma source(%arg8 : memref<80x128xf32, #tpu.memory_space<vmem>>) target(%dma_start3A_275 : memref<80x128xf32, #tpu.memory_space<vmem_shared>>) target_semaphore(%run_scoped3A : memref<!tpu.dma_semaphore, #tpu.memory_space<semaphore_mem>>)
      %dma_wait3A_276 = arith.constant 0 : i32
      %dma_wait3A_277 = tpu.memref_slice %arg7[%add3A_24, %dma_wait3A_276] : memref<10240x128xf32, #tpu.memory_space<vmem_shared>> -> memref<80x128xf32, #tpu.memory_space<vmem_shared>>
      %dma_wait3A_278 = arith.constant 0 : i32
      %dma_wait3A_279 = tpu.memref_slice %arg7[%add3A_24, %dma_wait3A_278] : memref<10240x128xf32, #tpu.memory_space<vmem_shared>> -> memref<80x128xf32, #tpu.memory_space<vmem_shared>>
      tpu.wait_dma2 semaphore(%run_scoped3A : memref<!tpu.dma_semaphore, #tpu.memory_space<semaphore_mem>>) src(%arg8 : memref<80x128xf32, #tpu.memory_space<vmem>>) dst(%dma_wait3A_279 : memref<80x128xf32, #tpu.memory_space<vmem_shared>>)
      tpu.yield
    }) : () -> ()
    %mul3A_25 = arith.constant 640 : i32
    %mul3A_26 = arith.muli %arg1, %mul3A_25 : i32
    %add3A_27 = arith.constant 480 : i32
    %add3A_28 = arith.addi %mul3A_26, %add3A_27 : i32
    "tpu.region"() ({
      %run_scoped3A = tpu.sem_alloc : memref<!tpu.dma_semaphore, #tpu.memory_space<semaphore_mem>>
      %dma_start3A_272 = arith.constant 0 : i32
      %dma_start3A_273 = tpu.memref_slice %arg7[%add3A_28, %dma_start3A_272] : memref<10240x128xf32, #tpu.memory_space<vmem_shared>> -> memref<80x128xf32, #tpu.memory_space<vmem_shared>>
      %dma_start3A_274 = arith.constant 0 : i32
      %dma_start3A_275 = tpu.memref_slice %arg7[%add3A_28, %dma_start3A_274] : memref<10240x128xf32, #tpu.memory_space<vmem_shared>> -> memref<80x128xf32, #tpu.memory_space<vmem_shared>>
      tpu.enqueue_dma source(%arg8 : memref<80x128xf32, #tpu.memory_space<vmem>>) target(%dma_start3A_275 : memref<80x128xf32, #tpu.memory_space<vmem_shared>>) target_semaphore(%run_scoped3A : memref<!tpu.dma_semaphore, #tpu.memory_space<semaphore_mem>>)
      %dma_wait3A_276 = arith.constant 0 : i32
      %dma_wait3A_277 = tpu.memref_slice %arg7[%add3A_28, %dma_wait3A_276] : memref<10240x128xf32, #tpu.memory_space<vmem_shared>> -> memref<80x128xf32, #tpu.memory_space<vmem_shared>>
      %dma_wait3A_278 = arith.constant 0 : i32
      %dma_wait3A_279 = tpu.memref_slice %arg7[%add3A_28, %dma_wait3A_278] : memref<10240x128xf32, #tpu.memory_space<vmem_shared>> -> memref<80x128xf32, #tpu.memory_space<vmem_shared>>
      tpu.wait_dma2 semaphore(%run_scoped3A : memref<!tpu.dma_semaphore, #tpu.memory_space<semaphore_mem>>) src(%arg8 : memref<80x128xf32, #tpu.memory_space<vmem>>) dst(%dma_wait3A_279 : memref<80x128xf32, #tpu.memory_space<vmem_shared>>)
      tpu.yield
    }) : () -> ()
    %mul3A_29 = arith.constant 640 : i32
    %mul3A_30 = arith.muli %arg1, %mul3A_29 : i32
    %add3A_31 = arith.constant 560 : i32
    %add3A_32 = arith.addi %mul3A_30, %add3A_31 : i32
    "tpu.region"() ({
      %run_scoped3A = tpu.sem_alloc : memref<!tpu.dma_semaphore, #tpu.memory_space<semaphore_mem>>
      %dma_start3A_272 = arith.constant 0 : i32
      %dma_start3A_273 = tpu.memref_slice %arg7[%add3A_32, %dma_start3A_272] : memref<10240x128xf32, #tpu.memory_space<vmem_shared>> -> memref<80x128xf32, #tpu.memory_space<vmem_shared>>
      %dma_start3A_274 = arith.constant 0 : i32
      %dma_start3A_275 = tpu.memref_slice %arg7[%add3A_32, %dma_start3A_274] : memref<10240x128xf32, #tpu.memory_space<vmem_shared>> -> memref<80x128xf32, #tpu.memory_space<vmem_shared>>
      tpu.enqueue_dma source(%arg8 : memref<80x128xf32, #tpu.memory_space<vmem>>) target(%dma_start3A_275 : memref<80x128xf32, #tpu.memory_space<vmem_shared>>) target_semaphore(%run_scoped3A : memref<!tpu.dma_semaphore, #tpu.memory_space<semaphore_mem>>)
      %dma_wait3A_276 = arith.constant 0 : i32
      %dma_wait3A_277 = tpu.memref_slice %arg7[%add3A_32, %dma_wait3A_276] : memref<10240x128xf32, #tpu.memory_space<vmem_shared>> -> memref<80x128xf32, #tpu.memory_space<vmem_shared>>
      %dma_wait3A_278 = arith.constant 0 : i32
      %dma_wait3A_279 = tpu.memref_slice %arg7[%add3A_32, %dma_wait3A_278] : memref<10240x128xf32, #tpu.memory_space<vmem_shared>> -> memref<80x128xf32, #tpu.memory_space<vmem_shared>>
      tpu.wait_dma2 semaphore(%run_scoped3A : memref<!tpu.dma_semaphore, #tpu.memory_space<semaphore_mem>>) src(%arg8 : memref<80x128xf32, #tpu.memory_space<vmem>>) dst(%dma_wait3A_279 : memref<80x128xf32, #tpu.memory_space<vmem_shared>>)
      tpu.yield
    }) : () -> ()
    %barrier3A = arith.constant 0 : index
    tpu.barrier barrier_id(%barrier3A)
    %mul3A_33 = arith.constant 125 : i32
    %mul3A_34 = arith.muli %add3A, %mul3A_33 : i32
    %add3A_35 = arith.constant 0 : i32
    %add3A_36 = arith.addi %mul3A_34, %add3A_35 : i32
    %mul3A_37 = arith.constant 80 : i32
    %mul3A_38 = arith.muli %add3A_36, %mul3A_37 : i32
    %dma_start3A = tpu.memref_slice %arg4[%mul3A_38] : memref<320000xi32, #tpu.memory_space<hbm>> -> memref<80xi32, #tpu.memory_space<hbm>>
    %dma_start3A_39 = tpu.memref_slice %arg4[%mul3A_38] : memref<320000xi32, #tpu.memory_space<hbm>> -> memref<80xi32, #tpu.memory_space<hbm>>
    tpu.enqueue_dma source(%dma_start3A_39 : memref<80xi32, #tpu.memory_space<hbm>>) target(%arg14 : memref<80xi32, #tpu.memory_space<vmem>>) target_semaphore(%arg24 : memref<!tpu.dma_semaphore, #tpu.memory_space<semaphore_mem>>)
    %mul3A_40 = arith.constant 125 : i32
    %mul3A_41 = arith.muli %add3A, %mul3A_40 : i32
    %add3A_42 = arith.constant 0 : i32
    %add3A_43 = arith.addi %mul3A_41, %add3A_42 : i32
    %mul3A_44 = arith.constant 80 : i32
    %mul3A_45 = arith.muli %add3A_43, %mul3A_44 : i32
    %dma_start3A_46 = tpu.memref_slice %arg3[%mul3A_45] : memref<320000xi32, #tpu.memory_space<hbm>> -> memref<80xi32, #tpu.memory_space<hbm>>
    %dma_start3A_47 = tpu.memref_slice %arg3[%mul3A_45] : memref<320000xi32, #tpu.memory_space<hbm>> -> memref<80xi32, #tpu.memory_space<hbm>>
    tpu.enqueue_dma source(%dma_start3A_47 : memref<80xi32, #tpu.memory_space<hbm>>) target(%arg10 : memref<80xi32, #tpu.memory_space<vmem>>) target_semaphore(%arg24 : memref<!tpu.dma_semaphore, #tpu.memory_space<semaphore_mem>>)
    %mul3A_48 = arith.constant 125 : i32
    %mul3A_49 = arith.muli %add3A, %mul3A_48 : i32
    %add3A_50 = arith.constant 1 : i32
    %add3A_51 = arith.addi %mul3A_49, %add3A_50 : i32
    %mul3A_52 = arith.constant 80 : i32
    %mul3A_53 = arith.muli %add3A_51, %mul3A_52 : i32
    %dma_start3A_54 = tpu.memref_slice %arg4[%mul3A_53] : memref<320000xi32, #tpu.memory_space<hbm>> -> memref<80xi32, #tpu.memory_space<hbm>>
    %dma_start3A_55 = tpu.memref_slice %arg4[%mul3A_53] : memref<320000xi32, #tpu.memory_space<hbm>> -> memref<80xi32, #tpu.memory_space<hbm>>
    tpu.enqueue_dma source(%dma_start3A_55 : memref<80xi32, #tpu.memory_space<hbm>>) target(%arg15 : memref<80xi32, #tpu.memory_space<vmem>>) target_semaphore(%arg25 : memref<!tpu.dma_semaphore, #tpu.memory_space<semaphore_mem>>)
    %mul3A_56 = arith.constant 125 : i32
    %mul3A_57 = arith.muli %add3A, %mul3A_56 : i32
    %add3A_58 = arith.constant 1 : i32
    %add3A_59 = arith.addi %mul3A_57, %add3A_58 : i32
    %mul3A_60 = arith.constant 80 : i32
    %mul3A_61 = arith.muli %add3A_59, %mul3A_60 : i32
    %dma_start3A_62 = tpu.memref_slice %arg3[%mul3A_61] : memref<320000xi32, #tpu.memory_space<hbm>> -> memref<80xi32, #tpu.memory_space<hbm>>
    %dma_start3A_63 = tpu.memref_slice %arg3[%mul3A_61] : memref<320000xi32, #tpu.memory_space<hbm>> -> memref<80xi32, #tpu.memory_space<hbm>>
    tpu.enqueue_dma source(%dma_start3A_63 : memref<80xi32, #tpu.memory_space<hbm>>) target(%arg11 : memref<80xi32, #tpu.memory_space<vmem>>) target_semaphore(%arg25 : memref<!tpu.dma_semaphore, #tpu.memory_space<semaphore_mem>>)
    %mul3A_64 = arith.constant 125 : i32
    %mul3A_65 = arith.muli %add3A, %mul3A_64 : i32
    %add3A_66 = arith.constant 2 : i32
    %add3A_67 = arith.addi %mul3A_65, %add3A_66 : i32
    %mul3A_68 = arith.constant 80 : i32
    %mul3A_69 = arith.muli %add3A_67, %mul3A_68 : i32
    %dma_start3A_70 = tpu.memref_slice %arg4[%mul3A_69] : memref<320000xi32, #tpu.memory_space<hbm>> -> memref<80xi32, #tpu.memory_space<hbm>>
    %dma_start3A_71 = tpu.memref_slice %arg4[%mul3A_69] : memref<320000xi32, #tpu.memory_space<hbm>> -> memref<80xi32, #tpu.memory_space<hbm>>
    tpu.enqueue_dma source(%dma_start3A_71 : memref<80xi32, #tpu.memory_space<hbm>>) target(%arg16 : memref<80xi32, #tpu.memory_space<vmem>>) target_semaphore(%arg26 : memref<!tpu.dma_semaphore, #tpu.memory_space<semaphore_mem>>)
    %mul3A_72 = arith.constant 125 : i32
    %mul3A_73 = arith.muli %add3A, %mul3A_72 : i32
    %add3A_74 = arith.constant 2 : i32
    %add3A_75 = arith.addi %mul3A_73, %add3A_74 : i32
    %mul3A_76 = arith.constant 80 : i32
    %mul3A_77 = arith.muli %add3A_75, %mul3A_76 : i32
    %dma_start3A_78 = tpu.memref_slice %arg3[%mul3A_77] : memref<320000xi32, #tpu.memory_space<hbm>> -> memref<80xi32, #tpu.memory_space<hbm>>
    %dma_start3A_79 = tpu.memref_slice %arg3[%mul3A_77] : memref<320000xi32, #tpu.memory_space<hbm>> -> memref<80xi32, #tpu.memory_space<hbm>>
    tpu.enqueue_dma source(%dma_start3A_79 : memref<80xi32, #tpu.memory_space<hbm>>) target(%arg12 : memref<80xi32, #tpu.memory_space<vmem>>) target_semaphore(%arg26 : memref<!tpu.dma_semaphore, #tpu.memory_space<semaphore_mem>>)
    %mul3A_80 = arith.constant 125 : i32
    %mul3A_81 = arith.muli %add3A, %mul3A_80 : i32
    %add3A_82 = arith.constant 3 : i32
    %add3A_83 = arith.addi %mul3A_81, %add3A_82 : i32
    %mul3A_84 = arith.constant 80 : i32
    %mul3A_85 = arith.muli %add3A_83, %mul3A_84 : i32
    %dma_start3A_86 = tpu.memref_slice %arg4[%mul3A_85] : memref<320000xi32, #tpu.memory_space<hbm>> -> memref<80xi32, #tpu.memory_space<hbm>>
    %dma_start3A_87 = tpu.memref_slice %arg4[%mul3A_85] : memref<320000xi32, #tpu.memory_space<hbm>> -> memref<80xi32, #tpu.memory_space<hbm>>
    tpu.enqueue_dma source(%dma_start3A_87 : memref<80xi32, #tpu.memory_space<hbm>>) target(%arg17 : memref<80xi32, #tpu.memory_space<vmem>>) target_semaphore(%arg27 : memref<!tpu.dma_semaphore, #tpu.memory_space<semaphore_mem>>)
    %mul3A_88 = arith.constant 125 : i32
    %mul3A_89 = arith.muli %add3A, %mul3A_88 : i32
    %add3A_90 = arith.constant 3 : i32
    %add3A_91 = arith.addi %mul3A_89, %add3A_90 : i32
    %mul3A_92 = arith.constant 80 : i32
    %mul3A_93 = arith.muli %add3A_91, %mul3A_92 : i32
    %dma_start3A_94 = tpu.memref_slice %arg3[%mul3A_93] : memref<320000xi32, #tpu.memory_space<hbm>> -> memref<80xi32, #tpu.memory_space<hbm>>
    %dma_start3A_95 = tpu.memref_slice %arg3[%mul3A_93] : memref<320000xi32, #tpu.memory_space<hbm>> -> memref<80xi32, #tpu.memory_space<hbm>>
    tpu.enqueue_dma source(%dma_start3A_95 : memref<80xi32, #tpu.memory_space<hbm>>) target(%arg13 : memref<80xi32, #tpu.memory_space<vmem>>) target_semaphore(%arg27 : memref<!tpu.dma_semaphore, #tpu.memory_space<semaphore_mem>>)
    %mul3A_96 = arith.constant 125 : i32
    %mul3A_97 = arith.muli %add3A, %mul3A_96 : i32
    %add3A_98 = arith.constant 0 : i32
    %add3A_99 = arith.addi %mul3A_97, %add3A_98 : i32
    %mul3A_100 = arith.constant 80 : i32
    %mul3A_101 = arith.muli %add3A_99, %mul3A_100 : i32
    %dma_wait3A = tpu.memref_slice %arg4[%mul3A_101] : memref<320000xi32, #tpu.memory_space<hbm>> -> memref<80xi32, #tpu.memory_space<hbm>>
    %dma_wait3A_102 = tpu.memref_slice %arg4[%mul3A_101] : memref<320000xi32, #tpu.memory_space<hbm>> -> memref<80xi32, #tpu.memory_space<hbm>>
    tpu.wait_dma2 semaphore(%arg24 : memref<!tpu.dma_semaphore, #tpu.memory_space<semaphore_mem>>) src(%dma_wait3A_102 : memref<80xi32, #tpu.memory_space<hbm>>) dst(%arg14 : memref<80xi32, #tpu.memory_space<vmem>>)
    %mul3A_103 = arith.constant 125 : i32
    %mul3A_104 = arith.muli %add3A, %mul3A_103 : i32
    %add3A_105 = arith.constant 0 : i32
    %add3A_106 = arith.addi %mul3A_104, %add3A_105 : i32
    %mul3A_107 = arith.constant 80 : i32
    %mul3A_108 = arith.muli %add3A_106, %mul3A_107 : i32
    %dma_wait3A_109 = tpu.memref_slice %arg3[%mul3A_108] : memref<320000xi32, #tpu.memory_space<hbm>> -> memref<80xi32, #tpu.memory_space<hbm>>
    %dma_wait3A_110 = tpu.memref_slice %arg3[%mul3A_108] : memref<320000xi32, #tpu.memory_space<hbm>> -> memref<80xi32, #tpu.memory_space<hbm>>
    tpu.wait_dma2 semaphore(%arg24 : memref<!tpu.dma_semaphore, #tpu.memory_space<semaphore_mem>>) src(%dma_wait3A_110 : memref<80xi32, #tpu.memory_space<hbm>>) dst(%arg10 : memref<80xi32, #tpu.memory_space<vmem>>)
    %dma_start3A_111 = arith.constant 0 : i32
    %dma_start3A_112 = arith.constant 0 : i32
    %dma_start3A_113 = tpu.memref_slice %arg2[%dma_start3A_111, %dma_start3A_112] : memref<10000x128xf32, #tpu.memory_space<hbm>> -> memref<10000x128xf32, #tpu.memory_space<hbm>>
    tpu.enqueue_indirect_dma source(%dma_start3A_113 : memref<10000x128xf32, #tpu.memory_space<hbm>>) target(%arg8 : memref<80x128xf32, #tpu.memory_space<vmem>>) offsets(%arg10 : memref<80xi32, #tpu.memory_space<vmem>>) semaphore(%arg18 : memref<!tpu.dma_semaphore, #tpu.memory_space<semaphore_mem>>)
    %scan3A = arith.constant 0 : i32
    %scan3A_114 = arith.constant 0 : i32
    %scan3A_115 = arith.constant 31 : i32
    %scan3A_116 = arith.addi %scan3A_114, %scan3A_115 : i32
    %scan3A_117 = arith.constant 1 : i32
    scf.for %scan3A_272 = %scan3A_114 to %scan3A_116 step %scan3A_117  : i32 {
      %mul3A_273 = arith.constant 4 : i32
      %mul3A_274 = arith.muli %mul3A_273, %scan3A_272 : i32
      %add3A_275 = arith.constant 1 : i32
      %add3A_276 = arith.addi %mul3A_274, %add3A_275 : i32
      %mul3A_277 = arith.constant 125 : i32
      %mul3A_278 = arith.muli %add3A, %mul3A_277 : i32
      %add3A_279 = arith.addi %mul3A_278, %add3A_276 : i32
      %mul3A_280 = arith.constant 80 : i32
      %mul3A_281 = arith.muli %add3A_279, %mul3A_280 : i32
      %dma_wait3A_282 = tpu.memref_slice %arg4[%mul3A_281] : memref<320000xi32, #tpu.memory_space<hbm>> -> memref<80xi32, #tpu.memory_space<hbm>>
      %dma_wait3A_283 = tpu.memref_slice %arg4[%mul3A_281] : memref<320000xi32, #tpu.memory_space<hbm>> -> memref<80xi32, #tpu.memory_space<hbm>>
      tpu.wait_dma2 semaphore(%arg25 : memref<!tpu.dma_semaphore, #tpu.memory_space<semaphore_mem>>) src(%dma_wait3A_283 : memref<80xi32, #tpu.memory_space<hbm>>) dst(%arg15 : memref<80xi32, #tpu.memory_space<vmem>>)
      %mul3A_284 = arith.constant 125 : i32
      %mul3A_285 = arith.muli %add3A, %mul3A_284 : i32
      %add3A_286 = arith.addi %mul3A_285, %add3A_276 : i32
      %mul3A_287 = arith.constant 80 : i32
      %mul3A_288 = arith.muli %add3A_286, %mul3A_287 : i32
      %dma_wait3A_289 = tpu.memref_slice %arg3[%mul3A_288] : memref<320000xi32, #tpu.memory_space<hbm>> -> memref<80xi32, #tpu.memory_space<hbm>>
      %dma_wait3A_290 = tpu.memref_slice %arg3[%mul3A_288] : memref<320000xi32, #tpu.memory_space<hbm>> -> memref<80xi32, #tpu.memory_space<hbm>>
      tpu.wait_dma2 semaphore(%arg25 : memref<!tpu.dma_semaphore, #tpu.memory_space<semaphore_mem>>) src(%dma_wait3A_290 : memref<80xi32, #tpu.memory_space<hbm>>) dst(%arg11 : memref<80xi32, #tpu.memory_space<vmem>>)
      %dma_start3A_291 = arith.constant 0 : i32
      %dma_start3A_292 = arith.constant 0 : i32
      %dma_start3A_293 = tpu.memref_slice %arg2[%dma_start3A_291, %dma_start3A_292] : memref<10000x128xf32, #tpu.memory_space<hbm>> -> memref<10000x128xf32, #tpu.memory_space<hbm>>
      tpu.enqueue_indirect_dma source(%dma_start3A_293 : memref<10000x128xf32, #tpu.memory_space<hbm>>) target(%arg9 : memref<80x128xf32, #tpu.memory_space<vmem>>) offsets(%arg11 : memref<80xi32, #tpu.memory_space<vmem>>) semaphore(%arg19 : memref<!tpu.dma_semaphore, #tpu.memory_space<semaphore_mem>>)
      %dma_wait3A_294 = arith.constant 0 : i32
      %dma_wait3A_295 = arith.constant 0 : i32
      %dma_wait3A_296 = tpu.memref_slice %arg2[%dma_wait3A_294, %dma_wait3A_295] : memref<10000x128xf32, #tpu.memory_space<hbm>> -> memref<10000x128xf32, #tpu.memory_space<hbm>>
      tpu.wait_indirect_dma semaphore(%arg18 : memref<!tpu.dma_semaphore, #tpu.memory_space<semaphore_mem>>) src(%dma_wait3A_296 : memref<10000x128xf32, #tpu.memory_space<hbm>>) dst(%arg8 : memref<80x128xf32, #tpu.memory_space<vmem>>)
      %dma_start3A_297 = arith.constant 0 : i32
      %dma_start3A_298 = arith.constant 0 : i32
      %dma_start3A_299 = tpu.memref_slice %arg7[%dma_start3A_297, %dma_start3A_298] : memref<10240x128xf32, #tpu.memory_space<vmem_shared>> -> memref<10240x128xf32, #tpu.memory_space<vmem_shared>>
      tpu.enqueue_indirect_dma source(%arg8 : memref<80x128xf32, #tpu.memory_space<vmem>>) target(%dma_start3A_299 : memref<10240x128xf32, #tpu.memory_space<vmem_shared>>) offsets(%arg14 : memref<80xi32, #tpu.memory_space<vmem>>) semaphore(%arg20 : memref<!tpu.dma_semaphore, #tpu.memory_space<semaphore_mem>>) {add = true}
      %dma_wait3A_300 = arith.constant 0 : i32
      %dma_wait3A_301 = arith.constant 0 : i32
      %dma_wait3A_302 = tpu.memref_slice %arg2[%dma_wait3A_300, %dma_wait3A_301] : memref<10000x128xf32, #tpu.memory_space<hbm>> -> memref<10000x128xf32, #tpu.memory_space<hbm>>
      tpu.wait_indirect_dma semaphore(%arg19 : memref<!tpu.dma_semaphore, #tpu.memory_space<semaphore_mem>>) src(%dma_wait3A_302 : memref<10000x128xf32, #tpu.memory_space<hbm>>) dst(%arg9 : memref<80x128xf32, #tpu.memory_space<vmem>>)
      %dma_start3A_303 = arith.constant 0 : i32
      %dma_start3A_304 = arith.constant 0 : i32
      %dma_start3A_305 = tpu.memref_slice %arg7[%dma_start3A_303, %dma_start3A_304] : memref<10240x128xf32, #tpu.memory_space<vmem_shared>> -> memref<10240x128xf32, #tpu.memory_space<vmem_shared>>
      tpu.enqueue_indirect_dma source(%arg9 : memref<80x128xf32, #tpu.memory_space<vmem>>) target(%dma_start3A_305 : memref<10240x128xf32, #tpu.memory_space<vmem_shared>>) offsets(%arg15 : memref<80xi32, #tpu.memory_space<vmem>>) semaphore(%arg21 : memref<!tpu.dma_semaphore, #tpu.memory_space<semaphore_mem>>) {add = true}
      %dma_wait3A_306 = arith.constant 0 : i32
      %dma_wait3A_307 = arith.constant 0 : i32
      %dma_wait3A_308 = tpu.memref_slice %arg7[%dma_wait3A_306, %dma_wait3A_307] : memref<10240x128xf32, #tpu.memory_space<vmem_shared>> -> memref<10240x128xf32, #tpu.memory_space<vmem_shared>>
      tpu.wait_indirect_dma semaphore(%arg20 : memref<!tpu.dma_semaphore, #tpu.memory_space<semaphore_mem>>) src(%arg8 : memref<80x128xf32, #tpu.memory_space<vmem>>) dst(%dma_wait3A_308 : memref<10240x128xf32, #tpu.memory_space<vmem_shared>>)
      %add3A_309 = arith.constant 4 : i32
      %add3A_310 = arith.addi %mul3A_274, %add3A_309 : i32
      %mul3A_311 = arith.constant 125 : i32
      %mul3A_312 = arith.muli %add3A, %mul3A_311 : i32
      %add3A_313 = arith.addi %mul3A_312, %add3A_310 : i32
      %mul3A_314 = arith.constant 80 : i32
      %mul3A_315 = arith.muli %add3A_313, %mul3A_314 : i32
      %dma_start3A_316 = tpu.memref_slice %arg4[%mul3A_315] : memref<320000xi32, #tpu.memory_space<hbm>> -> memref<80xi32, #tpu.memory_space<hbm>>
      %dma_start3A_317 = tpu.memref_slice %arg4[%mul3A_315] : memref<320000xi32, #tpu.memory_space<hbm>> -> memref<80xi32, #tpu.memory_space<hbm>>
      tpu.enqueue_dma source(%dma_start3A_317 : memref<80xi32, #tpu.memory_space<hbm>>) target(%arg14 : memref<80xi32, #tpu.memory_space<vmem>>) target_semaphore(%arg24 : memref<!tpu.dma_semaphore, #tpu.memory_space<semaphore_mem>>)
      %mul3A_318 = arith.constant 125 : i32
      %mul3A_319 = arith.muli %add3A, %mul3A_318 : i32
      %add3A_320 = arith.addi %mul3A_319, %add3A_310 : i32
      %mul3A_321 = arith.constant 80 : i32
      %mul3A_322 = arith.muli %add3A_320, %mul3A_321 : i32
      %dma_start3A_323 = tpu.memref_slice %arg3[%mul3A_322] : memref<320000xi32, #tpu.memory_space<hbm>> -> memref<80xi32, #tpu.memory_space<hbm>>
      %dma_start3A_324 = tpu.memref_slice %arg3[%mul3A_322] : memref<320000xi32, #tpu.memory_space<hbm>> -> memref<80xi32, #tpu.memory_space<hbm>>
      tpu.enqueue_dma source(%dma_start3A_324 : memref<80xi32, #tpu.memory_space<hbm>>) target(%arg10 : memref<80xi32, #tpu.memory_space<vmem>>) target_semaphore(%arg24 : memref<!tpu.dma_semaphore, #tpu.memory_space<semaphore_mem>>)
      %add3A_325 = arith.constant 2 : i32
      %add3A_326 = arith.addi %mul3A_274, %add3A_325 : i32
      %mul3A_327 = arith.constant 125 : i32
      %mul3A_328 = arith.muli %add3A, %mul3A_327 : i32
      %add3A_329 = arith.addi %mul3A_328, %add3A_326 : i32
      %mul3A_330 = arith.constant 80 : i32
      %mul3A_331 = arith.muli %add3A_329, %mul3A_330 : i32
      %dma_wait3A_332 = tpu.memref_slice %arg4[%mul3A_331] : memref<320000xi32, #tpu.memory_space<hbm>> -> memref<80xi32, #tpu.memory_space<hbm>>
      %dma_wait3A_333 = tpu.memref_slice %arg4[%mul3A_331] : memref<320000xi32, #tpu.memory_space<hbm>> -> memref<80xi32, #tpu.memory_space<hbm>>
      tpu.wait_dma2 semaphore(%arg26 : memref<!tpu.dma_semaphore, #tpu.memory_space<semaphore_mem>>) src(%dma_wait3A_333 : memref<80xi32, #tpu.memory_space<hbm>>) dst(%arg16 : memref<80xi32, #tpu.memory_space<vmem>>)
      %mul3A_334 = arith.constant 125 : i32
      %mul3A_335 = arith.muli %add3A, %mul3A_334 : i32
      %add3A_336 = arith.addi %mul3A_335, %add3A_326 : i32
      %mul3A_337 = arith.constant 80 : i32
      %mul3A_338 = arith.muli %add3A_336, %mul3A_337 : i32
      %dma_wait3A_339 = tpu.memref_slice %arg3[%mul3A_338] : memref<320000xi32, #tpu.memory_space<hbm>> -> memref<80xi32, #tpu.memory_space<hbm>>
      %dma_wait3A_340 = tpu.memref_slice %arg3[%mul3A_338] : memref<320000xi32, #tpu.memory_space<hbm>> -> memref<80xi32, #tpu.memory_space<hbm>>
      tpu.wait_dma2 semaphore(%arg26 : memref<!tpu.dma_semaphore, #tpu.memory_space<semaphore_mem>>) src(%dma_wait3A_340 : memref<80xi32, #tpu.memory_space<hbm>>) dst(%arg12 : memref<80xi32, #tpu.memory_space<vmem>>)
      %dma_start3A_341 = arith.constant 0 : i32
      %dma_start3A_342 = arith.constant 0 : i32
      %dma_start3A_343 = tpu.memref_slice %arg2[%dma_start3A_341, %dma_start3A_342] : memref<10000x128xf32, #tpu.memory_space<hbm>> -> memref<10000x128xf32, #tpu.memory_space<hbm>>
      tpu.enqueue_indirect_dma source(%dma_start3A_343 : memref<10000x128xf32, #tpu.memory_space<hbm>>) target(%arg8 : memref<80x128xf32, #tpu.memory_space<vmem>>) offsets(%arg12 : memref<80xi32, #tpu.memory_space<vmem>>) semaphore(%arg18 : memref<!tpu.dma_semaphore, #tpu.memory_space<semaphore_mem>>)
      %dma_wait3A_344 = arith.constant 0 : i32
      %dma_wait3A_345 = arith.constant 0 : i32
      %dma_wait3A_346 = tpu.memref_slice %arg7[%dma_wait3A_344, %dma_wait3A_345] : memref<10240x128xf32, #tpu.memory_space<vmem_shared>> -> memref<10240x128xf32, #tpu.memory_space<vmem_shared>>
      tpu.wait_indirect_dma semaphore(%arg21 : memref<!tpu.dma_semaphore, #tpu.memory_space<semaphore_mem>>) src(%arg9 : memref<80x128xf32, #tpu.memory_space<vmem>>) dst(%dma_wait3A_346 : memref<10240x128xf32, #tpu.memory_space<vmem_shared>>)
      %add3A_347 = arith.constant 5 : i32
      %add3A_348 = arith.addi %mul3A_274, %add3A_347 : i32
      %le3A = arith.constant 124 : i32
      %le3A_349 = arith.cmpi sle, %add3A_348, %le3A : i32
      %convert_element_type3A = arith.extui %le3A_349 : i1 to i32
      %cond3A = arith.constant 0 : i32
      %cond3A_350 = arith.cmpi ne, %convert_element_type3A, %cond3A : i32
      scf.if %cond3A_350 {
        %add3A_421 = arith.constant 5 : i32
        %add3A_422 = arith.addi %mul3A_274, %add3A_421 : i32
        %mul3A_423 = arith.constant 125 : i32
        %mul3A_424 = arith.muli %add3A, %mul3A_423 : i32
        %add3A_425 = arith.addi %mul3A_424, %add3A_422 : i32
        %mul3A_426 = arith.constant 80 : i32
        %mul3A_427 = arith.muli %add3A_425, %mul3A_426 : i32
        %dma_start3A_428 = tpu.memref_slice %arg4[%mul3A_427] : memref<320000xi32, #tpu.memory_space<hbm>> -> memref<80xi32, #tpu.memory_space<hbm>>
        %dma_start3A_429 = tpu.memref_slice %arg4[%mul3A_427] : memref<320000xi32, #tpu.memory_space<hbm>> -> memref<80xi32, #tpu.memory_space<hbm>>
        tpu.enqueue_dma source(%dma_start3A_429 : memref<80xi32, #tpu.memory_space<hbm>>) target(%arg15 : memref<80xi32, #tpu.memory_space<vmem>>) target_semaphore(%arg25 : memref<!tpu.dma_semaphore, #tpu.memory_space<semaphore_mem>>)
        %mul3A_430 = arith.constant 125 : i32
        %mul3A_431 = arith.muli %add3A, %mul3A_430 : i32
        %add3A_432 = arith.addi %mul3A_431, %add3A_422 : i32
        %mul3A_433 = arith.constant 80 : i32
        %mul3A_434 = arith.muli %add3A_432, %mul3A_433 : i32
        %dma_start3A_435 = tpu.memref_slice %arg3[%mul3A_434] : memref<320000xi32, #tpu.memory_space<hbm>> -> memref<80xi32, #tpu.memory_space<hbm>>
        %dma_start3A_436 = tpu.memref_slice %arg3[%mul3A_434] : memref<320000xi32, #tpu.memory_space<hbm>> -> memref<80xi32, #tpu.memory_space<hbm>>
        tpu.enqueue_dma source(%dma_start3A_436 : memref<80xi32, #tpu.memory_space<hbm>>) target(%arg11 : memref<80xi32, #tpu.memory_space<vmem>>) target_semaphore(%arg25 : memref<!tpu.dma_semaphore, #tpu.memory_space<semaphore_mem>>)
      } else {
      }
      %add3A_351 = arith.constant 3 : i32
      %add3A_352 = arith.addi %mul3A_274, %add3A_351 : i32
      %mul3A_353 = arith.constant 125 : i32
      %mul3A_354 = arith.muli %add3A, %mul3A_353 : i32
      %add3A_355 = arith.addi %mul3A_354, %add3A_352 : i32
      %mul3A_356 = arith.constant 80 : i32
      %mul3A_357 = arith.muli %add3A_355, %mul3A_356 : i32
      %dma_wait3A_358 = tpu.memref_slice %arg4[%mul3A_357] : memref<320000xi32, #tpu.memory_space<hbm>> -> memref<80xi32, #tpu.memory_space<hbm>>
      %dma_wait3A_359 = tpu.memref_slice %arg4[%mul3A_357] : memref<320000xi32, #tpu.memory_space<hbm>> -> memref<80xi32, #tpu.memory_space<hbm>>
      tpu.wait_dma2 semaphore(%arg27 : memref<!tpu.dma_semaphore, #tpu.memory_space<semaphore_mem>>) src(%dma_wait3A_359 : memref<80xi32, #tpu.memory_space<hbm>>) dst(%arg17 : memref<80xi32, #tpu.memory_space<vmem>>)
      %mul3A_360 = arith.constant 125 : i32
      %mul3A_361 = arith.muli %add3A, %mul3A_360 : i32
      %add3A_362 = arith.addi %mul3A_361, %add3A_352 : i32
      %mul3A_363 = arith.constant 80 : i32
      %mul3A_364 = arith.muli %add3A_362, %mul3A_363 : i32
      %dma_wait3A_365 = tpu.memref_slice %arg3[%mul3A_364] : memref<320000xi32, #tpu.memory_space<hbm>> -> memref<80xi32, #tpu.memory_space<hbm>>
      %dma_wait3A_366 = tpu.memref_slice %arg3[%mul3A_364] : memref<320000xi32, #tpu.memory_space<hbm>> -> memref<80xi32, #tpu.memory_space<hbm>>
      tpu.wait_dma2 semaphore(%arg27 : memref<!tpu.dma_semaphore, #tpu.memory_space<semaphore_mem>>) src(%dma_wait3A_366 : memref<80xi32, #tpu.memory_space<hbm>>) dst(%arg13 : memref<80xi32, #tpu.memory_space<vmem>>)
      %dma_start3A_367 = arith.constant 0 : i32
      %dma_start3A_368 = arith.constant 0 : i32
      %dma_start3A_369 = tpu.memref_slice %arg2[%dma_start3A_367, %dma_start3A_368] : memref<10000x128xf32, #tpu.memory_space<hbm>> -> memref<10000x128xf32, #tpu.memory_space<hbm>>
      tpu.enqueue_indirect_dma source(%dma_start3A_369 : memref<10000x128xf32, #tpu.memory_space<hbm>>) target(%arg9 : memref<80x128xf32, #tpu.memory_space<vmem>>) offsets(%arg13 : memref<80xi32, #tpu.memory_space<vmem>>) semaphore(%arg19 : memref<!tpu.dma_semaphore, #tpu.memory_space<semaphore_mem>>)
      %dma_wait3A_370 = arith.constant 0 : i32
      %dma_wait3A_371 = arith.constant 0 : i32
      %dma_wait3A_372 = tpu.memref_slice %arg2[%dma_wait3A_370, %dma_wait3A_371] : memref<10000x128xf32, #tpu.memory_space<hbm>> -> memref<10000x128xf32, #tpu.memory_space<hbm>>
      tpu.wait_indirect_dma semaphore(%arg18 : memref<!tpu.dma_semaphore, #tpu.memory_space<semaphore_mem>>) src(%dma_wait3A_372 : memref<10000x128xf32, #tpu.memory_space<hbm>>) dst(%arg8 : memref<80x128xf32, #tpu.memory_space<vmem>>)
      %dma_start3A_373 = arith.constant 0 : i32
      %dma_start3A_374 = arith.constant 0 : i32
      %dma_start3A_375 = tpu.memref_slice %arg7[%dma_start3A_373, %dma_start3A_374] : memref<10240x128xf32, #tpu.memory_space<vmem_shared>> -> memref<10240x128xf32, #tpu.memory_space<vmem_shared>>
      tpu.enqueue_indirect_dma source(%arg8 : memref<80x128xf32, #tpu.memory_space<vmem>>) target(%dma_start3A_375 : memref<10240x128xf32, #tpu.memory_space<vmem_shared>>) offsets(%arg16 : memref<80xi32, #tpu.memory_space<vmem>>) semaphore(%arg20 : memref<!tpu.dma_semaphore, #tpu.memory_space<semaphore_mem>>) {add = true}
      %dma_wait3A_376 = arith.constant 0 : i32
      %dma_wait3A_377 = arith.constant 0 : i32
      %dma_wait3A_378 = tpu.memref_slice %arg2[%dma_wait3A_376, %dma_wait3A_377] : memref<10000x128xf32, #tpu.memory_space<hbm>> -> memref<10000x128xf32, #tpu.memory_space<hbm>>
      tpu.wait_indirect_dma semaphore(%arg19 : memref<!tpu.dma_semaphore, #tpu.memory_space<semaphore_mem>>) src(%dma_wait3A_378 : memref<10000x128xf32, #tpu.memory_space<hbm>>) dst(%arg9 : memref<80x128xf32, #tpu.memory_space<vmem>>)
      %dma_start3A_379 = arith.constant 0 : i32
      %dma_start3A_380 = arith.constant 0 : i32
      %dma_start3A_381 = tpu.memref_slice %arg7[%dma_start3A_379, %dma_start3A_380] : memref<10240x128xf32, #tpu.memory_space<vmem_shared>> -> memref<10240x128xf32, #tpu.memory_space<vmem_shared>>
      tpu.enqueue_indirect_dma source(%arg9 : memref<80x128xf32, #tpu.memory_space<vmem>>) target(%dma_start3A_381 : memref<10240x128xf32, #tpu.memory_space<vmem_shared>>) offsets(%arg17 : memref<80xi32, #tpu.memory_space<vmem>>) semaphore(%arg21 : memref<!tpu.dma_semaphore, #tpu.memory_space<semaphore_mem>>) {add = true}
      %dma_wait3A_382 = arith.constant 0 : i32
      %dma_wait3A_383 = arith.constant 0 : i32
      %dma_wait3A_384 = tpu.memref_slice %arg7[%dma_wait3A_382, %dma_wait3A_383] : memref<10240x128xf32, #tpu.memory_space<vmem_shared>> -> memref<10240x128xf32, #tpu.memory_space<vmem_shared>>
      tpu.wait_indirect_dma semaphore(%arg20 : memref<!tpu.dma_semaphore, #tpu.memory_space<semaphore_mem>>) src(%arg8 : memref<80x128xf32, #tpu.memory_space<vmem>>) dst(%dma_wait3A_384 : memref<10240x128xf32, #tpu.memory_space<vmem_shared>>)
      %add3A_385 = arith.constant 6 : i32
      %add3A_386 = arith.addi %mul3A_274, %add3A_385 : i32
      %le3A_387 = arith.constant 124 : i32
      %le3A_388 = arith.cmpi sle, %add3A_386, %le3A_387 : i32
      %convert_element_type3A_389 = arith.extui %le3A_388 : i1 to i32
      %cond3A_390 = arith.constant 0 : i32
      %cond3A_391 = arith.cmpi ne, %convert_element_type3A_389, %cond3A_390 : i32
      scf.if %cond3A_391 {
        %add3A_421 = arith.constant 6 : i32
        %add3A_422 = arith.addi %mul3A_274, %add3A_421 : i32
        %mul3A_423 = arith.constant 125 : i32
        %mul3A_424 = arith.muli %add3A, %mul3A_423 : i32
        %add3A_425 = arith.addi %mul3A_424, %add3A_422 : i32
        %mul3A_426 = arith.constant 80 : i32
        %mul3A_427 = arith.muli %add3A_425, %mul3A_426 : i32
        %dma_start3A_428 = tpu.memref_slice %arg4[%mul3A_427] : memref<320000xi32, #tpu.memory_space<hbm>> -> memref<80xi32, #tpu.memory_space<hbm>>
        %dma_start3A_429 = tpu.memref_slice %arg4[%mul3A_427] : memref<320000xi32, #tpu.memory_space<hbm>> -> memref<80xi32, #tpu.memory_space<hbm>>
        tpu.enqueue_dma source(%dma_start3A_429 : memref<80xi32, #tpu.memory_space<hbm>>) target(%arg16 : memref<80xi32, #tpu.memory_space<vmem>>) target_semaphore(%arg26 : memref<!tpu.dma_semaphore, #tpu.memory_space<semaphore_mem>>)
        %mul3A_430 = arith.constant 125 : i32
        %mul3A_431 = arith.muli %add3A, %mul3A_430 : i32
        %add3A_432 = arith.addi %mul3A_431, %add3A_422 : i32
        %mul3A_433 = arith.constant 80 : i32
        %mul3A_434 = arith.muli %add3A_432, %mul3A_433 : i32
        %dma_start3A_435 = tpu.memref_slice %arg3[%mul3A_434] : memref<320000xi32, #tpu.memory_space<hbm>> -> memref<80xi32, #tpu.memory_space<hbm>>
        %dma_start3A_436 = tpu.memref_slice %arg3[%mul3A_434] : memref<320000xi32, #tpu.memory_space<hbm>> -> memref<80xi32, #tpu.memory_space<hbm>>
        tpu.enqueue_dma source(%dma_start3A_436 : memref<80xi32, #tpu.memory_space<hbm>>) target(%arg12 : memref<80xi32, #tpu.memory_space<vmem>>) target_semaphore(%arg26 : memref<!tpu.dma_semaphore, #tpu.memory_space<semaphore_mem>>)
      } else {
      }
      %dma_wait3A_392 = arith.constant 0 : i32
      %dma_wait3A_393 = arith.constant 0 : i32
      %dma_wait3A_394 = tpu.memref_slice %arg7[%dma_wait3A_392, %dma_wait3A_393] : memref<10240x128xf32, #tpu.memory_space<vmem_shared>> -> memref<10240x128xf32, #tpu.memory_space<vmem_shared>>
      tpu.wait_indirect_dma semaphore(%arg21 : memref<!tpu.dma_semaphore, #tpu.memory_space<semaphore_mem>>) src(%arg9 : memref<80x128xf32, #tpu.memory_space<vmem>>) dst(%dma_wait3A_394 : memref<10240x128xf32, #tpu.memory_space<vmem_shared>>)
      %add3A_395 = arith.constant 7 : i32
      %add3A_396 = arith.addi %mul3A_274, %add3A_395 : i32
      %le3A_397 = arith.constant 124 : i32
      %le3A_398 = arith.cmpi sle, %add3A_396, %le3A_397 : i32
      %convert_element_type3A_399 = arith.extui %le3A_398 : i1 to i32
      %cond3A_400 = arith.constant 0 : i32
      %cond3A_401 = arith.cmpi ne, %convert_element_type3A_399, %cond3A_400 : i32
      scf.if %cond3A_401 {
        %add3A_421 = arith.constant 7 : i32
        %add3A_422 = arith.addi %mul3A_274, %add3A_421 : i32
        %mul3A_423 = arith.constant 125 : i32
        %mul3A_424 = arith.muli %add3A, %mul3A_423 : i32
        %add3A_425 = arith.addi %mul3A_424, %add3A_422 : i32
        %mul3A_426 = arith.constant 80 : i32
        %mul3A_427 = arith.muli %add3A_425, %mul3A_426 : i32
        %dma_start3A_428 = tpu.memref_slice %arg4[%mul3A_427] : memref<320000xi32, #tpu.memory_space<hbm>> -> memref<80xi32, #tpu.memory_space<hbm>>
        %dma_start3A_429 = tpu.memref_slice %arg4[%mul3A_427] : memref<320000xi32, #tpu.memory_space<hbm>> -> memref<80xi32, #tpu.memory_space<hbm>>
        tpu.enqueue_dma source(%dma_start3A_429 : memref<80xi32, #tpu.memory_space<hbm>>) target(%arg17 : memref<80xi32, #tpu.memory_space<vmem>>) target_semaphore(%arg27 : memref<!tpu.dma_semaphore, #tpu.memory_space<semaphore_mem>>)
        %mul3A_430 = arith.constant 125 : i32
        %mul3A_431 = arith.muli %add3A, %mul3A_430 : i32
        %add3A_432 = arith.addi %mul3A_431, %add3A_422 : i32
        %mul3A_433 = arith.constant 80 : i32
        %mul3A_434 = arith.muli %add3A_432, %mul3A_433 : i32
        %dma_start3A_435 = tpu.memref_slice %arg3[%mul3A_434] : memref<320000xi32, #tpu.memory_space<hbm>> -> memref<80xi32, #tpu.memory_space<hbm>>
        %dma_start3A_436 = tpu.memref_slice %arg3[%mul3A_434] : memref<320000xi32, #tpu.memory_space<hbm>> -> memref<80xi32, #tpu.memory_space<hbm>>
        tpu.enqueue_dma source(%dma_start3A_436 : memref<80xi32, #tpu.memory_space<hbm>>) target(%arg13 : memref<80xi32, #tpu.memory_space<vmem>>) target_semaphore(%arg27 : memref<!tpu.dma_semaphore, #tpu.memory_space<semaphore_mem>>)
      } else {
      }
      %add3A_402 = arith.constant 4 : i32
      %add3A_403 = arith.addi %mul3A_274, %add3A_402 : i32
      %mul3A_404 = arith.constant 125 : i32
      %mul3A_405 = arith.muli %add3A, %mul3A_404 : i32
      %add3A_406 = arith.addi %mul3A_405, %add3A_403 : i32
      %mul3A_407 = arith.constant 80 : i32
      %mul3A_408 = arith.muli %add3A_406, %mul3A_407 : i32
      %dma_wait3A_409 = tpu.memref_slice %arg4[%mul3A_408] : memref<320000xi32, #tpu.memory_space<hbm>> -> memref<80xi32, #tpu.memory_space<hbm>>
      %dma_wait3A_410 = tpu.memref_slice %arg4[%mul3A_408] : memref<320000xi32, #tpu.memory_space<hbm>> -> memref<80xi32, #tpu.memory_space<hbm>>
      tpu.wait_dma2 semaphore(%arg24 : memref<!tpu.dma_semaphore, #tpu.memory_space<semaphore_mem>>) src(%dma_wait3A_410 : memref<80xi32, #tpu.memory_space<hbm>>) dst(%arg14 : memref<80xi32, #tpu.memory_space<vmem>>)
      %mul3A_411 = arith.constant 125 : i32
      %mul3A_412 = arith.muli %add3A, %mul3A_411 : i32
      %add3A_413 = arith.addi %mul3A_412, %add3A_403 : i32
      %mul3A_414 = arith.constant 80 : i32
      %mul3A_415 = arith.muli %add3A_413, %mul3A_414 : i32
      %dma_wait3A_416 = tpu.memref_slice %arg3[%mul3A_415] : memref<320000xi32, #tpu.memory_space<hbm>> -> memref<80xi32, #tpu.memory_space<hbm>>
      %dma_wait3A_417 = tpu.memref_slice %arg3[%mul3A_415] : memref<320000xi32, #tpu.memory_space<hbm>> -> memref<80xi32, #tpu.memory_space<hbm>>
      tpu.wait_dma2 semaphore(%arg24 : memref<!tpu.dma_semaphore, #tpu.memory_space<semaphore_mem>>) src(%dma_wait3A_417 : memref<80xi32, #tpu.memory_space<hbm>>) dst(%arg10 : memref<80xi32, #tpu.memory_space<vmem>>)
      %dma_start3A_418 = arith.constant 0 : i32
      %dma_start3A_419 = arith.constant 0 : i32
      %dma_start3A_420 = tpu.memref_slice %arg2[%dma_start3A_418, %dma_start3A_419] : memref<10000x128xf32, #tpu.memory_space<hbm>> -> memref<10000x128xf32, #tpu.memory_space<hbm>>
      tpu.enqueue_indirect_dma source(%dma_start3A_420 : memref<10000x128xf32, #tpu.memory_space<hbm>>) target(%arg8 : memref<80x128xf32, #tpu.memory_space<vmem>>) offsets(%arg10 : memref<80xi32, #tpu.memory_space<vmem>>) semaphore(%arg18 : memref<!tpu.dma_semaphore, #tpu.memory_space<semaphore_mem>>)
    }
    %scan3A_118 = arith.constant 31 : i32
    %dma_wait3A_119 = arith.constant 0 : i32
    %dma_wait3A_120 = arith.constant 0 : i32
    %dma_wait3A_121 = tpu.memref_slice %arg2[%dma_wait3A_119, %dma_wait3A_120] : memref<10000x128xf32, #tpu.memory_space<hbm>> -> memref<10000x128xf32, #tpu.memory_space<hbm>>
    tpu.wait_indirect_dma semaphore(%arg18 : memref<!tpu.dma_semaphore, #tpu.memory_space<semaphore_mem>>) src(%dma_wait3A_121 : memref<10000x128xf32, #tpu.memory_space<hbm>>) dst(%arg8 : memref<80x128xf32, #tpu.memory_space<vmem>>)
    %dma_start3A_122 = arith.constant 0 : i32
    %dma_start3A_123 = arith.constant 0 : i32
    %dma_start3A_124 = tpu.memref_slice %arg7[%dma_start3A_122, %dma_start3A_123] : memref<10240x128xf32, #tpu.memory_space<vmem_shared>> -> memref<10240x128xf32, #tpu.memory_space<vmem_shared>>
    tpu.enqueue_indirect_dma source(%arg8 : memref<80x128xf32, #tpu.memory_space<vmem>>) target(%dma_start3A_124 : memref<10240x128xf32, #tpu.memory_space<vmem_shared>>) offsets(%arg14 : memref<80xi32, #tpu.memory_space<vmem>>) semaphore(%arg20 : memref<!tpu.dma_semaphore, #tpu.memory_space<semaphore_mem>>) {add = true}
    %dma_wait3A_125 = arith.constant 0 : i32
    %dma_wait3A_126 = arith.constant 0 : i32
    %dma_wait3A_127 = tpu.memref_slice %arg7[%dma_wait3A_125, %dma_wait3A_126] : memref<10240x128xf32, #tpu.memory_space<vmem_shared>> -> memref<10240x128xf32, #tpu.memory_space<vmem_shared>>
    tpu.wait_indirect_dma semaphore(%arg20 : memref<!tpu.dma_semaphore, #tpu.memory_space<semaphore_mem>>) src(%arg8 : memref<80x128xf32, #tpu.memory_space<vmem>>) dst(%dma_wait3A_127 : memref<10240x128xf32, #tpu.memory_space<vmem_shared>>)
    %barrier3A_128 = arith.constant 0 : index
    tpu.barrier barrier_id(%barrier3A_128)
    %mul3A_129 = arith.constant 640 : i32
    %mul3A_130 = arith.muli %arg1, %mul3A_129 : i32
    %add3A_131 = arith.constant 0 : i32
    %add3A_132 = arith.addi %mul3A_130, %add3A_131 : i32
    %dma_start3A_133 = arith.constant 0 : i32
    %dma_start3A_134 = tpu.memref_slice %arg6[%arg0, %add3A_132, %dma_start3A_133] : memref<2x10240x128xf32, #tpu.memory_space<hbm>> -> memref<1x80x128xf32, #tpu.memory_space<hbm>>
    %dma_start3A_135 = tpu.memref_squeeze %dma_start3A_134 : memref<1x80x128xf32, #tpu.memory_space<hbm>> -> memref<80x128xf32, #tpu.memory_space<hbm>>
    %dma_start3A_136 = arith.constant 0 : i32
    %dma_start3A_137 = tpu.memref_slice %arg7[%add3A_132, %dma_start3A_136] : memref<10240x128xf32, #tpu.memory_space<vmem_shared>> -> memref<80x128xf32, #tpu.memory_space<vmem_shared>>
    tpu.enqueue_dma source(%dma_start3A_137 : memref<80x128xf32, #tpu.memory_space<vmem_shared>>) target(%dma_start3A_135 : memref<80x128xf32, #tpu.memory_space<hbm>>) target_semaphore(%arg22 : memref<!tpu.dma_semaphore, #tpu.memory_space<semaphore_mem>>)
    %mul3A_138 = arith.constant 640 : i32
    %mul3A_139 = arith.muli %arg1, %mul3A_138 : i32
    %add3A_140 = arith.constant 80 : i32
    %add3A_141 = arith.addi %mul3A_139, %add3A_140 : i32
    %dma_start3A_142 = arith.constant 0 : i32
    %dma_start3A_143 = tpu.memref_slice %arg6[%arg0, %add3A_141, %dma_start3A_142] : memref<2x10240x128xf32, #tpu.memory_space<hbm>> -> memref<1x80x128xf32, #tpu.memory_space<hbm>>
    %dma_start3A_144 = tpu.memref_squeeze %dma_start3A_143 : memref<1x80x128xf32, #tpu.memory_space<hbm>> -> memref<80x128xf32, #tpu.memory_space<hbm>>
    %dma_start3A_145 = arith.constant 0 : i32
    %dma_start3A_146 = tpu.memref_slice %arg7[%add3A_141, %dma_start3A_145] : memref<10240x128xf32, #tpu.memory_space<vmem_shared>> -> memref<80x128xf32, #tpu.memory_space<vmem_shared>>
    tpu.enqueue_dma source(%dma_start3A_146 : memref<80x128xf32, #tpu.memory_space<vmem_shared>>) target(%dma_start3A_144 : memref<80x128xf32, #tpu.memory_space<hbm>>) target_semaphore(%arg23 : memref<!tpu.dma_semaphore, #tpu.memory_space<semaphore_mem>>)
    %mul3A_147 = arith.constant 640 : i32
    %mul3A_148 = arith.muli %arg1, %mul3A_147 : i32
    %add3A_149 = arith.constant 160 : i32
    %add3A_150 = arith.addi %mul3A_148, %add3A_149 : i32
    %sub3A = arith.constant 160 : i32
    %sub3A_151 = arith.subi %add3A_150, %sub3A : i32
    %sub3A_152 = arith.constant 160 : i32
    %sub3A_153 = arith.subi %add3A_150, %sub3A_152 : i32
    %dma_wait3A_154 = arith.constant 0 : i32
    %dma_wait3A_155 = tpu.memref_slice %arg6[%arg0, %sub3A_153, %dma_wait3A_154] : memref<2x10240x128xf32, #tpu.memory_space<hbm>> -> memref<1x80x128xf32, #tpu.memory_space<hbm>>
    %dma_wait3A_156 = tpu.memref_squeeze %dma_wait3A_155 : memref<1x80x128xf32, #tpu.memory_space<hbm>> -> memref<80x128xf32, #tpu.memory_space<hbm>>
    %dma_wait3A_157 = arith.constant 0 : i32
    %dma_wait3A_158 = tpu.memref_slice %arg7[%sub3A_151, %dma_wait3A_157] : memref<10240x128xf32, #tpu.memory_space<vmem_shared>> -> memref<80x128xf32, #tpu.memory_space<vmem_shared>>
    tpu.wait_dma2 semaphore(%arg22 : memref<!tpu.dma_semaphore, #tpu.memory_space<semaphore_mem>>) src(%dma_wait3A_158 : memref<80x128xf32, #tpu.memory_space<vmem_shared>>) dst(%dma_wait3A_156 : memref<80x128xf32, #tpu.memory_space<hbm>>)
    %dma_start3A_159 = arith.constant 0 : i32
    %dma_start3A_160 = tpu.memref_slice %arg6[%arg0, %add3A_150, %dma_start3A_159] : memref<2x10240x128xf32, #tpu.memory_space<hbm>> -> memref<1x80x128xf32, #tpu.memory_space<hbm>>
    %dma_start3A_161 = tpu.memref_squeeze %dma_start3A_160 : memref<1x80x128xf32, #tpu.memory_space<hbm>> -> memref<80x128xf32, #tpu.memory_space<hbm>>
    %dma_start3A_162 = arith.constant 0 : i32
    %dma_start3A_163 = tpu.memref_slice %arg7[%add3A_150, %dma_start3A_162] : memref<10240x128xf32, #tpu.memory_space<vmem_shared>> -> memref<80x128xf32, #tpu.memory_space<vmem_shared>>
    tpu.enqueue_dma source(%dma_start3A_163 : memref<80x128xf32, #tpu.memory_space<vmem_shared>>) target(%dma_start3A_161 : memref<80x128xf32, #tpu.memory_space<hbm>>) target_semaphore(%arg22 : memref<!tpu.dma_semaphore, #tpu.memory_space<semaphore_mem>>)
    %mul3A_164 = arith.constant 640 : i32
    %mul3A_165 = arith.muli %arg1, %mul3A_164 : i32
    %add3A_166 = arith.constant 240 : i32
    %add3A_167 = arith.addi %mul3A_165, %add3A_166 : i32
    %sub3A_168 = arith.constant 160 : i32
    %sub3A_169 = arith.subi %add3A_167, %sub3A_168 : i32
    %sub3A_170 = arith.constant 160 : i32
    %sub3A_171 = arith.subi %add3A_167, %sub3A_170 : i32
    %dma_wait3A_172 = arith.constant 0 : i32
    %dma_wait3A_173 = tpu.memref_slice %arg6[%arg0, %sub3A_171, %dma_wait3A_172] : memref<2x10240x128xf32, #tpu.memory_space<hbm>> -> memref<1x80x128xf32, #tpu.memory_space<hbm>>
    %dma_wait3A_174 = tpu.memref_squeeze %dma_wait3A_173 : memref<1x80x128xf32, #tpu.memory_space<hbm>> -> memref<80x128xf32, #tpu.memory_space<hbm>>
    %dma_wait3A_175 = arith.constant 0 : i32
    %dma_wait3A_176 = tpu.memref_slice %arg7[%sub3A_169, %dma_wait3A_175] : memref<10240x128xf32, #tpu.memory_space<vmem_shared>> -> memref<80x128xf32, #tpu.memory_space<vmem_shared>>
    tpu.wait_dma2 semaphore(%arg23 : memref<!tpu.dma_semaphore, #tpu.memory_space<semaphore_mem>>) src(%dma_wait3A_176 : memref<80x128xf32, #tpu.memory_space<vmem_shared>>) dst(%dma_wait3A_174 : memref<80x128xf32, #tpu.memory_space<hbm>>)
    %dma_start3A_177 = arith.constant 0 : i32
    %dma_start3A_178 = tpu.memref_slice %arg6[%arg0, %add3A_167, %dma_start3A_177] : memref<2x10240x128xf32, #tpu.memory_space<hbm>> -> memref<1x80x128xf32, #tpu.memory_space<hbm>>
    %dma_start3A_179 = tpu.memref_squeeze %dma_start3A_178 : memref<1x80x128xf32, #tpu.memory_space<hbm>> -> memref<80x128xf32, #tpu.memory_space<hbm>>
    %dma_start3A_180 = arith.constant 0 : i32
    %dma_start3A_181 = tpu.memref_slice %arg7[%add3A_167, %dma_start3A_180] : memref<10240x128xf32, #tpu.memory_space<vmem_shared>> -> memref<80x128xf32, #tpu.memory_space<vmem_shared>>
    tpu.enqueue_dma source(%dma_start3A_181 : memref<80x128xf32, #tpu.memory_space<vmem_shared>>) target(%dma_start3A_179 : memref<80x128xf32, #tpu.memory_space<hbm>>) target_semaphore(%arg23 : memref<!tpu.dma_semaphore, #tpu.memory_space<semaphore_mem>>)
    %mul3A_182 = arith.constant 640 : i32
    %mul3A_183 = arith.muli %arg1, %mul3A_182 : i32
    %add3A_184 = arith.constant 320 : i32
    %add3A_185 = arith.addi %mul3A_183, %add3A_184 : i32
    %sub3A_186 = arith.constant 160 : i32
    %sub3A_187 = arith.subi %add3A_185, %sub3A_186 : i32
    %sub3A_188 = arith.constant 160 : i32
    %sub3A_189 = arith.subi %add3A_185, %sub3A_188 : i32
    %dma_wait3A_190 = arith.constant 0 : i32
    %dma_wait3A_191 = tpu.memref_slice %arg6[%arg0, %sub3A_189, %dma_wait3A_190] : memref<2x10240x128xf32, #tpu.memory_space<hbm>> -> memref<1x80x128xf32, #tpu.memory_space<hbm>>
    %dma_wait3A_192 = tpu.memref_squeeze %dma_wait3A_191 : memref<1x80x128xf32, #tpu.memory_space<hbm>> -> memref<80x128xf32, #tpu.memory_space<hbm>>
    %dma_wait3A_193 = arith.constant 0 : i32
    %dma_wait3A_194 = tpu.memref_slice %arg7[%sub3A_187, %dma_wait3A_193] : memref<10240x128xf32, #tpu.memory_space<vmem_shared>> -> memref<80x128xf32, #tpu.memory_space<vmem_shared>>
    tpu.wait_dma2 semaphore(%arg22 : memref<!tpu.dma_semaphore, #tpu.memory_space<semaphore_mem>>) src(%dma_wait3A_194 : memref<80x128xf32, #tpu.memory_space<vmem_shared>>) dst(%dma_wait3A_192 : memref<80x128xf32, #tpu.memory_space<hbm>>)
    %dma_start3A_195 = arith.constant 0 : i32
    %dma_start3A_196 = tpu.memref_slice %arg6[%arg0, %add3A_185, %dma_start3A_195] : memref<2x10240x128xf32, #tpu.memory_space<hbm>> -> memref<1x80x128xf32, #tpu.memory_space<hbm>>
    %dma_start3A_197 = tpu.memref_squeeze %dma_start3A_196 : memref<1x80x128xf32, #tpu.memory_space<hbm>> -> memref<80x128xf32, #tpu.memory_space<hbm>>
    %dma_start3A_198 = arith.constant 0 : i32
    %dma_start3A_199 = tpu.memref_slice %arg7[%add3A_185, %dma_start3A_198] : memref<10240x128xf32, #tpu.memory_space<vmem_shared>> -> memref<80x128xf32, #tpu.memory_space<vmem_shared>>
    tpu.enqueue_dma source(%dma_start3A_199 : memref<80x128xf32, #tpu.memory_space<vmem_shared>>) target(%dma_start3A_197 : memref<80x128xf32, #tpu.memory_space<hbm>>) target_semaphore(%arg22 : memref<!tpu.dma_semaphore, #tpu.memory_space<semaphore_mem>>)
    %mul3A_200 = arith.constant 640 : i32
    %mul3A_201 = arith.muli %arg1, %mul3A_200 : i32
    %add3A_202 = arith.constant 400 : i32
    %add3A_203 = arith.addi %mul3A_201, %add3A_202 : i32
    %sub3A_204 = arith.constant 160 : i32
    %sub3A_205 = arith.subi %add3A_203, %sub3A_204 : i32
    %sub3A_206 = arith.constant 160 : i32
    %sub3A_207 = arith.subi %add3A_203, %sub3A_206 : i32
    %dma_wait3A_208 = arith.constant 0 : i32
    %dma_wait3A_209 = tpu.memref_slice %arg6[%arg0, %sub3A_207, %dma_wait3A_208] : memref<2x10240x128xf32, #tpu.memory_space<hbm>> -> memref<1x80x128xf32, #tpu.memory_space<hbm>>
    %dma_wait3A_210 = tpu.memref_squeeze %dma_wait3A_209 : memref<1x80x128xf32, #tpu.memory_space<hbm>> -> memref<80x128xf32, #tpu.memory_space<hbm>>
    %dma_wait3A_211 = arith.constant 0 : i32
    %dma_wait3A_212 = tpu.memref_slice %arg7[%sub3A_205, %dma_wait3A_211] : memref<10240x128xf32, #tpu.memory_space<vmem_shared>> -> memref<80x128xf32, #tpu.memory_space<vmem_shared>>
    tpu.wait_dma2 semaphore(%arg23 : memref<!tpu.dma_semaphore, #tpu.memory_space<semaphore_mem>>) src(%dma_wait3A_212 : memref<80x128xf32, #tpu.memory_space<vmem_shared>>) dst(%dma_wait3A_210 : memref<80x128xf32, #tpu.memory_space<hbm>>)
    %dma_start3A_213 = arith.constant 0 : i32
    %dma_start3A_214 = tpu.memref_slice %arg6[%arg0, %add3A_203, %dma_start3A_213] : memref<2x10240x128xf32, #tpu.memory_space<hbm>> -> memref<1x80x128xf32, #tpu.memory_space<hbm>>
    %dma_start3A_215 = tpu.memref_squeeze %dma_start3A_214 : memref<1x80x128xf32, #tpu.memory_space<hbm>> -> memref<80x128xf32, #tpu.memory_space<hbm>>
    %dma_start3A_216 = arith.constant 0 : i32
    %dma_start3A_217 = tpu.memref_slice %arg7[%add3A_203, %dma_start3A_216] : memref<10240x128xf32, #tpu.memory_space<vmem_shared>> -> memref<80x128xf32, #tpu.memory_space<vmem_shared>>
    tpu.enqueue_dma source(%dma_start3A_217 : memref<80x128xf32, #tpu.memory_space<vmem_shared>>) target(%dma_start3A_215 : memref<80x128xf32, #tpu.memory_space<hbm>>) target_semaphore(%arg23 : memref<!tpu.dma_semaphore, #tpu.memory_space<semaphore_mem>>)
    %mul3A_218 = arith.constant 640 : i32
    %mul3A_219 = arith.muli %arg1, %mul3A_218 : i32
    %add3A_220 = arith.constant 480 : i32
    %add3A_221 = arith.addi %mul3A_219, %add3A_220 : i32
    %sub3A_222 = arith.constant 160 : i32
    %sub3A_223 = arith.subi %add3A_221, %sub3A_222 : i32
    %sub3A_224 = arith.constant 160 : i32
    %sub3A_225 = arith.subi %add3A_221, %sub3A_224 : i32
    %dma_wait3A_226 = arith.constant 0 : i32
    %dma_wait3A_227 = tpu.memref_slice %arg6[%arg0, %sub3A_225, %dma_wait3A_226] : memref<2x10240x128xf32, #tpu.memory_space<hbm>> -> memref<1x80x128xf32, #tpu.memory_space<hbm>>
    %dma_wait3A_228 = tpu.memref_squeeze %dma_wait3A_227 : memref<1x80x128xf32, #tpu.memory_space<hbm>> -> memref<80x128xf32, #tpu.memory_space<hbm>>
    %dma_wait3A_229 = arith.constant 0 : i32
    %dma_wait3A_230 = tpu.memref_slice %arg7[%sub3A_223, %dma_wait3A_229] : memref<10240x128xf32, #tpu.memory_space<vmem_shared>> -> memref<80x128xf32, #tpu.memory_space<vmem_shared>>
    tpu.wait_dma2 semaphore(%arg22 : memref<!tpu.dma_semaphore, #tpu.memory_space<semaphore_mem>>) src(%dma_wait3A_230 : memref<80x128xf32, #tpu.memory_space<vmem_shared>>) dst(%dma_wait3A_228 : memref<80x128xf32, #tpu.memory_space<hbm>>)
    %dma_start3A_231 = arith.constant 0 : i32
    %dma_start3A_232 = tpu.memref_slice %arg6[%arg0, %add3A_221, %dma_start3A_231] : memref<2x10240x128xf32, #tpu.memory_space<hbm>> -> memref<1x80x128xf32, #tpu.memory_space<hbm>>
    %dma_start3A_233 = tpu.memref_squeeze %dma_start3A_232 : memref<1x80x128xf32, #tpu.memory_space<hbm>> -> memref<80x128xf32, #tpu.memory_space<hbm>>
    %dma_start3A_234 = arith.constant 0 : i32
    %dma_start3A_235 = tpu.memref_slice %arg7[%add3A_221, %dma_start3A_234] : memref<10240x128xf32, #tpu.memory_space<vmem_shared>> -> memref<80x128xf32, #tpu.memory_space<vmem_shared>>
    tpu.enqueue_dma source(%dma_start3A_235 : memref<80x128xf32, #tpu.memory_space<vmem_shared>>) target(%dma_start3A_233 : memref<80x128xf32, #tpu.memory_space<hbm>>) target_semaphore(%arg22 : memref<!tpu.dma_semaphore, #tpu.memory_space<semaphore_mem>>)
    %mul3A_236 = arith.constant 640 : i32
    %mul3A_237 = arith.muli %arg1, %mul3A_236 : i32
    %add3A_238 = arith.constant 560 : i32
    %add3A_239 = arith.addi %mul3A_237, %add3A_238 : i32
    %sub3A_240 = arith.constant 160 : i32
    %sub3A_241 = arith.subi %add3A_239, %sub3A_240 : i32
    %sub3A_242 = arith.constant 160 : i32
    %sub3A_243 = arith.subi %add3A_239, %sub3A_242 : i32
    %dma_wait3A_244 = arith.constant 0 : i32
    %dma_wait3A_245 = tpu.memref_slice %arg6[%arg0, %sub3A_243, %dma_wait3A_244] : memref<2x10240x128xf32, #tpu.memory_space<hbm>> -> memref<1x80x128xf32, #tpu.memory_space<hbm>>
    %dma_wait3A_246 = tpu.memref_squeeze %dma_wait3A_245 : memref<1x80x128xf32, #tpu.memory_space<hbm>> -> memref<80x128xf32, #tpu.memory_space<hbm>>
    %dma_wait3A_247 = arith.constant 0 : i32
    %dma_wait3A_248 = tpu.memref_slice %arg7[%sub3A_241, %dma_wait3A_247] : memref<10240x128xf32, #tpu.memory_space<vmem_shared>> -> memref<80x128xf32, #tpu.memory_space<vmem_shared>>
    tpu.wait_dma2 semaphore(%arg23 : memref<!tpu.dma_semaphore, #tpu.memory_space<semaphore_mem>>) src(%dma_wait3A_248 : memref<80x128xf32, #tpu.memory_space<vmem_shared>>) dst(%dma_wait3A_246 : memref<80x128xf32, #tpu.memory_space<hbm>>)
    %dma_start3A_249 = arith.constant 0 : i32
    %dma_start3A_250 = tpu.memref_slice %arg6[%arg0, %add3A_239, %dma_start3A_249] : memref<2x10240x128xf32, #tpu.memory_space<hbm>> -> memref<1x80x128xf32, #tpu.memory_space<hbm>>
    %dma_start3A_251 = tpu.memref_squeeze %dma_start3A_250 : memref<1x80x128xf32, #tpu.memory_space<hbm>> -> memref<80x128xf32, #tpu.memory_space<hbm>>
    %dma_start3A_252 = arith.constant 0 : i32
    %dma_start3A_253 = tpu.memref_slice %arg7[%add3A_239, %dma_start3A_252] : memref<10240x128xf32, #tpu.memory_space<vmem_shared>> -> memref<80x128xf32, #tpu.memory_space<vmem_shared>>
    tpu.enqueue_dma source(%dma_start3A_253 : memref<80x128xf32, #tpu.memory_space<vmem_shared>>) target(%dma_start3A_251 : memref<80x128xf32, #tpu.memory_space<hbm>>) target_semaphore(%arg23 : memref<!tpu.dma_semaphore, #tpu.memory_space<semaphore_mem>>)
    %mul3A_254 = arith.constant 640 : i32
    %mul3A_255 = arith.muli %arg1, %mul3A_254 : i32
    %add3A_256 = arith.constant 480 : i32
    %add3A_257 = arith.addi %mul3A_255, %add3A_256 : i32
    %dma_wait3A_258 = arith.constant 0 : i32
    %dma_wait3A_259 = tpu.memref_slice %arg6[%arg0, %add3A_257, %dma_wait3A_258] : memref<2x10240x128xf32, #tpu.memory_space<hbm>> -> memref<1x80x128xf32, #tpu.memory_space<hbm>>
    %dma_wait3A_260 = tpu.memref_squeeze %dma_wait3A_259 : memref<1x80x128xf32, #tpu.memory_space<hbm>> -> memref<80x128xf32, #tpu.memory_space<hbm>>
    %dma_wait3A_261 = arith.constant 0 : i32
    %dma_wait3A_262 = tpu.memref_slice %arg7[%add3A_257, %dma_wait3A_261] : memref<10240x128xf32, #tpu.memory_space<vmem_shared>> -> memref<80x128xf32, #tpu.memory_space<vmem_shared>>
    tpu.wait_dma2 semaphore(%arg22 : memref<!tpu.dma_semaphore, #tpu.memory_space<semaphore_mem>>) src(%dma_wait3A_262 : memref<80x128xf32, #tpu.memory_space<vmem_shared>>) dst(%dma_wait3A_260 : memref<80x128xf32, #tpu.memory_space<hbm>>)
    %mul3A_263 = arith.constant 640 : i32
    %mul3A_264 = arith.muli %arg1, %mul3A_263 : i32
    %add3A_265 = arith.constant 560 : i32
    %add3A_266 = arith.addi %mul3A_264, %add3A_265 : i32
    %dma_wait3A_267 = arith.constant 0 : i32
    %dma_wait3A_268 = tpu.memref_slice %arg6[%arg0, %add3A_266, %dma_wait3A_267] : memref<2x10240x128xf32, #tpu.memory_space<hbm>> -> memref<1x80x128xf32, #tpu.memory_space<hbm>>
    %dma_wait3A_269 = tpu.memref_squeeze %dma_wait3A_268 : memref<1x80x128xf32, #tpu.memory_space<hbm>> -> memref<80x128xf32, #tpu.memory_space<hbm>>
    %dma_wait3A_270 = arith.constant 0 : i32
    %dma_wait3A_271 = tpu.memref_slice %arg7[%add3A_266, %dma_wait3A_270] : memref<10240x128xf32, #tpu.memory_space<vmem_shared>> -> memref<80x128xf32, #tpu.memory_space<vmem_shared>>
    tpu.wait_dma2 semaphore(%arg23 : memref<!tpu.dma_semaphore, #tpu.memory_space<semaphore_mem>>) src(%dma_wait3A_271 : memref<80x128xf32, #tpu.memory_space<vmem_shared>>) dst(%dma_wait3A_269 : memref<80x128xf32, #tpu.memory_space<hbm>>)
    return
  }
}

#map = affine_map<(d0, d1) -> (0, 0)>
#map1 = affine_map<(d0, d1) -> (0)>
#map2 = affine_map<(d0, d1) -> (0, 0, 0)>
module attributes {stable_mosaic.version = 14 : i64} {
  func.func @_edge_body(%arg0: i32, %arg1: i32, %arg2: memref<10000x128xf32, #tpu.memory_space<hbm>>, %arg3: memref<320000xi32, #tpu.memory_space<hbm>>, %arg4: memref<320000xi32, #tpu.memory_space<hbm>>, %arg5: memref<80x128xf32, #tpu.memory_space<hbm>>, %arg6: memref<80x128xf32, #tpu.memory_space<hbm>>, %arg7: memref<2x10240x128xf32, #tpu.memory_space<hbm>>, %arg8: memref<2x10240x128xf32, #tpu.memory_space<hbm>>, %arg9: memref<10240x128xf32, #tpu.memory_space<vmem_shared>>, %arg10: memref<80x128xf32, #tpu.memory_space<vmem>>, %arg11: memref<80x128xf32, #tpu.memory_space<vmem>>, %arg12: memref<80xi32, #tpu.memory_space<vmem>>, %arg13: memref<80xi32, #tpu.memory_space<vmem>>, %arg14: memref<80xi32, #tpu.memory_space<vmem>>, %arg15: memref<80xi32, #tpu.memory_space<vmem>>, %arg16: memref<80xi32, #tpu.memory_space<vmem>>, %arg17: memref<80xi32, #tpu.memory_space<vmem>>, %arg18: memref<80xi32, #tpu.memory_space<vmem>>, %arg19: memref<80xi32, #tpu.memory_space<vmem>>, %arg20: memref<!tpu.dma_semaphore, #tpu.memory_space<semaphore_mem>>, %arg21: memref<!tpu.dma_semaphore, #tpu.memory_space<semaphore_mem>>, %arg22: memref<!tpu.dma_semaphore, #tpu.memory_space<semaphore_mem>>, %arg23: memref<!tpu.dma_semaphore, #tpu.memory_space<semaphore_mem>>, %arg24: memref<!tpu.dma_semaphore, #tpu.memory_space<semaphore_mem>>, %arg25: memref<!tpu.dma_semaphore, #tpu.memory_space<semaphore_mem>>, %arg26: memref<!tpu.dma_semaphore, #tpu.memory_space<semaphore_mem>>, %arg27: memref<!tpu.dma_semaphore, #tpu.memory_space<semaphore_mem>>, %arg28: memref<!tpu.dma_semaphore, #tpu.memory_space<semaphore_mem>>, %arg29: memref<!tpu.dma_semaphore, #tpu.memory_space<semaphore_mem>>) attributes {dimension_semantics = [#tpu.dimension_semantics<core_parallel>, #tpu.dimension_semantics<subcore_parallel>], iteration_bounds = array<i64: 2, 16>, scalar_prefetch = 0 : i64, scratch_operands = 21 : i64, tpu.core_type = #tpu.core_type<sc_vector_subcore>, window_params = [{transform_indices = #map}, {transform_indices = #map1}, {transform_indices = #map1}, {transform_indices = #map}, {transform_indices = #map}, {transform_indices = #map2}, {transform_indices = #map2}]} {
    %mul3A = arith.constant 2 : i32
    %mul3A_0 = arith.muli %arg1, %mul3A : i32
    %add3A = arith.addi %mul3A_0, %arg0 : i32
    "tpu.region"() ({
      %run_scoped3A = tpu.sem_alloc : memref<!tpu.dma_semaphore, #tpu.memory_space<semaphore_mem>>
      tpu.enqueue_dma source(%arg5 : memref<80x128xf32, #tpu.memory_space<hbm>>) target(%arg10 : memref<80x128xf32, #tpu.memory_space<vmem>>) target_semaphore(%run_scoped3A : memref<!tpu.dma_semaphore, #tpu.memory_space<semaphore_mem>>)
      tpu.wait_dma2 semaphore(%run_scoped3A : memref<!tpu.dma_semaphore, #tpu.memory_space<semaphore_mem>>) src(%arg5 : memref<80x128xf32, #tpu.memory_space<hbm>>) dst(%arg10 : memref<80x128xf32, #tpu.memory_space<vmem>>)
      tpu.yield
    }) : () -> ()
    %mul3A_1 = arith.constant 640 : i32
    %mul3A_2 = arith.muli %arg1, %mul3A_1 : i32
    %add3A_3 = arith.constant 0 : i32
    %add3A_4 = arith.addi %mul3A_2, %add3A_3 : i32
    "tpu.region"() ({
      %run_scoped3A = tpu.sem_alloc : memref<!tpu.dma_semaphore, #tpu.memory_space<semaphore_mem>>
      %dma_start3A_502 = arith.constant 0 : i32
      %dma_start3A_503 = tpu.memref_slice %arg9[%add3A_4, %dma_start3A_502] : memref<10240x128xf32, #tpu.memory_space<vmem_shared>> -> memref<80x128xf32, #tpu.memory_space<vmem_shared>>
      %dma_start3A_504 = arith.constant 0 : i32
      %dma_start3A_505 = tpu.memref_slice %arg9[%add3A_4, %dma_start3A_504] : memref<10240x128xf32, #tpu.memory_space<vmem_shared>> -> memref<80x128xf32, #tpu.memory_space<vmem_shared>>
      tpu.enqueue_dma source(%arg10 : memref<80x128xf32, #tpu.memory_space<vmem>>) target(%dma_start3A_505 : memref<80x128xf32, #tpu.memory_space<vmem_shared>>) target_semaphore(%run_scoped3A : memref<!tpu.dma_semaphore, #tpu.memory_space<semaphore_mem>>)
      %dma_wait3A_506 = arith.constant 0 : i32
      %dma_wait3A_507 = tpu.memref_slice %arg9[%add3A_4, %dma_wait3A_506] : memref<10240x128xf32, #tpu.memory_space<vmem_shared>> -> memref<80x128xf32, #tpu.memory_space<vmem_shared>>
      %dma_wait3A_508 = arith.constant 0 : i32
      %dma_wait3A_509 = tpu.memref_slice %arg9[%add3A_4, %dma_wait3A_508] : memref<10240x128xf32, #tpu.memory_space<vmem_shared>> -> memref<80x128xf32, #tpu.memory_space<vmem_shared>>
      tpu.wait_dma2 semaphore(%run_scoped3A : memref<!tpu.dma_semaphore, #tpu.memory_space<semaphore_mem>>) src(%arg10 : memref<80x128xf32, #tpu.memory_space<vmem>>) dst(%dma_wait3A_509 : memref<80x128xf32, #tpu.memory_space<vmem_shared>>)
      tpu.yield
    }) : () -> ()
    %mul3A_5 = arith.constant 640 : i32
    %mul3A_6 = arith.muli %arg1, %mul3A_5 : i32
    %add3A_7 = arith.constant 80 : i32
    %add3A_8 = arith.addi %mul3A_6, %add3A_7 : i32
    "tpu.region"() ({
      %run_scoped3A = tpu.sem_alloc : memref<!tpu.dma_semaphore, #tpu.memory_space<semaphore_mem>>
      %dma_start3A_502 = arith.constant 0 : i32
      %dma_start3A_503 = tpu.memref_slice %arg9[%add3A_8, %dma_start3A_502] : memref<10240x128xf32, #tpu.memory_space<vmem_shared>> -> memref<80x128xf32, #tpu.memory_space<vmem_shared>>
      %dma_start3A_504 = arith.constant 0 : i32
      %dma_start3A_505 = tpu.memref_slice %arg9[%add3A_8, %dma_start3A_504] : memref<10240x128xf32, #tpu.memory_space<vmem_shared>> -> memref<80x128xf32, #tpu.memory_space<vmem_shared>>
      tpu.enqueue_dma source(%arg10 : memref<80x128xf32, #tpu.memory_space<vmem>>) target(%dma_start3A_505 : memref<80x128xf32, #tpu.memory_space<vmem_shared>>) target_semaphore(%run_scoped3A : memref<!tpu.dma_semaphore, #tpu.memory_space<semaphore_mem>>)
      %dma_wait3A_506 = arith.constant 0 : i32
      %dma_wait3A_507 = tpu.memref_slice %arg9[%add3A_8, %dma_wait3A_506] : memref<10240x128xf32, #tpu.memory_space<vmem_shared>> -> memref<80x128xf32, #tpu.memory_space<vmem_shared>>
      %dma_wait3A_508 = arith.constant 0 : i32
      %dma_wait3A_509 = tpu.memref_slice %arg9[%add3A_8, %dma_wait3A_508] : memref<10240x128xf32, #tpu.memory_space<vmem_shared>> -> memref<80x128xf32, #tpu.memory_space<vmem_shared>>
      tpu.wait_dma2 semaphore(%run_scoped3A : memref<!tpu.dma_semaphore, #tpu.memory_space<semaphore_mem>>) src(%arg10 : memref<80x128xf32, #tpu.memory_space<vmem>>) dst(%dma_wait3A_509 : memref<80x128xf32, #tpu.memory_space<vmem_shared>>)
      tpu.yield
    }) : () -> ()
    %mul3A_9 = arith.constant 640 : i32
    %mul3A_10 = arith.muli %arg1, %mul3A_9 : i32
    %add3A_11 = arith.constant 160 : i32
    %add3A_12 = arith.addi %mul3A_10, %add3A_11 : i32
    "tpu.region"() ({
      %run_scoped3A = tpu.sem_alloc : memref<!tpu.dma_semaphore, #tpu.memory_space<semaphore_mem>>
      %dma_start3A_502 = arith.constant 0 : i32
      %dma_start3A_503 = tpu.memref_slice %arg9[%add3A_12, %dma_start3A_502] : memref<10240x128xf32, #tpu.memory_space<vmem_shared>> -> memref<80x128xf32, #tpu.memory_space<vmem_shared>>
      %dma_start3A_504 = arith.constant 0 : i32
      %dma_start3A_505 = tpu.memref_slice %arg9[%add3A_12, %dma_start3A_504] : memref<10240x128xf32, #tpu.memory_space<vmem_shared>> -> memref<80x128xf32, #tpu.memory_space<vmem_shared>>
      tpu.enqueue_dma source(%arg10 : memref<80x128xf32, #tpu.memory_space<vmem>>) target(%dma_start3A_505 : memref<80x128xf32, #tpu.memory_space<vmem_shared>>) target_semaphore(%run_scoped3A : memref<!tpu.dma_semaphore, #tpu.memory_space<semaphore_mem>>)
      %dma_wait3A_506 = arith.constant 0 : i32
      %dma_wait3A_507 = tpu.memref_slice %arg9[%add3A_12, %dma_wait3A_506] : memref<10240x128xf32, #tpu.memory_space<vmem_shared>> -> memref<80x128xf32, #tpu.memory_space<vmem_shared>>
      %dma_wait3A_508 = arith.constant 0 : i32
      %dma_wait3A_509 = tpu.memref_slice %arg9[%add3A_12, %dma_wait3A_508] : memref<10240x128xf32, #tpu.memory_space<vmem_shared>> -> memref<80x128xf32, #tpu.memory_space<vmem_shared>>
      tpu.wait_dma2 semaphore(%run_scoped3A : memref<!tpu.dma_semaphore, #tpu.memory_space<semaphore_mem>>) src(%arg10 : memref<80x128xf32, #tpu.memory_space<vmem>>) dst(%dma_wait3A_509 : memref<80x128xf32, #tpu.memory_space<vmem_shared>>)
      tpu.yield
    }) : () -> ()
    %mul3A_13 = arith.constant 640 : i32
    %mul3A_14 = arith.muli %arg1, %mul3A_13 : i32
    %add3A_15 = arith.constant 240 : i32
    %add3A_16 = arith.addi %mul3A_14, %add3A_15 : i32
    "tpu.region"() ({
      %run_scoped3A = tpu.sem_alloc : memref<!tpu.dma_semaphore, #tpu.memory_space<semaphore_mem>>
      %dma_start3A_502 = arith.constant 0 : i32
      %dma_start3A_503 = tpu.memref_slice %arg9[%add3A_16, %dma_start3A_502] : memref<10240x128xf32, #tpu.memory_space<vmem_shared>> -> memref<80x128xf32, #tpu.memory_space<vmem_shared>>
      %dma_start3A_504 = arith.constant 0 : i32
      %dma_start3A_505 = tpu.memref_slice %arg9[%add3A_16, %dma_start3A_504] : memref<10240x128xf32, #tpu.memory_space<vmem_shared>> -> memref<80x128xf32, #tpu.memory_space<vmem_shared>>
      tpu.enqueue_dma source(%arg10 : memref<80x128xf32, #tpu.memory_space<vmem>>) target(%dma_start3A_505 : memref<80x128xf32, #tpu.memory_space<vmem_shared>>) target_semaphore(%run_scoped3A : memref<!tpu.dma_semaphore, #tpu.memory_space<semaphore_mem>>)
      %dma_wait3A_506 = arith.constant 0 : i32
      %dma_wait3A_507 = tpu.memref_slice %arg9[%add3A_16, %dma_wait3A_506] : memref<10240x128xf32, #tpu.memory_space<vmem_shared>> -> memref<80x128xf32, #tpu.memory_space<vmem_shared>>
      %dma_wait3A_508 = arith.constant 0 : i32
      %dma_wait3A_509 = tpu.memref_slice %arg9[%add3A_16, %dma_wait3A_508] : memref<10240x128xf32, #tpu.memory_space<vmem_shared>> -> memref<80x128xf32, #tpu.memory_space<vmem_shared>>
      tpu.wait_dma2 semaphore(%run_scoped3A : memref<!tpu.dma_semaphore, #tpu.memory_space<semaphore_mem>>) src(%arg10 : memref<80x128xf32, #tpu.memory_space<vmem>>) dst(%dma_wait3A_509 : memref<80x128xf32, #tpu.memory_space<vmem_shared>>)
      tpu.yield
    }) : () -> ()
    %mul3A_17 = arith.constant 640 : i32
    %mul3A_18 = arith.muli %arg1, %mul3A_17 : i32
    %add3A_19 = arith.constant 320 : i32
    %add3A_20 = arith.addi %mul3A_18, %add3A_19 : i32
    "tpu.region"() ({
      %run_scoped3A = tpu.sem_alloc : memref<!tpu.dma_semaphore, #tpu.memory_space<semaphore_mem>>
      %dma_start3A_502 = arith.constant 0 : i32
      %dma_start3A_503 = tpu.memref_slice %arg9[%add3A_20, %dma_start3A_502] : memref<10240x128xf32, #tpu.memory_space<vmem_shared>> -> memref<80x128xf32, #tpu.memory_space<vmem_shared>>
      %dma_start3A_504 = arith.constant 0 : i32
      %dma_start3A_505 = tpu.memref_slice %arg9[%add3A_20, %dma_start3A_504] : memref<10240x128xf32, #tpu.memory_space<vmem_shared>> -> memref<80x128xf32, #tpu.memory_space<vmem_shared>>
      tpu.enqueue_dma source(%arg10 : memref<80x128xf32, #tpu.memory_space<vmem>>) target(%dma_start3A_505 : memref<80x128xf32, #tpu.memory_space<vmem_shared>>) target_semaphore(%run_scoped3A : memref<!tpu.dma_semaphore, #tpu.memory_space<semaphore_mem>>)
      %dma_wait3A_506 = arith.constant 0 : i32
      %dma_wait3A_507 = tpu.memref_slice %arg9[%add3A_20, %dma_wait3A_506] : memref<10240x128xf32, #tpu.memory_space<vmem_shared>> -> memref<80x128xf32, #tpu.memory_space<vmem_shared>>
      %dma_wait3A_508 = arith.constant 0 : i32
      %dma_wait3A_509 = tpu.memref_slice %arg9[%add3A_20, %dma_wait3A_508] : memref<10240x128xf32, #tpu.memory_space<vmem_shared>> -> memref<80x128xf32, #tpu.memory_space<vmem_shared>>
      tpu.wait_dma2 semaphore(%run_scoped3A : memref<!tpu.dma_semaphore, #tpu.memory_space<semaphore_mem>>) src(%arg10 : memref<80x128xf32, #tpu.memory_space<vmem>>) dst(%dma_wait3A_509 : memref<80x128xf32, #tpu.memory_space<vmem_shared>>)
      tpu.yield
    }) : () -> ()
    %mul3A_21 = arith.constant 640 : i32
    %mul3A_22 = arith.muli %arg1, %mul3A_21 : i32
    %add3A_23 = arith.constant 400 : i32
    %add3A_24 = arith.addi %mul3A_22, %add3A_23 : i32
    "tpu.region"() ({
      %run_scoped3A = tpu.sem_alloc : memref<!tpu.dma_semaphore, #tpu.memory_space<semaphore_mem>>
      %dma_start3A_502 = arith.constant 0 : i32
      %dma_start3A_503 = tpu.memref_slice %arg9[%add3A_24, %dma_start3A_502] : memref<10240x128xf32, #tpu.memory_space<vmem_shared>> -> memref<80x128xf32, #tpu.memory_space<vmem_shared>>
      %dma_start3A_504 = arith.constant 0 : i32
      %dma_start3A_505 = tpu.memref_slice %arg9[%add3A_24, %dma_start3A_504] : memref<10240x128xf32, #tpu.memory_space<vmem_shared>> -> memref<80x128xf32, #tpu.memory_space<vmem_shared>>
      tpu.enqueue_dma source(%arg10 : memref<80x128xf32, #tpu.memory_space<vmem>>) target(%dma_start3A_505 : memref<80x128xf32, #tpu.memory_space<vmem_shared>>) target_semaphore(%run_scoped3A : memref<!tpu.dma_semaphore, #tpu.memory_space<semaphore_mem>>)
      %dma_wait3A_506 = arith.constant 0 : i32
      %dma_wait3A_507 = tpu.memref_slice %arg9[%add3A_24, %dma_wait3A_506] : memref<10240x128xf32, #tpu.memory_space<vmem_shared>> -> memref<80x128xf32, #tpu.memory_space<vmem_shared>>
      %dma_wait3A_508 = arith.constant 0 : i32
      %dma_wait3A_509 = tpu.memref_slice %arg9[%add3A_24, %dma_wait3A_508] : memref<10240x128xf32, #tpu.memory_space<vmem_shared>> -> memref<80x128xf32, #tpu.memory_space<vmem_shared>>
      tpu.wait_dma2 semaphore(%run_scoped3A : memref<!tpu.dma_semaphore, #tpu.memory_space<semaphore_mem>>) src(%arg10 : memref<80x128xf32, #tpu.memory_space<vmem>>) dst(%dma_wait3A_509 : memref<80x128xf32, #tpu.memory_space<vmem_shared>>)
      tpu.yield
    }) : () -> ()
    %mul3A_25 = arith.constant 640 : i32
    %mul3A_26 = arith.muli %arg1, %mul3A_25 : i32
    %add3A_27 = arith.constant 480 : i32
    %add3A_28 = arith.addi %mul3A_26, %add3A_27 : i32
    "tpu.region"() ({
      %run_scoped3A = tpu.sem_alloc : memref<!tpu.dma_semaphore, #tpu.memory_space<semaphore_mem>>
      %dma_start3A_502 = arith.constant 0 : i32
      %dma_start3A_503 = tpu.memref_slice %arg9[%add3A_28, %dma_start3A_502] : memref<10240x128xf32, #tpu.memory_space<vmem_shared>> -> memref<80x128xf32, #tpu.memory_space<vmem_shared>>
      %dma_start3A_504 = arith.constant 0 : i32
      %dma_start3A_505 = tpu.memref_slice %arg9[%add3A_28, %dma_start3A_504] : memref<10240x128xf32, #tpu.memory_space<vmem_shared>> -> memref<80x128xf32, #tpu.memory_space<vmem_shared>>
      tpu.enqueue_dma source(%arg10 : memref<80x128xf32, #tpu.memory_space<vmem>>) target(%dma_start3A_505 : memref<80x128xf32, #tpu.memory_space<vmem_shared>>) target_semaphore(%run_scoped3A : memref<!tpu.dma_semaphore, #tpu.memory_space<semaphore_mem>>)
      %dma_wait3A_506 = arith.constant 0 : i32
      %dma_wait3A_507 = tpu.memref_slice %arg9[%add3A_28, %dma_wait3A_506] : memref<10240x128xf32, #tpu.memory_space<vmem_shared>> -> memref<80x128xf32, #tpu.memory_space<vmem_shared>>
      %dma_wait3A_508 = arith.constant 0 : i32
      %dma_wait3A_509 = tpu.memref_slice %arg9[%add3A_28, %dma_wait3A_508] : memref<10240x128xf32, #tpu.memory_space<vmem_shared>> -> memref<80x128xf32, #tpu.memory_space<vmem_shared>>
      tpu.wait_dma2 semaphore(%run_scoped3A : memref<!tpu.dma_semaphore, #tpu.memory_space<semaphore_mem>>) src(%arg10 : memref<80x128xf32, #tpu.memory_space<vmem>>) dst(%dma_wait3A_509 : memref<80x128xf32, #tpu.memory_space<vmem_shared>>)
      tpu.yield
    }) : () -> ()
    %mul3A_29 = arith.constant 640 : i32
    %mul3A_30 = arith.muli %arg1, %mul3A_29 : i32
    %add3A_31 = arith.constant 560 : i32
    %add3A_32 = arith.addi %mul3A_30, %add3A_31 : i32
    "tpu.region"() ({
      %run_scoped3A = tpu.sem_alloc : memref<!tpu.dma_semaphore, #tpu.memory_space<semaphore_mem>>
      %dma_start3A_502 = arith.constant 0 : i32
      %dma_start3A_503 = tpu.memref_slice %arg9[%add3A_32, %dma_start3A_502] : memref<10240x128xf32, #tpu.memory_space<vmem_shared>> -> memref<80x128xf32, #tpu.memory_space<vmem_shared>>
      %dma_start3A_504 = arith.constant 0 : i32
      %dma_start3A_505 = tpu.memref_slice %arg9[%add3A_32, %dma_start3A_504] : memref<10240x128xf32, #tpu.memory_space<vmem_shared>> -> memref<80x128xf32, #tpu.memory_space<vmem_shared>>
      tpu.enqueue_dma source(%arg10 : memref<80x128xf32, #tpu.memory_space<vmem>>) target(%dma_start3A_505 : memref<80x128xf32, #tpu.memory_space<vmem_shared>>) target_semaphore(%run_scoped3A : memref<!tpu.dma_semaphore, #tpu.memory_space<semaphore_mem>>)
      %dma_wait3A_506 = arith.constant 0 : i32
      %dma_wait3A_507 = tpu.memref_slice %arg9[%add3A_32, %dma_wait3A_506] : memref<10240x128xf32, #tpu.memory_space<vmem_shared>> -> memref<80x128xf32, #tpu.memory_space<vmem_shared>>
      %dma_wait3A_508 = arith.constant 0 : i32
      %dma_wait3A_509 = tpu.memref_slice %arg9[%add3A_32, %dma_wait3A_508] : memref<10240x128xf32, #tpu.memory_space<vmem_shared>> -> memref<80x128xf32, #tpu.memory_space<vmem_shared>>
      tpu.wait_dma2 semaphore(%run_scoped3A : memref<!tpu.dma_semaphore, #tpu.memory_space<semaphore_mem>>) src(%arg10 : memref<80x128xf32, #tpu.memory_space<vmem>>) dst(%dma_wait3A_509 : memref<80x128xf32, #tpu.memory_space<vmem_shared>>)
      tpu.yield
    }) : () -> ()
    "tpu.region"() ({
      %run_scoped3A = tpu.sem_alloc : memref<!tpu.dma_semaphore, #tpu.memory_space<semaphore_mem>>
      tpu.enqueue_dma source(%arg6 : memref<80x128xf32, #tpu.memory_space<hbm>>) target(%arg10 : memref<80x128xf32, #tpu.memory_space<vmem>>) target_semaphore(%run_scoped3A : memref<!tpu.dma_semaphore, #tpu.memory_space<semaphore_mem>>)
      tpu.wait_dma2 semaphore(%run_scoped3A : memref<!tpu.dma_semaphore, #tpu.memory_space<semaphore_mem>>) src(%arg6 : memref<80x128xf32, #tpu.memory_space<hbm>>) dst(%arg10 : memref<80x128xf32, #tpu.memory_space<vmem>>)
      tpu.yield
    }) : () -> ()
    %barrier3A = arith.constant 0 : index
    tpu.barrier barrier_id(%barrier3A)
    %mul3A_33 = arith.constant 125 : i32
    %mul3A_34 = arith.muli %add3A, %mul3A_33 : i32
    %add3A_35 = arith.constant 0 : i32
    %add3A_36 = arith.addi %mul3A_34, %add3A_35 : i32
    %mul3A_37 = arith.constant 80 : i32
    %mul3A_38 = arith.muli %add3A_36, %mul3A_37 : i32
    %dma_start3A = tpu.memref_slice %arg4[%mul3A_38] : memref<320000xi32, #tpu.memory_space<hbm>> -> memref<80xi32, #tpu.memory_space<hbm>>
    %dma_start3A_39 = tpu.memref_slice %arg4[%mul3A_38] : memref<320000xi32, #tpu.memory_space<hbm>> -> memref<80xi32, #tpu.memory_space<hbm>>
    tpu.enqueue_dma source(%dma_start3A_39 : memref<80xi32, #tpu.memory_space<hbm>>) target(%arg16 : memref<80xi32, #tpu.memory_space<vmem>>) target_semaphore(%arg26 : memref<!tpu.dma_semaphore, #tpu.memory_space<semaphore_mem>>)
    %mul3A_40 = arith.constant 125 : i32
    %mul3A_41 = arith.muli %add3A, %mul3A_40 : i32
    %add3A_42 = arith.constant 1 : i32
    %add3A_43 = arith.addi %mul3A_41, %add3A_42 : i32
    %mul3A_44 = arith.constant 80 : i32
    %mul3A_45 = arith.muli %add3A_43, %mul3A_44 : i32
    %dma_start3A_46 = tpu.memref_slice %arg4[%mul3A_45] : memref<320000xi32, #tpu.memory_space<hbm>> -> memref<80xi32, #tpu.memory_space<hbm>>
    %dma_start3A_47 = tpu.memref_slice %arg4[%mul3A_45] : memref<320000xi32, #tpu.memory_space<hbm>> -> memref<80xi32, #tpu.memory_space<hbm>>
    tpu.enqueue_dma source(%dma_start3A_47 : memref<80xi32, #tpu.memory_space<hbm>>) target(%arg17 : memref<80xi32, #tpu.memory_space<vmem>>) target_semaphore(%arg27 : memref<!tpu.dma_semaphore, #tpu.memory_space<semaphore_mem>>)
    %mul3A_48 = arith.constant 125 : i32
    %mul3A_49 = arith.muli %add3A, %mul3A_48 : i32
    %add3A_50 = arith.constant 2 : i32
    %add3A_51 = arith.addi %mul3A_49, %add3A_50 : i32
    %mul3A_52 = arith.constant 80 : i32
    %mul3A_53 = arith.muli %add3A_51, %mul3A_52 : i32
    %dma_start3A_54 = tpu.memref_slice %arg4[%mul3A_53] : memref<320000xi32, #tpu.memory_space<hbm>> -> memref<80xi32, #tpu.memory_space<hbm>>
    %dma_start3A_55 = tpu.memref_slice %arg4[%mul3A_53] : memref<320000xi32, #tpu.memory_space<hbm>> -> memref<80xi32, #tpu.memory_space<hbm>>
    tpu.enqueue_dma source(%dma_start3A_55 : memref<80xi32, #tpu.memory_space<hbm>>) target(%arg18 : memref<80xi32, #tpu.memory_space<vmem>>) target_semaphore(%arg28 : memref<!tpu.dma_semaphore, #tpu.memory_space<semaphore_mem>>)
    %mul3A_56 = arith.constant 125 : i32
    %mul3A_57 = arith.muli %add3A, %mul3A_56 : i32
    %add3A_58 = arith.constant 3 : i32
    %add3A_59 = arith.addi %mul3A_57, %add3A_58 : i32
    %mul3A_60 = arith.constant 80 : i32
    %mul3A_61 = arith.muli %add3A_59, %mul3A_60 : i32
    %dma_start3A_62 = tpu.memref_slice %arg4[%mul3A_61] : memref<320000xi32, #tpu.memory_space<hbm>> -> memref<80xi32, #tpu.memory_space<hbm>>
    %dma_start3A_63 = tpu.memref_slice %arg4[%mul3A_61] : memref<320000xi32, #tpu.memory_space<hbm>> -> memref<80xi32, #tpu.memory_space<hbm>>
    tpu.enqueue_dma source(%dma_start3A_63 : memref<80xi32, #tpu.memory_space<hbm>>) target(%arg19 : memref<80xi32, #tpu.memory_space<vmem>>) target_semaphore(%arg29 : memref<!tpu.dma_semaphore, #tpu.memory_space<semaphore_mem>>)
    %scan3A = arith.constant 0 : i32
    %scan3A_64 = arith.constant 0 : i32
    %scan3A_65 = arith.constant 31 : i32
    %scan3A_66 = arith.addi %scan3A_64, %scan3A_65 : i32
    %scan3A_67 = arith.constant 1 : i32
    scf.for %scan3A_502 = %scan3A_64 to %scan3A_66 step %scan3A_67  : i32 {
      %mul3A_503 = arith.constant 4 : i32
      %mul3A_504 = arith.muli %mul3A_503, %scan3A_502 : i32
      %mul3A_505 = arith.constant 125 : i32
      %mul3A_506 = arith.muli %add3A, %mul3A_505 : i32
      %add3A_507 = arith.addi %mul3A_506, %mul3A_504 : i32
      %mul3A_508 = arith.constant 80 : i32
      %mul3A_509 = arith.muli %add3A_507, %mul3A_508 : i32
      %dma_wait3A_510 = tpu.memref_slice %arg4[%mul3A_509] : memref<320000xi32, #tpu.memory_space<hbm>> -> memref<80xi32, #tpu.memory_space<hbm>>
      %dma_wait3A_511 = tpu.memref_slice %arg4[%mul3A_509] : memref<320000xi32, #tpu.memory_space<hbm>> -> memref<80xi32, #tpu.memory_space<hbm>>
      tpu.wait_dma2 semaphore(%arg26 : memref<!tpu.dma_semaphore, #tpu.memory_space<semaphore_mem>>) src(%dma_wait3A_511 : memref<80xi32, #tpu.memory_space<hbm>>) dst(%arg16 : memref<80xi32, #tpu.memory_space<vmem>>)
      %dma_start3A_512 = arith.constant 0 : i32
      %dma_start3A_513 = arith.constant 0 : i32
      %dma_start3A_514 = tpu.memref_slice %arg9[%dma_start3A_512, %dma_start3A_513] : memref<10240x128xf32, #tpu.memory_space<vmem_shared>> -> memref<10240x128xf32, #tpu.memory_space<vmem_shared>>
      tpu.enqueue_indirect_dma source(%arg10 : memref<80x128xf32, #tpu.memory_space<vmem>>) target(%dma_start3A_514 : memref<10240x128xf32, #tpu.memory_space<vmem_shared>>) offsets(%arg16 : memref<80xi32, #tpu.memory_space<vmem>>) semaphore(%arg22 : memref<!tpu.dma_semaphore, #tpu.memory_space<semaphore_mem>>) {add = true}
      %add3A_515 = arith.constant 1 : i32
      %add3A_516 = arith.addi %mul3A_504, %add3A_515 : i32
      %mul3A_517 = arith.constant 125 : i32
      %mul3A_518 = arith.muli %add3A, %mul3A_517 : i32
      %add3A_519 = arith.addi %mul3A_518, %add3A_516 : i32
      %mul3A_520 = arith.constant 80 : i32
      %mul3A_521 = arith.muli %add3A_519, %mul3A_520 : i32
      %dma_wait3A_522 = tpu.memref_slice %arg4[%mul3A_521] : memref<320000xi32, #tpu.memory_space<hbm>> -> memref<80xi32, #tpu.memory_space<hbm>>
      %dma_wait3A_523 = tpu.memref_slice %arg4[%mul3A_521] : memref<320000xi32, #tpu.memory_space<hbm>> -> memref<80xi32, #tpu.memory_space<hbm>>
      tpu.wait_dma2 semaphore(%arg27 : memref<!tpu.dma_semaphore, #tpu.memory_space<semaphore_mem>>) src(%dma_wait3A_523 : memref<80xi32, #tpu.memory_space<hbm>>) dst(%arg17 : memref<80xi32, #tpu.memory_space<vmem>>)
      %dma_start3A_524 = arith.constant 0 : i32
      %dma_start3A_525 = arith.constant 0 : i32
      %dma_start3A_526 = tpu.memref_slice %arg9[%dma_start3A_524, %dma_start3A_525] : memref<10240x128xf32, #tpu.memory_space<vmem_shared>> -> memref<10240x128xf32, #tpu.memory_space<vmem_shared>>
      tpu.enqueue_indirect_dma source(%arg10 : memref<80x128xf32, #tpu.memory_space<vmem>>) target(%dma_start3A_526 : memref<10240x128xf32, #tpu.memory_space<vmem_shared>>) offsets(%arg17 : memref<80xi32, #tpu.memory_space<vmem>>) semaphore(%arg23 : memref<!tpu.dma_semaphore, #tpu.memory_space<semaphore_mem>>) {add = true}
      %dma_wait3A_527 = arith.constant 0 : i32
      %dma_wait3A_528 = arith.constant 0 : i32
      %dma_wait3A_529 = tpu.memref_slice %arg9[%dma_wait3A_527, %dma_wait3A_528] : memref<10240x128xf32, #tpu.memory_space<vmem_shared>> -> memref<10240x128xf32, #tpu.memory_space<vmem_shared>>
      tpu.wait_indirect_dma semaphore(%arg22 : memref<!tpu.dma_semaphore, #tpu.memory_space<semaphore_mem>>) src(%arg10 : memref<80x128xf32, #tpu.memory_space<vmem>>) dst(%dma_wait3A_529 : memref<10240x128xf32, #tpu.memory_space<vmem_shared>>)
      %add3A_530 = arith.constant 4 : i32
      %add3A_531 = arith.addi %mul3A_504, %add3A_530 : i32
      %mul3A_532 = arith.constant 125 : i32
      %mul3A_533 = arith.muli %add3A, %mul3A_532 : i32
      %add3A_534 = arith.addi %mul3A_533, %add3A_531 : i32
      %mul3A_535 = arith.constant 80 : i32
      %mul3A_536 = arith.muli %add3A_534, %mul3A_535 : i32
      %dma_start3A_537 = tpu.memref_slice %arg4[%mul3A_536] : memref<320000xi32, #tpu.memory_space<hbm>> -> memref<80xi32, #tpu.memory_space<hbm>>
      %dma_start3A_538 = tpu.memref_slice %arg4[%mul3A_536] : memref<320000xi32, #tpu.memory_space<hbm>> -> memref<80xi32, #tpu.memory_space<hbm>>
      tpu.enqueue_dma source(%dma_start3A_538 : memref<80xi32, #tpu.memory_space<hbm>>) target(%arg16 : memref<80xi32, #tpu.memory_space<vmem>>) target_semaphore(%arg26 : memref<!tpu.dma_semaphore, #tpu.memory_space<semaphore_mem>>)
      %add3A_539 = arith.constant 2 : i32
      %add3A_540 = arith.addi %mul3A_504, %add3A_539 : i32
      %mul3A_541 = arith.constant 125 : i32
      %mul3A_542 = arith.muli %add3A, %mul3A_541 : i32
      %add3A_543 = arith.addi %mul3A_542, %add3A_540 : i32
      %mul3A_544 = arith.constant 80 : i32
      %mul3A_545 = arith.muli %add3A_543, %mul3A_544 : i32
      %dma_wait3A_546 = tpu.memref_slice %arg4[%mul3A_545] : memref<320000xi32, #tpu.memory_space<hbm>> -> memref<80xi32, #tpu.memory_space<hbm>>
      %dma_wait3A_547 = tpu.memref_slice %arg4[%mul3A_545] : memref<320000xi32, #tpu.memory_space<hbm>> -> memref<80xi32, #tpu.memory_space<hbm>>
      tpu.wait_dma2 semaphore(%arg28 : memref<!tpu.dma_semaphore, #tpu.memory_space<semaphore_mem>>) src(%dma_wait3A_547 : memref<80xi32, #tpu.memory_space<hbm>>) dst(%arg18 : memref<80xi32, #tpu.memory_space<vmem>>)
      %dma_start3A_548 = arith.constant 0 : i32
      %dma_start3A_549 = arith.constant 0 : i32
      %dma_start3A_550 = tpu.memref_slice %arg9[%dma_start3A_548, %dma_start3A_549] : memref<10240x128xf32, #tpu.memory_space<vmem_shared>> -> memref<10240x128xf32, #tpu.memory_space<vmem_shared>>
      tpu.enqueue_indirect_dma source(%arg10 : memref<80x128xf32, #tpu.memory_space<vmem>>) target(%dma_start3A_550 : memref<10240x128xf32, #tpu.memory_space<vmem_shared>>) offsets(%arg18 : memref<80xi32, #tpu.memory_space<vmem>>) semaphore(%arg22 : memref<!tpu.dma_semaphore, #tpu.memory_space<semaphore_mem>>) {add = true}
      %dma_wait3A_551 = arith.constant 0 : i32
      %dma_wait3A_552 = arith.constant 0 : i32
      %dma_wait3A_553 = tpu.memref_slice %arg9[%dma_wait3A_551, %dma_wait3A_552] : memref<10240x128xf32, #tpu.memory_space<vmem_shared>> -> memref<10240x128xf32, #tpu.memory_space<vmem_shared>>
      tpu.wait_indirect_dma semaphore(%arg23 : memref<!tpu.dma_semaphore, #tpu.memory_space<semaphore_mem>>) src(%arg10 : memref<80x128xf32, #tpu.memory_space<vmem>>) dst(%dma_wait3A_553 : memref<10240x128xf32, #tpu.memory_space<vmem_shared>>)
      %add3A_554 = arith.constant 5 : i32
      %add3A_555 = arith.addi %mul3A_504, %add3A_554 : i32
      %le3A = arith.constant 124 : i32
      %le3A_556 = arith.cmpi sle, %add3A_555, %le3A : i32
      %convert_element_type3A = arith.extui %le3A_556 : i1 to i32
      %cond3A = arith.constant 0 : i32
      %cond3A_557 = arith.cmpi ne, %convert_element_type3A, %cond3A : i32
      scf.if %cond3A_557 {
        %add3A_590 = arith.constant 5 : i32
        %add3A_591 = arith.addi %mul3A_504, %add3A_590 : i32
        %mul3A_592 = arith.constant 125 : i32
        %mul3A_593 = arith.muli %add3A, %mul3A_592 : i32
        %add3A_594 = arith.addi %mul3A_593, %add3A_591 : i32
        %mul3A_595 = arith.constant 80 : i32
        %mul3A_596 = arith.muli %add3A_594, %mul3A_595 : i32
        %dma_start3A_597 = tpu.memref_slice %arg4[%mul3A_596] : memref<320000xi32, #tpu.memory_space<hbm>> -> memref<80xi32, #tpu.memory_space<hbm>>
        %dma_start3A_598 = tpu.memref_slice %arg4[%mul3A_596] : memref<320000xi32, #tpu.memory_space<hbm>> -> memref<80xi32, #tpu.memory_space<hbm>>
        tpu.enqueue_dma source(%dma_start3A_598 : memref<80xi32, #tpu.memory_space<hbm>>) target(%arg17 : memref<80xi32, #tpu.memory_space<vmem>>) target_semaphore(%arg27 : memref<!tpu.dma_semaphore, #tpu.memory_space<semaphore_mem>>)
      } else {
      }
      %add3A_558 = arith.constant 3 : i32
      %add3A_559 = arith.addi %mul3A_504, %add3A_558 : i32
      %mul3A_560 = arith.constant 125 : i32
      %mul3A_561 = arith.muli %add3A, %mul3A_560 : i32
      %add3A_562 = arith.addi %mul3A_561, %add3A_559 : i32
      %mul3A_563 = arith.constant 80 : i32
      %mul3A_564 = arith.muli %add3A_562, %mul3A_563 : i32
      %dma_wait3A_565 = tpu.memref_slice %arg4[%mul3A_564] : memref<320000xi32, #tpu.memory_space<hbm>> -> memref<80xi32, #tpu.memory_space<hbm>>
      %dma_wait3A_566 = tpu.memref_slice %arg4[%mul3A_564] : memref<320000xi32, #tpu.memory_space<hbm>> -> memref<80xi32, #tpu.memory_space<hbm>>
      tpu.wait_dma2 semaphore(%arg29 : memref<!tpu.dma_semaphore, #tpu.memory_space<semaphore_mem>>) src(%dma_wait3A_566 : memref<80xi32, #tpu.memory_space<hbm>>) dst(%arg19 : memref<80xi32, #tpu.memory_space<vmem>>)
      %dma_start3A_567 = arith.constant 0 : i32
      %dma_start3A_568 = arith.constant 0 : i32
      %dma_start3A_569 = tpu.memref_slice %arg9[%dma_start3A_567, %dma_start3A_568] : memref<10240x128xf32, #tpu.memory_space<vmem_shared>> -> memref<10240x128xf32, #tpu.memory_space<vmem_shared>>
      tpu.enqueue_indirect_dma source(%arg10 : memref<80x128xf32, #tpu.memory_space<vmem>>) target(%dma_start3A_569 : memref<10240x128xf32, #tpu.memory_space<vmem_shared>>) offsets(%arg19 : memref<80xi32, #tpu.memory_space<vmem>>) semaphore(%arg23 : memref<!tpu.dma_semaphore, #tpu.memory_space<semaphore_mem>>) {add = true}
      %dma_wait3A_570 = arith.constant 0 : i32
      %dma_wait3A_571 = arith.constant 0 : i32
      %dma_wait3A_572 = tpu.memref_slice %arg9[%dma_wait3A_570, %dma_wait3A_571] : memref<10240x128xf32, #tpu.memory_space<vmem_shared>> -> memref<10240x128xf32, #tpu.memory_space<vmem_shared>>
      tpu.wait_indirect_dma semaphore(%arg22 : memref<!tpu.dma_semaphore, #tpu.memory_space<semaphore_mem>>) src(%arg10 : memref<80x128xf32, #tpu.memory_space<vmem>>) dst(%dma_wait3A_572 : memref<10240x128xf32, #tpu.memory_space<vmem_shared>>)
      %add3A_573 = arith.constant 6 : i32
      %add3A_574 = arith.addi %mul3A_504, %add3A_573 : i32
      %le3A_575 = arith.constant 124 : i32
      %le3A_576 = arith.cmpi sle, %add3A_574, %le3A_575 : i32
      %convert_element_type3A_577 = arith.extui %le3A_576 : i1 to i32
      %cond3A_578 = arith.constant 0 : i32
      %cond3A_579 = arith.cmpi ne, %convert_element_type3A_577, %cond3A_578 : i32
      scf.if %cond3A_579 {
        %add3A_590 = arith.constant 6 : i32
        %add3A_591 = arith.addi %mul3A_504, %add3A_590 : i32
        %mul3A_592 = arith.constant 125 : i32
        %mul3A_593 = arith.muli %add3A, %mul3A_592 : i32
        %add3A_594 = arith.addi %mul3A_593, %add3A_591 : i32
        %mul3A_595 = arith.constant 80 : i32
        %mul3A_596 = arith.muli %add3A_594, %mul3A_595 : i32
        %dma_start3A_597 = tpu.memref_slice %arg4[%mul3A_596] : memref<320000xi32, #tpu.memory_space<hbm>> -> memref<80xi32, #tpu.memory_space<hbm>>
        %dma_start3A_598 = tpu.memref_slice %arg4[%mul3A_596] : memref<320000xi32, #tpu.memory_space<hbm>> -> memref<80xi32, #tpu.memory_space<hbm>>
        tpu.enqueue_dma source(%dma_start3A_598 : memref<80xi32, #tpu.memory_space<hbm>>) target(%arg18 : memref<80xi32, #tpu.memory_space<vmem>>) target_semaphore(%arg28 : memref<!tpu.dma_semaphore, #tpu.memory_space<semaphore_mem>>)
      } else {
      }
      %dma_wait3A_580 = arith.constant 0 : i32
      %dma_wait3A_581 = arith.constant 0 : i32
      %dma_wait3A_582 = tpu.memref_slice %arg9[%dma_wait3A_580, %dma_wait3A_581] : memref<10240x128xf32, #tpu.memory_space<vmem_shared>> -> memref<10240x128xf32, #tpu.memory_space<vmem_shared>>
      tpu.wait_indirect_dma semaphore(%arg23 : memref<!tpu.dma_semaphore, #tpu.memory_space<semaphore_mem>>) src(%arg10 : memref<80x128xf32, #tpu.memory_space<vmem>>) dst(%dma_wait3A_582 : memref<10240x128xf32, #tpu.memory_space<vmem_shared>>)
      %add3A_583 = arith.constant 7 : i32
      %add3A_584 = arith.addi %mul3A_504, %add3A_583 : i32
      %le3A_585 = arith.constant 124 : i32
      %le3A_586 = arith.cmpi sle, %add3A_584, %le3A_585 : i32
      %convert_element_type3A_587 = arith.extui %le3A_586 : i1 to i32
      %cond3A_588 = arith.constant 0 : i32
      %cond3A_589 = arith.cmpi ne, %convert_element_type3A_587, %cond3A_588 : i32
      scf.if %cond3A_589 {
        %add3A_590 = arith.constant 7 : i32
        %add3A_591 = arith.addi %mul3A_504, %add3A_590 : i32
        %mul3A_592 = arith.constant 125 : i32
        %mul3A_593 = arith.muli %add3A, %mul3A_592 : i32
        %add3A_594 = arith.addi %mul3A_593, %add3A_591 : i32
        %mul3A_595 = arith.constant 80 : i32
        %mul3A_596 = arith.muli %add3A_594, %mul3A_595 : i32
        %dma_start3A_597 = tpu.memref_slice %arg4[%mul3A_596] : memref<320000xi32, #tpu.memory_space<hbm>> -> memref<80xi32, #tpu.memory_space<hbm>>
        %dma_start3A_598 = tpu.memref_slice %arg4[%mul3A_596] : memref<320000xi32, #tpu.memory_space<hbm>> -> memref<80xi32, #tpu.memory_space<hbm>>
        tpu.enqueue_dma source(%dma_start3A_598 : memref<80xi32, #tpu.memory_space<hbm>>) target(%arg19 : memref<80xi32, #tpu.memory_space<vmem>>) target_semaphore(%arg29 : memref<!tpu.dma_semaphore, #tpu.memory_space<semaphore_mem>>)
      } else {
      }
    }
    %scan3A_68 = arith.constant 31 : i32
    %mul3A_69 = arith.constant 125 : i32
    %mul3A_70 = arith.muli %add3A, %mul3A_69 : i32
    %add3A_71 = arith.constant 124 : i32
    %add3A_72 = arith.addi %mul3A_70, %add3A_71 : i32
    %mul3A_73 = arith.constant 80 : i32
    %mul3A_74 = arith.muli %add3A_72, %mul3A_73 : i32
    %dma_wait3A = tpu.memref_slice %arg4[%mul3A_74] : memref<320000xi32, #tpu.memory_space<hbm>> -> memref<80xi32, #tpu.memory_space<hbm>>
    %dma_wait3A_75 = tpu.memref_slice %arg4[%mul3A_74] : memref<320000xi32, #tpu.memory_space<hbm>> -> memref<80xi32, #tpu.memory_space<hbm>>
    tpu.wait_dma2 semaphore(%arg26 : memref<!tpu.dma_semaphore, #tpu.memory_space<semaphore_mem>>) src(%dma_wait3A_75 : memref<80xi32, #tpu.memory_space<hbm>>) dst(%arg16 : memref<80xi32, #tpu.memory_space<vmem>>)
    %dma_start3A_76 = arith.constant 0 : i32
    %dma_start3A_77 = arith.constant 0 : i32
    %dma_start3A_78 = tpu.memref_slice %arg9[%dma_start3A_76, %dma_start3A_77] : memref<10240x128xf32, #tpu.memory_space<vmem_shared>> -> memref<10240x128xf32, #tpu.memory_space<vmem_shared>>
    tpu.enqueue_indirect_dma source(%arg10 : memref<80x128xf32, #tpu.memory_space<vmem>>) target(%dma_start3A_78 : memref<10240x128xf32, #tpu.memory_space<vmem_shared>>) offsets(%arg16 : memref<80xi32, #tpu.memory_space<vmem>>) semaphore(%arg22 : memref<!tpu.dma_semaphore, #tpu.memory_space<semaphore_mem>>) {add = true}
    %dma_wait3A_79 = arith.constant 0 : i32
    %dma_wait3A_80 = arith.constant 0 : i32
    %dma_wait3A_81 = tpu.memref_slice %arg9[%dma_wait3A_79, %dma_wait3A_80] : memref<10240x128xf32, #tpu.memory_space<vmem_shared>> -> memref<10240x128xf32, #tpu.memory_space<vmem_shared>>
    tpu.wait_indirect_dma semaphore(%arg22 : memref<!tpu.dma_semaphore, #tpu.memory_space<semaphore_mem>>) src(%arg10 : memref<80x128xf32, #tpu.memory_space<vmem>>) dst(%dma_wait3A_81 : memref<10240x128xf32, #tpu.memory_space<vmem_shared>>)
    %barrier3A_82 = arith.constant 0 : index
    tpu.barrier barrier_id(%barrier3A_82)
    %mul3A_83 = arith.constant 640 : i32
    %mul3A_84 = arith.muli %arg1, %mul3A_83 : i32
    %add3A_85 = arith.constant 0 : i32
    %add3A_86 = arith.addi %mul3A_84, %add3A_85 : i32
    %dma_start3A_87 = arith.constant 0 : i32
    %dma_start3A_88 = tpu.memref_slice %arg8[%arg0, %add3A_86, %dma_start3A_87] : memref<2x10240x128xf32, #tpu.memory_space<hbm>> -> memref<1x80x128xf32, #tpu.memory_space<hbm>>
    %dma_start3A_89 = tpu.memref_squeeze %dma_start3A_88 : memref<1x80x128xf32, #tpu.memory_space<hbm>> -> memref<80x128xf32, #tpu.memory_space<hbm>>
    %dma_start3A_90 = arith.constant 0 : i32
    %dma_start3A_91 = tpu.memref_slice %arg9[%add3A_86, %dma_start3A_90] : memref<10240x128xf32, #tpu.memory_space<vmem_shared>> -> memref<80x128xf32, #tpu.memory_space<vmem_shared>>
    tpu.enqueue_dma source(%dma_start3A_91 : memref<80x128xf32, #tpu.memory_space<vmem_shared>>) target(%dma_start3A_89 : memref<80x128xf32, #tpu.memory_space<hbm>>) target_semaphore(%arg24 : memref<!tpu.dma_semaphore, #tpu.memory_space<semaphore_mem>>)
    %mul3A_92 = arith.constant 640 : i32
    %mul3A_93 = arith.muli %arg1, %mul3A_92 : i32
    %add3A_94 = arith.constant 80 : i32
    %add3A_95 = arith.addi %mul3A_93, %add3A_94 : i32
    %dma_start3A_96 = arith.constant 0 : i32
    %dma_start3A_97 = tpu.memref_slice %arg8[%arg0, %add3A_95, %dma_start3A_96] : memref<2x10240x128xf32, #tpu.memory_space<hbm>> -> memref<1x80x128xf32, #tpu.memory_space<hbm>>
    %dma_start3A_98 = tpu.memref_squeeze %dma_start3A_97 : memref<1x80x128xf32, #tpu.memory_space<hbm>> -> memref<80x128xf32, #tpu.memory_space<hbm>>
    %dma_start3A_99 = arith.constant 0 : i32
    %dma_start3A_100 = tpu.memref_slice %arg9[%add3A_95, %dma_start3A_99] : memref<10240x128xf32, #tpu.memory_space<vmem_shared>> -> memref<80x128xf32, #tpu.memory_space<vmem_shared>>
    tpu.enqueue_dma source(%dma_start3A_100 : memref<80x128xf32, #tpu.memory_space<vmem_shared>>) target(%dma_start3A_98 : memref<80x128xf32, #tpu.memory_space<hbm>>) target_semaphore(%arg25 : memref<!tpu.dma_semaphore, #tpu.memory_space<semaphore_mem>>)
    %mul3A_101 = arith.constant 640 : i32
    %mul3A_102 = arith.muli %arg1, %mul3A_101 : i32
    %add3A_103 = arith.constant 160 : i32
    %add3A_104 = arith.addi %mul3A_102, %add3A_103 : i32
    %sub3A = arith.constant 160 : i32
    %sub3A_105 = arith.subi %add3A_104, %sub3A : i32
    %sub3A_106 = arith.constant 160 : i32
    %sub3A_107 = arith.subi %add3A_104, %sub3A_106 : i32
    %dma_wait3A_108 = arith.constant 0 : i32
    %dma_wait3A_109 = tpu.memref_slice %arg8[%arg0, %sub3A_107, %dma_wait3A_108] : memref<2x10240x128xf32, #tpu.memory_space<hbm>> -> memref<1x80x128xf32, #tpu.memory_space<hbm>>
    %dma_wait3A_110 = tpu.memref_squeeze %dma_wait3A_109 : memref<1x80x128xf32, #tpu.memory_space<hbm>> -> memref<80x128xf32, #tpu.memory_space<hbm>>
    %dma_wait3A_111 = arith.constant 0 : i32
    %dma_wait3A_112 = tpu.memref_slice %arg9[%sub3A_105, %dma_wait3A_111] : memref<10240x128xf32, #tpu.memory_space<vmem_shared>> -> memref<80x128xf32, #tpu.memory_space<vmem_shared>>
    tpu.wait_dma2 semaphore(%arg24 : memref<!tpu.dma_semaphore, #tpu.memory_space<semaphore_mem>>) src(%dma_wait3A_112 : memref<80x128xf32, #tpu.memory_space<vmem_shared>>) dst(%dma_wait3A_110 : memref<80x128xf32, #tpu.memory_space<hbm>>)
    %dma_start3A_113 = arith.constant 0 : i32
    %dma_start3A_114 = tpu.memref_slice %arg8[%arg0, %add3A_104, %dma_start3A_113] : memref<2x10240x128xf32, #tpu.memory_space<hbm>> -> memref<1x80x128xf32, #tpu.memory_space<hbm>>
    %dma_start3A_115 = tpu.memref_squeeze %dma_start3A_114 : memref<1x80x128xf32, #tpu.memory_space<hbm>> -> memref<80x128xf32, #tpu.memory_space<hbm>>
    %dma_start3A_116 = arith.constant 0 : i32
    %dma_start3A_117 = tpu.memref_slice %arg9[%add3A_104, %dma_start3A_116] : memref<10240x128xf32, #tpu.memory_space<vmem_shared>> -> memref<80x128xf32, #tpu.memory_space<vmem_shared>>
    tpu.enqueue_dma source(%dma_start3A_117 : memref<80x128xf32, #tpu.memory_space<vmem_shared>>) target(%dma_start3A_115 : memref<80x128xf32, #tpu.memory_space<hbm>>) target_semaphore(%arg24 : memref<!tpu.dma_semaphore, #tpu.memory_space<semaphore_mem>>)
    %mul3A_118 = arith.constant 640 : i32
    %mul3A_119 = arith.muli %arg1, %mul3A_118 : i32
    %add3A_120 = arith.constant 240 : i32
    %add3A_121 = arith.addi %mul3A_119, %add3A_120 : i32
    %sub3A_122 = arith.constant 160 : i32
    %sub3A_123 = arith.subi %add3A_121, %sub3A_122 : i32
    %sub3A_124 = arith.constant 160 : i32
    %sub3A_125 = arith.subi %add3A_121, %sub3A_124 : i32
    %dma_wait3A_126 = arith.constant 0 : i32
    %dma_wait3A_127 = tpu.memref_slice %arg8[%arg0, %sub3A_125, %dma_wait3A_126] : memref<2x10240x128xf32, #tpu.memory_space<hbm>> -> memref<1x80x128xf32, #tpu.memory_space<hbm>>
    %dma_wait3A_128 = tpu.memref_squeeze %dma_wait3A_127 : memref<1x80x128xf32, #tpu.memory_space<hbm>> -> memref<80x128xf32, #tpu.memory_space<hbm>>
    %dma_wait3A_129 = arith.constant 0 : i32
    %dma_wait3A_130 = tpu.memref_slice %arg9[%sub3A_123, %dma_wait3A_129] : memref<10240x128xf32, #tpu.memory_space<vmem_shared>> -> memref<80x128xf32, #tpu.memory_space<vmem_shared>>
    tpu.wait_dma2 semaphore(%arg25 : memref<!tpu.dma_semaphore, #tpu.memory_space<semaphore_mem>>) src(%dma_wait3A_130 : memref<80x128xf32, #tpu.memory_space<vmem_shared>>) dst(%dma_wait3A_128 : memref<80x128xf32, #tpu.memory_space<hbm>>)
    %dma_start3A_131 = arith.constant 0 : i32
    %dma_start3A_132 = tpu.memref_slice %arg8[%arg0, %add3A_121, %dma_start3A_131] : memref<2x10240x128xf32, #tpu.memory_space<hbm>> -> memref<1x80x128xf32, #tpu.memory_space<hbm>>
    %dma_start3A_133 = tpu.memref_squeeze %dma_start3A_132 : memref<1x80x128xf32, #tpu.memory_space<hbm>> -> memref<80x128xf32, #tpu.memory_space<hbm>>
    %dma_start3A_134 = arith.constant 0 : i32
    %dma_start3A_135 = tpu.memref_slice %arg9[%add3A_121, %dma_start3A_134] : memref<10240x128xf32, #tpu.memory_space<vmem_shared>> -> memref<80x128xf32, #tpu.memory_space<vmem_shared>>
    tpu.enqueue_dma source(%dma_start3A_135 : memref<80x128xf32, #tpu.memory_space<vmem_shared>>) target(%dma_start3A_133 : memref<80x128xf32, #tpu.memory_space<hbm>>) target_semaphore(%arg25 : memref<!tpu.dma_semaphore, #tpu.memory_space<semaphore_mem>>)
    %mul3A_136 = arith.constant 640 : i32
    %mul3A_137 = arith.muli %arg1, %mul3A_136 : i32
    %add3A_138 = arith.constant 320 : i32
    %add3A_139 = arith.addi %mul3A_137, %add3A_138 : i32
    %sub3A_140 = arith.constant 160 : i32
    %sub3A_141 = arith.subi %add3A_139, %sub3A_140 : i32
    %sub3A_142 = arith.constant 160 : i32
    %sub3A_143 = arith.subi %add3A_139, %sub3A_142 : i32
    %dma_wait3A_144 = arith.constant 0 : i32
    %dma_wait3A_145 = tpu.memref_slice %arg8[%arg0, %sub3A_143, %dma_wait3A_144] : memref<2x10240x128xf32, #tpu.memory_space<hbm>> -> memref<1x80x128xf32, #tpu.memory_space<hbm>>
    %dma_wait3A_146 = tpu.memref_squeeze %dma_wait3A_145 : memref<1x80x128xf32, #tpu.memory_space<hbm>> -> memref<80x128xf32, #tpu.memory_space<hbm>>
    %dma_wait3A_147 = arith.constant 0 : i32
    %dma_wait3A_148 = tpu.memref_slice %arg9[%sub3A_141, %dma_wait3A_147] : memref<10240x128xf32, #tpu.memory_space<vmem_shared>> -> memref<80x128xf32, #tpu.memory_space<vmem_shared>>
    tpu.wait_dma2 semaphore(%arg24 : memref<!tpu.dma_semaphore, #tpu.memory_space<semaphore_mem>>) src(%dma_wait3A_148 : memref<80x128xf32, #tpu.memory_space<vmem_shared>>) dst(%dma_wait3A_146 : memref<80x128xf32, #tpu.memory_space<hbm>>)
    %dma_start3A_149 = arith.constant 0 : i32
    %dma_start3A_150 = tpu.memref_slice %arg8[%arg0, %add3A_139, %dma_start3A_149] : memref<2x10240x128xf32, #tpu.memory_space<hbm>> -> memref<1x80x128xf32, #tpu.memory_space<hbm>>
    %dma_start3A_151 = tpu.memref_squeeze %dma_start3A_150 : memref<1x80x128xf32, #tpu.memory_space<hbm>> -> memref<80x128xf32, #tpu.memory_space<hbm>>
    %dma_start3A_152 = arith.constant 0 : i32
    %dma_start3A_153 = tpu.memref_slice %arg9[%add3A_139, %dma_start3A_152] : memref<10240x128xf32, #tpu.memory_space<vmem_shared>> -> memref<80x128xf32, #tpu.memory_space<vmem_shared>>
    tpu.enqueue_dma source(%dma_start3A_153 : memref<80x128xf32, #tpu.memory_space<vmem_shared>>) target(%dma_start3A_151 : memref<80x128xf32, #tpu.memory_space<hbm>>) target_semaphore(%arg24 : memref<!tpu.dma_semaphore, #tpu.memory_space<semaphore_mem>>)
    %mul3A_154 = arith.constant 640 : i32
    %mul3A_155 = arith.muli %arg1, %mul3A_154 : i32
    %add3A_156 = arith.constant 400 : i32
    %add3A_157 = arith.addi %mul3A_155, %add3A_156 : i32
    %sub3A_158 = arith.constant 160 : i32
    %sub3A_159 = arith.subi %add3A_157, %sub3A_158 : i32
    %sub3A_160 = arith.constant 160 : i32
    %sub3A_161 = arith.subi %add3A_157, %sub3A_160 : i32
    %dma_wait3A_162 = arith.constant 0 : i32
    %dma_wait3A_163 = tpu.memref_slice %arg8[%arg0, %sub3A_161, %dma_wait3A_162] : memref<2x10240x128xf32, #tpu.memory_space<hbm>> -> memref<1x80x128xf32, #tpu.memory_space<hbm>>
    %dma_wait3A_164 = tpu.memref_squeeze %dma_wait3A_163 : memref<1x80x128xf32, #tpu.memory_space<hbm>> -> memref<80x128xf32, #tpu.memory_space<hbm>>
    %dma_wait3A_165 = arith.constant 0 : i32
    %dma_wait3A_166 = tpu.memref_slice %arg9[%sub3A_159, %dma_wait3A_165] : memref<10240x128xf32, #tpu.memory_space<vmem_shared>> -> memref<80x128xf32, #tpu.memory_space<vmem_shared>>
    tpu.wait_dma2 semaphore(%arg25 : memref<!tpu.dma_semaphore, #tpu.memory_space<semaphore_mem>>) src(%dma_wait3A_166 : memref<80x128xf32, #tpu.memory_space<vmem_shared>>) dst(%dma_wait3A_164 : memref<80x128xf32, #tpu.memory_space<hbm>>)
    %dma_start3A_167 = arith.constant 0 : i32
    %dma_start3A_168 = tpu.memref_slice %arg8[%arg0, %add3A_157, %dma_start3A_167] : memref<2x10240x128xf32, #tpu.memory_space<hbm>> -> memref<1x80x128xf32, #tpu.memory_space<hbm>>
    %dma_start3A_169 = tpu.memref_squeeze %dma_start3A_168 : memref<1x80x128xf32, #tpu.memory_space<hbm>> -> memref<80x128xf32, #tpu.memory_space<hbm>>
    %dma_start3A_170 = arith.constant 0 : i32
    %dma_start3A_171 = tpu.memref_slice %arg9[%add3A_157, %dma_start3A_170] : memref<10240x128xf32, #tpu.memory_space<vmem_shared>> -> memref<80x128xf32, #tpu.memory_space<vmem_shared>>
    tpu.enqueue_dma source(%dma_start3A_171 : memref<80x128xf32, #tpu.memory_space<vmem_shared>>) target(%dma_start3A_169 : memref<80x128xf32, #tpu.memory_space<hbm>>) target_semaphore(%arg25 : memref<!tpu.dma_semaphore, #tpu.memory_space<semaphore_mem>>)
    %mul3A_172 = arith.constant 640 : i32
    %mul3A_173 = arith.muli %arg1, %mul3A_172 : i32
    %add3A_174 = arith.constant 480 : i32
    %add3A_175 = arith.addi %mul3A_173, %add3A_174 : i32
    %sub3A_176 = arith.constant 160 : i32
    %sub3A_177 = arith.subi %add3A_175, %sub3A_176 : i32
    %sub3A_178 = arith.constant 160 : i32
    %sub3A_179 = arith.subi %add3A_175, %sub3A_178 : i32
    %dma_wait3A_180 = arith.constant 0 : i32
    %dma_wait3A_181 = tpu.memref_slice %arg8[%arg0, %sub3A_179, %dma_wait3A_180] : memref<2x10240x128xf32, #tpu.memory_space<hbm>> -> memref<1x80x128xf32, #tpu.memory_space<hbm>>
    %dma_wait3A_182 = tpu.memref_squeeze %dma_wait3A_181 : memref<1x80x128xf32, #tpu.memory_space<hbm>> -> memref<80x128xf32, #tpu.memory_space<hbm>>
    %dma_wait3A_183 = arith.constant 0 : i32
    %dma_wait3A_184 = tpu.memref_slice %arg9[%sub3A_177, %dma_wait3A_183] : memref<10240x128xf32, #tpu.memory_space<vmem_shared>> -> memref<80x128xf32, #tpu.memory_space<vmem_shared>>
    tpu.wait_dma2 semaphore(%arg24 : memref<!tpu.dma_semaphore, #tpu.memory_space<semaphore_mem>>) src(%dma_wait3A_184 : memref<80x128xf32, #tpu.memory_space<vmem_shared>>) dst(%dma_wait3A_182 : memref<80x128xf32, #tpu.memory_space<hbm>>)
    %dma_start3A_185 = arith.constant 0 : i32
    %dma_start3A_186 = tpu.memref_slice %arg8[%arg0, %add3A_175, %dma_start3A_185] : memref<2x10240x128xf32, #tpu.memory_space<hbm>> -> memref<1x80x128xf32, #tpu.memory_space<hbm>>
    %dma_start3A_187 = tpu.memref_squeeze %dma_start3A_186 : memref<1x80x128xf32, #tpu.memory_space<hbm>> -> memref<80x128xf32, #tpu.memory_space<hbm>>
    %dma_start3A_188 = arith.constant 0 : i32
    %dma_start3A_189 = tpu.memref_slice %arg9[%add3A_175, %dma_start3A_188] : memref<10240x128xf32, #tpu.memory_space<vmem_shared>> -> memref<80x128xf32, #tpu.memory_space<vmem_shared>>
    tpu.enqueue_dma source(%dma_start3A_189 : memref<80x128xf32, #tpu.memory_space<vmem_shared>>) target(%dma_start3A_187 : memref<80x128xf32, #tpu.memory_space<hbm>>) target_semaphore(%arg24 : memref<!tpu.dma_semaphore, #tpu.memory_space<semaphore_mem>>)
    %mul3A_190 = arith.constant 640 : i32
    %mul3A_191 = arith.muli %arg1, %mul3A_190 : i32
    %add3A_192 = arith.constant 560 : i32
    %add3A_193 = arith.addi %mul3A_191, %add3A_192 : i32
    %sub3A_194 = arith.constant 160 : i32
    %sub3A_195 = arith.subi %add3A_193, %sub3A_194 : i32
    %sub3A_196 = arith.constant 160 : i32
    %sub3A_197 = arith.subi %add3A_193, %sub3A_196 : i32
    %dma_wait3A_198 = arith.constant 0 : i32
    %dma_wait3A_199 = tpu.memref_slice %arg8[%arg0, %sub3A_197, %dma_wait3A_198] : memref<2x10240x128xf32, #tpu.memory_space<hbm>> -> memref<1x80x128xf32, #tpu.memory_space<hbm>>
    %dma_wait3A_200 = tpu.memref_squeeze %dma_wait3A_199 : memref<1x80x128xf32, #tpu.memory_space<hbm>> -> memref<80x128xf32, #tpu.memory_space<hbm>>
    %dma_wait3A_201 = arith.constant 0 : i32
    %dma_wait3A_202 = tpu.memref_slice %arg9[%sub3A_195, %dma_wait3A_201] : memref<10240x128xf32, #tpu.memory_space<vmem_shared>> -> memref<80x128xf32, #tpu.memory_space<vmem_shared>>
    tpu.wait_dma2 semaphore(%arg25 : memref<!tpu.dma_semaphore, #tpu.memory_space<semaphore_mem>>) src(%dma_wait3A_202 : memref<80x128xf32, #tpu.memory_space<vmem_shared>>) dst(%dma_wait3A_200 : memref<80x128xf32, #tpu.memory_space<hbm>>)
    %dma_start3A_203 = arith.constant 0 : i32
    %dma_start3A_204 = tpu.memref_slice %arg8[%arg0, %add3A_193, %dma_start3A_203] : memref<2x10240x128xf32, #tpu.memory_space<hbm>> -> memref<1x80x128xf32, #tpu.memory_space<hbm>>
    %dma_start3A_205 = tpu.memref_squeeze %dma_start3A_204 : memref<1x80x128xf32, #tpu.memory_space<hbm>> -> memref<80x128xf32, #tpu.memory_space<hbm>>
    %dma_start3A_206 = arith.constant 0 : i32
    %dma_start3A_207 = tpu.memref_slice %arg9[%add3A_193, %dma_start3A_206] : memref<10240x128xf32, #tpu.memory_space<vmem_shared>> -> memref<80x128xf32, #tpu.memory_space<vmem_shared>>
    tpu.enqueue_dma source(%dma_start3A_207 : memref<80x128xf32, #tpu.memory_space<vmem_shared>>) target(%dma_start3A_205 : memref<80x128xf32, #tpu.memory_space<hbm>>) target_semaphore(%arg25 : memref<!tpu.dma_semaphore, #tpu.memory_space<semaphore_mem>>)
    %mul3A_208 = arith.constant 640 : i32
    %mul3A_209 = arith.muli %arg1, %mul3A_208 : i32
    %add3A_210 = arith.constant 480 : i32
    %add3A_211 = arith.addi %mul3A_209, %add3A_210 : i32
    %dma_wait3A_212 = arith.constant 0 : i32
    %dma_wait3A_213 = tpu.memref_slice %arg8[%arg0, %add3A_211, %dma_wait3A_212] : memref<2x10240x128xf32, #tpu.memory_space<hbm>> -> memref<1x80x128xf32, #tpu.memory_space<hbm>>
    %dma_wait3A_214 = tpu.memref_squeeze %dma_wait3A_213 : memref<1x80x128xf32, #tpu.memory_space<hbm>> -> memref<80x128xf32, #tpu.memory_space<hbm>>
    %dma_wait3A_215 = arith.constant 0 : i32
    %dma_wait3A_216 = tpu.memref_slice %arg9[%add3A_211, %dma_wait3A_215] : memref<10240x128xf32, #tpu.memory_space<vmem_shared>> -> memref<80x128xf32, #tpu.memory_space<vmem_shared>>
    tpu.wait_dma2 semaphore(%arg24 : memref<!tpu.dma_semaphore, #tpu.memory_space<semaphore_mem>>) src(%dma_wait3A_216 : memref<80x128xf32, #tpu.memory_space<vmem_shared>>) dst(%dma_wait3A_214 : memref<80x128xf32, #tpu.memory_space<hbm>>)
    %mul3A_217 = arith.constant 640 : i32
    %mul3A_218 = arith.muli %arg1, %mul3A_217 : i32
    %add3A_219 = arith.constant 560 : i32
    %add3A_220 = arith.addi %mul3A_218, %add3A_219 : i32
    %dma_wait3A_221 = arith.constant 0 : i32
    %dma_wait3A_222 = tpu.memref_slice %arg8[%arg0, %add3A_220, %dma_wait3A_221] : memref<2x10240x128xf32, #tpu.memory_space<hbm>> -> memref<1x80x128xf32, #tpu.memory_space<hbm>>
    %dma_wait3A_223 = tpu.memref_squeeze %dma_wait3A_222 : memref<1x80x128xf32, #tpu.memory_space<hbm>> -> memref<80x128xf32, #tpu.memory_space<hbm>>
    %dma_wait3A_224 = arith.constant 0 : i32
    %dma_wait3A_225 = tpu.memref_slice %arg9[%add3A_220, %dma_wait3A_224] : memref<10240x128xf32, #tpu.memory_space<vmem_shared>> -> memref<80x128xf32, #tpu.memory_space<vmem_shared>>
    tpu.wait_dma2 semaphore(%arg25 : memref<!tpu.dma_semaphore, #tpu.memory_space<semaphore_mem>>) src(%dma_wait3A_225 : memref<80x128xf32, #tpu.memory_space<vmem_shared>>) dst(%dma_wait3A_223 : memref<80x128xf32, #tpu.memory_space<hbm>>)
    "tpu.region"() ({
      %run_scoped3A = tpu.sem_alloc : memref<!tpu.dma_semaphore, #tpu.memory_space<semaphore_mem>>
      tpu.enqueue_dma source(%arg5 : memref<80x128xf32, #tpu.memory_space<hbm>>) target(%arg10 : memref<80x128xf32, #tpu.memory_space<vmem>>) target_semaphore(%run_scoped3A : memref<!tpu.dma_semaphore, #tpu.memory_space<semaphore_mem>>)
      tpu.wait_dma2 semaphore(%run_scoped3A : memref<!tpu.dma_semaphore, #tpu.memory_space<semaphore_mem>>) src(%arg5 : memref<80x128xf32, #tpu.memory_space<hbm>>) dst(%arg10 : memref<80x128xf32, #tpu.memory_space<vmem>>)
      tpu.yield
    }) : () -> ()
    %mul3A_226 = arith.constant 640 : i32
    %mul3A_227 = arith.muli %arg1, %mul3A_226 : i32
    %add3A_228 = arith.constant 0 : i32
    %add3A_229 = arith.addi %mul3A_227, %add3A_228 : i32
    "tpu.region"() ({
      %run_scoped3A = tpu.sem_alloc : memref<!tpu.dma_semaphore, #tpu.memory_space<semaphore_mem>>
      %dma_start3A_502 = arith.constant 0 : i32
      %dma_start3A_503 = tpu.memref_slice %arg9[%add3A_229, %dma_start3A_502] : memref<10240x128xf32, #tpu.memory_space<vmem_shared>> -> memref<80x128xf32, #tpu.memory_space<vmem_shared>>
      %dma_start3A_504 = arith.constant 0 : i32
      %dma_start3A_505 = tpu.memref_slice %arg9[%add3A_229, %dma_start3A_504] : memref<10240x128xf32, #tpu.memory_space<vmem_shared>> -> memref<80x128xf32, #tpu.memory_space<vmem_shared>>
      tpu.enqueue_dma source(%arg10 : memref<80x128xf32, #tpu.memory_space<vmem>>) target(%dma_start3A_505 : memref<80x128xf32, #tpu.memory_space<vmem_shared>>) target_semaphore(%run_scoped3A : memref<!tpu.dma_semaphore, #tpu.memory_space<semaphore_mem>>)
      %dma_wait3A_506 = arith.constant 0 : i32
      %dma_wait3A_507 = tpu.memref_slice %arg9[%add3A_229, %dma_wait3A_506] : memref<10240x128xf32, #tpu.memory_space<vmem_shared>> -> memref<80x128xf32, #tpu.memory_space<vmem_shared>>
      %dma_wait3A_508 = arith.constant 0 : i32
      %dma_wait3A_509 = tpu.memref_slice %arg9[%add3A_229, %dma_wait3A_508] : memref<10240x128xf32, #tpu.memory_space<vmem_shared>> -> memref<80x128xf32, #tpu.memory_space<vmem_shared>>
      tpu.wait_dma2 semaphore(%run_scoped3A : memref<!tpu.dma_semaphore, #tpu.memory_space<semaphore_mem>>) src(%arg10 : memref<80x128xf32, #tpu.memory_space<vmem>>) dst(%dma_wait3A_509 : memref<80x128xf32, #tpu.memory_space<vmem_shared>>)
      tpu.yield
    }) : () -> ()
    %mul3A_230 = arith.constant 640 : i32
    %mul3A_231 = arith.muli %arg1, %mul3A_230 : i32
    %add3A_232 = arith.constant 80 : i32
    %add3A_233 = arith.addi %mul3A_231, %add3A_232 : i32
    "tpu.region"() ({
      %run_scoped3A = tpu.sem_alloc : memref<!tpu.dma_semaphore, #tpu.memory_space<semaphore_mem>>
      %dma_start3A_502 = arith.constant 0 : i32
      %dma_start3A_503 = tpu.memref_slice %arg9[%add3A_233, %dma_start3A_502] : memref<10240x128xf32, #tpu.memory_space<vmem_shared>> -> memref<80x128xf32, #tpu.memory_space<vmem_shared>>
      %dma_start3A_504 = arith.constant 0 : i32
      %dma_start3A_505 = tpu.memref_slice %arg9[%add3A_233, %dma_start3A_504] : memref<10240x128xf32, #tpu.memory_space<vmem_shared>> -> memref<80x128xf32, #tpu.memory_space<vmem_shared>>
      tpu.enqueue_dma source(%arg10 : memref<80x128xf32, #tpu.memory_space<vmem>>) target(%dma_start3A_505 : memref<80x128xf32, #tpu.memory_space<vmem_shared>>) target_semaphore(%run_scoped3A : memref<!tpu.dma_semaphore, #tpu.memory_space<semaphore_mem>>)
      %dma_wait3A_506 = arith.constant 0 : i32
      %dma_wait3A_507 = tpu.memref_slice %arg9[%add3A_233, %dma_wait3A_506] : memref<10240x128xf32, #tpu.memory_space<vmem_shared>> -> memref<80x128xf32, #tpu.memory_space<vmem_shared>>
      %dma_wait3A_508 = arith.constant 0 : i32
      %dma_wait3A_509 = tpu.memref_slice %arg9[%add3A_233, %dma_wait3A_508] : memref<10240x128xf32, #tpu.memory_space<vmem_shared>> -> memref<80x128xf32, #tpu.memory_space<vmem_shared>>
      tpu.wait_dma2 semaphore(%run_scoped3A : memref<!tpu.dma_semaphore, #tpu.memory_space<semaphore_mem>>) src(%arg10 : memref<80x128xf32, #tpu.memory_space<vmem>>) dst(%dma_wait3A_509 : memref<80x128xf32, #tpu.memory_space<vmem_shared>>)
      tpu.yield
    }) : () -> ()
    %mul3A_234 = arith.constant 640 : i32
    %mul3A_235 = arith.muli %arg1, %mul3A_234 : i32
    %add3A_236 = arith.constant 160 : i32
    %add3A_237 = arith.addi %mul3A_235, %add3A_236 : i32
    "tpu.region"() ({
      %run_scoped3A = tpu.sem_alloc : memref<!tpu.dma_semaphore, #tpu.memory_space<semaphore_mem>>
      %dma_start3A_502 = arith.constant 0 : i32
      %dma_start3A_503 = tpu.memref_slice %arg9[%add3A_237, %dma_start3A_502] : memref<10240x128xf32, #tpu.memory_space<vmem_shared>> -> memref<80x128xf32, #tpu.memory_space<vmem_shared>>
      %dma_start3A_504 = arith.constant 0 : i32
      %dma_start3A_505 = tpu.memref_slice %arg9[%add3A_237, %dma_start3A_504] : memref<10240x128xf32, #tpu.memory_space<vmem_shared>> -> memref<80x128xf32, #tpu.memory_space<vmem_shared>>
      tpu.enqueue_dma source(%arg10 : memref<80x128xf32, #tpu.memory_space<vmem>>) target(%dma_start3A_505 : memref<80x128xf32, #tpu.memory_space<vmem_shared>>) target_semaphore(%run_scoped3A : memref<!tpu.dma_semaphore, #tpu.memory_space<semaphore_mem>>)
      %dma_wait3A_506 = arith.constant 0 : i32
      %dma_wait3A_507 = tpu.memref_slice %arg9[%add3A_237, %dma_wait3A_506] : memref<10240x128xf32, #tpu.memory_space<vmem_shared>> -> memref<80x128xf32, #tpu.memory_space<vmem_shared>>
      %dma_wait3A_508 = arith.constant 0 : i32
      %dma_wait3A_509 = tpu.memref_slice %arg9[%add3A_237, %dma_wait3A_508] : memref<10240x128xf32, #tpu.memory_space<vmem_shared>> -> memref<80x128xf32, #tpu.memory_space<vmem_shared>>
      tpu.wait_dma2 semaphore(%run_scoped3A : memref<!tpu.dma_semaphore, #tpu.memory_space<semaphore_mem>>) src(%arg10 : memref<80x128xf32, #tpu.memory_space<vmem>>) dst(%dma_wait3A_509 : memref<80x128xf32, #tpu.memory_space<vmem_shared>>)
      tpu.yield
    }) : () -> ()
    %mul3A_238 = arith.constant 640 : i32
    %mul3A_239 = arith.muli %arg1, %mul3A_238 : i32
    %add3A_240 = arith.constant 240 : i32
    %add3A_241 = arith.addi %mul3A_239, %add3A_240 : i32
    "tpu.region"() ({
      %run_scoped3A = tpu.sem_alloc : memref<!tpu.dma_semaphore, #tpu.memory_space<semaphore_mem>>
      %dma_start3A_502 = arith.constant 0 : i32
      %dma_start3A_503 = tpu.memref_slice %arg9[%add3A_241, %dma_start3A_502] : memref<10240x128xf32, #tpu.memory_space<vmem_shared>> -> memref<80x128xf32, #tpu.memory_space<vmem_shared>>
      %dma_start3A_504 = arith.constant 0 : i32
      %dma_start3A_505 = tpu.memref_slice %arg9[%add3A_241, %dma_start3A_504] : memref<10240x128xf32, #tpu.memory_space<vmem_shared>> -> memref<80x128xf32, #tpu.memory_space<vmem_shared>>
      tpu.enqueue_dma source(%arg10 : memref<80x128xf32, #tpu.memory_space<vmem>>) target(%dma_start3A_505 : memref<80x128xf32, #tpu.memory_space<vmem_shared>>) target_semaphore(%run_scoped3A : memref<!tpu.dma_semaphore, #tpu.memory_space<semaphore_mem>>)
      %dma_wait3A_506 = arith.constant 0 : i32
      %dma_wait3A_507 = tpu.memref_slice %arg9[%add3A_241, %dma_wait3A_506] : memref<10240x128xf32, #tpu.memory_space<vmem_shared>> -> memref<80x128xf32, #tpu.memory_space<vmem_shared>>
      %dma_wait3A_508 = arith.constant 0 : i32
      %dma_wait3A_509 = tpu.memref_slice %arg9[%add3A_241, %dma_wait3A_508] : memref<10240x128xf32, #tpu.memory_space<vmem_shared>> -> memref<80x128xf32, #tpu.memory_space<vmem_shared>>
      tpu.wait_dma2 semaphore(%run_scoped3A : memref<!tpu.dma_semaphore, #tpu.memory_space<semaphore_mem>>) src(%arg10 : memref<80x128xf32, #tpu.memory_space<vmem>>) dst(%dma_wait3A_509 : memref<80x128xf32, #tpu.memory_space<vmem_shared>>)
      tpu.yield
    }) : () -> ()
    %mul3A_242 = arith.constant 640 : i32
    %mul3A_243 = arith.muli %arg1, %mul3A_242 : i32
    %add3A_244 = arith.constant 320 : i32
    %add3A_245 = arith.addi %mul3A_243, %add3A_244 : i32
    "tpu.region"() ({
      %run_scoped3A = tpu.sem_alloc : memref<!tpu.dma_semaphore, #tpu.memory_space<semaphore_mem>>
      %dma_start3A_502 = arith.constant 0 : i32
      %dma_start3A_503 = tpu.memref_slice %arg9[%add3A_245, %dma_start3A_502] : memref<10240x128xf32, #tpu.memory_space<vmem_shared>> -> memref<80x128xf32, #tpu.memory_space<vmem_shared>>
      %dma_start3A_504 = arith.constant 0 : i32
      %dma_start3A_505 = tpu.memref_slice %arg9[%add3A_245, %dma_start3A_504] : memref<10240x128xf32, #tpu.memory_space<vmem_shared>> -> memref<80x128xf32, #tpu.memory_space<vmem_shared>>
      tpu.enqueue_dma source(%arg10 : memref<80x128xf32, #tpu.memory_space<vmem>>) target(%dma_start3A_505 : memref<80x128xf32, #tpu.memory_space<vmem_shared>>) target_semaphore(%run_scoped3A : memref<!tpu.dma_semaphore, #tpu.memory_space<semaphore_mem>>)
      %dma_wait3A_506 = arith.constant 0 : i32
      %dma_wait3A_507 = tpu.memref_slice %arg9[%add3A_245, %dma_wait3A_506] : memref<10240x128xf32, #tpu.memory_space<vmem_shared>> -> memref<80x128xf32, #tpu.memory_space<vmem_shared>>
      %dma_wait3A_508 = arith.constant 0 : i32
      %dma_wait3A_509 = tpu.memref_slice %arg9[%add3A_245, %dma_wait3A_508] : memref<10240x128xf32, #tpu.memory_space<vmem_shared>> -> memref<80x128xf32, #tpu.memory_space<vmem_shared>>
      tpu.wait_dma2 semaphore(%run_scoped3A : memref<!tpu.dma_semaphore, #tpu.memory_space<semaphore_mem>>) src(%arg10 : memref<80x128xf32, #tpu.memory_space<vmem>>) dst(%dma_wait3A_509 : memref<80x128xf32, #tpu.memory_space<vmem_shared>>)
      tpu.yield
    }) : () -> ()
    %mul3A_246 = arith.constant 640 : i32
    %mul3A_247 = arith.muli %arg1, %mul3A_246 : i32
    %add3A_248 = arith.constant 400 : i32
    %add3A_249 = arith.addi %mul3A_247, %add3A_248 : i32
    "tpu.region"() ({
      %run_scoped3A = tpu.sem_alloc : memref<!tpu.dma_semaphore, #tpu.memory_space<semaphore_mem>>
      %dma_start3A_502 = arith.constant 0 : i32
      %dma_start3A_503 = tpu.memref_slice %arg9[%add3A_249, %dma_start3A_502] : memref<10240x128xf32, #tpu.memory_space<vmem_shared>> -> memref<80x128xf32, #tpu.memory_space<vmem_shared>>
      %dma_start3A_504 = arith.constant 0 : i32
      %dma_start3A_505 = tpu.memref_slice %arg9[%add3A_249, %dma_start3A_504] : memref<10240x128xf32, #tpu.memory_space<vmem_shared>> -> memref<80x128xf32, #tpu.memory_space<vmem_shared>>
      tpu.enqueue_dma source(%arg10 : memref<80x128xf32, #tpu.memory_space<vmem>>) target(%dma_start3A_505 : memref<80x128xf32, #tpu.memory_space<vmem_shared>>) target_semaphore(%run_scoped3A : memref<!tpu.dma_semaphore, #tpu.memory_space<semaphore_mem>>)
      %dma_wait3A_506 = arith.constant 0 : i32
      %dma_wait3A_507 = tpu.memref_slice %arg9[%add3A_249, %dma_wait3A_506] : memref<10240x128xf32, #tpu.memory_space<vmem_shared>> -> memref<80x128xf32, #tpu.memory_space<vmem_shared>>
      %dma_wait3A_508 = arith.constant 0 : i32
      %dma_wait3A_509 = tpu.memref_slice %arg9[%add3A_249, %dma_wait3A_508] : memref<10240x128xf32, #tpu.memory_space<vmem_shared>> -> memref<80x128xf32, #tpu.memory_space<vmem_shared>>
      tpu.wait_dma2 semaphore(%run_scoped3A : memref<!tpu.dma_semaphore, #tpu.memory_space<semaphore_mem>>) src(%arg10 : memref<80x128xf32, #tpu.memory_space<vmem>>) dst(%dma_wait3A_509 : memref<80x128xf32, #tpu.memory_space<vmem_shared>>)
      tpu.yield
    }) : () -> ()
    %mul3A_250 = arith.constant 640 : i32
    %mul3A_251 = arith.muli %arg1, %mul3A_250 : i32
    %add3A_252 = arith.constant 480 : i32
    %add3A_253 = arith.addi %mul3A_251, %add3A_252 : i32
    "tpu.region"() ({
      %run_scoped3A = tpu.sem_alloc : memref<!tpu.dma_semaphore, #tpu.memory_space<semaphore_mem>>
      %dma_start3A_502 = arith.constant 0 : i32
      %dma_start3A_503 = tpu.memref_slice %arg9[%add3A_253, %dma_start3A_502] : memref<10240x128xf32, #tpu.memory_space<vmem_shared>> -> memref<80x128xf32, #tpu.memory_space<vmem_shared>>
      %dma_start3A_504 = arith.constant 0 : i32
      %dma_start3A_505 = tpu.memref_slice %arg9[%add3A_253, %dma_start3A_504] : memref<10240x128xf32, #tpu.memory_space<vmem_shared>> -> memref<80x128xf32, #tpu.memory_space<vmem_shared>>
      tpu.enqueue_dma source(%arg10 : memref<80x128xf32, #tpu.memory_space<vmem>>) target(%dma_start3A_505 : memref<80x128xf32, #tpu.memory_space<vmem_shared>>) target_semaphore(%run_scoped3A : memref<!tpu.dma_semaphore, #tpu.memory_space<semaphore_mem>>)
      %dma_wait3A_506 = arith.constant 0 : i32
      %dma_wait3A_507 = tpu.memref_slice %arg9[%add3A_253, %dma_wait3A_506] : memref<10240x128xf32, #tpu.memory_space<vmem_shared>> -> memref<80x128xf32, #tpu.memory_space<vmem_shared>>
      %dma_wait3A_508 = arith.constant 0 : i32
      %dma_wait3A_509 = tpu.memref_slice %arg9[%add3A_253, %dma_wait3A_508] : memref<10240x128xf32, #tpu.memory_space<vmem_shared>> -> memref<80x128xf32, #tpu.memory_space<vmem_shared>>
      tpu.wait_dma2 semaphore(%run_scoped3A : memref<!tpu.dma_semaphore, #tpu.memory_space<semaphore_mem>>) src(%arg10 : memref<80x128xf32, #tpu.memory_space<vmem>>) dst(%dma_wait3A_509 : memref<80x128xf32, #tpu.memory_space<vmem_shared>>)
      tpu.yield
    }) : () -> ()
    %mul3A_254 = arith.constant 640 : i32
    %mul3A_255 = arith.muli %arg1, %mul3A_254 : i32
    %add3A_256 = arith.constant 560 : i32
    %add3A_257 = arith.addi %mul3A_255, %add3A_256 : i32
    "tpu.region"() ({
      %run_scoped3A = tpu.sem_alloc : memref<!tpu.dma_semaphore, #tpu.memory_space<semaphore_mem>>
      %dma_start3A_502 = arith.constant 0 : i32
      %dma_start3A_503 = tpu.memref_slice %arg9[%add3A_257, %dma_start3A_502] : memref<10240x128xf32, #tpu.memory_space<vmem_shared>> -> memref<80x128xf32, #tpu.memory_space<vmem_shared>>
      %dma_start3A_504 = arith.constant 0 : i32
      %dma_start3A_505 = tpu.memref_slice %arg9[%add3A_257, %dma_start3A_504] : memref<10240x128xf32, #tpu.memory_space<vmem_shared>> -> memref<80x128xf32, #tpu.memory_space<vmem_shared>>
      tpu.enqueue_dma source(%arg10 : memref<80x128xf32, #tpu.memory_space<vmem>>) target(%dma_start3A_505 : memref<80x128xf32, #tpu.memory_space<vmem_shared>>) target_semaphore(%run_scoped3A : memref<!tpu.dma_semaphore, #tpu.memory_space<semaphore_mem>>)
      %dma_wait3A_506 = arith.constant 0 : i32
      %dma_wait3A_507 = tpu.memref_slice %arg9[%add3A_257, %dma_wait3A_506] : memref<10240x128xf32, #tpu.memory_space<vmem_shared>> -> memref<80x128xf32, #tpu.memory_space<vmem_shared>>
      %dma_wait3A_508 = arith.constant 0 : i32
      %dma_wait3A_509 = tpu.memref_slice %arg9[%add3A_257, %dma_wait3A_508] : memref<10240x128xf32, #tpu.memory_space<vmem_shared>> -> memref<80x128xf32, #tpu.memory_space<vmem_shared>>
      tpu.wait_dma2 semaphore(%run_scoped3A : memref<!tpu.dma_semaphore, #tpu.memory_space<semaphore_mem>>) src(%arg10 : memref<80x128xf32, #tpu.memory_space<vmem>>) dst(%dma_wait3A_509 : memref<80x128xf32, #tpu.memory_space<vmem_shared>>)
      tpu.yield
    }) : () -> ()
    %barrier3A_258 = arith.constant 0 : index
    tpu.barrier barrier_id(%barrier3A_258)
    %mul3A_259 = arith.constant 125 : i32
    %mul3A_260 = arith.muli %add3A, %mul3A_259 : i32
    %add3A_261 = arith.constant 0 : i32
    %add3A_262 = arith.addi %mul3A_260, %add3A_261 : i32
    %mul3A_263 = arith.constant 80 : i32
    %mul3A_264 = arith.muli %add3A_262, %mul3A_263 : i32
    %dma_start3A_265 = tpu.memref_slice %arg4[%mul3A_264] : memref<320000xi32, #tpu.memory_space<hbm>> -> memref<80xi32, #tpu.memory_space<hbm>>
    %dma_start3A_266 = tpu.memref_slice %arg4[%mul3A_264] : memref<320000xi32, #tpu.memory_space<hbm>> -> memref<80xi32, #tpu.memory_space<hbm>>
    tpu.enqueue_dma source(%dma_start3A_266 : memref<80xi32, #tpu.memory_space<hbm>>) target(%arg16 : memref<80xi32, #tpu.memory_space<vmem>>) target_semaphore(%arg26 : memref<!tpu.dma_semaphore, #tpu.memory_space<semaphore_mem>>)
    %mul3A_267 = arith.constant 125 : i32
    %mul3A_268 = arith.muli %add3A, %mul3A_267 : i32
    %add3A_269 = arith.constant 0 : i32
    %add3A_270 = arith.addi %mul3A_268, %add3A_269 : i32
    %mul3A_271 = arith.constant 80 : i32
    %mul3A_272 = arith.muli %add3A_270, %mul3A_271 : i32
    %dma_start3A_273 = tpu.memref_slice %arg3[%mul3A_272] : memref<320000xi32, #tpu.memory_space<hbm>> -> memref<80xi32, #tpu.memory_space<hbm>>
    %dma_start3A_274 = tpu.memref_slice %arg3[%mul3A_272] : memref<320000xi32, #tpu.memory_space<hbm>> -> memref<80xi32, #tpu.memory_space<hbm>>
    tpu.enqueue_dma source(%dma_start3A_274 : memref<80xi32, #tpu.memory_space<hbm>>) target(%arg12 : memref<80xi32, #tpu.memory_space<vmem>>) target_semaphore(%arg26 : memref<!tpu.dma_semaphore, #tpu.memory_space<semaphore_mem>>)
    %mul3A_275 = arith.constant 125 : i32
    %mul3A_276 = arith.muli %add3A, %mul3A_275 : i32
    %add3A_277 = arith.constant 1 : i32
    %add3A_278 = arith.addi %mul3A_276, %add3A_277 : i32
    %mul3A_279 = arith.constant 80 : i32
    %mul3A_280 = arith.muli %add3A_278, %mul3A_279 : i32
    %dma_start3A_281 = tpu.memref_slice %arg4[%mul3A_280] : memref<320000xi32, #tpu.memory_space<hbm>> -> memref<80xi32, #tpu.memory_space<hbm>>
    %dma_start3A_282 = tpu.memref_slice %arg4[%mul3A_280] : memref<320000xi32, #tpu.memory_space<hbm>> -> memref<80xi32, #tpu.memory_space<hbm>>
    tpu.enqueue_dma source(%dma_start3A_282 : memref<80xi32, #tpu.memory_space<hbm>>) target(%arg17 : memref<80xi32, #tpu.memory_space<vmem>>) target_semaphore(%arg27 : memref<!tpu.dma_semaphore, #tpu.memory_space<semaphore_mem>>)
    %mul3A_283 = arith.constant 125 : i32
    %mul3A_284 = arith.muli %add3A, %mul3A_283 : i32
    %add3A_285 = arith.constant 1 : i32
    %add3A_286 = arith.addi %mul3A_284, %add3A_285 : i32
    %mul3A_287 = arith.constant 80 : i32
    %mul3A_288 = arith.muli %add3A_286, %mul3A_287 : i32
    %dma_start3A_289 = tpu.memref_slice %arg3[%mul3A_288] : memref<320000xi32, #tpu.memory_space<hbm>> -> memref<80xi32, #tpu.memory_space<hbm>>
    %dma_start3A_290 = tpu.memref_slice %arg3[%mul3A_288] : memref<320000xi32, #tpu.memory_space<hbm>> -> memref<80xi32, #tpu.memory_space<hbm>>
    tpu.enqueue_dma source(%dma_start3A_290 : memref<80xi32, #tpu.memory_space<hbm>>) target(%arg13 : memref<80xi32, #tpu.memory_space<vmem>>) target_semaphore(%arg27 : memref<!tpu.dma_semaphore, #tpu.memory_space<semaphore_mem>>)
    %mul3A_291 = arith.constant 125 : i32
    %mul3A_292 = arith.muli %add3A, %mul3A_291 : i32
    %add3A_293 = arith.constant 2 : i32
    %add3A_294 = arith.addi %mul3A_292, %add3A_293 : i32
    %mul3A_295 = arith.constant 80 : i32
    %mul3A_296 = arith.muli %add3A_294, %mul3A_295 : i32
    %dma_start3A_297 = tpu.memref_slice %arg4[%mul3A_296] : memref<320000xi32, #tpu.memory_space<hbm>> -> memref<80xi32, #tpu.memory_space<hbm>>
    %dma_start3A_298 = tpu.memref_slice %arg4[%mul3A_296] : memref<320000xi32, #tpu.memory_space<hbm>> -> memref<80xi32, #tpu.memory_space<hbm>>
    tpu.enqueue_dma source(%dma_start3A_298 : memref<80xi32, #tpu.memory_space<hbm>>) target(%arg18 : memref<80xi32, #tpu.memory_space<vmem>>) target_semaphore(%arg28 : memref<!tpu.dma_semaphore, #tpu.memory_space<semaphore_mem>>)
    %mul3A_299 = arith.constant 125 : i32
    %mul3A_300 = arith.muli %add3A, %mul3A_299 : i32
    %add3A_301 = arith.constant 2 : i32
    %add3A_302 = arith.addi %mul3A_300, %add3A_301 : i32
    %mul3A_303 = arith.constant 80 : i32
    %mul3A_304 = arith.muli %add3A_302, %mul3A_303 : i32
    %dma_start3A_305 = tpu.memref_slice %arg3[%mul3A_304] : memref<320000xi32, #tpu.memory_space<hbm>> -> memref<80xi32, #tpu.memory_space<hbm>>
    %dma_start3A_306 = tpu.memref_slice %arg3[%mul3A_304] : memref<320000xi32, #tpu.memory_space<hbm>> -> memref<80xi32, #tpu.memory_space<hbm>>
    tpu.enqueue_dma source(%dma_start3A_306 : memref<80xi32, #tpu.memory_space<hbm>>) target(%arg14 : memref<80xi32, #tpu.memory_space<vmem>>) target_semaphore(%arg28 : memref<!tpu.dma_semaphore, #tpu.memory_space<semaphore_mem>>)
    %mul3A_307 = arith.constant 125 : i32
    %mul3A_308 = arith.muli %add3A, %mul3A_307 : i32
    %add3A_309 = arith.constant 3 : i32
    %add3A_310 = arith.addi %mul3A_308, %add3A_309 : i32
    %mul3A_311 = arith.constant 80 : i32
    %mul3A_312 = arith.muli %add3A_310, %mul3A_311 : i32
    %dma_start3A_313 = tpu.memref_slice %arg4[%mul3A_312] : memref<320000xi32, #tpu.memory_space<hbm>> -> memref<80xi32, #tpu.memory_space<hbm>>
    %dma_start3A_314 = tpu.memref_slice %arg4[%mul3A_312] : memref<320000xi32, #tpu.memory_space<hbm>> -> memref<80xi32, #tpu.memory_space<hbm>>
    tpu.enqueue_dma source(%dma_start3A_314 : memref<80xi32, #tpu.memory_space<hbm>>) target(%arg19 : memref<80xi32, #tpu.memory_space<vmem>>) target_semaphore(%arg29 : memref<!tpu.dma_semaphore, #tpu.memory_space<semaphore_mem>>)
    %mul3A_315 = arith.constant 125 : i32
    %mul3A_316 = arith.muli %add3A, %mul3A_315 : i32
    %add3A_317 = arith.constant 3 : i32
    %add3A_318 = arith.addi %mul3A_316, %add3A_317 : i32
    %mul3A_319 = arith.constant 80 : i32
    %mul3A_320 = arith.muli %add3A_318, %mul3A_319 : i32
    %dma_start3A_321 = tpu.memref_slice %arg3[%mul3A_320] : memref<320000xi32, #tpu.memory_space<hbm>> -> memref<80xi32, #tpu.memory_space<hbm>>
    %dma_start3A_322 = tpu.memref_slice %arg3[%mul3A_320] : memref<320000xi32, #tpu.memory_space<hbm>> -> memref<80xi32, #tpu.memory_space<hbm>>
    tpu.enqueue_dma source(%dma_start3A_322 : memref<80xi32, #tpu.memory_space<hbm>>) target(%arg15 : memref<80xi32, #tpu.memory_space<vmem>>) target_semaphore(%arg29 : memref<!tpu.dma_semaphore, #tpu.memory_space<semaphore_mem>>)
    %mul3A_323 = arith.constant 125 : i32
    %mul3A_324 = arith.muli %add3A, %mul3A_323 : i32
    %add3A_325 = arith.constant 0 : i32
    %add3A_326 = arith.addi %mul3A_324, %add3A_325 : i32
    %mul3A_327 = arith.constant 80 : i32
    %mul3A_328 = arith.muli %add3A_326, %mul3A_327 : i32
    %dma_wait3A_329 = tpu.memref_slice %arg4[%mul3A_328] : memref<320000xi32, #tpu.memory_space<hbm>> -> memref<80xi32, #tpu.memory_space<hbm>>
    %dma_wait3A_330 = tpu.memref_slice %arg4[%mul3A_328] : memref<320000xi32, #tpu.memory_space<hbm>> -> memref<80xi32, #tpu.memory_space<hbm>>
    tpu.wait_dma2 semaphore(%arg26 : memref<!tpu.dma_semaphore, #tpu.memory_space<semaphore_mem>>) src(%dma_wait3A_330 : memref<80xi32, #tpu.memory_space<hbm>>) dst(%arg16 : memref<80xi32, #tpu.memory_space<vmem>>)
    %mul3A_331 = arith.constant 125 : i32
    %mul3A_332 = arith.muli %add3A, %mul3A_331 : i32
    %add3A_333 = arith.constant 0 : i32
    %add3A_334 = arith.addi %mul3A_332, %add3A_333 : i32
    %mul3A_335 = arith.constant 80 : i32
    %mul3A_336 = arith.muli %add3A_334, %mul3A_335 : i32
    %dma_wait3A_337 = tpu.memref_slice %arg3[%mul3A_336] : memref<320000xi32, #tpu.memory_space<hbm>> -> memref<80xi32, #tpu.memory_space<hbm>>
    %dma_wait3A_338 = tpu.memref_slice %arg3[%mul3A_336] : memref<320000xi32, #tpu.memory_space<hbm>> -> memref<80xi32, #tpu.memory_space<hbm>>
    tpu.wait_dma2 semaphore(%arg26 : memref<!tpu.dma_semaphore, #tpu.memory_space<semaphore_mem>>) src(%dma_wait3A_338 : memref<80xi32, #tpu.memory_space<hbm>>) dst(%arg12 : memref<80xi32, #tpu.memory_space<vmem>>)
    %dma_start3A_339 = arith.constant 0 : i32
    %dma_start3A_340 = arith.constant 0 : i32
    %dma_start3A_341 = tpu.memref_slice %arg2[%dma_start3A_339, %dma_start3A_340] : memref<10000x128xf32, #tpu.memory_space<hbm>> -> memref<10000x128xf32, #tpu.memory_space<hbm>>
    tpu.enqueue_indirect_dma source(%dma_start3A_341 : memref<10000x128xf32, #tpu.memory_space<hbm>>) target(%arg10 : memref<80x128xf32, #tpu.memory_space<vmem>>) offsets(%arg12 : memref<80xi32, #tpu.memory_space<vmem>>) semaphore(%arg20 : memref<!tpu.dma_semaphore, #tpu.memory_space<semaphore_mem>>)
    %scan3A_342 = arith.constant 0 : i32
    %scan3A_343 = arith.constant 0 : i32
    %scan3A_344 = arith.constant 31 : i32
    %scan3A_345 = arith.addi %scan3A_343, %scan3A_344 : i32
    %scan3A_346 = arith.constant 1 : i32
    scf.for %scan3A_502 = %scan3A_343 to %scan3A_345 step %scan3A_346  : i32 {
      %mul3A_503 = arith.constant 4 : i32
      %mul3A_504 = arith.muli %mul3A_503, %scan3A_502 : i32
      %add3A_505 = arith.constant 1 : i32
      %add3A_506 = arith.addi %mul3A_504, %add3A_505 : i32
      %mul3A_507 = arith.constant 125 : i32
      %mul3A_508 = arith.muli %add3A, %mul3A_507 : i32
      %add3A_509 = arith.addi %mul3A_508, %add3A_506 : i32
      %mul3A_510 = arith.constant 80 : i32
      %mul3A_511 = arith.muli %add3A_509, %mul3A_510 : i32
      %dma_wait3A_512 = tpu.memref_slice %arg4[%mul3A_511] : memref<320000xi32, #tpu.memory_space<hbm>> -> memref<80xi32, #tpu.memory_space<hbm>>
      %dma_wait3A_513 = tpu.memref_slice %arg4[%mul3A_511] : memref<320000xi32, #tpu.memory_space<hbm>> -> memref<80xi32, #tpu.memory_space<hbm>>
      tpu.wait_dma2 semaphore(%arg27 : memref<!tpu.dma_semaphore, #tpu.memory_space<semaphore_mem>>) src(%dma_wait3A_513 : memref<80xi32, #tpu.memory_space<hbm>>) dst(%arg17 : memref<80xi32, #tpu.memory_space<vmem>>)
      %mul3A_514 = arith.constant 125 : i32
      %mul3A_515 = arith.muli %add3A, %mul3A_514 : i32
      %add3A_516 = arith.addi %mul3A_515, %add3A_506 : i32
      %mul3A_517 = arith.constant 80 : i32
      %mul3A_518 = arith.muli %add3A_516, %mul3A_517 : i32
      %dma_wait3A_519 = tpu.memref_slice %arg3[%mul3A_518] : memref<320000xi32, #tpu.memory_space<hbm>> -> memref<80xi32, #tpu.memory_space<hbm>>
      %dma_wait3A_520 = tpu.memref_slice %arg3[%mul3A_518] : memref<320000xi32, #tpu.memory_space<hbm>> -> memref<80xi32, #tpu.memory_space<hbm>>
      tpu.wait_dma2 semaphore(%arg27 : memref<!tpu.dma_semaphore, #tpu.memory_space<semaphore_mem>>) src(%dma_wait3A_520 : memref<80xi32, #tpu.memory_space<hbm>>) dst(%arg13 : memref<80xi32, #tpu.memory_space<vmem>>)
      %dma_start3A_521 = arith.constant 0 : i32
      %dma_start3A_522 = arith.constant 0 : i32
      %dma_start3A_523 = tpu.memref_slice %arg2[%dma_start3A_521, %dma_start3A_522] : memref<10000x128xf32, #tpu.memory_space<hbm>> -> memref<10000x128xf32, #tpu.memory_space<hbm>>
      tpu.enqueue_indirect_dma source(%dma_start3A_523 : memref<10000x128xf32, #tpu.memory_space<hbm>>) target(%arg11 : memref<80x128xf32, #tpu.memory_space<vmem>>) offsets(%arg13 : memref<80xi32, #tpu.memory_space<vmem>>) semaphore(%arg21 : memref<!tpu.dma_semaphore, #tpu.memory_space<semaphore_mem>>)
      %dma_wait3A_524 = arith.constant 0 : i32
      %dma_wait3A_525 = arith.constant 0 : i32
      %dma_wait3A_526 = tpu.memref_slice %arg2[%dma_wait3A_524, %dma_wait3A_525] : memref<10000x128xf32, #tpu.memory_space<hbm>> -> memref<10000x128xf32, #tpu.memory_space<hbm>>
      tpu.wait_indirect_dma semaphore(%arg20 : memref<!tpu.dma_semaphore, #tpu.memory_space<semaphore_mem>>) src(%dma_wait3A_526 : memref<10000x128xf32, #tpu.memory_space<hbm>>) dst(%arg10 : memref<80x128xf32, #tpu.memory_space<vmem>>)
      %dma_start3A_527 = arith.constant 0 : i32
      %dma_start3A_528 = arith.constant 0 : i32
      %dma_start3A_529 = tpu.memref_slice %arg9[%dma_start3A_527, %dma_start3A_528] : memref<10240x128xf32, #tpu.memory_space<vmem_shared>> -> memref<10240x128xf32, #tpu.memory_space<vmem_shared>>
      tpu.enqueue_indirect_dma source(%arg10 : memref<80x128xf32, #tpu.memory_space<vmem>>) target(%dma_start3A_529 : memref<10240x128xf32, #tpu.memory_space<vmem_shared>>) offsets(%arg16 : memref<80xi32, #tpu.memory_space<vmem>>) semaphore(%arg22 : memref<!tpu.dma_semaphore, #tpu.memory_space<semaphore_mem>>) {add = true}
      %dma_wait3A_530 = arith.constant 0 : i32
      %dma_wait3A_531 = arith.constant 0 : i32
      %dma_wait3A_532 = tpu.memref_slice %arg2[%dma_wait3A_530, %dma_wait3A_531] : memref<10000x128xf32, #tpu.memory_space<hbm>> -> memref<10000x128xf32, #tpu.memory_space<hbm>>
      tpu.wait_indirect_dma semaphore(%arg21 : memref<!tpu.dma_semaphore, #tpu.memory_space<semaphore_mem>>) src(%dma_wait3A_532 : memref<10000x128xf32, #tpu.memory_space<hbm>>) dst(%arg11 : memref<80x128xf32, #tpu.memory_space<vmem>>)
      %dma_start3A_533 = arith.constant 0 : i32
      %dma_start3A_534 = arith.constant 0 : i32
      %dma_start3A_535 = tpu.memref_slice %arg9[%dma_start3A_533, %dma_start3A_534] : memref<10240x128xf32, #tpu.memory_space<vmem_shared>> -> memref<10240x128xf32, #tpu.memory_space<vmem_shared>>
      tpu.enqueue_indirect_dma source(%arg11 : memref<80x128xf32, #tpu.memory_space<vmem>>) target(%dma_start3A_535 : memref<10240x128xf32, #tpu.memory_space<vmem_shared>>) offsets(%arg17 : memref<80xi32, #tpu.memory_space<vmem>>) semaphore(%arg23 : memref<!tpu.dma_semaphore, #tpu.memory_space<semaphore_mem>>) {add = true}
      %dma_wait3A_536 = arith.constant 0 : i32
      %dma_wait3A_537 = arith.constant 0 : i32
      %dma_wait3A_538 = tpu.memref_slice %arg9[%dma_wait3A_536, %dma_wait3A_537] : memref<10240x128xf32, #tpu.memory_space<vmem_shared>> -> memref<10240x128xf32, #tpu.memory_space<vmem_shared>>
      tpu.wait_indirect_dma semaphore(%arg22 : memref<!tpu.dma_semaphore, #tpu.memory_space<semaphore_mem>>) src(%arg10 : memref<80x128xf32, #tpu.memory_space<vmem>>) dst(%dma_wait3A_538 : memref<10240x128xf32, #tpu.memory_space<vmem_shared>>)
      %add3A_539 = arith.constant 4 : i32
      %add3A_540 = arith.addi %mul3A_504, %add3A_539 : i32
      %mul3A_541 = arith.constant 125 : i32
      %mul3A_542 = arith.muli %add3A, %mul3A_541 : i32
      %add3A_543 = arith.addi %mul3A_542, %add3A_540 : i32
      %mul3A_544 = arith.constant 80 : i32
      %mul3A_545 = arith.muli %add3A_543, %mul3A_544 : i32
      %dma_start3A_546 = tpu.memref_slice %arg4[%mul3A_545] : memref<320000xi32, #tpu.memory_space<hbm>> -> memref<80xi32, #tpu.memory_space<hbm>>
      %dma_start3A_547 = tpu.memref_slice %arg4[%mul3A_545] : memref<320000xi32, #tpu.memory_space<hbm>> -> memref<80xi32, #tpu.memory_space<hbm>>
      tpu.enqueue_dma source(%dma_start3A_547 : memref<80xi32, #tpu.memory_space<hbm>>) target(%arg16 : memref<80xi32, #tpu.memory_space<vmem>>) target_semaphore(%arg26 : memref<!tpu.dma_semaphore, #tpu.memory_space<semaphore_mem>>)
      %mul3A_548 = arith.constant 125 : i32
      %mul3A_549 = arith.muli %add3A, %mul3A_548 : i32
      %add3A_550 = arith.addi %mul3A_549, %add3A_540 : i32
      %mul3A_551 = arith.constant 80 : i32
      %mul3A_552 = arith.muli %add3A_550, %mul3A_551 : i32
      %dma_start3A_553 = tpu.memref_slice %arg3[%mul3A_552] : memref<320000xi32, #tpu.memory_space<hbm>> -> memref<80xi32, #tpu.memory_space<hbm>>
      %dma_start3A_554 = tpu.memref_slice %arg3[%mul3A_552] : memref<320000xi32, #tpu.memory_space<hbm>> -> memref<80xi32, #tpu.memory_space<hbm>>
      tpu.enqueue_dma source(%dma_start3A_554 : memref<80xi32, #tpu.memory_space<hbm>>) target(%arg12 : memref<80xi32, #tpu.memory_space<vmem>>) target_semaphore(%arg26 : memref<!tpu.dma_semaphore, #tpu.memory_space<semaphore_mem>>)
      %add3A_555 = arith.constant 2 : i32
      %add3A_556 = arith.addi %mul3A_504, %add3A_555 : i32
      %mul3A_557 = arith.constant 125 : i32
      %mul3A_558 = arith.muli %add3A, %mul3A_557 : i32
      %add3A_559 = arith.addi %mul3A_558, %add3A_556 : i32
      %mul3A_560 = arith.constant 80 : i32
      %mul3A_561 = arith.muli %add3A_559, %mul3A_560 : i32
      %dma_wait3A_562 = tpu.memref_slice %arg4[%mul3A_561] : memref<320000xi32, #tpu.memory_space<hbm>> -> memref<80xi32, #tpu.memory_space<hbm>>
      %dma_wait3A_563 = tpu.memref_slice %arg4[%mul3A_561] : memref<320000xi32, #tpu.memory_space<hbm>> -> memref<80xi32, #tpu.memory_space<hbm>>
      tpu.wait_dma2 semaphore(%arg28 : memref<!tpu.dma_semaphore, #tpu.memory_space<semaphore_mem>>) src(%dma_wait3A_563 : memref<80xi32, #tpu.memory_space<hbm>>) dst(%arg18 : memref<80xi32, #tpu.memory_space<vmem>>)
      %mul3A_564 = arith.constant 125 : i32
      %mul3A_565 = arith.muli %add3A, %mul3A_564 : i32
      %add3A_566 = arith.addi %mul3A_565, %add3A_556 : i32
      %mul3A_567 = arith.constant 80 : i32
      %mul3A_568 = arith.muli %add3A_566, %mul3A_567 : i32
      %dma_wait3A_569 = tpu.memref_slice %arg3[%mul3A_568] : memref<320000xi32, #tpu.memory_space<hbm>> -> memref<80xi32, #tpu.memory_space<hbm>>
      %dma_wait3A_570 = tpu.memref_slice %arg3[%mul3A_568] : memref<320000xi32, #tpu.memory_space<hbm>> -> memref<80xi32, #tpu.memory_space<hbm>>
      tpu.wait_dma2 semaphore(%arg28 : memref<!tpu.dma_semaphore, #tpu.memory_space<semaphore_mem>>) src(%dma_wait3A_570 : memref<80xi32, #tpu.memory_space<hbm>>) dst(%arg14 : memref<80xi32, #tpu.memory_space<vmem>>)
      %dma_start3A_571 = arith.constant 0 : i32
      %dma_start3A_572 = arith.constant 0 : i32
      %dma_start3A_573 = tpu.memref_slice %arg2[%dma_start3A_571, %dma_start3A_572] : memref<10000x128xf32, #tpu.memory_space<hbm>> -> memref<10000x128xf32, #tpu.memory_space<hbm>>
      tpu.enqueue_indirect_dma source(%dma_start3A_573 : memref<10000x128xf32, #tpu.memory_space<hbm>>) target(%arg10 : memref<80x128xf32, #tpu.memory_space<vmem>>) offsets(%arg14 : memref<80xi32, #tpu.memory_space<vmem>>) semaphore(%arg20 : memref<!tpu.dma_semaphore, #tpu.memory_space<semaphore_mem>>)
      %dma_wait3A_574 = arith.constant 0 : i32
      %dma_wait3A_575 = arith.constant 0 : i32
      %dma_wait3A_576 = tpu.memref_slice %arg9[%dma_wait3A_574, %dma_wait3A_575] : memref<10240x128xf32, #tpu.memory_space<vmem_shared>> -> memref<10240x128xf32, #tpu.memory_space<vmem_shared>>
      tpu.wait_indirect_dma semaphore(%arg23 : memref<!tpu.dma_semaphore, #tpu.memory_space<semaphore_mem>>) src(%arg11 : memref<80x128xf32, #tpu.memory_space<vmem>>) dst(%dma_wait3A_576 : memref<10240x128xf32, #tpu.memory_space<vmem_shared>>)
      %add3A_577 = arith.constant 5 : i32
      %add3A_578 = arith.addi %mul3A_504, %add3A_577 : i32
      %le3A = arith.constant 124 : i32
      %le3A_579 = arith.cmpi sle, %add3A_578, %le3A : i32
      %convert_element_type3A = arith.extui %le3A_579 : i1 to i32
      %cond3A = arith.constant 0 : i32
      %cond3A_580 = arith.cmpi ne, %convert_element_type3A, %cond3A : i32
      scf.if %cond3A_580 {
        %add3A_651 = arith.constant 5 : i32
        %add3A_652 = arith.addi %mul3A_504, %add3A_651 : i32
        %mul3A_653 = arith.constant 125 : i32
        %mul3A_654 = arith.muli %add3A, %mul3A_653 : i32
        %add3A_655 = arith.addi %mul3A_654, %add3A_652 : i32
        %mul3A_656 = arith.constant 80 : i32
        %mul3A_657 = arith.muli %add3A_655, %mul3A_656 : i32
        %dma_start3A_658 = tpu.memref_slice %arg4[%mul3A_657] : memref<320000xi32, #tpu.memory_space<hbm>> -> memref<80xi32, #tpu.memory_space<hbm>>
        %dma_start3A_659 = tpu.memref_slice %arg4[%mul3A_657] : memref<320000xi32, #tpu.memory_space<hbm>> -> memref<80xi32, #tpu.memory_space<hbm>>
        tpu.enqueue_dma source(%dma_start3A_659 : memref<80xi32, #tpu.memory_space<hbm>>) target(%arg17 : memref<80xi32, #tpu.memory_space<vmem>>) target_semaphore(%arg27 : memref<!tpu.dma_semaphore, #tpu.memory_space<semaphore_mem>>)
        %mul3A_660 = arith.constant 125 : i32
        %mul3A_661 = arith.muli %add3A, %mul3A_660 : i32
        %add3A_662 = arith.addi %mul3A_661, %add3A_652 : i32
        %mul3A_663 = arith.constant 80 : i32
        %mul3A_664 = arith.muli %add3A_662, %mul3A_663 : i32
        %dma_start3A_665 = tpu.memref_slice %arg3[%mul3A_664] : memref<320000xi32, #tpu.memory_space<hbm>> -> memref<80xi32, #tpu.memory_space<hbm>>
        %dma_start3A_666 = tpu.memref_slice %arg3[%mul3A_664] : memref<320000xi32, #tpu.memory_space<hbm>> -> memref<80xi32, #tpu.memory_space<hbm>>
        tpu.enqueue_dma source(%dma_start3A_666 : memref<80xi32, #tpu.memory_space<hbm>>) target(%arg13 : memref<80xi32, #tpu.memory_space<vmem>>) target_semaphore(%arg27 : memref<!tpu.dma_semaphore, #tpu.memory_space<semaphore_mem>>)
      } else {
      }
      %add3A_581 = arith.constant 3 : i32
      %add3A_582 = arith.addi %mul3A_504, %add3A_581 : i32
      %mul3A_583 = arith.constant 125 : i32
      %mul3A_584 = arith.muli %add3A, %mul3A_583 : i32
      %add3A_585 = arith.addi %mul3A_584, %add3A_582 : i32
      %mul3A_586 = arith.constant 80 : i32
      %mul3A_587 = arith.muli %add3A_585, %mul3A_586 : i32
      %dma_wait3A_588 = tpu.memref_slice %arg4[%mul3A_587] : memref<320000xi32, #tpu.memory_space<hbm>> -> memref<80xi32, #tpu.memory_space<hbm>>
      %dma_wait3A_589 = tpu.memref_slice %arg4[%mul3A_587] : memref<320000xi32, #tpu.memory_space<hbm>> -> memref<80xi32, #tpu.memory_space<hbm>>
      tpu.wait_dma2 semaphore(%arg29 : memref<!tpu.dma_semaphore, #tpu.memory_space<semaphore_mem>>) src(%dma_wait3A_589 : memref<80xi32, #tpu.memory_space<hbm>>) dst(%arg19 : memref<80xi32, #tpu.memory_space<vmem>>)
      %mul3A_590 = arith.constant 125 : i32
      %mul3A_591 = arith.muli %add3A, %mul3A_590 : i32
      %add3A_592 = arith.addi %mul3A_591, %add3A_582 : i32
      %mul3A_593 = arith.constant 80 : i32
      %mul3A_594 = arith.muli %add3A_592, %mul3A_593 : i32
      %dma_wait3A_595 = tpu.memref_slice %arg3[%mul3A_594] : memref<320000xi32, #tpu.memory_space<hbm>> -> memref<80xi32, #tpu.memory_space<hbm>>
      %dma_wait3A_596 = tpu.memref_slice %arg3[%mul3A_594] : memref<320000xi32, #tpu.memory_space<hbm>> -> memref<80xi32, #tpu.memory_space<hbm>>
      tpu.wait_dma2 semaphore(%arg29 : memref<!tpu.dma_semaphore, #tpu.memory_space<semaphore_mem>>) src(%dma_wait3A_596 : memref<80xi32, #tpu.memory_space<hbm>>) dst(%arg15 : memref<80xi32, #tpu.memory_space<vmem>>)
      %dma_start3A_597 = arith.constant 0 : i32
      %dma_start3A_598 = arith.constant 0 : i32
      %dma_start3A_599 = tpu.memref_slice %arg2[%dma_start3A_597, %dma_start3A_598] : memref<10000x128xf32, #tpu.memory_space<hbm>> -> memref<10000x128xf32, #tpu.memory_space<hbm>>
      tpu.enqueue_indirect_dma source(%dma_start3A_599 : memref<10000x128xf32, #tpu.memory_space<hbm>>) target(%arg11 : memref<80x128xf32, #tpu.memory_space<vmem>>) offsets(%arg15 : memref<80xi32, #tpu.memory_space<vmem>>) semaphore(%arg21 : memref<!tpu.dma_semaphore, #tpu.memory_space<semaphore_mem>>)
      %dma_wait3A_600 = arith.constant 0 : i32
      %dma_wait3A_601 = arith.constant 0 : i32
      %dma_wait3A_602 = tpu.memref_slice %arg2[%dma_wait3A_600, %dma_wait3A_601] : memref<10000x128xf32, #tpu.memory_space<hbm>> -> memref<10000x128xf32, #tpu.memory_space<hbm>>
      tpu.wait_indirect_dma semaphore(%arg20 : memref<!tpu.dma_semaphore, #tpu.memory_space<semaphore_mem>>) src(%dma_wait3A_602 : memref<10000x128xf32, #tpu.memory_space<hbm>>) dst(%arg10 : memref<80x128xf32, #tpu.memory_space<vmem>>)
      %dma_start3A_603 = arith.constant 0 : i32
      %dma_start3A_604 = arith.constant 0 : i32
      %dma_start3A_605 = tpu.memref_slice %arg9[%dma_start3A_603, %dma_start3A_604] : memref<10240x128xf32, #tpu.memory_space<vmem_shared>> -> memref<10240x128xf32, #tpu.memory_space<vmem_shared>>
      tpu.enqueue_indirect_dma source(%arg10 : memref<80x128xf32, #tpu.memory_space<vmem>>) target(%dma_start3A_605 : memref<10240x128xf32, #tpu.memory_space<vmem_shared>>) offsets(%arg18 : memref<80xi32, #tpu.memory_space<vmem>>) semaphore(%arg22 : memref<!tpu.dma_semaphore, #tpu.memory_space<semaphore_mem>>) {add = true}
      %dma_wait3A_606 = arith.constant 0 : i32
      %dma_wait3A_607 = arith.constant 0 : i32
      %dma_wait3A_608 = tpu.memref_slice %arg2[%dma_wait3A_606, %dma_wait3A_607] : memref<10000x128xf32, #tpu.memory_space<hbm>> -> memref<10000x128xf32, #tpu.memory_space<hbm>>
      tpu.wait_indirect_dma semaphore(%arg21 : memref<!tpu.dma_semaphore, #tpu.memory_space<semaphore_mem>>) src(%dma_wait3A_608 : memref<10000x128xf32, #tpu.memory_space<hbm>>) dst(%arg11 : memref<80x128xf32, #tpu.memory_space<vmem>>)
      %dma_start3A_609 = arith.constant 0 : i32
      %dma_start3A_610 = arith.constant 0 : i32
      %dma_start3A_611 = tpu.memref_slice %arg9[%dma_start3A_609, %dma_start3A_610] : memref<10240x128xf32, #tpu.memory_space<vmem_shared>> -> memref<10240x128xf32, #tpu.memory_space<vmem_shared>>
      tpu.enqueue_indirect_dma source(%arg11 : memref<80x128xf32, #tpu.memory_space<vmem>>) target(%dma_start3A_611 : memref<10240x128xf32, #tpu.memory_space<vmem_shared>>) offsets(%arg19 : memref<80xi32, #tpu.memory_space<vmem>>) semaphore(%arg23 : memref<!tpu.dma_semaphore, #tpu.memory_space<semaphore_mem>>) {add = true}
      %dma_wait3A_612 = arith.constant 0 : i32
      %dma_wait3A_613 = arith.constant 0 : i32
      %dma_wait3A_614 = tpu.memref_slice %arg9[%dma_wait3A_612, %dma_wait3A_613] : memref<10240x128xf32, #tpu.memory_space<vmem_shared>> -> memref<10240x128xf32, #tpu.memory_space<vmem_shared>>
      tpu.wait_indirect_dma semaphore(%arg22 : memref<!tpu.dma_semaphore, #tpu.memory_space<semaphore_mem>>) src(%arg10 : memref<80x128xf32, #tpu.memory_space<vmem>>) dst(%dma_wait3A_614 : memref<10240x128xf32, #tpu.memory_space<vmem_shared>>)
      %add3A_615 = arith.constant 6 : i32
      %add3A_616 = arith.addi %mul3A_504, %add3A_615 : i32
      %le3A_617 = arith.constant 124 : i32
      %le3A_618 = arith.cmpi sle, %add3A_616, %le3A_617 : i32
      %convert_element_type3A_619 = arith.extui %le3A_618 : i1 to i32
      %cond3A_620 = arith.constant 0 : i32
      %cond3A_621 = arith.cmpi ne, %convert_element_type3A_619, %cond3A_620 : i32
      scf.if %cond3A_621 {
        %add3A_651 = arith.constant 6 : i32
        %add3A_652 = arith.addi %mul3A_504, %add3A_651 : i32
        %mul3A_653 = arith.constant 125 : i32
        %mul3A_654 = arith.muli %add3A, %mul3A_653 : i32
        %add3A_655 = arith.addi %mul3A_654, %add3A_652 : i32
        %mul3A_656 = arith.constant 80 : i32
        %mul3A_657 = arith.muli %add3A_655, %mul3A_656 : i32
        %dma_start3A_658 = tpu.memref_slice %arg4[%mul3A_657] : memref<320000xi32, #tpu.memory_space<hbm>> -> memref<80xi32, #tpu.memory_space<hbm>>
        %dma_start3A_659 = tpu.memref_slice %arg4[%mul3A_657] : memref<320000xi32, #tpu.memory_space<hbm>> -> memref<80xi32, #tpu.memory_space<hbm>>
        tpu.enqueue_dma source(%dma_start3A_659 : memref<80xi32, #tpu.memory_space<hbm>>) target(%arg18 : memref<80xi32, #tpu.memory_space<vmem>>) target_semaphore(%arg28 : memref<!tpu.dma_semaphore, #tpu.memory_space<semaphore_mem>>)
        %mul3A_660 = arith.constant 125 : i32
        %mul3A_661 = arith.muli %add3A, %mul3A_660 : i32
        %add3A_662 = arith.addi %mul3A_661, %add3A_652 : i32
        %mul3A_663 = arith.constant 80 : i32
        %mul3A_664 = arith.muli %add3A_662, %mul3A_663 : i32
        %dma_start3A_665 = tpu.memref_slice %arg3[%mul3A_664] : memref<320000xi32, #tpu.memory_space<hbm>> -> memref<80xi32, #tpu.memory_space<hbm>>
        %dma_start3A_666 = tpu.memref_slice %arg3[%mul3A_664] : memref<320000xi32, #tpu.memory_space<hbm>> -> memref<80xi32, #tpu.memory_space<hbm>>
        tpu.enqueue_dma source(%dma_start3A_666 : memref<80xi32, #tpu.memory_space<hbm>>) target(%arg14 : memref<80xi32, #tpu.memory_space<vmem>>) target_semaphore(%arg28 : memref<!tpu.dma_semaphore, #tpu.memory_space<semaphore_mem>>)
      } else {
      }
      %dma_wait3A_622 = arith.constant 0 : i32
      %dma_wait3A_623 = arith.constant 0 : i32
      %dma_wait3A_624 = tpu.memref_slice %arg9[%dma_wait3A_622, %dma_wait3A_623] : memref<10240x128xf32, #tpu.memory_space<vmem_shared>> -> memref<10240x128xf32, #tpu.memory_space<vmem_shared>>
      tpu.wait_indirect_dma semaphore(%arg23 : memref<!tpu.dma_semaphore, #tpu.memory_space<semaphore_mem>>) src(%arg11 : memref<80x128xf32, #tpu.memory_space<vmem>>) dst(%dma_wait3A_624 : memref<10240x128xf32, #tpu.memory_space<vmem_shared>>)
      %add3A_625 = arith.constant 7 : i32
      %add3A_626 = arith.addi %mul3A_504, %add3A_625 : i32
      %le3A_627 = arith.constant 124 : i32
      %le3A_628 = arith.cmpi sle, %add3A_626, %le3A_627 : i32
      %convert_element_type3A_629 = arith.extui %le3A_628 : i1 to i32
      %cond3A_630 = arith.constant 0 : i32
      %cond3A_631 = arith.cmpi ne, %convert_element_type3A_629, %cond3A_630 : i32
      scf.if %cond3A_631 {
        %add3A_651 = arith.constant 7 : i32
        %add3A_652 = arith.addi %mul3A_504, %add3A_651 : i32
        %mul3A_653 = arith.constant 125 : i32
        %mul3A_654 = arith.muli %add3A, %mul3A_653 : i32
        %add3A_655 = arith.addi %mul3A_654, %add3A_652 : i32
        %mul3A_656 = arith.constant 80 : i32
        %mul3A_657 = arith.muli %add3A_655, %mul3A_656 : i32
        %dma_start3A_658 = tpu.memref_slice %arg4[%mul3A_657] : memref<320000xi32, #tpu.memory_space<hbm>> -> memref<80xi32, #tpu.memory_space<hbm>>
        %dma_start3A_659 = tpu.memref_slice %arg4[%mul3A_657] : memref<320000xi32, #tpu.memory_space<hbm>> -> memref<80xi32, #tpu.memory_space<hbm>>
        tpu.enqueue_dma source(%dma_start3A_659 : memref<80xi32, #tpu.memory_space<hbm>>) target(%arg19 : memref<80xi32, #tpu.memory_space<vmem>>) target_semaphore(%arg29 : memref<!tpu.dma_semaphore, #tpu.memory_space<semaphore_mem>>)
        %mul3A_660 = arith.constant 125 : i32
        %mul3A_661 = arith.muli %add3A, %mul3A_660 : i32
        %add3A_662 = arith.addi %mul3A_661, %add3A_652 : i32
        %mul3A_663 = arith.constant 80 : i32
        %mul3A_664 = arith.muli %add3A_662, %mul3A_663 : i32
        %dma_start3A_665 = tpu.memref_slice %arg3[%mul3A_664] : memref<320000xi32, #tpu.memory_space<hbm>> -> memref<80xi32, #tpu.memory_space<hbm>>
        %dma_start3A_666 = tpu.memref_slice %arg3[%mul3A_664] : memref<320000xi32, #tpu.memory_space<hbm>> -> memref<80xi32, #tpu.memory_space<hbm>>
        tpu.enqueue_dma source(%dma_start3A_666 : memref<80xi32, #tpu.memory_space<hbm>>) target(%arg15 : memref<80xi32, #tpu.memory_space<vmem>>) target_semaphore(%arg29 : memref<!tpu.dma_semaphore, #tpu.memory_space<semaphore_mem>>)
      } else {
      }
      %add3A_632 = arith.constant 4 : i32
      %add3A_633 = arith.addi %mul3A_504, %add3A_632 : i32
      %mul3A_634 = arith.constant 125 : i32
      %mul3A_635 = arith.muli %add3A, %mul3A_634 : i32
      %add3A_636 = arith.addi %mul3A_635, %add3A_633 : i32
      %mul3A_637 = arith.constant 80 : i32
      %mul3A_638 = arith.muli %add3A_636, %mul3A_637 : i32
      %dma_wait3A_639 = tpu.memref_slice %arg4[%mul3A_638] : memref<320000xi32, #tpu.memory_space<hbm>> -> memref<80xi32, #tpu.memory_space<hbm>>
      %dma_wait3A_640 = tpu.memref_slice %arg4[%mul3A_638] : memref<320000xi32, #tpu.memory_space<hbm>> -> memref<80xi32, #tpu.memory_space<hbm>>
      tpu.wait_dma2 semaphore(%arg26 : memref<!tpu.dma_semaphore, #tpu.memory_space<semaphore_mem>>) src(%dma_wait3A_640 : memref<80xi32, #tpu.memory_space<hbm>>) dst(%arg16 : memref<80xi32, #tpu.memory_space<vmem>>)
      %mul3A_641 = arith.constant 125 : i32
      %mul3A_642 = arith.muli %add3A, %mul3A_641 : i32
      %add3A_643 = arith.addi %mul3A_642, %add3A_633 : i32
      %mul3A_644 = arith.constant 80 : i32
      %mul3A_645 = arith.muli %add3A_643, %mul3A_644 : i32
      %dma_wait3A_646 = tpu.memref_slice %arg3[%mul3A_645] : memref<320000xi32, #tpu.memory_space<hbm>> -> memref<80xi32, #tpu.memory_space<hbm>>
      %dma_wait3A_647 = tpu.memref_slice %arg3[%mul3A_645] : memref<320000xi32, #tpu.memory_space<hbm>> -> memref<80xi32, #tpu.memory_space<hbm>>
      tpu.wait_dma2 semaphore(%arg26 : memref<!tpu.dma_semaphore, #tpu.memory_space<semaphore_mem>>) src(%dma_wait3A_647 : memref<80xi32, #tpu.memory_space<hbm>>) dst(%arg12 : memref<80xi32, #tpu.memory_space<vmem>>)
      %dma_start3A_648 = arith.constant 0 : i32
      %dma_start3A_649 = arith.constant 0 : i32
      %dma_start3A_650 = tpu.memref_slice %arg2[%dma_start3A_648, %dma_start3A_649] : memref<10000x128xf32, #tpu.memory_space<hbm>> -> memref<10000x128xf32, #tpu.memory_space<hbm>>
      tpu.enqueue_indirect_dma source(%dma_start3A_650 : memref<10000x128xf32, #tpu.memory_space<hbm>>) target(%arg10 : memref<80x128xf32, #tpu.memory_space<vmem>>) offsets(%arg12 : memref<80xi32, #tpu.memory_space<vmem>>) semaphore(%arg20 : memref<!tpu.dma_semaphore, #tpu.memory_space<semaphore_mem>>)
    }
    %scan3A_347 = arith.constant 31 : i32
    %dma_wait3A_348 = arith.constant 0 : i32
    %dma_wait3A_349 = arith.constant 0 : i32
    %dma_wait3A_350 = tpu.memref_slice %arg2[%dma_wait3A_348, %dma_wait3A_349] : memref<10000x128xf32, #tpu.memory_space<hbm>> -> memref<10000x128xf32, #tpu.memory_space<hbm>>
    tpu.wait_indirect_dma semaphore(%arg20 : memref<!tpu.dma_semaphore, #tpu.memory_space<semaphore_mem>>) src(%dma_wait3A_350 : memref<10000x128xf32, #tpu.memory_space<hbm>>) dst(%arg10 : memref<80x128xf32, #tpu.memory_space<vmem>>)
    %dma_start3A_351 = arith.constant 0 : i32
    %dma_start3A_352 = arith.constant 0 : i32
    %dma_start3A_353 = tpu.memref_slice %arg9[%dma_start3A_351, %dma_start3A_352] : memref<10240x128xf32, #tpu.memory_space<vmem_shared>> -> memref<10240x128xf32, #tpu.memory_space<vmem_shared>>
    tpu.enqueue_indirect_dma source(%arg10 : memref<80x128xf32, #tpu.memory_space<vmem>>) target(%dma_start3A_353 : memref<10240x128xf32, #tpu.memory_space<vmem_shared>>) offsets(%arg16 : memref<80xi32, #tpu.memory_space<vmem>>) semaphore(%arg22 : memref<!tpu.dma_semaphore, #tpu.memory_space<semaphore_mem>>) {add = true}
    %dma_wait3A_354 = arith.constant 0 : i32
    %dma_wait3A_355 = arith.constant 0 : i32
    %dma_wait3A_356 = tpu.memref_slice %arg9[%dma_wait3A_354, %dma_wait3A_355] : memref<10240x128xf32, #tpu.memory_space<vmem_shared>> -> memref<10240x128xf32, #tpu.memory_space<vmem_shared>>
    tpu.wait_indirect_dma semaphore(%arg22 : memref<!tpu.dma_semaphore, #tpu.memory_space<semaphore_mem>>) src(%arg10 : memref<80x128xf32, #tpu.memory_space<vmem>>) dst(%dma_wait3A_356 : memref<10240x128xf32, #tpu.memory_space<vmem_shared>>)
    %barrier3A_357 = arith.constant 0 : index
    tpu.barrier barrier_id(%barrier3A_357)
    %mul3A_358 = arith.constant 640 : i32
    %mul3A_359 = arith.muli %arg1, %mul3A_358 : i32
    %add3A_360 = arith.constant 0 : i32
    %add3A_361 = arith.addi %mul3A_359, %add3A_360 : i32
    %dma_start3A_362 = arith.constant 0 : i32
    %dma_start3A_363 = tpu.memref_slice %arg7[%arg0, %add3A_361, %dma_start3A_362] : memref<2x10240x128xf32, #tpu.memory_space<hbm>> -> memref<1x80x128xf32, #tpu.memory_space<hbm>>
    %dma_start3A_364 = tpu.memref_squeeze %dma_start3A_363 : memref<1x80x128xf32, #tpu.memory_space<hbm>> -> memref<80x128xf32, #tpu.memory_space<hbm>>
    %dma_start3A_365 = arith.constant 0 : i32
    %dma_start3A_366 = tpu.memref_slice %arg9[%add3A_361, %dma_start3A_365] : memref<10240x128xf32, #tpu.memory_space<vmem_shared>> -> memref<80x128xf32, #tpu.memory_space<vmem_shared>>
    tpu.enqueue_dma source(%dma_start3A_366 : memref<80x128xf32, #tpu.memory_space<vmem_shared>>) target(%dma_start3A_364 : memref<80x128xf32, #tpu.memory_space<hbm>>) target_semaphore(%arg24 : memref<!tpu.dma_semaphore, #tpu.memory_space<semaphore_mem>>)
    %mul3A_367 = arith.constant 640 : i32
    %mul3A_368 = arith.muli %arg1, %mul3A_367 : i32
    %add3A_369 = arith.constant 80 : i32
    %add3A_370 = arith.addi %mul3A_368, %add3A_369 : i32
    %dma_start3A_371 = arith.constant 0 : i32
    %dma_start3A_372 = tpu.memref_slice %arg7[%arg0, %add3A_370, %dma_start3A_371] : memref<2x10240x128xf32, #tpu.memory_space<hbm>> -> memref<1x80x128xf32, #tpu.memory_space<hbm>>
    %dma_start3A_373 = tpu.memref_squeeze %dma_start3A_372 : memref<1x80x128xf32, #tpu.memory_space<hbm>> -> memref<80x128xf32, #tpu.memory_space<hbm>>
    %dma_start3A_374 = arith.constant 0 : i32
    %dma_start3A_375 = tpu.memref_slice %arg9[%add3A_370, %dma_start3A_374] : memref<10240x128xf32, #tpu.memory_space<vmem_shared>> -> memref<80x128xf32, #tpu.memory_space<vmem_shared>>
    tpu.enqueue_dma source(%dma_start3A_375 : memref<80x128xf32, #tpu.memory_space<vmem_shared>>) target(%dma_start3A_373 : memref<80x128xf32, #tpu.memory_space<hbm>>) target_semaphore(%arg25 : memref<!tpu.dma_semaphore, #tpu.memory_space<semaphore_mem>>)
    %mul3A_376 = arith.constant 640 : i32
    %mul3A_377 = arith.muli %arg1, %mul3A_376 : i32
    %add3A_378 = arith.constant 160 : i32
    %add3A_379 = arith.addi %mul3A_377, %add3A_378 : i32
    %sub3A_380 = arith.constant 160 : i32
    %sub3A_381 = arith.subi %add3A_379, %sub3A_380 : i32
    %sub3A_382 = arith.constant 160 : i32
    %sub3A_383 = arith.subi %add3A_379, %sub3A_382 : i32
    %dma_wait3A_384 = arith.constant 0 : i32
    %dma_wait3A_385 = tpu.memref_slice %arg7[%arg0, %sub3A_383, %dma_wait3A_384] : memref<2x10240x128xf32, #tpu.memory_space<hbm>> -> memref<1x80x128xf32, #tpu.memory_space<hbm>>
    %dma_wait3A_386 = tpu.memref_squeeze %dma_wait3A_385 : memref<1x80x128xf32, #tpu.memory_space<hbm>> -> memref<80x128xf32, #tpu.memory_space<hbm>>
    %dma_wait3A_387 = arith.constant 0 : i32
    %dma_wait3A_388 = tpu.memref_slice %arg9[%sub3A_381, %dma_wait3A_387] : memref<10240x128xf32, #tpu.memory_space<vmem_shared>> -> memref<80x128xf32, #tpu.memory_space<vmem_shared>>
    tpu.wait_dma2 semaphore(%arg24 : memref<!tpu.dma_semaphore, #tpu.memory_space<semaphore_mem>>) src(%dma_wait3A_388 : memref<80x128xf32, #tpu.memory_space<vmem_shared>>) dst(%dma_wait3A_386 : memref<80x128xf32, #tpu.memory_space<hbm>>)
    %dma_start3A_389 = arith.constant 0 : i32
    %dma_start3A_390 = tpu.memref_slice %arg7[%arg0, %add3A_379, %dma_start3A_389] : memref<2x10240x128xf32, #tpu.memory_space<hbm>> -> memref<1x80x128xf32, #tpu.memory_space<hbm>>
    %dma_start3A_391 = tpu.memref_squeeze %dma_start3A_390 : memref<1x80x128xf32, #tpu.memory_space<hbm>> -> memref<80x128xf32, #tpu.memory_space<hbm>>
    %dma_start3A_392 = arith.constant 0 : i32
    %dma_start3A_393 = tpu.memref_slice %arg9[%add3A_379, %dma_start3A_392] : memref<10240x128xf32, #tpu.memory_space<vmem_shared>> -> memref<80x128xf32, #tpu.memory_space<vmem_shared>>
    tpu.enqueue_dma source(%dma_start3A_393 : memref<80x128xf32, #tpu.memory_space<vmem_shared>>) target(%dma_start3A_391 : memref<80x128xf32, #tpu.memory_space<hbm>>) target_semaphore(%arg24 : memref<!tpu.dma_semaphore, #tpu.memory_space<semaphore_mem>>)
    %mul3A_394 = arith.constant 640 : i32
    %mul3A_395 = arith.muli %arg1, %mul3A_394 : i32
    %add3A_396 = arith.constant 240 : i32
    %add3A_397 = arith.addi %mul3A_395, %add3A_396 : i32
    %sub3A_398 = arith.constant 160 : i32
    %sub3A_399 = arith.subi %add3A_397, %sub3A_398 : i32
    %sub3A_400 = arith.constant 160 : i32
    %sub3A_401 = arith.subi %add3A_397, %sub3A_400 : i32
    %dma_wait3A_402 = arith.constant 0 : i32
    %dma_wait3A_403 = tpu.memref_slice %arg7[%arg0, %sub3A_401, %dma_wait3A_402] : memref<2x10240x128xf32, #tpu.memory_space<hbm>> -> memref<1x80x128xf32, #tpu.memory_space<hbm>>
    %dma_wait3A_404 = tpu.memref_squeeze %dma_wait3A_403 : memref<1x80x128xf32, #tpu.memory_space<hbm>> -> memref<80x128xf32, #tpu.memory_space<hbm>>
    %dma_wait3A_405 = arith.constant 0 : i32
    %dma_wait3A_406 = tpu.memref_slice %arg9[%sub3A_399, %dma_wait3A_405] : memref<10240x128xf32, #tpu.memory_space<vmem_shared>> -> memref<80x128xf32, #tpu.memory_space<vmem_shared>>
    tpu.wait_dma2 semaphore(%arg25 : memref<!tpu.dma_semaphore, #tpu.memory_space<semaphore_mem>>) src(%dma_wait3A_406 : memref<80x128xf32, #tpu.memory_space<vmem_shared>>) dst(%dma_wait3A_404 : memref<80x128xf32, #tpu.memory_space<hbm>>)
    %dma_start3A_407 = arith.constant 0 : i32
    %dma_start3A_408 = tpu.memref_slice %arg7[%arg0, %add3A_397, %dma_start3A_407] : memref<2x10240x128xf32, #tpu.memory_space<hbm>> -> memref<1x80x128xf32, #tpu.memory_space<hbm>>
    %dma_start3A_409 = tpu.memref_squeeze %dma_start3A_408 : memref<1x80x128xf32, #tpu.memory_space<hbm>> -> memref<80x128xf32, #tpu.memory_space<hbm>>
    %dma_start3A_410 = arith.constant 0 : i32
    %dma_start3A_411 = tpu.memref_slice %arg9[%add3A_397, %dma_start3A_410] : memref<10240x128xf32, #tpu.memory_space<vmem_shared>> -> memref<80x128xf32, #tpu.memory_space<vmem_shared>>
    tpu.enqueue_dma source(%dma_start3A_411 : memref<80x128xf32, #tpu.memory_space<vmem_shared>>) target(%dma_start3A_409 : memref<80x128xf32, #tpu.memory_space<hbm>>) target_semaphore(%arg25 : memref<!tpu.dma_semaphore, #tpu.memory_space<semaphore_mem>>)
    %mul3A_412 = arith.constant 640 : i32
    %mul3A_413 = arith.muli %arg1, %mul3A_412 : i32
    %add3A_414 = arith.constant 320 : i32
    %add3A_415 = arith.addi %mul3A_413, %add3A_414 : i32
    %sub3A_416 = arith.constant 160 : i32
    %sub3A_417 = arith.subi %add3A_415, %sub3A_416 : i32
    %sub3A_418 = arith.constant 160 : i32
    %sub3A_419 = arith.subi %add3A_415, %sub3A_418 : i32
    %dma_wait3A_420 = arith.constant 0 : i32
    %dma_wait3A_421 = tpu.memref_slice %arg7[%arg0, %sub3A_419, %dma_wait3A_420] : memref<2x10240x128xf32, #tpu.memory_space<hbm>> -> memref<1x80x128xf32, #tpu.memory_space<hbm>>
    %dma_wait3A_422 = tpu.memref_squeeze %dma_wait3A_421 : memref<1x80x128xf32, #tpu.memory_space<hbm>> -> memref<80x128xf32, #tpu.memory_space<hbm>>
    %dma_wait3A_423 = arith.constant 0 : i32
    %dma_wait3A_424 = tpu.memref_slice %arg9[%sub3A_417, %dma_wait3A_423] : memref<10240x128xf32, #tpu.memory_space<vmem_shared>> -> memref<80x128xf32, #tpu.memory_space<vmem_shared>>
    tpu.wait_dma2 semaphore(%arg24 : memref<!tpu.dma_semaphore, #tpu.memory_space<semaphore_mem>>) src(%dma_wait3A_424 : memref<80x128xf32, #tpu.memory_space<vmem_shared>>) dst(%dma_wait3A_422 : memref<80x128xf32, #tpu.memory_space<hbm>>)
    %dma_start3A_425 = arith.constant 0 : i32
    %dma_start3A_426 = tpu.memref_slice %arg7[%arg0, %add3A_415, %dma_start3A_425] : memref<2x10240x128xf32, #tpu.memory_space<hbm>> -> memref<1x80x128xf32, #tpu.memory_space<hbm>>
    %dma_start3A_427 = tpu.memref_squeeze %dma_start3A_426 : memref<1x80x128xf32, #tpu.memory_space<hbm>> -> memref<80x128xf32, #tpu.memory_space<hbm>>
    %dma_start3A_428 = arith.constant 0 : i32
    %dma_start3A_429 = tpu.memref_slice %arg9[%add3A_415, %dma_start3A_428] : memref<10240x128xf32, #tpu.memory_space<vmem_shared>> -> memref<80x128xf32, #tpu.memory_space<vmem_shared>>
    tpu.enqueue_dma source(%dma_start3A_429 : memref<80x128xf32, #tpu.memory_space<vmem_shared>>) target(%dma_start3A_427 : memref<80x128xf32, #tpu.memory_space<hbm>>) target_semaphore(%arg24 : memref<!tpu.dma_semaphore, #tpu.memory_space<semaphore_mem>>)
    %mul3A_430 = arith.constant 640 : i32
    %mul3A_431 = arith.muli %arg1, %mul3A_430 : i32
    %add3A_432 = arith.constant 400 : i32
    %add3A_433 = arith.addi %mul3A_431, %add3A_432 : i32
    %sub3A_434 = arith.constant 160 : i32
    %sub3A_435 = arith.subi %add3A_433, %sub3A_434 : i32
    %sub3A_436 = arith.constant 160 : i32
    %sub3A_437 = arith.subi %add3A_433, %sub3A_436 : i32
    %dma_wait3A_438 = arith.constant 0 : i32
    %dma_wait3A_439 = tpu.memref_slice %arg7[%arg0, %sub3A_437, %dma_wait3A_438] : memref<2x10240x128xf32, #tpu.memory_space<hbm>> -> memref<1x80x128xf32, #tpu.memory_space<hbm>>
    %dma_wait3A_440 = tpu.memref_squeeze %dma_wait3A_439 : memref<1x80x128xf32, #tpu.memory_space<hbm>> -> memref<80x128xf32, #tpu.memory_space<hbm>>
    %dma_wait3A_441 = arith.constant 0 : i32
    %dma_wait3A_442 = tpu.memref_slice %arg9[%sub3A_435, %dma_wait3A_441] : memref<10240x128xf32, #tpu.memory_space<vmem_shared>> -> memref<80x128xf32, #tpu.memory_space<vmem_shared>>
    tpu.wait_dma2 semaphore(%arg25 : memref<!tpu.dma_semaphore, #tpu.memory_space<semaphore_mem>>) src(%dma_wait3A_442 : memref<80x128xf32, #tpu.memory_space<vmem_shared>>) dst(%dma_wait3A_440 : memref<80x128xf32, #tpu.memory_space<hbm>>)
    %dma_start3A_443 = arith.constant 0 : i32
    %dma_start3A_444 = tpu.memref_slice %arg7[%arg0, %add3A_433, %dma_start3A_443] : memref<2x10240x128xf32, #tpu.memory_space<hbm>> -> memref<1x80x128xf32, #tpu.memory_space<hbm>>
    %dma_start3A_445 = tpu.memref_squeeze %dma_start3A_444 : memref<1x80x128xf32, #tpu.memory_space<hbm>> -> memref<80x128xf32, #tpu.memory_space<hbm>>
    %dma_start3A_446 = arith.constant 0 : i32
    %dma_start3A_447 = tpu.memref_slice %arg9[%add3A_433, %dma_start3A_446] : memref<10240x128xf32, #tpu.memory_space<vmem_shared>> -> memref<80x128xf32, #tpu.memory_space<vmem_shared>>
    tpu.enqueue_dma source(%dma_start3A_447 : memref<80x128xf32, #tpu.memory_space<vmem_shared>>) target(%dma_start3A_445 : memref<80x128xf32, #tpu.memory_space<hbm>>) target_semaphore(%arg25 : memref<!tpu.dma_semaphore, #tpu.memory_space<semaphore_mem>>)
    %mul3A_448 = arith.constant 640 : i32
    %mul3A_449 = arith.muli %arg1, %mul3A_448 : i32
    %add3A_450 = arith.constant 480 : i32
    %add3A_451 = arith.addi %mul3A_449, %add3A_450 : i32
    %sub3A_452 = arith.constant 160 : i32
    %sub3A_453 = arith.subi %add3A_451, %sub3A_452 : i32
    %sub3A_454 = arith.constant 160 : i32
    %sub3A_455 = arith.subi %add3A_451, %sub3A_454 : i32
    %dma_wait3A_456 = arith.constant 0 : i32
    %dma_wait3A_457 = tpu.memref_slice %arg7[%arg0, %sub3A_455, %dma_wait3A_456] : memref<2x10240x128xf32, #tpu.memory_space<hbm>> -> memref<1x80x128xf32, #tpu.memory_space<hbm>>
    %dma_wait3A_458 = tpu.memref_squeeze %dma_wait3A_457 : memref<1x80x128xf32, #tpu.memory_space<hbm>> -> memref<80x128xf32, #tpu.memory_space<hbm>>
    %dma_wait3A_459 = arith.constant 0 : i32
    %dma_wait3A_460 = tpu.memref_slice %arg9[%sub3A_453, %dma_wait3A_459] : memref<10240x128xf32, #tpu.memory_space<vmem_shared>> -> memref<80x128xf32, #tpu.memory_space<vmem_shared>>
    tpu.wait_dma2 semaphore(%arg24 : memref<!tpu.dma_semaphore, #tpu.memory_space<semaphore_mem>>) src(%dma_wait3A_460 : memref<80x128xf32, #tpu.memory_space<vmem_shared>>) dst(%dma_wait3A_458 : memref<80x128xf32, #tpu.memory_space<hbm>>)
    %dma_start3A_461 = arith.constant 0 : i32
    %dma_start3A_462 = tpu.memref_slice %arg7[%arg0, %add3A_451, %dma_start3A_461] : memref<2x10240x128xf32, #tpu.memory_space<hbm>> -> memref<1x80x128xf32, #tpu.memory_space<hbm>>
    %dma_start3A_463 = tpu.memref_squeeze %dma_start3A_462 : memref<1x80x128xf32, #tpu.memory_space<hbm>> -> memref<80x128xf32, #tpu.memory_space<hbm>>
    %dma_start3A_464 = arith.constant 0 : i32
    %dma_start3A_465 = tpu.memref_slice %arg9[%add3A_451, %dma_start3A_464] : memref<10240x128xf32, #tpu.memory_space<vmem_shared>> -> memref<80x128xf32, #tpu.memory_space<vmem_shared>>
    tpu.enqueue_dma source(%dma_start3A_465 : memref<80x128xf32, #tpu.memory_space<vmem_shared>>) target(%dma_start3A_463 : memref<80x128xf32, #tpu.memory_space<hbm>>) target_semaphore(%arg24 : memref<!tpu.dma_semaphore, #tpu.memory_space<semaphore_mem>>)
    %mul3A_466 = arith.constant 640 : i32
    %mul3A_467 = arith.muli %arg1, %mul3A_466 : i32
    %add3A_468 = arith.constant 560 : i32
    %add3A_469 = arith.addi %mul3A_467, %add3A_468 : i32
    %sub3A_470 = arith.constant 160 : i32
    %sub3A_471 = arith.subi %add3A_469, %sub3A_470 : i32
    %sub3A_472 = arith.constant 160 : i32
    %sub3A_473 = arith.subi %add3A_469, %sub3A_472 : i32
    %dma_wait3A_474 = arith.constant 0 : i32
    %dma_wait3A_475 = tpu.memref_slice %arg7[%arg0, %sub3A_473, %dma_wait3A_474] : memref<2x10240x128xf32, #tpu.memory_space<hbm>> -> memref<1x80x128xf32, #tpu.memory_space<hbm>>
    %dma_wait3A_476 = tpu.memref_squeeze %dma_wait3A_475 : memref<1x80x128xf32, #tpu.memory_space<hbm>> -> memref<80x128xf32, #tpu.memory_space<hbm>>
    %dma_wait3A_477 = arith.constant 0 : i32
    %dma_wait3A_478 = tpu.memref_slice %arg9[%sub3A_471, %dma_wait3A_477] : memref<10240x128xf32, #tpu.memory_space<vmem_shared>> -> memref<80x128xf32, #tpu.memory_space<vmem_shared>>
    tpu.wait_dma2 semaphore(%arg25 : memref<!tpu.dma_semaphore, #tpu.memory_space<semaphore_mem>>) src(%dma_wait3A_478 : memref<80x128xf32, #tpu.memory_space<vmem_shared>>) dst(%dma_wait3A_476 : memref<80x128xf32, #tpu.memory_space<hbm>>)
    %dma_start3A_479 = arith.constant 0 : i32
    %dma_start3A_480 = tpu.memref_slice %arg7[%arg0, %add3A_469, %dma_start3A_479] : memref<2x10240x128xf32, #tpu.memory_space<hbm>> -> memref<1x80x128xf32, #tpu.memory_space<hbm>>
    %dma_start3A_481 = tpu.memref_squeeze %dma_start3A_480 : memref<1x80x128xf32, #tpu.memory_space<hbm>> -> memref<80x128xf32, #tpu.memory_space<hbm>>
    %dma_start3A_482 = arith.constant 0 : i32
    %dma_start3A_483 = tpu.memref_slice %arg9[%add3A_469, %dma_start3A_482] : memref<10240x128xf32, #tpu.memory_space<vmem_shared>> -> memref<80x128xf32, #tpu.memory_space<vmem_shared>>
    tpu.enqueue_dma source(%dma_start3A_483 : memref<80x128xf32, #tpu.memory_space<vmem_shared>>) target(%dma_start3A_481 : memref<80x128xf32, #tpu.memory_space<hbm>>) target_semaphore(%arg25 : memref<!tpu.dma_semaphore, #tpu.memory_space<semaphore_mem>>)
    %mul3A_484 = arith.constant 640 : i32
    %mul3A_485 = arith.muli %arg1, %mul3A_484 : i32
    %add3A_486 = arith.constant 480 : i32
    %add3A_487 = arith.addi %mul3A_485, %add3A_486 : i32
    %dma_wait3A_488 = arith.constant 0 : i32
    %dma_wait3A_489 = tpu.memref_slice %arg7[%arg0, %add3A_487, %dma_wait3A_488] : memref<2x10240x128xf32, #tpu.memory_space<hbm>> -> memref<1x80x128xf32, #tpu.memory_space<hbm>>
    %dma_wait3A_490 = tpu.memref_squeeze %dma_wait3A_489 : memref<1x80x128xf32, #tpu.memory_space<hbm>> -> memref<80x128xf32, #tpu.memory_space<hbm>>
    %dma_wait3A_491 = arith.constant 0 : i32
    %dma_wait3A_492 = tpu.memref_slice %arg9[%add3A_487, %dma_wait3A_491] : memref<10240x128xf32, #tpu.memory_space<vmem_shared>> -> memref<80x128xf32, #tpu.memory_space<vmem_shared>>
    tpu.wait_dma2 semaphore(%arg24 : memref<!tpu.dma_semaphore, #tpu.memory_space<semaphore_mem>>) src(%dma_wait3A_492 : memref<80x128xf32, #tpu.memory_space<vmem_shared>>) dst(%dma_wait3A_490 : memref<80x128xf32, #tpu.memory_space<hbm>>)
    %mul3A_493 = arith.constant 640 : i32
    %mul3A_494 = arith.muli %arg1, %mul3A_493 : i32
    %add3A_495 = arith.constant 560 : i32
    %add3A_496 = arith.addi %mul3A_494, %add3A_495 : i32
    %dma_wait3A_497 = arith.constant 0 : i32
    %dma_wait3A_498 = tpu.memref_slice %arg7[%arg0, %add3A_496, %dma_wait3A_497] : memref<2x10240x128xf32, #tpu.memory_space<hbm>> -> memref<1x80x128xf32, #tpu.memory_space<hbm>>
    %dma_wait3A_499 = tpu.memref_squeeze %dma_wait3A_498 : memref<1x80x128xf32, #tpu.memory_space<hbm>> -> memref<80x128xf32, #tpu.memory_space<hbm>>
    %dma_wait3A_500 = arith.constant 0 : i32
    %dma_wait3A_501 = tpu.memref_slice %arg9[%add3A_496, %dma_wait3A_500] : memref<10240x128xf32, #tpu.memory_space<vmem_shared>> -> memref<80x128xf32, #tpu.memory_space<vmem_shared>>
    tpu.wait_dma2 semaphore(%arg25 : memref<!tpu.dma_semaphore, #tpu.memory_space<semaphore_mem>>) src(%dma_wait3A_501 : memref<80x128xf32, #tpu.memory_space<vmem_shared>>) dst(%dma_wait3A_499 : memref<80x128xf32, #tpu.memory_space<hbm>>)
    return
  }
}

#map = affine_map<(d0, d1) -> (0, 0)>
#map1 = affine_map<(d0, d1) -> (0)>
#map2 = affine_map<(d0, d1) -> (0, 0, 0)>
module attributes {stable_mosaic.version = 14 : i64} {
  func.func @_gather_body(%arg0: i32, %arg1: i32, %arg2: memref<10000x128xf32, #tpu.memory_space<hbm>>, %arg3: memref<10000x128xf32, #tpu.memory_space<hbm>>, %arg4: memref<8192xi32, #tpu.memory_space<hbm>>, %arg5: memref<8192xi32, #tpu.memory_space<hbm>>, %arg6: memref<2x8192x128xf32, #tpu.memory_space<hbm>>, %arg7: memref<64xi32, #tpu.memory_space<vmem>>, %arg8: memref<2x64x128xf32, #tpu.memory_space<vmem>>, %arg9: memref<!tpu.dma_semaphore, #tpu.memory_space<semaphore_mem>>, %arg10: memref<!tpu.dma_semaphore, #tpu.memory_space<semaphore_mem>>, %arg11: memref<!tpu.dma_semaphore, #tpu.memory_space<semaphore_mem>>) attributes {dimension_semantics = [#tpu.dimension_semantics<core_parallel>, #tpu.dimension_semantics<subcore_parallel>], iteration_bounds = array<i64: 2, 16>, scalar_prefetch = 0 : i64, scratch_operands = 5 : i64, tpu.core_type = #tpu.core_type<sc_vector_subcore>, window_params = [{transform_indices = #map}, {transform_indices = #map}, {transform_indices = #map1}, {transform_indices = #map1}, {transform_indices = #map2}]} {
    %mul3A = arith.constant 2 : i32
    %mul3A_0 = arith.muli %arg1, %mul3A : i32
    %add3A = arith.addi %mul3A_0, %arg0 : i32
    %mul3A_1 = arith.constant 4 : i32
    %mul3A_2 = arith.muli %add3A, %mul3A_1 : i32
    %add3A_3 = arith.constant 0 : i32
    %add3A_4 = arith.addi %mul3A_2, %add3A_3 : i32
    %mul3A_5 = arith.constant 64 : i32
    %mul3A_6 = arith.muli %add3A_4, %mul3A_5 : i32
    "tpu.region"() ({
      %run_scoped3A = tpu.sem_alloc : memref<!tpu.dma_semaphore, #tpu.memory_space<semaphore_mem>>
      %dma_start3A_447 = tpu.memref_slice %arg4[%mul3A_6] : memref<8192xi32, #tpu.memory_space<hbm>> -> memref<64xi32, #tpu.memory_space<hbm>>
      %dma_start3A_448 = tpu.memref_slice %arg4[%mul3A_6] : memref<8192xi32, #tpu.memory_space<hbm>> -> memref<64xi32, #tpu.memory_space<hbm>>
      tpu.enqueue_dma source(%dma_start3A_448 : memref<64xi32, #tpu.memory_space<hbm>>) target(%arg7 : memref<64xi32, #tpu.memory_space<vmem>>) target_semaphore(%run_scoped3A : memref<!tpu.dma_semaphore, #tpu.memory_space<semaphore_mem>>)
      %dma_wait3A_449 = tpu.memref_slice %arg4[%mul3A_6] : memref<8192xi32, #tpu.memory_space<hbm>> -> memref<64xi32, #tpu.memory_space<hbm>>
      %dma_wait3A_450 = tpu.memref_slice %arg4[%mul3A_6] : memref<8192xi32, #tpu.memory_space<hbm>> -> memref<64xi32, #tpu.memory_space<hbm>>
      tpu.wait_dma2 semaphore(%run_scoped3A : memref<!tpu.dma_semaphore, #tpu.memory_space<semaphore_mem>>) src(%dma_wait3A_450 : memref<64xi32, #tpu.memory_space<hbm>>) dst(%arg7 : memref<64xi32, #tpu.memory_space<vmem>>)
      tpu.yield
    }) : () -> ()
    %dma_start3A = arith.constant 0 : i32
    %dma_start3A_7 = arith.constant 0 : i32
    %dma_start3A_8 = arith.constant 0 : i32
    %dma_start3A_9 = tpu.memref_slice %arg8[%dma_start3A, %dma_start3A_7, %dma_start3A_8] : memref<2x64x128xf32, #tpu.memory_space<vmem>> -> memref<1x64x128xf32, #tpu.memory_space<vmem>>
    %dma_start3A_10 = tpu.memref_squeeze %dma_start3A_9 : memref<1x64x128xf32, #tpu.memory_space<vmem>> -> memref<64x128xf32, #tpu.memory_space<vmem>>
    %dma_start3A_11 = arith.constant 0 : i32
    %dma_start3A_12 = arith.constant 0 : i32
    %dma_start3A_13 = tpu.memref_slice %arg2[%dma_start3A_11, %dma_start3A_12] : memref<10000x128xf32, #tpu.memory_space<hbm>> -> memref<10000x128xf32, #tpu.memory_space<hbm>>
    tpu.enqueue_indirect_dma source(%dma_start3A_13 : memref<10000x128xf32, #tpu.memory_space<hbm>>) target(%dma_start3A_10 : memref<64x128xf32, #tpu.memory_space<vmem>>) offsets(%arg7 : memref<64xi32, #tpu.memory_space<vmem>>) semaphore(%arg9 : memref<!tpu.dma_semaphore, #tpu.memory_space<semaphore_mem>>)
    %dma_wait3A = arith.constant 0 : i32
    %dma_wait3A_14 = arith.constant 0 : i32
    %dma_wait3A_15 = arith.constant 0 : i32
    %dma_wait3A_16 = tpu.memref_slice %arg8[%dma_wait3A, %dma_wait3A_14, %dma_wait3A_15] : memref<2x64x128xf32, #tpu.memory_space<vmem>> -> memref<1x64x128xf32, #tpu.memory_space<vmem>>
    %dma_wait3A_17 = tpu.memref_squeeze %dma_wait3A_16 : memref<1x64x128xf32, #tpu.memory_space<vmem>> -> memref<64x128xf32, #tpu.memory_space<vmem>>
    %dma_wait3A_18 = arith.constant 0 : i32
    %dma_wait3A_19 = arith.constant 0 : i32
    %dma_wait3A_20 = tpu.memref_slice %arg2[%dma_wait3A_18, %dma_wait3A_19] : memref<10000x128xf32, #tpu.memory_space<hbm>> -> memref<10000x128xf32, #tpu.memory_space<hbm>>
    tpu.wait_indirect_dma semaphore(%arg9 : memref<!tpu.dma_semaphore, #tpu.memory_space<semaphore_mem>>) src(%dma_wait3A_20 : memref<10000x128xf32, #tpu.memory_space<hbm>>) dst(%dma_wait3A_17 : memref<64x128xf32, #tpu.memory_space<vmem>>)
    %dma_start3A_21 = arith.constant 0 : i32
    %dma_start3A_22 = arith.constant 0 : i32
    %dma_start3A_23 = arith.constant 0 : i32
    %dma_start3A_24 = arith.constant 0 : i32
    %dma_start3A_25 = tpu.memref_slice %arg8[%dma_start3A_21, %dma_start3A_23, %dma_start3A_24] : memref<2x64x128xf32, #tpu.memory_space<vmem>> -> memref<1x64x128xf32, #tpu.memory_space<vmem>>
    %dma_start3A_26 = tpu.memref_squeeze %dma_start3A_25 : memref<1x64x128xf32, #tpu.memory_space<vmem>> -> memref<64x128xf32, #tpu.memory_space<vmem>>
    %dma_start3A_27 = arith.constant 0 : i32
    %dma_start3A_28 = tpu.memref_slice %arg6[%dma_start3A_22, %mul3A_6, %dma_start3A_27] : memref<2x8192x128xf32, #tpu.memory_space<hbm>> -> memref<1x64x128xf32, #tpu.memory_space<hbm>>
    %dma_start3A_29 = tpu.memref_squeeze %dma_start3A_28 : memref<1x64x128xf32, #tpu.memory_space<hbm>> -> memref<64x128xf32, #tpu.memory_space<hbm>>
    %dma_start3A_30 = arith.constant 0 : i32
    %dma_start3A_31 = tpu.memref_slice %arg6[%dma_start3A_22, %mul3A_6, %dma_start3A_30] : memref<2x8192x128xf32, #tpu.memory_space<hbm>> -> memref<1x64x128xf32, #tpu.memory_space<hbm>>
    %dma_start3A_32 = tpu.memref_squeeze %dma_start3A_31 : memref<1x64x128xf32, #tpu.memory_space<hbm>> -> memref<64x128xf32, #tpu.memory_space<hbm>>
    %dma_start3A_33 = arith.constant 0 : i32
    %dma_start3A_34 = arith.constant 0 : i32
    %dma_start3A_35 = tpu.memref_slice %arg8[%dma_start3A_21, %dma_start3A_33, %dma_start3A_34] : memref<2x64x128xf32, #tpu.memory_space<vmem>> -> memref<1x64x128xf32, #tpu.memory_space<vmem>>
    %dma_start3A_36 = tpu.memref_squeeze %dma_start3A_35 : memref<1x64x128xf32, #tpu.memory_space<vmem>> -> memref<64x128xf32, #tpu.memory_space<vmem>>
    tpu.enqueue_dma source(%dma_start3A_36 : memref<64x128xf32, #tpu.memory_space<vmem>>) target(%dma_start3A_32 : memref<64x128xf32, #tpu.memory_space<hbm>>) target_semaphore(%arg10 : memref<!tpu.dma_semaphore, #tpu.memory_space<semaphore_mem>>)
    %mul3A_37 = arith.constant 4 : i32
    %mul3A_38 = arith.muli %add3A, %mul3A_37 : i32
    %add3A_39 = arith.constant 1 : i32
    %add3A_40 = arith.addi %mul3A_38, %add3A_39 : i32
    %mul3A_41 = arith.constant 64 : i32
    %mul3A_42 = arith.muli %add3A_40, %mul3A_41 : i32
    %dma_wait3A_43 = arith.constant 0 : i32
    %dma_wait3A_44 = arith.constant 0 : i32
    %dma_wait3A_45 = arith.constant 0 : i32
    %dma_wait3A_46 = arith.constant 0 : i32
    %dma_wait3A_47 = tpu.memref_slice %arg8[%dma_wait3A_43, %dma_wait3A_45, %dma_wait3A_46] : memref<2x64x128xf32, #tpu.memory_space<vmem>> -> memref<1x64x128xf32, #tpu.memory_space<vmem>>
    %dma_wait3A_48 = tpu.memref_squeeze %dma_wait3A_47 : memref<1x64x128xf32, #tpu.memory_space<vmem>> -> memref<64x128xf32, #tpu.memory_space<vmem>>
    %dma_wait3A_49 = arith.constant 0 : i32
    %dma_wait3A_50 = arith.constant 0 : i32
    %dma_wait3A_51 = tpu.memref_slice %arg6[%dma_wait3A_44, %dma_wait3A_49, %dma_wait3A_50] : memref<2x8192x128xf32, #tpu.memory_space<hbm>> -> memref<1x64x128xf32, #tpu.memory_space<hbm>>
    %dma_wait3A_52 = tpu.memref_squeeze %dma_wait3A_51 : memref<1x64x128xf32, #tpu.memory_space<hbm>> -> memref<64x128xf32, #tpu.memory_space<hbm>>
    %dma_wait3A_53 = arith.constant 0 : i32
    %dma_wait3A_54 = arith.constant 0 : i32
    %dma_wait3A_55 = tpu.memref_slice %arg6[%dma_wait3A_44, %dma_wait3A_53, %dma_wait3A_54] : memref<2x8192x128xf32, #tpu.memory_space<hbm>> -> memref<1x64x128xf32, #tpu.memory_space<hbm>>
    %dma_wait3A_56 = tpu.memref_squeeze %dma_wait3A_55 : memref<1x64x128xf32, #tpu.memory_space<hbm>> -> memref<64x128xf32, #tpu.memory_space<hbm>>
    %dma_wait3A_57 = arith.constant 0 : i32
    %dma_wait3A_58 = arith.constant 0 : i32
    %dma_wait3A_59 = tpu.memref_slice %arg8[%dma_wait3A_43, %dma_wait3A_57, %dma_wait3A_58] : memref<2x64x128xf32, #tpu.memory_space<vmem>> -> memref<1x64x128xf32, #tpu.memory_space<vmem>>
    %dma_wait3A_60 = tpu.memref_squeeze %dma_wait3A_59 : memref<1x64x128xf32, #tpu.memory_space<vmem>> -> memref<64x128xf32, #tpu.memory_space<vmem>>
    tpu.wait_dma2 semaphore(%arg10 : memref<!tpu.dma_semaphore, #tpu.memory_space<semaphore_mem>>) src(%dma_wait3A_60 : memref<64x128xf32, #tpu.memory_space<vmem>>) dst(%dma_wait3A_56 : memref<64x128xf32, #tpu.memory_space<hbm>>)
    "tpu.region"() ({
      %run_scoped3A = tpu.sem_alloc : memref<!tpu.dma_semaphore, #tpu.memory_space<semaphore_mem>>
      %dma_start3A_447 = tpu.memref_slice %arg4[%mul3A_42] : memref<8192xi32, #tpu.memory_space<hbm>> -> memref<64xi32, #tpu.memory_space<hbm>>
      %dma_start3A_448 = tpu.memref_slice %arg4[%mul3A_42] : memref<8192xi32, #tpu.memory_space<hbm>> -> memref<64xi32, #tpu.memory_space<hbm>>
      tpu.enqueue_dma source(%dma_start3A_448 : memref<64xi32, #tpu.memory_space<hbm>>) target(%arg7 : memref<64xi32, #tpu.memory_space<vmem>>) target_semaphore(%run_scoped3A : memref<!tpu.dma_semaphore, #tpu.memory_space<semaphore_mem>>)
      %dma_wait3A_449 = tpu.memref_slice %arg4[%mul3A_42] : memref<8192xi32, #tpu.memory_space<hbm>> -> memref<64xi32, #tpu.memory_space<hbm>>
      %dma_wait3A_450 = tpu.memref_slice %arg4[%mul3A_42] : memref<8192xi32, #tpu.memory_space<hbm>> -> memref<64xi32, #tpu.memory_space<hbm>>
      tpu.wait_dma2 semaphore(%run_scoped3A : memref<!tpu.dma_semaphore, #tpu.memory_space<semaphore_mem>>) src(%dma_wait3A_450 : memref<64xi32, #tpu.memory_space<hbm>>) dst(%arg7 : memref<64xi32, #tpu.memory_space<vmem>>)
      tpu.yield
    }) : () -> ()
    %dma_start3A_61 = arith.constant 1 : i32
    %dma_start3A_62 = arith.constant 0 : i32
    %dma_start3A_63 = arith.constant 0 : i32
    %dma_start3A_64 = tpu.memref_slice %arg8[%dma_start3A_61, %dma_start3A_62, %dma_start3A_63] : memref<2x64x128xf32, #tpu.memory_space<vmem>> -> memref<1x64x128xf32, #tpu.memory_space<vmem>>
    %dma_start3A_65 = tpu.memref_squeeze %dma_start3A_64 : memref<1x64x128xf32, #tpu.memory_space<vmem>> -> memref<64x128xf32, #tpu.memory_space<vmem>>
    %dma_start3A_66 = arith.constant 0 : i32
    %dma_start3A_67 = arith.constant 0 : i32
    %dma_start3A_68 = tpu.memref_slice %arg2[%dma_start3A_66, %dma_start3A_67] : memref<10000x128xf32, #tpu.memory_space<hbm>> -> memref<10000x128xf32, #tpu.memory_space<hbm>>
    tpu.enqueue_indirect_dma source(%dma_start3A_68 : memref<10000x128xf32, #tpu.memory_space<hbm>>) target(%dma_start3A_65 : memref<64x128xf32, #tpu.memory_space<vmem>>) offsets(%arg7 : memref<64xi32, #tpu.memory_space<vmem>>) semaphore(%arg9 : memref<!tpu.dma_semaphore, #tpu.memory_space<semaphore_mem>>)
    %dma_wait3A_69 = arith.constant 1 : i32
    %dma_wait3A_70 = arith.constant 0 : i32
    %dma_wait3A_71 = arith.constant 0 : i32
    %dma_wait3A_72 = tpu.memref_slice %arg8[%dma_wait3A_69, %dma_wait3A_70, %dma_wait3A_71] : memref<2x64x128xf32, #tpu.memory_space<vmem>> -> memref<1x64x128xf32, #tpu.memory_space<vmem>>
    %dma_wait3A_73 = tpu.memref_squeeze %dma_wait3A_72 : memref<1x64x128xf32, #tpu.memory_space<vmem>> -> memref<64x128xf32, #tpu.memory_space<vmem>>
    %dma_wait3A_74 = arith.constant 0 : i32
    %dma_wait3A_75 = arith.constant 0 : i32
    %dma_wait3A_76 = tpu.memref_slice %arg2[%dma_wait3A_74, %dma_wait3A_75] : memref<10000x128xf32, #tpu.memory_space<hbm>> -> memref<10000x128xf32, #tpu.memory_space<hbm>>
    tpu.wait_indirect_dma semaphore(%arg9 : memref<!tpu.dma_semaphore, #tpu.memory_space<semaphore_mem>>) src(%dma_wait3A_76 : memref<10000x128xf32, #tpu.memory_space<hbm>>) dst(%dma_wait3A_73 : memref<64x128xf32, #tpu.memory_space<vmem>>)
    %dma_start3A_77 = arith.constant 1 : i32
    %dma_start3A_78 = arith.constant 0 : i32
    %dma_start3A_79 = arith.constant 0 : i32
    %dma_start3A_80 = arith.constant 0 : i32
    %dma_start3A_81 = tpu.memref_slice %arg8[%dma_start3A_77, %dma_start3A_79, %dma_start3A_80] : memref<2x64x128xf32, #tpu.memory_space<vmem>> -> memref<1x64x128xf32, #tpu.memory_space<vmem>>
    %dma_start3A_82 = tpu.memref_squeeze %dma_start3A_81 : memref<1x64x128xf32, #tpu.memory_space<vmem>> -> memref<64x128xf32, #tpu.memory_space<vmem>>
    %dma_start3A_83 = arith.constant 0 : i32
    %dma_start3A_84 = tpu.memref_slice %arg6[%dma_start3A_78, %mul3A_42, %dma_start3A_83] : memref<2x8192x128xf32, #tpu.memory_space<hbm>> -> memref<1x64x128xf32, #tpu.memory_space<hbm>>
    %dma_start3A_85 = tpu.memref_squeeze %dma_start3A_84 : memref<1x64x128xf32, #tpu.memory_space<hbm>> -> memref<64x128xf32, #tpu.memory_space<hbm>>
    %dma_start3A_86 = arith.constant 0 : i32
    %dma_start3A_87 = tpu.memref_slice %arg6[%dma_start3A_78, %mul3A_42, %dma_start3A_86] : memref<2x8192x128xf32, #tpu.memory_space<hbm>> -> memref<1x64x128xf32, #tpu.memory_space<hbm>>
    %dma_start3A_88 = tpu.memref_squeeze %dma_start3A_87 : memref<1x64x128xf32, #tpu.memory_space<hbm>> -> memref<64x128xf32, #tpu.memory_space<hbm>>
    %dma_start3A_89 = arith.constant 0 : i32
    %dma_start3A_90 = arith.constant 0 : i32
    %dma_start3A_91 = tpu.memref_slice %arg8[%dma_start3A_77, %dma_start3A_89, %dma_start3A_90] : memref<2x64x128xf32, #tpu.memory_space<vmem>> -> memref<1x64x128xf32, #tpu.memory_space<vmem>>
    %dma_start3A_92 = tpu.memref_squeeze %dma_start3A_91 : memref<1x64x128xf32, #tpu.memory_space<vmem>> -> memref<64x128xf32, #tpu.memory_space<vmem>>
    tpu.enqueue_dma source(%dma_start3A_92 : memref<64x128xf32, #tpu.memory_space<vmem>>) target(%dma_start3A_88 : memref<64x128xf32, #tpu.memory_space<hbm>>) target_semaphore(%arg11 : memref<!tpu.dma_semaphore, #tpu.memory_space<semaphore_mem>>)
    %mul3A_93 = arith.constant 4 : i32
    %mul3A_94 = arith.muli %add3A, %mul3A_93 : i32
    %add3A_95 = arith.constant 2 : i32
    %add3A_96 = arith.addi %mul3A_94, %add3A_95 : i32
    %mul3A_97 = arith.constant 64 : i32
    %mul3A_98 = arith.muli %add3A_96, %mul3A_97 : i32
    %dma_wait3A_99 = arith.constant 1 : i32
    %dma_wait3A_100 = arith.constant 0 : i32
    %dma_wait3A_101 = arith.constant 0 : i32
    %dma_wait3A_102 = arith.constant 0 : i32
    %dma_wait3A_103 = tpu.memref_slice %arg8[%dma_wait3A_99, %dma_wait3A_101, %dma_wait3A_102] : memref<2x64x128xf32, #tpu.memory_space<vmem>> -> memref<1x64x128xf32, #tpu.memory_space<vmem>>
    %dma_wait3A_104 = tpu.memref_squeeze %dma_wait3A_103 : memref<1x64x128xf32, #tpu.memory_space<vmem>> -> memref<64x128xf32, #tpu.memory_space<vmem>>
    %dma_wait3A_105 = arith.constant 0 : i32
    %dma_wait3A_106 = arith.constant 0 : i32
    %dma_wait3A_107 = tpu.memref_slice %arg6[%dma_wait3A_100, %dma_wait3A_105, %dma_wait3A_106] : memref<2x8192x128xf32, #tpu.memory_space<hbm>> -> memref<1x64x128xf32, #tpu.memory_space<hbm>>
    %dma_wait3A_108 = tpu.memref_squeeze %dma_wait3A_107 : memref<1x64x128xf32, #tpu.memory_space<hbm>> -> memref<64x128xf32, #tpu.memory_space<hbm>>
    %dma_wait3A_109 = arith.constant 0 : i32
    %dma_wait3A_110 = arith.constant 0 : i32
    %dma_wait3A_111 = tpu.memref_slice %arg6[%dma_wait3A_100, %dma_wait3A_109, %dma_wait3A_110] : memref<2x8192x128xf32, #tpu.memory_space<hbm>> -> memref<1x64x128xf32, #tpu.memory_space<hbm>>
    %dma_wait3A_112 = tpu.memref_squeeze %dma_wait3A_111 : memref<1x64x128xf32, #tpu.memory_space<hbm>> -> memref<64x128xf32, #tpu.memory_space<hbm>>
    %dma_wait3A_113 = arith.constant 0 : i32
    %dma_wait3A_114 = arith.constant 0 : i32
    %dma_wait3A_115 = tpu.memref_slice %arg8[%dma_wait3A_99, %dma_wait3A_113, %dma_wait3A_114] : memref<2x64x128xf32, #tpu.memory_space<vmem>> -> memref<1x64x128xf32, #tpu.memory_space<vmem>>
    %dma_wait3A_116 = tpu.memref_squeeze %dma_wait3A_115 : memref<1x64x128xf32, #tpu.memory_space<vmem>> -> memref<64x128xf32, #tpu.memory_space<vmem>>
    tpu.wait_dma2 semaphore(%arg11 : memref<!tpu.dma_semaphore, #tpu.memory_space<semaphore_mem>>) src(%dma_wait3A_116 : memref<64x128xf32, #tpu.memory_space<vmem>>) dst(%dma_wait3A_112 : memref<64x128xf32, #tpu.memory_space<hbm>>)
    "tpu.region"() ({
      %run_scoped3A = tpu.sem_alloc : memref<!tpu.dma_semaphore, #tpu.memory_space<semaphore_mem>>
      %dma_start3A_447 = tpu.memref_slice %arg4[%mul3A_98] : memref<8192xi32, #tpu.memory_space<hbm>> -> memref<64xi32, #tpu.memory_space<hbm>>
      %dma_start3A_448 = tpu.memref_slice %arg4[%mul3A_98] : memref<8192xi32, #tpu.memory_space<hbm>> -> memref<64xi32, #tpu.memory_space<hbm>>
      tpu.enqueue_dma source(%dma_start3A_448 : memref<64xi32, #tpu.memory_space<hbm>>) target(%arg7 : memref<64xi32, #tpu.memory_space<vmem>>) target_semaphore(%run_scoped3A : memref<!tpu.dma_semaphore, #tpu.memory_space<semaphore_mem>>)
      %dma_wait3A_449 = tpu.memref_slice %arg4[%mul3A_98] : memref<8192xi32, #tpu.memory_space<hbm>> -> memref<64xi32, #tpu.memory_space<hbm>>
      %dma_wait3A_450 = tpu.memref_slice %arg4[%mul3A_98] : memref<8192xi32, #tpu.memory_space<hbm>> -> memref<64xi32, #tpu.memory_space<hbm>>
      tpu.wait_dma2 semaphore(%run_scoped3A : memref<!tpu.dma_semaphore, #tpu.memory_space<semaphore_mem>>) src(%dma_wait3A_450 : memref<64xi32, #tpu.memory_space<hbm>>) dst(%arg7 : memref<64xi32, #tpu.memory_space<vmem>>)
      tpu.yield
    }) : () -> ()
    %dma_start3A_117 = arith.constant 0 : i32
    %dma_start3A_118 = arith.constant 0 : i32
    %dma_start3A_119 = arith.constant 0 : i32
    %dma_start3A_120 = tpu.memref_slice %arg8[%dma_start3A_117, %dma_start3A_118, %dma_start3A_119] : memref<2x64x128xf32, #tpu.memory_space<vmem>> -> memref<1x64x128xf32, #tpu.memory_space<vmem>>
    %dma_start3A_121 = tpu.memref_squeeze %dma_start3A_120 : memref<1x64x128xf32, #tpu.memory_space<vmem>> -> memref<64x128xf32, #tpu.memory_space<vmem>>
    %dma_start3A_122 = arith.constant 0 : i32
    %dma_start3A_123 = arith.constant 0 : i32
    %dma_start3A_124 = tpu.memref_slice %arg2[%dma_start3A_122, %dma_start3A_123] : memref<10000x128xf32, #tpu.memory_space<hbm>> -> memref<10000x128xf32, #tpu.memory_space<hbm>>
    tpu.enqueue_indirect_dma source(%dma_start3A_124 : memref<10000x128xf32, #tpu.memory_space<hbm>>) target(%dma_start3A_121 : memref<64x128xf32, #tpu.memory_space<vmem>>) offsets(%arg7 : memref<64xi32, #tpu.memory_space<vmem>>) semaphore(%arg9 : memref<!tpu.dma_semaphore, #tpu.memory_space<semaphore_mem>>)
    %dma_wait3A_125 = arith.constant 0 : i32
    %dma_wait3A_126 = arith.constant 0 : i32
    %dma_wait3A_127 = arith.constant 0 : i32
    %dma_wait3A_128 = tpu.memref_slice %arg8[%dma_wait3A_125, %dma_wait3A_126, %dma_wait3A_127] : memref<2x64x128xf32, #tpu.memory_space<vmem>> -> memref<1x64x128xf32, #tpu.memory_space<vmem>>
    %dma_wait3A_129 = tpu.memref_squeeze %dma_wait3A_128 : memref<1x64x128xf32, #tpu.memory_space<vmem>> -> memref<64x128xf32, #tpu.memory_space<vmem>>
    %dma_wait3A_130 = arith.constant 0 : i32
    %dma_wait3A_131 = arith.constant 0 : i32
    %dma_wait3A_132 = tpu.memref_slice %arg2[%dma_wait3A_130, %dma_wait3A_131] : memref<10000x128xf32, #tpu.memory_space<hbm>> -> memref<10000x128xf32, #tpu.memory_space<hbm>>
    tpu.wait_indirect_dma semaphore(%arg9 : memref<!tpu.dma_semaphore, #tpu.memory_space<semaphore_mem>>) src(%dma_wait3A_132 : memref<10000x128xf32, #tpu.memory_space<hbm>>) dst(%dma_wait3A_129 : memref<64x128xf32, #tpu.memory_space<vmem>>)
    %dma_start3A_133 = arith.constant 0 : i32
    %dma_start3A_134 = arith.constant 0 : i32
    %dma_start3A_135 = arith.constant 0 : i32
    %dma_start3A_136 = arith.constant 0 : i32
    %dma_start3A_137 = tpu.memref_slice %arg8[%dma_start3A_133, %dma_start3A_135, %dma_start3A_136] : memref<2x64x128xf32, #tpu.memory_space<vmem>> -> memref<1x64x128xf32, #tpu.memory_space<vmem>>
    %dma_start3A_138 = tpu.memref_squeeze %dma_start3A_137 : memref<1x64x128xf32, #tpu.memory_space<vmem>> -> memref<64x128xf32, #tpu.memory_space<vmem>>
    %dma_start3A_139 = arith.constant 0 : i32
    %dma_start3A_140 = tpu.memref_slice %arg6[%dma_start3A_134, %mul3A_98, %dma_start3A_139] : memref<2x8192x128xf32, #tpu.memory_space<hbm>> -> memref<1x64x128xf32, #tpu.memory_space<hbm>>
    %dma_start3A_141 = tpu.memref_squeeze %dma_start3A_140 : memref<1x64x128xf32, #tpu.memory_space<hbm>> -> memref<64x128xf32, #tpu.memory_space<hbm>>
    %dma_start3A_142 = arith.constant 0 : i32
    %dma_start3A_143 = tpu.memref_slice %arg6[%dma_start3A_134, %mul3A_98, %dma_start3A_142] : memref<2x8192x128xf32, #tpu.memory_space<hbm>> -> memref<1x64x128xf32, #tpu.memory_space<hbm>>
    %dma_start3A_144 = tpu.memref_squeeze %dma_start3A_143 : memref<1x64x128xf32, #tpu.memory_space<hbm>> -> memref<64x128xf32, #tpu.memory_space<hbm>>
    %dma_start3A_145 = arith.constant 0 : i32
    %dma_start3A_146 = arith.constant 0 : i32
    %dma_start3A_147 = tpu.memref_slice %arg8[%dma_start3A_133, %dma_start3A_145, %dma_start3A_146] : memref<2x64x128xf32, #tpu.memory_space<vmem>> -> memref<1x64x128xf32, #tpu.memory_space<vmem>>
    %dma_start3A_148 = tpu.memref_squeeze %dma_start3A_147 : memref<1x64x128xf32, #tpu.memory_space<vmem>> -> memref<64x128xf32, #tpu.memory_space<vmem>>
    tpu.enqueue_dma source(%dma_start3A_148 : memref<64x128xf32, #tpu.memory_space<vmem>>) target(%dma_start3A_144 : memref<64x128xf32, #tpu.memory_space<hbm>>) target_semaphore(%arg10 : memref<!tpu.dma_semaphore, #tpu.memory_space<semaphore_mem>>)
    %mul3A_149 = arith.constant 4 : i32
    %mul3A_150 = arith.muli %add3A, %mul3A_149 : i32
    %add3A_151 = arith.constant 3 : i32
    %add3A_152 = arith.addi %mul3A_150, %add3A_151 : i32
    %mul3A_153 = arith.constant 64 : i32
    %mul3A_154 = arith.muli %add3A_152, %mul3A_153 : i32
    %dma_wait3A_155 = arith.constant 0 : i32
    %dma_wait3A_156 = arith.constant 0 : i32
    %dma_wait3A_157 = arith.constant 0 : i32
    %dma_wait3A_158 = arith.constant 0 : i32
    %dma_wait3A_159 = tpu.memref_slice %arg8[%dma_wait3A_155, %dma_wait3A_157, %dma_wait3A_158] : memref<2x64x128xf32, #tpu.memory_space<vmem>> -> memref<1x64x128xf32, #tpu.memory_space<vmem>>
    %dma_wait3A_160 = tpu.memref_squeeze %dma_wait3A_159 : memref<1x64x128xf32, #tpu.memory_space<vmem>> -> memref<64x128xf32, #tpu.memory_space<vmem>>
    %dma_wait3A_161 = arith.constant 0 : i32
    %dma_wait3A_162 = arith.constant 0 : i32
    %dma_wait3A_163 = tpu.memref_slice %arg6[%dma_wait3A_156, %dma_wait3A_161, %dma_wait3A_162] : memref<2x8192x128xf32, #tpu.memory_space<hbm>> -> memref<1x64x128xf32, #tpu.memory_space<hbm>>
    %dma_wait3A_164 = tpu.memref_squeeze %dma_wait3A_163 : memref<1x64x128xf32, #tpu.memory_space<hbm>> -> memref<64x128xf32, #tpu.memory_space<hbm>>
    %dma_wait3A_165 = arith.constant 0 : i32
    %dma_wait3A_166 = arith.constant 0 : i32
    %dma_wait3A_167 = tpu.memref_slice %arg6[%dma_wait3A_156, %dma_wait3A_165, %dma_wait3A_166] : memref<2x8192x128xf32, #tpu.memory_space<hbm>> -> memref<1x64x128xf32, #tpu.memory_space<hbm>>
    %dma_wait3A_168 = tpu.memref_squeeze %dma_wait3A_167 : memref<1x64x128xf32, #tpu.memory_space<hbm>> -> memref<64x128xf32, #tpu.memory_space<hbm>>
    %dma_wait3A_169 = arith.constant 0 : i32
    %dma_wait3A_170 = arith.constant 0 : i32
    %dma_wait3A_171 = tpu.memref_slice %arg8[%dma_wait3A_155, %dma_wait3A_169, %dma_wait3A_170] : memref<2x64x128xf32, #tpu.memory_space<vmem>> -> memref<1x64x128xf32, #tpu.memory_space<vmem>>
    %dma_wait3A_172 = tpu.memref_squeeze %dma_wait3A_171 : memref<1x64x128xf32, #tpu.memory_space<vmem>> -> memref<64x128xf32, #tpu.memory_space<vmem>>
    tpu.wait_dma2 semaphore(%arg10 : memref<!tpu.dma_semaphore, #tpu.memory_space<semaphore_mem>>) src(%dma_wait3A_172 : memref<64x128xf32, #tpu.memory_space<vmem>>) dst(%dma_wait3A_168 : memref<64x128xf32, #tpu.memory_space<hbm>>)
    "tpu.region"() ({
      %run_scoped3A = tpu.sem_alloc : memref<!tpu.dma_semaphore, #tpu.memory_space<semaphore_mem>>
      %dma_start3A_447 = tpu.memref_slice %arg4[%mul3A_154] : memref<8192xi32, #tpu.memory_space<hbm>> -> memref<64xi32, #tpu.memory_space<hbm>>
      %dma_start3A_448 = tpu.memref_slice %arg4[%mul3A_154] : memref<8192xi32, #tpu.memory_space<hbm>> -> memref<64xi32, #tpu.memory_space<hbm>>
      tpu.enqueue_dma source(%dma_start3A_448 : memref<64xi32, #tpu.memory_space<hbm>>) target(%arg7 : memref<64xi32, #tpu.memory_space<vmem>>) target_semaphore(%run_scoped3A : memref<!tpu.dma_semaphore, #tpu.memory_space<semaphore_mem>>)
      %dma_wait3A_449 = tpu.memref_slice %arg4[%mul3A_154] : memref<8192xi32, #tpu.memory_space<hbm>> -> memref<64xi32, #tpu.memory_space<hbm>>
      %dma_wait3A_450 = tpu.memref_slice %arg4[%mul3A_154] : memref<8192xi32, #tpu.memory_space<hbm>> -> memref<64xi32, #tpu.memory_space<hbm>>
      tpu.wait_dma2 semaphore(%run_scoped3A : memref<!tpu.dma_semaphore, #tpu.memory_space<semaphore_mem>>) src(%dma_wait3A_450 : memref<64xi32, #tpu.memory_space<hbm>>) dst(%arg7 : memref<64xi32, #tpu.memory_space<vmem>>)
      tpu.yield
    }) : () -> ()
    %dma_start3A_173 = arith.constant 1 : i32
    %dma_start3A_174 = arith.constant 0 : i32
    %dma_start3A_175 = arith.constant 0 : i32
    %dma_start3A_176 = tpu.memref_slice %arg8[%dma_start3A_173, %dma_start3A_174, %dma_start3A_175] : memref<2x64x128xf32, #tpu.memory_space<vmem>> -> memref<1x64x128xf32, #tpu.memory_space<vmem>>
    %dma_start3A_177 = tpu.memref_squeeze %dma_start3A_176 : memref<1x64x128xf32, #tpu.memory_space<vmem>> -> memref<64x128xf32, #tpu.memory_space<vmem>>
    %dma_start3A_178 = arith.constant 0 : i32
    %dma_start3A_179 = arith.constant 0 : i32
    %dma_start3A_180 = tpu.memref_slice %arg2[%dma_start3A_178, %dma_start3A_179] : memref<10000x128xf32, #tpu.memory_space<hbm>> -> memref<10000x128xf32, #tpu.memory_space<hbm>>
    tpu.enqueue_indirect_dma source(%dma_start3A_180 : memref<10000x128xf32, #tpu.memory_space<hbm>>) target(%dma_start3A_177 : memref<64x128xf32, #tpu.memory_space<vmem>>) offsets(%arg7 : memref<64xi32, #tpu.memory_space<vmem>>) semaphore(%arg9 : memref<!tpu.dma_semaphore, #tpu.memory_space<semaphore_mem>>)
    %dma_wait3A_181 = arith.constant 1 : i32
    %dma_wait3A_182 = arith.constant 0 : i32
    %dma_wait3A_183 = arith.constant 0 : i32
    %dma_wait3A_184 = tpu.memref_slice %arg8[%dma_wait3A_181, %dma_wait3A_182, %dma_wait3A_183] : memref<2x64x128xf32, #tpu.memory_space<vmem>> -> memref<1x64x128xf32, #tpu.memory_space<vmem>>
    %dma_wait3A_185 = tpu.memref_squeeze %dma_wait3A_184 : memref<1x64x128xf32, #tpu.memory_space<vmem>> -> memref<64x128xf32, #tpu.memory_space<vmem>>
    %dma_wait3A_186 = arith.constant 0 : i32
    %dma_wait3A_187 = arith.constant 0 : i32
    %dma_wait3A_188 = tpu.memref_slice %arg2[%dma_wait3A_186, %dma_wait3A_187] : memref<10000x128xf32, #tpu.memory_space<hbm>> -> memref<10000x128xf32, #tpu.memory_space<hbm>>
    tpu.wait_indirect_dma semaphore(%arg9 : memref<!tpu.dma_semaphore, #tpu.memory_space<semaphore_mem>>) src(%dma_wait3A_188 : memref<10000x128xf32, #tpu.memory_space<hbm>>) dst(%dma_wait3A_185 : memref<64x128xf32, #tpu.memory_space<vmem>>)
    %dma_start3A_189 = arith.constant 1 : i32
    %dma_start3A_190 = arith.constant 0 : i32
    %dma_start3A_191 = arith.constant 0 : i32
    %dma_start3A_192 = arith.constant 0 : i32
    %dma_start3A_193 = tpu.memref_slice %arg8[%dma_start3A_189, %dma_start3A_191, %dma_start3A_192] : memref<2x64x128xf32, #tpu.memory_space<vmem>> -> memref<1x64x128xf32, #tpu.memory_space<vmem>>
    %dma_start3A_194 = tpu.memref_squeeze %dma_start3A_193 : memref<1x64x128xf32, #tpu.memory_space<vmem>> -> memref<64x128xf32, #tpu.memory_space<vmem>>
    %dma_start3A_195 = arith.constant 0 : i32
    %dma_start3A_196 = tpu.memref_slice %arg6[%dma_start3A_190, %mul3A_154, %dma_start3A_195] : memref<2x8192x128xf32, #tpu.memory_space<hbm>> -> memref<1x64x128xf32, #tpu.memory_space<hbm>>
    %dma_start3A_197 = tpu.memref_squeeze %dma_start3A_196 : memref<1x64x128xf32, #tpu.memory_space<hbm>> -> memref<64x128xf32, #tpu.memory_space<hbm>>
    %dma_start3A_198 = arith.constant 0 : i32
    %dma_start3A_199 = tpu.memref_slice %arg6[%dma_start3A_190, %mul3A_154, %dma_start3A_198] : memref<2x8192x128xf32, #tpu.memory_space<hbm>> -> memref<1x64x128xf32, #tpu.memory_space<hbm>>
    %dma_start3A_200 = tpu.memref_squeeze %dma_start3A_199 : memref<1x64x128xf32, #tpu.memory_space<hbm>> -> memref<64x128xf32, #tpu.memory_space<hbm>>
    %dma_start3A_201 = arith.constant 0 : i32
    %dma_start3A_202 = arith.constant 0 : i32
    %dma_start3A_203 = tpu.memref_slice %arg8[%dma_start3A_189, %dma_start3A_201, %dma_start3A_202] : memref<2x64x128xf32, #tpu.memory_space<vmem>> -> memref<1x64x128xf32, #tpu.memory_space<vmem>>
    %dma_start3A_204 = tpu.memref_squeeze %dma_start3A_203 : memref<1x64x128xf32, #tpu.memory_space<vmem>> -> memref<64x128xf32, #tpu.memory_space<vmem>>
    tpu.enqueue_dma source(%dma_start3A_204 : memref<64x128xf32, #tpu.memory_space<vmem>>) target(%dma_start3A_200 : memref<64x128xf32, #tpu.memory_space<hbm>>) target_semaphore(%arg11 : memref<!tpu.dma_semaphore, #tpu.memory_space<semaphore_mem>>)
    %mul3A_205 = arith.constant 4 : i32
    %mul3A_206 = arith.muli %add3A, %mul3A_205 : i32
    %add3A_207 = arith.constant 0 : i32
    %add3A_208 = arith.addi %mul3A_206, %add3A_207 : i32
    %mul3A_209 = arith.constant 64 : i32
    %mul3A_210 = arith.muli %add3A_208, %mul3A_209 : i32
    %dma_wait3A_211 = arith.constant 1 : i32
    %dma_wait3A_212 = arith.constant 0 : i32
    %dma_wait3A_213 = arith.constant 0 : i32
    %dma_wait3A_214 = arith.constant 0 : i32
    %dma_wait3A_215 = tpu.memref_slice %arg8[%dma_wait3A_211, %dma_wait3A_213, %dma_wait3A_214] : memref<2x64x128xf32, #tpu.memory_space<vmem>> -> memref<1x64x128xf32, #tpu.memory_space<vmem>>
    %dma_wait3A_216 = tpu.memref_squeeze %dma_wait3A_215 : memref<1x64x128xf32, #tpu.memory_space<vmem>> -> memref<64x128xf32, #tpu.memory_space<vmem>>
    %dma_wait3A_217 = arith.constant 0 : i32
    %dma_wait3A_218 = arith.constant 0 : i32
    %dma_wait3A_219 = tpu.memref_slice %arg6[%dma_wait3A_212, %dma_wait3A_217, %dma_wait3A_218] : memref<2x8192x128xf32, #tpu.memory_space<hbm>> -> memref<1x64x128xf32, #tpu.memory_space<hbm>>
    %dma_wait3A_220 = tpu.memref_squeeze %dma_wait3A_219 : memref<1x64x128xf32, #tpu.memory_space<hbm>> -> memref<64x128xf32, #tpu.memory_space<hbm>>
    %dma_wait3A_221 = arith.constant 0 : i32
    %dma_wait3A_222 = arith.constant 0 : i32
    %dma_wait3A_223 = tpu.memref_slice %arg6[%dma_wait3A_212, %dma_wait3A_221, %dma_wait3A_222] : memref<2x8192x128xf32, #tpu.memory_space<hbm>> -> memref<1x64x128xf32, #tpu.memory_space<hbm>>
    %dma_wait3A_224 = tpu.memref_squeeze %dma_wait3A_223 : memref<1x64x128xf32, #tpu.memory_space<hbm>> -> memref<64x128xf32, #tpu.memory_space<hbm>>
    %dma_wait3A_225 = arith.constant 0 : i32
    %dma_wait3A_226 = arith.constant 0 : i32
    %dma_wait3A_227 = tpu.memref_slice %arg8[%dma_wait3A_211, %dma_wait3A_225, %dma_wait3A_226] : memref<2x64x128xf32, #tpu.memory_space<vmem>> -> memref<1x64x128xf32, #tpu.memory_space<vmem>>
    %dma_wait3A_228 = tpu.memref_squeeze %dma_wait3A_227 : memref<1x64x128xf32, #tpu.memory_space<vmem>> -> memref<64x128xf32, #tpu.memory_space<vmem>>
    tpu.wait_dma2 semaphore(%arg11 : memref<!tpu.dma_semaphore, #tpu.memory_space<semaphore_mem>>) src(%dma_wait3A_228 : memref<64x128xf32, #tpu.memory_space<vmem>>) dst(%dma_wait3A_224 : memref<64x128xf32, #tpu.memory_space<hbm>>)
    "tpu.region"() ({
      %run_scoped3A = tpu.sem_alloc : memref<!tpu.dma_semaphore, #tpu.memory_space<semaphore_mem>>
      %dma_start3A_447 = tpu.memref_slice %arg5[%mul3A_210] : memref<8192xi32, #tpu.memory_space<hbm>> -> memref<64xi32, #tpu.memory_space<hbm>>
      %dma_start3A_448 = tpu.memref_slice %arg5[%mul3A_210] : memref<8192xi32, #tpu.memory_space<hbm>> -> memref<64xi32, #tpu.memory_space<hbm>>
      tpu.enqueue_dma source(%dma_start3A_448 : memref<64xi32, #tpu.memory_space<hbm>>) target(%arg7 : memref<64xi32, #tpu.memory_space<vmem>>) target_semaphore(%run_scoped3A : memref<!tpu.dma_semaphore, #tpu.memory_space<semaphore_mem>>)
      %dma_wait3A_449 = tpu.memref_slice %arg5[%mul3A_210] : memref<8192xi32, #tpu.memory_space<hbm>> -> memref<64xi32, #tpu.memory_space<hbm>>
      %dma_wait3A_450 = tpu.memref_slice %arg5[%mul3A_210] : memref<8192xi32, #tpu.memory_space<hbm>> -> memref<64xi32, #tpu.memory_space<hbm>>
      tpu.wait_dma2 semaphore(%run_scoped3A : memref<!tpu.dma_semaphore, #tpu.memory_space<semaphore_mem>>) src(%dma_wait3A_450 : memref<64xi32, #tpu.memory_space<hbm>>) dst(%arg7 : memref<64xi32, #tpu.memory_space<vmem>>)
      tpu.yield
    }) : () -> ()
    %dma_start3A_229 = arith.constant 0 : i32
    %dma_start3A_230 = arith.constant 0 : i32
    %dma_start3A_231 = arith.constant 0 : i32
    %dma_start3A_232 = tpu.memref_slice %arg8[%dma_start3A_229, %dma_start3A_230, %dma_start3A_231] : memref<2x64x128xf32, #tpu.memory_space<vmem>> -> memref<1x64x128xf32, #tpu.memory_space<vmem>>
    %dma_start3A_233 = tpu.memref_squeeze %dma_start3A_232 : memref<1x64x128xf32, #tpu.memory_space<vmem>> -> memref<64x128xf32, #tpu.memory_space<vmem>>
    %dma_start3A_234 = arith.constant 0 : i32
    %dma_start3A_235 = arith.constant 0 : i32
    %dma_start3A_236 = tpu.memref_slice %arg3[%dma_start3A_234, %dma_start3A_235] : memref<10000x128xf32, #tpu.memory_space<hbm>> -> memref<10000x128xf32, #tpu.memory_space<hbm>>
    tpu.enqueue_indirect_dma source(%dma_start3A_236 : memref<10000x128xf32, #tpu.memory_space<hbm>>) target(%dma_start3A_233 : memref<64x128xf32, #tpu.memory_space<vmem>>) offsets(%arg7 : memref<64xi32, #tpu.memory_space<vmem>>) semaphore(%arg9 : memref<!tpu.dma_semaphore, #tpu.memory_space<semaphore_mem>>)
    %dma_wait3A_237 = arith.constant 0 : i32
    %dma_wait3A_238 = arith.constant 0 : i32
    %dma_wait3A_239 = arith.constant 0 : i32
    %dma_wait3A_240 = tpu.memref_slice %arg8[%dma_wait3A_237, %dma_wait3A_238, %dma_wait3A_239] : memref<2x64x128xf32, #tpu.memory_space<vmem>> -> memref<1x64x128xf32, #tpu.memory_space<vmem>>
    %dma_wait3A_241 = tpu.memref_squeeze %dma_wait3A_240 : memref<1x64x128xf32, #tpu.memory_space<vmem>> -> memref<64x128xf32, #tpu.memory_space<vmem>>
    %dma_wait3A_242 = arith.constant 0 : i32
    %dma_wait3A_243 = arith.constant 0 : i32
    %dma_wait3A_244 = tpu.memref_slice %arg3[%dma_wait3A_242, %dma_wait3A_243] : memref<10000x128xf32, #tpu.memory_space<hbm>> -> memref<10000x128xf32, #tpu.memory_space<hbm>>
    tpu.wait_indirect_dma semaphore(%arg9 : memref<!tpu.dma_semaphore, #tpu.memory_space<semaphore_mem>>) src(%dma_wait3A_244 : memref<10000x128xf32, #tpu.memory_space<hbm>>) dst(%dma_wait3A_241 : memref<64x128xf32, #tpu.memory_space<vmem>>)
    %dma_start3A_245 = arith.constant 0 : i32
    %dma_start3A_246 = arith.constant 1 : i32
    %dma_start3A_247 = arith.constant 0 : i32
    %dma_start3A_248 = arith.constant 0 : i32
    %dma_start3A_249 = tpu.memref_slice %arg8[%dma_start3A_245, %dma_start3A_247, %dma_start3A_248] : memref<2x64x128xf32, #tpu.memory_space<vmem>> -> memref<1x64x128xf32, #tpu.memory_space<vmem>>
    %dma_start3A_250 = tpu.memref_squeeze %dma_start3A_249 : memref<1x64x128xf32, #tpu.memory_space<vmem>> -> memref<64x128xf32, #tpu.memory_space<vmem>>
    %dma_start3A_251 = arith.constant 0 : i32
    %dma_start3A_252 = tpu.memref_slice %arg6[%dma_start3A_246, %mul3A_210, %dma_start3A_251] : memref<2x8192x128xf32, #tpu.memory_space<hbm>> -> memref<1x64x128xf32, #tpu.memory_space<hbm>>
    %dma_start3A_253 = tpu.memref_squeeze %dma_start3A_252 : memref<1x64x128xf32, #tpu.memory_space<hbm>> -> memref<64x128xf32, #tpu.memory_space<hbm>>
    %dma_start3A_254 = arith.constant 0 : i32
    %dma_start3A_255 = tpu.memref_slice %arg6[%dma_start3A_246, %mul3A_210, %dma_start3A_254] : memref<2x8192x128xf32, #tpu.memory_space<hbm>> -> memref<1x64x128xf32, #tpu.memory_space<hbm>>
    %dma_start3A_256 = tpu.memref_squeeze %dma_start3A_255 : memref<1x64x128xf32, #tpu.memory_space<hbm>> -> memref<64x128xf32, #tpu.memory_space<hbm>>
    %dma_start3A_257 = arith.constant 0 : i32
    %dma_start3A_258 = arith.constant 0 : i32
    %dma_start3A_259 = tpu.memref_slice %arg8[%dma_start3A_245, %dma_start3A_257, %dma_start3A_258] : memref<2x64x128xf32, #tpu.memory_space<vmem>> -> memref<1x64x128xf32, #tpu.memory_space<vmem>>
    %dma_start3A_260 = tpu.memref_squeeze %dma_start3A_259 : memref<1x64x128xf32, #tpu.memory_space<vmem>> -> memref<64x128xf32, #tpu.memory_space<vmem>>
    tpu.enqueue_dma source(%dma_start3A_260 : memref<64x128xf32, #tpu.memory_space<vmem>>) target(%dma_start3A_256 : memref<64x128xf32, #tpu.memory_space<hbm>>) target_semaphore(%arg10 : memref<!tpu.dma_semaphore, #tpu.memory_space<semaphore_mem>>)
    %mul3A_261 = arith.constant 4 : i32
    %mul3A_262 = arith.muli %add3A, %mul3A_261 : i32
    %add3A_263 = arith.constant 1 : i32
    %add3A_264 = arith.addi %mul3A_262, %add3A_263 : i32
    %mul3A_265 = arith.constant 64 : i32
    %mul3A_266 = arith.muli %add3A_264, %mul3A_265 : i32
    %dma_wait3A_267 = arith.constant 0 : i32
    %dma_wait3A_268 = arith.constant 0 : i32
    %dma_wait3A_269 = arith.constant 0 : i32
    %dma_wait3A_270 = arith.constant 0 : i32
    %dma_wait3A_271 = tpu.memref_slice %arg8[%dma_wait3A_267, %dma_wait3A_269, %dma_wait3A_270] : memref<2x64x128xf32, #tpu.memory_space<vmem>> -> memref<1x64x128xf32, #tpu.memory_space<vmem>>
    %dma_wait3A_272 = tpu.memref_squeeze %dma_wait3A_271 : memref<1x64x128xf32, #tpu.memory_space<vmem>> -> memref<64x128xf32, #tpu.memory_space<vmem>>
    %dma_wait3A_273 = arith.constant 0 : i32
    %dma_wait3A_274 = arith.constant 0 : i32
    %dma_wait3A_275 = tpu.memref_slice %arg6[%dma_wait3A_268, %dma_wait3A_273, %dma_wait3A_274] : memref<2x8192x128xf32, #tpu.memory_space<hbm>> -> memref<1x64x128xf32, #tpu.memory_space<hbm>>
    %dma_wait3A_276 = tpu.memref_squeeze %dma_wait3A_275 : memref<1x64x128xf32, #tpu.memory_space<hbm>> -> memref<64x128xf32, #tpu.memory_space<hbm>>
    %dma_wait3A_277 = arith.constant 0 : i32
    %dma_wait3A_278 = arith.constant 0 : i32
    %dma_wait3A_279 = tpu.memref_slice %arg6[%dma_wait3A_268, %dma_wait3A_277, %dma_wait3A_278] : memref<2x8192x128xf32, #tpu.memory_space<hbm>> -> memref<1x64x128xf32, #tpu.memory_space<hbm>>
    %dma_wait3A_280 = tpu.memref_squeeze %dma_wait3A_279 : memref<1x64x128xf32, #tpu.memory_space<hbm>> -> memref<64x128xf32, #tpu.memory_space<hbm>>
    %dma_wait3A_281 = arith.constant 0 : i32
    %dma_wait3A_282 = arith.constant 0 : i32
    %dma_wait3A_283 = tpu.memref_slice %arg8[%dma_wait3A_267, %dma_wait3A_281, %dma_wait3A_282] : memref<2x64x128xf32, #tpu.memory_space<vmem>> -> memref<1x64x128xf32, #tpu.memory_space<vmem>>
    %dma_wait3A_284 = tpu.memref_squeeze %dma_wait3A_283 : memref<1x64x128xf32, #tpu.memory_space<vmem>> -> memref<64x128xf32, #tpu.memory_space<vmem>>
    tpu.wait_dma2 semaphore(%arg10 : memref<!tpu.dma_semaphore, #tpu.memory_space<semaphore_mem>>) src(%dma_wait3A_284 : memref<64x128xf32, #tpu.memory_space<vmem>>) dst(%dma_wait3A_280 : memref<64x128xf32, #tpu.memory_space<hbm>>)
    "tpu.region"() ({
      %run_scoped3A = tpu.sem_alloc : memref<!tpu.dma_semaphore, #tpu.memory_space<semaphore_mem>>
      %dma_start3A_447 = tpu.memref_slice %arg5[%mul3A_266] : memref<8192xi32, #tpu.memory_space<hbm>> -> memref<64xi32, #tpu.memory_space<hbm>>
      %dma_start3A_448 = tpu.memref_slice %arg5[%mul3A_266] : memref<8192xi32, #tpu.memory_space<hbm>> -> memref<64xi32, #tpu.memory_space<hbm>>
      tpu.enqueue_dma source(%dma_start3A_448 : memref<64xi32, #tpu.memory_space<hbm>>) target(%arg7 : memref<64xi32, #tpu.memory_space<vmem>>) target_semaphore(%run_scoped3A : memref<!tpu.dma_semaphore, #tpu.memory_space<semaphore_mem>>)
      %dma_wait3A_449 = tpu.memref_slice %arg5[%mul3A_266] : memref<8192xi32, #tpu.memory_space<hbm>> -> memref<64xi32, #tpu.memory_space<hbm>>
      %dma_wait3A_450 = tpu.memref_slice %arg5[%mul3A_266] : memref<8192xi32, #tpu.memory_space<hbm>> -> memref<64xi32, #tpu.memory_space<hbm>>
      tpu.wait_dma2 semaphore(%run_scoped3A : memref<!tpu.dma_semaphore, #tpu.memory_space<semaphore_mem>>) src(%dma_wait3A_450 : memref<64xi32, #tpu.memory_space<hbm>>) dst(%arg7 : memref<64xi32, #tpu.memory_space<vmem>>)
      tpu.yield
    }) : () -> ()
    %dma_start3A_285 = arith.constant 1 : i32
    %dma_start3A_286 = arith.constant 0 : i32
    %dma_start3A_287 = arith.constant 0 : i32
    %dma_start3A_288 = tpu.memref_slice %arg8[%dma_start3A_285, %dma_start3A_286, %dma_start3A_287] : memref<2x64x128xf32, #tpu.memory_space<vmem>> -> memref<1x64x128xf32, #tpu.memory_space<vmem>>
    %dma_start3A_289 = tpu.memref_squeeze %dma_start3A_288 : memref<1x64x128xf32, #tpu.memory_space<vmem>> -> memref<64x128xf32, #tpu.memory_space<vmem>>
    %dma_start3A_290 = arith.constant 0 : i32
    %dma_start3A_291 = arith.constant 0 : i32
    %dma_start3A_292 = tpu.memref_slice %arg3[%dma_start3A_290, %dma_start3A_291] : memref<10000x128xf32, #tpu.memory_space<hbm>> -> memref<10000x128xf32, #tpu.memory_space<hbm>>
    tpu.enqueue_indirect_dma source(%dma_start3A_292 : memref<10000x128xf32, #tpu.memory_space<hbm>>) target(%dma_start3A_289 : memref<64x128xf32, #tpu.memory_space<vmem>>) offsets(%arg7 : memref<64xi32, #tpu.memory_space<vmem>>) semaphore(%arg9 : memref<!tpu.dma_semaphore, #tpu.memory_space<semaphore_mem>>)
    %dma_wait3A_293 = arith.constant 1 : i32
    %dma_wait3A_294 = arith.constant 0 : i32
    %dma_wait3A_295 = arith.constant 0 : i32
    %dma_wait3A_296 = tpu.memref_slice %arg8[%dma_wait3A_293, %dma_wait3A_294, %dma_wait3A_295] : memref<2x64x128xf32, #tpu.memory_space<vmem>> -> memref<1x64x128xf32, #tpu.memory_space<vmem>>
    %dma_wait3A_297 = tpu.memref_squeeze %dma_wait3A_296 : memref<1x64x128xf32, #tpu.memory_space<vmem>> -> memref<64x128xf32, #tpu.memory_space<vmem>>
    %dma_wait3A_298 = arith.constant 0 : i32
    %dma_wait3A_299 = arith.constant 0 : i32
    %dma_wait3A_300 = tpu.memref_slice %arg3[%dma_wait3A_298, %dma_wait3A_299] : memref<10000x128xf32, #tpu.memory_space<hbm>> -> memref<10000x128xf32, #tpu.memory_space<hbm>>
    tpu.wait_indirect_dma semaphore(%arg9 : memref<!tpu.dma_semaphore, #tpu.memory_space<semaphore_mem>>) src(%dma_wait3A_300 : memref<10000x128xf32, #tpu.memory_space<hbm>>) dst(%dma_wait3A_297 : memref<64x128xf32, #tpu.memory_space<vmem>>)
    %dma_start3A_301 = arith.constant 1 : i32
    %dma_start3A_302 = arith.constant 1 : i32
    %dma_start3A_303 = arith.constant 0 : i32
    %dma_start3A_304 = arith.constant 0 : i32
    %dma_start3A_305 = tpu.memref_slice %arg8[%dma_start3A_301, %dma_start3A_303, %dma_start3A_304] : memref<2x64x128xf32, #tpu.memory_space<vmem>> -> memref<1x64x128xf32, #tpu.memory_space<vmem>>
    %dma_start3A_306 = tpu.memref_squeeze %dma_start3A_305 : memref<1x64x128xf32, #tpu.memory_space<vmem>> -> memref<64x128xf32, #tpu.memory_space<vmem>>
    %dma_start3A_307 = arith.constant 0 : i32
    %dma_start3A_308 = tpu.memref_slice %arg6[%dma_start3A_302, %mul3A_266, %dma_start3A_307] : memref<2x8192x128xf32, #tpu.memory_space<hbm>> -> memref<1x64x128xf32, #tpu.memory_space<hbm>>
    %dma_start3A_309 = tpu.memref_squeeze %dma_start3A_308 : memref<1x64x128xf32, #tpu.memory_space<hbm>> -> memref<64x128xf32, #tpu.memory_space<hbm>>
    %dma_start3A_310 = arith.constant 0 : i32
    %dma_start3A_311 = tpu.memref_slice %arg6[%dma_start3A_302, %mul3A_266, %dma_start3A_310] : memref<2x8192x128xf32, #tpu.memory_space<hbm>> -> memref<1x64x128xf32, #tpu.memory_space<hbm>>
    %dma_start3A_312 = tpu.memref_squeeze %dma_start3A_311 : memref<1x64x128xf32, #tpu.memory_space<hbm>> -> memref<64x128xf32, #tpu.memory_space<hbm>>
    %dma_start3A_313 = arith.constant 0 : i32
    %dma_start3A_314 = arith.constant 0 : i32
    %dma_start3A_315 = tpu.memref_slice %arg8[%dma_start3A_301, %dma_start3A_313, %dma_start3A_314] : memref<2x64x128xf32, #tpu.memory_space<vmem>> -> memref<1x64x128xf32, #tpu.memory_space<vmem>>
    %dma_start3A_316 = tpu.memref_squeeze %dma_start3A_315 : memref<1x64x128xf32, #tpu.memory_space<vmem>> -> memref<64x128xf32, #tpu.memory_space<vmem>>
    tpu.enqueue_dma source(%dma_start3A_316 : memref<64x128xf32, #tpu.memory_space<vmem>>) target(%dma_start3A_312 : memref<64x128xf32, #tpu.memory_space<hbm>>) target_semaphore(%arg11 : memref<!tpu.dma_semaphore, #tpu.memory_space<semaphore_mem>>)
    %mul3A_317 = arith.constant 4 : i32
    %mul3A_318 = arith.muli %add3A, %mul3A_317 : i32
    %add3A_319 = arith.constant 2 : i32
    %add3A_320 = arith.addi %mul3A_318, %add3A_319 : i32
    %mul3A_321 = arith.constant 64 : i32
    %mul3A_322 = arith.muli %add3A_320, %mul3A_321 : i32
    %dma_wait3A_323 = arith.constant 1 : i32
    %dma_wait3A_324 = arith.constant 0 : i32
    %dma_wait3A_325 = arith.constant 0 : i32
    %dma_wait3A_326 = arith.constant 0 : i32
    %dma_wait3A_327 = tpu.memref_slice %arg8[%dma_wait3A_323, %dma_wait3A_325, %dma_wait3A_326] : memref<2x64x128xf32, #tpu.memory_space<vmem>> -> memref<1x64x128xf32, #tpu.memory_space<vmem>>
    %dma_wait3A_328 = tpu.memref_squeeze %dma_wait3A_327 : memref<1x64x128xf32, #tpu.memory_space<vmem>> -> memref<64x128xf32, #tpu.memory_space<vmem>>
    %dma_wait3A_329 = arith.constant 0 : i32
    %dma_wait3A_330 = arith.constant 0 : i32
    %dma_wait3A_331 = tpu.memref_slice %arg6[%dma_wait3A_324, %dma_wait3A_329, %dma_wait3A_330] : memref<2x8192x128xf32, #tpu.memory_space<hbm>> -> memref<1x64x128xf32, #tpu.memory_space<hbm>>
    %dma_wait3A_332 = tpu.memref_squeeze %dma_wait3A_331 : memref<1x64x128xf32, #tpu.memory_space<hbm>> -> memref<64x128xf32, #tpu.memory_space<hbm>>
    %dma_wait3A_333 = arith.constant 0 : i32
    %dma_wait3A_334 = arith.constant 0 : i32
    %dma_wait3A_335 = tpu.memref_slice %arg6[%dma_wait3A_324, %dma_wait3A_333, %dma_wait3A_334] : memref<2x8192x128xf32, #tpu.memory_space<hbm>> -> memref<1x64x128xf32, #tpu.memory_space<hbm>>
    %dma_wait3A_336 = tpu.memref_squeeze %dma_wait3A_335 : memref<1x64x128xf32, #tpu.memory_space<hbm>> -> memref<64x128xf32, #tpu.memory_space<hbm>>
    %dma_wait3A_337 = arith.constant 0 : i32
    %dma_wait3A_338 = arith.constant 0 : i32
    %dma_wait3A_339 = tpu.memref_slice %arg8[%dma_wait3A_323, %dma_wait3A_337, %dma_wait3A_338] : memref<2x64x128xf32, #tpu.memory_space<vmem>> -> memref<1x64x128xf32, #tpu.memory_space<vmem>>
    %dma_wait3A_340 = tpu.memref_squeeze %dma_wait3A_339 : memref<1x64x128xf32, #tpu.memory_space<vmem>> -> memref<64x128xf32, #tpu.memory_space<vmem>>
    tpu.wait_dma2 semaphore(%arg11 : memref<!tpu.dma_semaphore, #tpu.memory_space<semaphore_mem>>) src(%dma_wait3A_340 : memref<64x128xf32, #tpu.memory_space<vmem>>) dst(%dma_wait3A_336 : memref<64x128xf32, #tpu.memory_space<hbm>>)
    "tpu.region"() ({
      %run_scoped3A = tpu.sem_alloc : memref<!tpu.dma_semaphore, #tpu.memory_space<semaphore_mem>>
      %dma_start3A_447 = tpu.memref_slice %arg5[%mul3A_322] : memref<8192xi32, #tpu.memory_space<hbm>> -> memref<64xi32, #tpu.memory_space<hbm>>
      %dma_start3A_448 = tpu.memref_slice %arg5[%mul3A_322] : memref<8192xi32, #tpu.memory_space<hbm>> -> memref<64xi32, #tpu.memory_space<hbm>>
      tpu.enqueue_dma source(%dma_start3A_448 : memref<64xi32, #tpu.memory_space<hbm>>) target(%arg7 : memref<64xi32, #tpu.memory_space<vmem>>) target_semaphore(%run_scoped3A : memref<!tpu.dma_semaphore, #tpu.memory_space<semaphore_mem>>)
      %dma_wait3A_449 = tpu.memref_slice %arg5[%mul3A_322] : memref<8192xi32, #tpu.memory_space<hbm>> -> memref<64xi32, #tpu.memory_space<hbm>>
      %dma_wait3A_450 = tpu.memref_slice %arg5[%mul3A_322] : memref<8192xi32, #tpu.memory_space<hbm>> -> memref<64xi32, #tpu.memory_space<hbm>>
      tpu.wait_dma2 semaphore(%run_scoped3A : memref<!tpu.dma_semaphore, #tpu.memory_space<semaphore_mem>>) src(%dma_wait3A_450 : memref<64xi32, #tpu.memory_space<hbm>>) dst(%arg7 : memref<64xi32, #tpu.memory_space<vmem>>)
      tpu.yield
    }) : () -> ()
    %dma_start3A_341 = arith.constant 0 : i32
    %dma_start3A_342 = arith.constant 0 : i32
    %dma_start3A_343 = arith.constant 0 : i32
    %dma_start3A_344 = tpu.memref_slice %arg8[%dma_start3A_341, %dma_start3A_342, %dma_start3A_343] : memref<2x64x128xf32, #tpu.memory_space<vmem>> -> memref<1x64x128xf32, #tpu.memory_space<vmem>>
    %dma_start3A_345 = tpu.memref_squeeze %dma_start3A_344 : memref<1x64x128xf32, #tpu.memory_space<vmem>> -> memref<64x128xf32, #tpu.memory_space<vmem>>
    %dma_start3A_346 = arith.constant 0 : i32
    %dma_start3A_347 = arith.constant 0 : i32
    %dma_start3A_348 = tpu.memref_slice %arg3[%dma_start3A_346, %dma_start3A_347] : memref<10000x128xf32, #tpu.memory_space<hbm>> -> memref<10000x128xf32, #tpu.memory_space<hbm>>
    tpu.enqueue_indirect_dma source(%dma_start3A_348 : memref<10000x128xf32, #tpu.memory_space<hbm>>) target(%dma_start3A_345 : memref<64x128xf32, #tpu.memory_space<vmem>>) offsets(%arg7 : memref<64xi32, #tpu.memory_space<vmem>>) semaphore(%arg9 : memref<!tpu.dma_semaphore, #tpu.memory_space<semaphore_mem>>)
    %dma_wait3A_349 = arith.constant 0 : i32
    %dma_wait3A_350 = arith.constant 0 : i32
    %dma_wait3A_351 = arith.constant 0 : i32
    %dma_wait3A_352 = tpu.memref_slice %arg8[%dma_wait3A_349, %dma_wait3A_350, %dma_wait3A_351] : memref<2x64x128xf32, #tpu.memory_space<vmem>> -> memref<1x64x128xf32, #tpu.memory_space<vmem>>
    %dma_wait3A_353 = tpu.memref_squeeze %dma_wait3A_352 : memref<1x64x128xf32, #tpu.memory_space<vmem>> -> memref<64x128xf32, #tpu.memory_space<vmem>>
    %dma_wait3A_354 = arith.constant 0 : i32
    %dma_wait3A_355 = arith.constant 0 : i32
    %dma_wait3A_356 = tpu.memref_slice %arg3[%dma_wait3A_354, %dma_wait3A_355] : memref<10000x128xf32, #tpu.memory_space<hbm>> -> memref<10000x128xf32, #tpu.memory_space<hbm>>
    tpu.wait_indirect_dma semaphore(%arg9 : memref<!tpu.dma_semaphore, #tpu.memory_space<semaphore_mem>>) src(%dma_wait3A_356 : memref<10000x128xf32, #tpu.memory_space<hbm>>) dst(%dma_wait3A_353 : memref<64x128xf32, #tpu.memory_space<vmem>>)
    %dma_start3A_357 = arith.constant 0 : i32
    %dma_start3A_358 = arith.constant 1 : i32
    %dma_start3A_359 = arith.constant 0 : i32
    %dma_start3A_360 = arith.constant 0 : i32
    %dma_start3A_361 = tpu.memref_slice %arg8[%dma_start3A_357, %dma_start3A_359, %dma_start3A_360] : memref<2x64x128xf32, #tpu.memory_space<vmem>> -> memref<1x64x128xf32, #tpu.memory_space<vmem>>
    %dma_start3A_362 = tpu.memref_squeeze %dma_start3A_361 : memref<1x64x128xf32, #tpu.memory_space<vmem>> -> memref<64x128xf32, #tpu.memory_space<vmem>>
    %dma_start3A_363 = arith.constant 0 : i32
    %dma_start3A_364 = tpu.memref_slice %arg6[%dma_start3A_358, %mul3A_322, %dma_start3A_363] : memref<2x8192x128xf32, #tpu.memory_space<hbm>> -> memref<1x64x128xf32, #tpu.memory_space<hbm>>
    %dma_start3A_365 = tpu.memref_squeeze %dma_start3A_364 : memref<1x64x128xf32, #tpu.memory_space<hbm>> -> memref<64x128xf32, #tpu.memory_space<hbm>>
    %dma_start3A_366 = arith.constant 0 : i32
    %dma_start3A_367 = tpu.memref_slice %arg6[%dma_start3A_358, %mul3A_322, %dma_start3A_366] : memref<2x8192x128xf32, #tpu.memory_space<hbm>> -> memref<1x64x128xf32, #tpu.memory_space<hbm>>
    %dma_start3A_368 = tpu.memref_squeeze %dma_start3A_367 : memref<1x64x128xf32, #tpu.memory_space<hbm>> -> memref<64x128xf32, #tpu.memory_space<hbm>>
    %dma_start3A_369 = arith.constant 0 : i32
    %dma_start3A_370 = arith.constant 0 : i32
    %dma_start3A_371 = tpu.memref_slice %arg8[%dma_start3A_357, %dma_start3A_369, %dma_start3A_370] : memref<2x64x128xf32, #tpu.memory_space<vmem>> -> memref<1x64x128xf32, #tpu.memory_space<vmem>>
    %dma_start3A_372 = tpu.memref_squeeze %dma_start3A_371 : memref<1x64x128xf32, #tpu.memory_space<vmem>> -> memref<64x128xf32, #tpu.memory_space<vmem>>
    tpu.enqueue_dma source(%dma_start3A_372 : memref<64x128xf32, #tpu.memory_space<vmem>>) target(%dma_start3A_368 : memref<64x128xf32, #tpu.memory_space<hbm>>) target_semaphore(%arg10 : memref<!tpu.dma_semaphore, #tpu.memory_space<semaphore_mem>>)
    %mul3A_373 = arith.constant 4 : i32
    %mul3A_374 = arith.muli %add3A, %mul3A_373 : i32
    %add3A_375 = arith.constant 3 : i32
    %add3A_376 = arith.addi %mul3A_374, %add3A_375 : i32
    %mul3A_377 = arith.constant 64 : i32
    %mul3A_378 = arith.muli %add3A_376, %mul3A_377 : i32
    %dma_wait3A_379 = arith.constant 0 : i32
    %dma_wait3A_380 = arith.constant 0 : i32
    %dma_wait3A_381 = arith.constant 0 : i32
    %dma_wait3A_382 = arith.constant 0 : i32
    %dma_wait3A_383 = tpu.memref_slice %arg8[%dma_wait3A_379, %dma_wait3A_381, %dma_wait3A_382] : memref<2x64x128xf32, #tpu.memory_space<vmem>> -> memref<1x64x128xf32, #tpu.memory_space<vmem>>
    %dma_wait3A_384 = tpu.memref_squeeze %dma_wait3A_383 : memref<1x64x128xf32, #tpu.memory_space<vmem>> -> memref<64x128xf32, #tpu.memory_space<vmem>>
    %dma_wait3A_385 = arith.constant 0 : i32
    %dma_wait3A_386 = arith.constant 0 : i32
    %dma_wait3A_387 = tpu.memref_slice %arg6[%dma_wait3A_380, %dma_wait3A_385, %dma_wait3A_386] : memref<2x8192x128xf32, #tpu.memory_space<hbm>> -> memref<1x64x128xf32, #tpu.memory_space<hbm>>
    %dma_wait3A_388 = tpu.memref_squeeze %dma_wait3A_387 : memref<1x64x128xf32, #tpu.memory_space<hbm>> -> memref<64x128xf32, #tpu.memory_space<hbm>>
    %dma_wait3A_389 = arith.constant 0 : i32
    %dma_wait3A_390 = arith.constant 0 : i32
    %dma_wait3A_391 = tpu.memref_slice %arg6[%dma_wait3A_380, %dma_wait3A_389, %dma_wait3A_390] : memref<2x8192x128xf32, #tpu.memory_space<hbm>> -> memref<1x64x128xf32, #tpu.memory_space<hbm>>
    %dma_wait3A_392 = tpu.memref_squeeze %dma_wait3A_391 : memref<1x64x128xf32, #tpu.memory_space<hbm>> -> memref<64x128xf32, #tpu.memory_space<hbm>>
    %dma_wait3A_393 = arith.constant 0 : i32
    %dma_wait3A_394 = arith.constant 0 : i32
    %dma_wait3A_395 = tpu.memref_slice %arg8[%dma_wait3A_379, %dma_wait3A_393, %dma_wait3A_394] : memref<2x64x128xf32, #tpu.memory_space<vmem>> -> memref<1x64x128xf32, #tpu.memory_space<vmem>>
    %dma_wait3A_396 = tpu.memref_squeeze %dma_wait3A_395 : memref<1x64x128xf32, #tpu.memory_space<vmem>> -> memref<64x128xf32, #tpu.memory_space<vmem>>
    tpu.wait_dma2 semaphore(%arg10 : memref<!tpu.dma_semaphore, #tpu.memory_space<semaphore_mem>>) src(%dma_wait3A_396 : memref<64x128xf32, #tpu.memory_space<vmem>>) dst(%dma_wait3A_392 : memref<64x128xf32, #tpu.memory_space<hbm>>)
    "tpu.region"() ({
      %run_scoped3A = tpu.sem_alloc : memref<!tpu.dma_semaphore, #tpu.memory_space<semaphore_mem>>
      %dma_start3A_447 = tpu.memref_slice %arg5[%mul3A_378] : memref<8192xi32, #tpu.memory_space<hbm>> -> memref<64xi32, #tpu.memory_space<hbm>>
      %dma_start3A_448 = tpu.memref_slice %arg5[%mul3A_378] : memref<8192xi32, #tpu.memory_space<hbm>> -> memref<64xi32, #tpu.memory_space<hbm>>
      tpu.enqueue_dma source(%dma_start3A_448 : memref<64xi32, #tpu.memory_space<hbm>>) target(%arg7 : memref<64xi32, #tpu.memory_space<vmem>>) target_semaphore(%run_scoped3A : memref<!tpu.dma_semaphore, #tpu.memory_space<semaphore_mem>>)
      %dma_wait3A_449 = tpu.memref_slice %arg5[%mul3A_378] : memref<8192xi32, #tpu.memory_space<hbm>> -> memref<64xi32, #tpu.memory_space<hbm>>
      %dma_wait3A_450 = tpu.memref_slice %arg5[%mul3A_378] : memref<8192xi32, #tpu.memory_space<hbm>> -> memref<64xi32, #tpu.memory_space<hbm>>
      tpu.wait_dma2 semaphore(%run_scoped3A : memref<!tpu.dma_semaphore, #tpu.memory_space<semaphore_mem>>) src(%dma_wait3A_450 : memref<64xi32, #tpu.memory_space<hbm>>) dst(%arg7 : memref<64xi32, #tpu.memory_space<vmem>>)
      tpu.yield
    }) : () -> ()
    %dma_start3A_397 = arith.constant 1 : i32
    %dma_start3A_398 = arith.constant 0 : i32
    %dma_start3A_399 = arith.constant 0 : i32
    %dma_start3A_400 = tpu.memref_slice %arg8[%dma_start3A_397, %dma_start3A_398, %dma_start3A_399] : memref<2x64x128xf32, #tpu.memory_space<vmem>> -> memref<1x64x128xf32, #tpu.memory_space<vmem>>
    %dma_start3A_401 = tpu.memref_squeeze %dma_start3A_400 : memref<1x64x128xf32, #tpu.memory_space<vmem>> -> memref<64x128xf32, #tpu.memory_space<vmem>>
    %dma_start3A_402 = arith.constant 0 : i32
    %dma_start3A_403 = arith.constant 0 : i32
    %dma_start3A_404 = tpu.memref_slice %arg3[%dma_start3A_402, %dma_start3A_403] : memref<10000x128xf32, #tpu.memory_space<hbm>> -> memref<10000x128xf32, #tpu.memory_space<hbm>>
    tpu.enqueue_indirect_dma source(%dma_start3A_404 : memref<10000x128xf32, #tpu.memory_space<hbm>>) target(%dma_start3A_401 : memref<64x128xf32, #tpu.memory_space<vmem>>) offsets(%arg7 : memref<64xi32, #tpu.memory_space<vmem>>) semaphore(%arg9 : memref<!tpu.dma_semaphore, #tpu.memory_space<semaphore_mem>>)
    %dma_wait3A_405 = arith.constant 1 : i32
    %dma_wait3A_406 = arith.constant 0 : i32
    %dma_wait3A_407 = arith.constant 0 : i32
    %dma_wait3A_408 = tpu.memref_slice %arg8[%dma_wait3A_405, %dma_wait3A_406, %dma_wait3A_407] : memref<2x64x128xf32, #tpu.memory_space<vmem>> -> memref<1x64x128xf32, #tpu.memory_space<vmem>>
    %dma_wait3A_409 = tpu.memref_squeeze %dma_wait3A_408 : memref<1x64x128xf32, #tpu.memory_space<vmem>> -> memref<64x128xf32, #tpu.memory_space<vmem>>
    %dma_wait3A_410 = arith.constant 0 : i32
    %dma_wait3A_411 = arith.constant 0 : i32
    %dma_wait3A_412 = tpu.memref_slice %arg3[%dma_wait3A_410, %dma_wait3A_411] : memref<10000x128xf32, #tpu.memory_space<hbm>> -> memref<10000x128xf32, #tpu.memory_space<hbm>>
    tpu.wait_indirect_dma semaphore(%arg9 : memref<!tpu.dma_semaphore, #tpu.memory_space<semaphore_mem>>) src(%dma_wait3A_412 : memref<10000x128xf32, #tpu.memory_space<hbm>>) dst(%dma_wait3A_409 : memref<64x128xf32, #tpu.memory_space<vmem>>)
    %dma_start3A_413 = arith.constant 1 : i32
    %dma_start3A_414 = arith.constant 1 : i32
    %dma_start3A_415 = arith.constant 0 : i32
    %dma_start3A_416 = arith.constant 0 : i32
    %dma_start3A_417 = tpu.memref_slice %arg8[%dma_start3A_413, %dma_start3A_415, %dma_start3A_416] : memref<2x64x128xf32, #tpu.memory_space<vmem>> -> memref<1x64x128xf32, #tpu.memory_space<vmem>>
    %dma_start3A_418 = tpu.memref_squeeze %dma_start3A_417 : memref<1x64x128xf32, #tpu.memory_space<vmem>> -> memref<64x128xf32, #tpu.memory_space<vmem>>
    %dma_start3A_419 = arith.constant 0 : i32
    %dma_start3A_420 = tpu.memref_slice %arg6[%dma_start3A_414, %mul3A_378, %dma_start3A_419] : memref<2x8192x128xf32, #tpu.memory_space<hbm>> -> memref<1x64x128xf32, #tpu.memory_space<hbm>>
    %dma_start3A_421 = tpu.memref_squeeze %dma_start3A_420 : memref<1x64x128xf32, #tpu.memory_space<hbm>> -> memref<64x128xf32, #tpu.memory_space<hbm>>
    %dma_start3A_422 = arith.constant 0 : i32
    %dma_start3A_423 = tpu.memref_slice %arg6[%dma_start3A_414, %mul3A_378, %dma_start3A_422] : memref<2x8192x128xf32, #tpu.memory_space<hbm>> -> memref<1x64x128xf32, #tpu.memory_space<hbm>>
    %dma_start3A_424 = tpu.memref_squeeze %dma_start3A_423 : memref<1x64x128xf32, #tpu.memory_space<hbm>> -> memref<64x128xf32, #tpu.memory_space<hbm>>
    %dma_start3A_425 = arith.constant 0 : i32
    %dma_start3A_426 = arith.constant 0 : i32
    %dma_start3A_427 = tpu.memref_slice %arg8[%dma_start3A_413, %dma_start3A_425, %dma_start3A_426] : memref<2x64x128xf32, #tpu.memory_space<vmem>> -> memref<1x64x128xf32, #tpu.memory_space<vmem>>
    %dma_start3A_428 = tpu.memref_squeeze %dma_start3A_427 : memref<1x64x128xf32, #tpu.memory_space<vmem>> -> memref<64x128xf32, #tpu.memory_space<vmem>>
    tpu.enqueue_dma source(%dma_start3A_428 : memref<64x128xf32, #tpu.memory_space<vmem>>) target(%dma_start3A_424 : memref<64x128xf32, #tpu.memory_space<hbm>>) target_semaphore(%arg11 : memref<!tpu.dma_semaphore, #tpu.memory_space<semaphore_mem>>)
    %dma_wait3A_429 = arith.constant 1 : i32
    %dma_wait3A_430 = arith.constant 0 : i32
    %dma_wait3A_431 = arith.constant 0 : i32
    %dma_wait3A_432 = arith.constant 0 : i32
    %dma_wait3A_433 = tpu.memref_slice %arg8[%dma_wait3A_429, %dma_wait3A_431, %dma_wait3A_432] : memref<2x64x128xf32, #tpu.memory_space<vmem>> -> memref<1x64x128xf32, #tpu.memory_space<vmem>>
    %dma_wait3A_434 = tpu.memref_squeeze %dma_wait3A_433 : memref<1x64x128xf32, #tpu.memory_space<vmem>> -> memref<64x128xf32, #tpu.memory_space<vmem>>
    %dma_wait3A_435 = arith.constant 0 : i32
    %dma_wait3A_436 = arith.constant 0 : i32
    %dma_wait3A_437 = tpu.memref_slice %arg6[%dma_wait3A_430, %dma_wait3A_435, %dma_wait3A_436] : memref<2x8192x128xf32, #tpu.memory_space<hbm>> -> memref<1x64x128xf32, #tpu.memory_space<hbm>>
    %dma_wait3A_438 = tpu.memref_squeeze %dma_wait3A_437 : memref<1x64x128xf32, #tpu.memory_space<hbm>> -> memref<64x128xf32, #tpu.memory_space<hbm>>
    %dma_wait3A_439 = arith.constant 0 : i32
    %dma_wait3A_440 = arith.constant 0 : i32
    %dma_wait3A_441 = tpu.memref_slice %arg6[%dma_wait3A_430, %dma_wait3A_439, %dma_wait3A_440] : memref<2x8192x128xf32, #tpu.memory_space<hbm>> -> memref<1x64x128xf32, #tpu.memory_space<hbm>>
    %dma_wait3A_442 = tpu.memref_squeeze %dma_wait3A_441 : memref<1x64x128xf32, #tpu.memory_space<hbm>> -> memref<64x128xf32, #tpu.memory_space<hbm>>
    %dma_wait3A_443 = arith.constant 0 : i32
    %dma_wait3A_444 = arith.constant 0 : i32
    %dma_wait3A_445 = tpu.memref_slice %arg8[%dma_wait3A_429, %dma_wait3A_443, %dma_wait3A_444] : memref<2x64x128xf32, #tpu.memory_space<vmem>> -> memref<1x64x128xf32, #tpu.memory_space<vmem>>
    %dma_wait3A_446 = tpu.memref_squeeze %dma_wait3A_445 : memref<1x64x128xf32, #tpu.memory_space<vmem>> -> memref<64x128xf32, #tpu.memory_space<vmem>>
    tpu.wait_dma2 semaphore(%arg11 : memref<!tpu.dma_semaphore, #tpu.memory_space<semaphore_mem>>) src(%dma_wait3A_446 : memref<64x128xf32, #tpu.memory_space<vmem>>) dst(%dma_wait3A_442 : memref<64x128xf32, #tpu.memory_space<hbm>>)
    return
  }
}

module attributes {stable_mosaic.version = 14 : i64} {
  func.func @_layer_tc_body(%arg0: i32, %arg1: memref<2000x128xf32, #tpu.memory_space<vmem>>, %arg2: memref<2x2000x128xf32, #tpu.memory_space<vmem>>, %arg3: memref<2x2000x128xf32, #tpu.memory_space<vmem>>, %arg4: memref<128x128xf32, #tpu.memory_space<vmem>>, %arg5: memref<1x128xf32, #tpu.memory_space<vmem>>, %arg6: memref<2000x128xf32, #tpu.memory_space<vmem>>) attributes {dimension_semantics = [#tpu.dimension_semantics<arbitrary>], iteration_bounds = array<i64: 5>, scalar_prefetch = 0 : i64, scratch_operands = 0 : i64, tpu.core_type = #tpu.core_type<tc>, window_params = [{transform_indices = @transform_0, window_bounds = array<i64: 2000, 128>}, {transform_indices = @transform_1, window_bounds = array<i64: 2, 2000, 128>}, {transform_indices = @transform_2, window_bounds = array<i64: 2, 2000, 128>}, {pipeline_mode = #tpu.pipeline_mode<synchronous>, transform_indices = @transform_3, window_bounds = array<i64: 128, 128>}, {pipeline_mode = #tpu.pipeline_mode<synchronous>, transform_indices = @transform_4, window_bounds = array<i64: 1, 128>}, {transform_indices = @transform_5, window_bounds = array<i64: 2000, 128>}]} {
    %get3A = arith.constant 0 : index
    %get3A_0 = arith.constant 0 : index
    %get3A_1 = arith.constant 0 : index
    %get3A_2 = vector.load %arg2[%get3A, %get3A_0, %get3A_1] : memref<2x2000x128xf32, #tpu.memory_space<vmem>>, vector<1x2000x128xf32>
    %get3A_3 = vector.shape_cast %get3A_2 : vector<1x2000x128xf32> to vector<2000x128xf32>
    %get3A_4 = arith.constant 1 : index
    %get3A_5 = arith.constant 0 : index
    %get3A_6 = arith.constant 0 : index
    %get3A_7 = vector.load %arg2[%get3A_4, %get3A_5, %get3A_6] : memref<2x2000x128xf32, #tpu.memory_space<vmem>>, vector<1x2000x128xf32>
    %get3A_8 = vector.shape_cast %get3A_7 : vector<1x2000x128xf32> to vector<2000x128xf32>
    %add3A = arith.addf %get3A_3, %get3A_8 : vector<2000x128xf32>
    %get3A_9 = arith.constant 0 : index
    %get3A_10 = arith.constant 0 : index
    %get3A_11 = arith.constant 0 : index
    %get3A_12 = vector.load %arg3[%get3A_9, %get3A_10, %get3A_11] : memref<2x2000x128xf32, #tpu.memory_space<vmem>>, vector<1x2000x1xf32>
    %get3A_13 = vector.shape_cast %get3A_12 : vector<1x2000x1xf32> to vector<2000x1xf32>
    %get3A_14 = arith.constant 1 : index
    %get3A_15 = arith.constant 0 : index
    %get3A_16 = arith.constant 0 : index
    %get3A_17 = vector.load %arg3[%get3A_14, %get3A_15, %get3A_16] : memref<2x2000x128xf32, #tpu.memory_space<vmem>>, vector<1x2000x1xf32>
    %get3A_18 = vector.shape_cast %get3A_17 : vector<1x2000x1xf32> to vector<2000x1xf32>
    %add3A_19 = arith.addf %get3A_13, %get3A_18 : vector<2000x1xf32>
    %max3A = arith.constant 1.000000e+00 : f32
    %max3A_20 = vector.broadcast %max3A : f32 to vector<2000x1xf32>
    %max3A_21 = arith.maximumf %add3A_19, %max3A_20 : vector<2000x1xf32>
    %div3A = arith.constant 1.000000e+00 : f32
    %div3A_22 = vector.broadcast %div3A : f32 to vector<2000x1xf32>
    %div3A_23 = arith.divf %div3A_22, %max3A_21 : vector<2000x1xf32>
    %get3A_24 = arith.constant 0 : index
    %get3A_25 = arith.constant 0 : index
    %get3A_26 = vector.load %arg1[%get3A_24, %get3A_25] : memref<2000x128xf32, #tpu.memory_space<vmem>>, vector<2000x128xf32>
    %mul3A = vector.broadcast %div3A_23 : vector<2000x1xf32> to vector<2000x128xf32>
    %mul3A_27 = arith.mulf %add3A, %mul3A : vector<2000x128xf32>
    %add3A_28 = arith.addf %get3A_26, %mul3A_27 : vector<2000x128xf32>
    %get3A_29 = arith.constant 0 : index
    %get3A_30 = arith.constant 0 : index
    %get3A_31 = vector.load %arg4[%get3A_29, %get3A_30] : memref<128x128xf32, #tpu.memory_space<vmem>>, vector<128x128xf32>
    %dot_general3A = arith.constant dense<0.000000e+00> : vector<2000x128xf32>
    %dot_general3A_32 = tpu.matmul %add3A_28, %get3A_31, %dot_general3A {dimension_numbers = #tpu.dot_dimension_numbers<[1], [0], [0], [1], [0, 0, 1, 1], [], []>, transpose_lhs_hint = false} : vector<2000x128xf32>, vector<128x128xf32>, vector<2000x128xf32> -> vector<2000x128xf32>
    %get3A_33 = arith.constant 0 : index
    %get3A_34 = arith.constant 0 : index
    %get3A_35 = vector.load %arg5[%get3A_33, %get3A_34] : memref<1x128xf32, #tpu.memory_space<vmem>>, vector<1x128xf32>
    %add3A_36 = vector.broadcast %get3A_35 : vector<1x128xf32> to vector<2000x128xf32>
    %add3A_37 = arith.addf %dot_general3A_32, %add3A_36 : vector<2000x128xf32>
    %max3A_38 = arith.constant 0.000000e+00 : f32
    %max3A_39 = vector.broadcast %max3A_38 : f32 to vector<2000x128xf32>
    %max3A_40 = arith.maximumf %add3A_37, %max3A_39 : vector<2000x128xf32>
    %swap3A = arith.constant 0 : index
    %swap3A_41 = arith.constant 0 : index
    %swap3A_42 = vector.load %arg6[%swap3A, %swap3A_41] : memref<2000x128xf32, #tpu.memory_space<vmem>>, vector<2000x128xf32>
    tpu.vector_store %arg6[%swap3A, %swap3A_41], %max3A_40 {strides = array<i32>} : memref<2000x128xf32, #tpu.memory_space<vmem>>, vector<2000x128xf32>,
    return
  }
  func.func @transform_0(%arg0: i32) -> (i32, i32) {
    %c0_i32 = arith.constant 0 : i32
    %c0_i32_0 = arith.constant 0 : i32
    return %arg0, %c0_i32 : i32, i32
  }
  func.func @transform_1(%arg0: i32) -> (i32, i32, i32) {
    %c0_i32 = arith.constant 0 : i32
    %c0_i32_0 = arith.constant 0 : i32
    %c0_i32_1 = arith.constant 0 : i32
    return %c0_i32, %arg0, %c0_i32_0 : i32, i32, i32
  }
  func.func @transform_2(%arg0: i32) -> (i32, i32, i32) {
    %c0_i32 = arith.constant 0 : i32
    %c0_i32_0 = arith.constant 0 : i32
    %c0_i32_1 = arith.constant 0 : i32
    return %c0_i32, %arg0, %c0_i32_0 : i32, i32, i32
  }
  func.func @transform_3(%arg0: i32) -> (i32, i32) {
    %c0_i32 = arith.constant 0 : i32
    %c0_i32_0 = arith.constant 0 : i32
    %c0_i32_1 = arith.constant 0 : i32
    return %c0_i32, %c0_i32_0 : i32, i32
  }
  func.func @transform_4(%arg0: i32) -> (i32, i32) {
    %c0_i32 = arith.constant 0 : i32
    %c0_i32_0 = arith.constant 0 : i32
    %c0_i32_1 = arith.constant 0 : i32
    return %c0_i32, %c0_i32_0 : i32, i32
  }
  func.func @transform_5(%arg0: i32) -> (i32, i32) {
    %c0_i32 = arith.constant 0 : i32
    %c0_i32_0 = arith.constant 0 : i32
    return %arg0, %c0_i32 : i32, i32
  }
}

module attributes {stable_mosaic.version = 14 : i64} {
  func.func @_project_tc_body(%arg0: i32, %arg1: memref<2000x128xf32, #tpu.memory_space<vmem>>, %arg2: memref<128x128xf32, #tpu.memory_space<vmem>>, %arg3: memref<1x128xf32, #tpu.memory_space<vmem>>, %arg4: memref<2000x128xf32, #tpu.memory_space<vmem>>) attributes {dimension_semantics = [#tpu.dimension_semantics<arbitrary>], iteration_bounds = array<i64: 5>, scalar_prefetch = 0 : i64, scratch_operands = 0 : i64, tpu.core_type = #tpu.core_type<tc>, window_params = [{transform_indices = @transform_0, window_bounds = array<i64: 2000, 128>}, {pipeline_mode = #tpu.pipeline_mode<synchronous>, transform_indices = @transform_1, window_bounds = array<i64: 128, 128>}, {pipeline_mode = #tpu.pipeline_mode<synchronous>, transform_indices = @transform_2, window_bounds = array<i64: 1, 128>}, {transform_indices = @transform_3, window_bounds = array<i64: 2000, 128>}]} {
    %get3A = arith.constant 0 : index
    %get3A_0 = arith.constant 0 : index
    %get3A_1 = vector.load %arg1[%get3A, %get3A_0] : memref<2000x128xf32, #tpu.memory_space<vmem>>, vector<2000x128xf32>
    %get3A_2 = arith.constant 0 : index
    %get3A_3 = arith.constant 0 : index
    %get3A_4 = vector.load %arg2[%get3A_2, %get3A_3] : memref<128x128xf32, #tpu.memory_space<vmem>>, vector<128x128xf32>
    %dot_general3A = arith.constant dense<0.000000e+00> : vector<2000x128xf32>
    %dot_general3A_5 = tpu.matmul %get3A_1, %get3A_4, %dot_general3A {dimension_numbers = #tpu.dot_dimension_numbers<[1], [0], [0], [1], [0, 0, 1, 1], [], []>, transpose_lhs_hint = false} : vector<2000x128xf32>, vector<128x128xf32>, vector<2000x128xf32> -> vector<2000x128xf32>
    %get3A_6 = arith.constant 0 : index
    %get3A_7 = arith.constant 0 : index
    %get3A_8 = vector.load %arg3[%get3A_6, %get3A_7] : memref<1x128xf32, #tpu.memory_space<vmem>>, vector<1x128xf32>
    %add3A = vector.broadcast %get3A_8 : vector<1x128xf32> to vector<2000x128xf32>
    %add3A_9 = arith.addf %dot_general3A_5, %add3A : vector<2000x128xf32>
    %swap3A = arith.constant 0 : index
    %swap3A_10 = arith.constant 0 : index
    %swap3A_11 = vector.load %arg4[%swap3A, %swap3A_10] : memref<2000x128xf32, #tpu.memory_space<vmem>>, vector<2000x128xf32>
    tpu.vector_store %arg4[%swap3A, %swap3A_10], %add3A_9 {strides = array<i32>} : memref<2000x128xf32, #tpu.memory_space<vmem>>, vector<2000x128xf32>,
    return
  }
  func.func @transform_0(%arg0: i32) -> (i32, i32) {
    %c0_i32 = arith.constant 0 : i32
    %c0_i32_0 = arith.constant 0 : i32
    return %arg0, %c0_i32 : i32, i32
  }
  func.func @transform_1(%arg0: i32) -> (i32, i32) {
    %c0_i32 = arith.constant 0 : i32
    %c0_i32_0 = arith.constant 0 : i32
    %c0_i32_1 = arith.constant 0 : i32
    return %c0_i32, %c0_i32_0 : i32, i32
  }
  func.func @transform_2(%arg0: i32) -> (i32, i32) {
    %c0_i32 = arith.constant 0 : i32
    %c0_i32_0 = arith.constant 0 : i32
    %c0_i32_1 = arith.constant 0 : i32
    return %c0_i32, %c0_i32_0 : i32, i32
  }
  func.func @transform_3(%arg0: i32) -> (i32, i32) {
    %c0_i32 = arith.constant 0 : i32
    %c0_i32_0 = arith.constant 0 : i32
    return %arg0, %c0_i32 : i32, i32
  }
}

module attributes {stable_mosaic.version = 14 : i64} {
  func.func @_layer2_tc_body(%arg0: i32, %arg1: memref<2000x128xf32, #tpu.memory_space<vmem>>, %arg2: memref<2x2000x128xf32, #tpu.memory_space<vmem>>, %arg3: memref<2x2000x128xf32, #tpu.memory_space<vmem>>, %arg4: memref<128x128xf32, #tpu.memory_space<vmem>>, %arg5: memref<1x128xf32, #tpu.memory_space<vmem>>, %arg6: memref<128x128xf32, #tpu.memory_space<vmem>>, %arg7: memref<1x128xf32, #tpu.memory_space<vmem>>, %arg8: memref<2000x128xf32, #tpu.memory_space<vmem>>) attributes {dimension_semantics = [#tpu.dimension_semantics<arbitrary>], iteration_bounds = array<i64: 5>, scalar_prefetch = 0 : i64, scratch_operands = 0 : i64, tpu.core_type = #tpu.core_type<tc>, window_params = [{transform_indices = @transform_0, window_bounds = array<i64: 2000, 128>}, {transform_indices = @transform_1, window_bounds = array<i64: 2, 2000, 128>}, {transform_indices = @transform_2, window_bounds = array<i64: 2, 2000, 128>}, {pipeline_mode = #tpu.pipeline_mode<synchronous>, transform_indices = @transform_3, window_bounds = array<i64: 128, 128>}, {pipeline_mode = #tpu.pipeline_mode<synchronous>, transform_indices = @transform_4, window_bounds = array<i64: 1, 128>}, {pipeline_mode = #tpu.pipeline_mode<synchronous>, transform_indices = @transform_5, window_bounds = array<i64: 128, 128>}, {pipeline_mode = #tpu.pipeline_mode<synchronous>, transform_indices = @transform_6, window_bounds = array<i64: 1, 128>}, {transform_indices = @transform_7, window_bounds = array<i64: 2000, 128>}]} {
    %get3A = arith.constant 0 : index
    %get3A_0 = arith.constant 0 : index
    %get3A_1 = arith.constant 0 : index
    %get3A_2 = vector.load %arg2[%get3A, %get3A_0, %get3A_1] : memref<2x2000x128xf32, #tpu.memory_space<vmem>>, vector<1x2000x128xf32>
    %get3A_3 = vector.shape_cast %get3A_2 : vector<1x2000x128xf32> to vector<2000x128xf32>
    %get3A_4 = arith.constant 1 : index
    %get3A_5 = arith.constant 0 : index
    %get3A_6 = arith.constant 0 : index
    %get3A_7 = vector.load %arg2[%get3A_4, %get3A_5, %get3A_6] : memref<2x2000x128xf32, #tpu.memory_space<vmem>>, vector<1x2000x128xf32>
    %get3A_8 = vector.shape_cast %get3A_7 : vector<1x2000x128xf32> to vector<2000x128xf32>
    %add3A = arith.addf %get3A_3, %get3A_8 : vector<2000x128xf32>
    %get3A_9 = arith.constant 0 : index
    %get3A_10 = arith.constant 0 : index
    %get3A_11 = arith.constant 0 : index
    %get3A_12 = vector.load %arg3[%get3A_9, %get3A_10, %get3A_11] : memref<2x2000x128xf32, #tpu.memory_space<vmem>>, vector<1x2000x1xf32>
    %get3A_13 = vector.shape_cast %get3A_12 : vector<1x2000x1xf32> to vector<2000x1xf32>
    %get3A_14 = arith.constant 1 : index
    %get3A_15 = arith.constant 0 : index
    %get3A_16 = arith.constant 0 : index
    %get3A_17 = vector.load %arg3[%get3A_14, %get3A_15, %get3A_16] : memref<2x2000x128xf32, #tpu.memory_space<vmem>>, vector<1x2000x1xf32>
    %get3A_18 = vector.shape_cast %get3A_17 : vector<1x2000x1xf32> to vector<2000x1xf32>
    %add3A_19 = arith.addf %get3A_13, %get3A_18 : vector<2000x1xf32>
    %max3A = arith.constant 1.000000e+00 : f32
    %max3A_20 = vector.broadcast %max3A : f32 to vector<2000x1xf32>
    %max3A_21 = arith.maximumf %add3A_19, %max3A_20 : vector<2000x1xf32>
    %div3A = arith.constant 1.000000e+00 : f32
    %div3A_22 = vector.broadcast %div3A : f32 to vector<2000x1xf32>
    %div3A_23 = arith.divf %div3A_22, %max3A_21 : vector<2000x1xf32>
    %get3A_24 = arith.constant 0 : index
    %get3A_25 = arith.constant 0 : index
    %get3A_26 = vector.load %arg1[%get3A_24, %get3A_25] : memref<2000x128xf32, #tpu.memory_space<vmem>>, vector<2000x128xf32>
    %mul3A = vector.broadcast %div3A_23 : vector<2000x1xf32> to vector<2000x128xf32>
    %mul3A_27 = arith.mulf %add3A, %mul3A : vector<2000x128xf32>
    %add3A_28 = arith.addf %get3A_26, %mul3A_27 : vector<2000x128xf32>
    %get3A_29 = arith.constant 0 : index
    %get3A_30 = arith.constant 0 : index
    %get3A_31 = vector.load %arg4[%get3A_29, %get3A_30] : memref<128x128xf32, #tpu.memory_space<vmem>>, vector<128x128xf32>
    %dot_general3A = arith.constant dense<0.000000e+00> : vector<2000x128xf32>
    %dot_general3A_32 = tpu.matmul %add3A_28, %get3A_31, %dot_general3A {dimension_numbers = #tpu.dot_dimension_numbers<[1], [0], [0], [1], [0, 0, 1, 1], [], []>, transpose_lhs_hint = false} : vector<2000x128xf32>, vector<128x128xf32>, vector<2000x128xf32> -> vector<2000x128xf32>
    %get3A_33 = arith.constant 0 : index
    %get3A_34 = arith.constant 0 : index
    %get3A_35 = vector.load %arg5[%get3A_33, %get3A_34] : memref<1x128xf32, #tpu.memory_space<vmem>>, vector<1x128xf32>
    %add3A_36 = vector.broadcast %get3A_35 : vector<1x128xf32> to vector<2000x128xf32>
    %add3A_37 = arith.addf %dot_general3A_32, %add3A_36 : vector<2000x128xf32>
    %max3A_38 = arith.constant 0.000000e+00 : f32
    %max3A_39 = vector.broadcast %max3A_38 : f32 to vector<2000x128xf32>
    %max3A_40 = arith.maximumf %add3A_37, %max3A_39 : vector<2000x128xf32>
    %get3A_41 = arith.constant 0 : index
    %get3A_42 = arith.constant 0 : index
    %get3A_43 = vector.load %arg6[%get3A_41, %get3A_42] : memref<128x128xf32, #tpu.memory_space<vmem>>, vector<128x128xf32>
    %dot_general3A_44 = arith.constant dense<0.000000e+00> : vector<2000x128xf32>
    %dot_general3A_45 = tpu.matmul %max3A_40, %get3A_43, %dot_general3A_44 {dimension_numbers = #tpu.dot_dimension_numbers<[1], [0], [0], [1], [0, 0, 1, 1], [], []>, transpose_lhs_hint = false} : vector<2000x128xf32>, vector<128x128xf32>, vector<2000x128xf32> -> vector<2000x128xf32>
    %get3A_46 = arith.constant 0 : index
    %get3A_47 = arith.constant 0 : index
    %get3A_48 = vector.load %arg7[%get3A_46, %get3A_47] : memref<1x128xf32, #tpu.memory_space<vmem>>, vector<1x128xf32>
    %add3A_49 = vector.broadcast %get3A_48 : vector<1x128xf32> to vector<2000x128xf32>
    %add3A_50 = arith.addf %dot_general3A_45, %add3A_49 : vector<2000x128xf32>
    %swap3A = arith.constant 0 : index
    %swap3A_51 = arith.constant 0 : index
    %swap3A_52 = vector.load %arg8[%swap3A, %swap3A_51] : memref<2000x128xf32, #tpu.memory_space<vmem>>, vector<2000x128xf32>
    tpu.vector_store %arg8[%swap3A, %swap3A_51], %add3A_50 {strides = array<i32>} : memref<2000x128xf32, #tpu.memory_space<vmem>>, vector<2000x128xf32>,
    return
  }
  func.func @transform_0(%arg0: i32) -> (i32, i32) {
    %c0_i32 = arith.constant 0 : i32
    %c0_i32_0 = arith.constant 0 : i32
    return %arg0, %c0_i32 : i32, i32
  }
  func.func @transform_1(%arg0: i32) -> (i32, i32, i32) {
    %c0_i32 = arith.constant 0 : i32
    %c0_i32_0 = arith.constant 0 : i32
    %c0_i32_1 = arith.constant 0 : i32
    return %c0_i32, %arg0, %c0_i32_0 : i32, i32, i32
  }
  func.func @transform_2(%arg0: i32) -> (i32, i32, i32) {
    %c0_i32 = arith.constant 0 : i32
    %c0_i32_0 = arith.constant 0 : i32
    %c0_i32_1 = arith.constant 0 : i32
    return %c0_i32, %arg0, %c0_i32_0 : i32, i32, i32
  }
  func.func @transform_3(%arg0: i32) -> (i32, i32) {
    %c0_i32 = arith.constant 0 : i32
    %c0_i32_0 = arith.constant 0 : i32
    %c0_i32_1 = arith.constant 0 : i32
    return %c0_i32, %c0_i32_0 : i32, i32
  }
  func.func @transform_4(%arg0: i32) -> (i32, i32) {
    %c0_i32 = arith.constant 0 : i32
    %c0_i32_0 = arith.constant 0 : i32
    %c0_i32_1 = arith.constant 0 : i32
    return %c0_i32, %c0_i32_0 : i32, i32
  }
  func.func @transform_5(%arg0: i32) -> (i32, i32) {
    %c0_i32 = arith.constant 0 : i32
    %c0_i32_0 = arith.constant 0 : i32
    %c0_i32_1 = arith.constant 0 : i32
    return %c0_i32, %c0_i32_0 : i32, i32
  }
  func.func @transform_6(%arg0: i32) -> (i32, i32) {
    %c0_i32 = arith.constant 0 : i32
    %c0_i32_0 = arith.constant 0 : i32
    %c0_i32_1 = arith.constant 0 : i32
    return %c0_i32, %c0_i32_0 : i32, i32
  }
  func.func @transform_7(%arg0: i32) -> (i32, i32) {
    %c0_i32 = arith.constant 0 : i32
    %c0_i32_0 = arith.constant 0 : i32
    return %arg0, %c0_i32 : i32, i32
  }
}

</mosaic_0001>

<sc_bundles>
// kernel: kernel.11.cloned.1.call-start
scs
__scs_entry_jumppad:
0x0: {  	(pc) =	sbr.rel $0x88, $3  }
0x1: {  	(tag) =	ssettag $0x0;
	lr =	simm.s32 $0x1  }
0x2: {  	[smem:$0x3F94] =	sst lr;
	_ =	strace $0xD0000000  }
0x3: {  	_ = 	snop  }
0x4: {  	_ = 	snop  }
0x5: {  	_ = 	snop  }
0x6: {  	_ = 	snop  }
0x7: {  	_ = 	snop  }
__scs_overlays_trampoline_lowered:
0x8: {  	[smem:$0x3FA3] =	sst s0  }
0x9: {  	[smem:$0x3FA4] =	sst s1  }
0xa: {  	[smem:$0x3FA5] =	sst s2  }
0xb: {  	[smem:$0x3FA6] =	sst s3  }
0xc: {  	[smem:$0x3FA7] =	sst s4  }
0xd: {  	[smem:$0x3FA8] =	sst s5  }
0xe: {  	[smem:$0x3FA9] =	sst s6  }
0xf: {  	[smem:$0x3FAA] =	sst s7  }
0x10: {  	[smem:$0x3FAB] =	sst s8  }
0x11: {  	[smem:$0x3FAC] =	sst s9;
	s0 =	simm.s32 @!p0 $0x0  }
0x12: {  	s1 =	sld [smem:$0x3F92];
	s0 =	simm.s32 @p0 $0x1  }
0x13: {  	[smem:$0x3FAD] =	sst s0;
	s0 =	simm.s32 @!p1 $0x0  }
0x14: {  	s2 =	sld [smem:$0x3F91];
	s0 =	simm.s32 @p1 $0x1  }
0x15: {  	[smem:$0x3FAE] =	sst s0;
	s0 =	simm.s32 @!p2 $0x0  }
0x16: {  	s3 =	sld [smem:$0x3FDB];
	s0 =	simm.s32 @p2 $0x1  }
0x17: {  	s4 =	simm.s32 $0x1BF5;
	[smem:$0x3FB0] =	sst s0  }
0x18: {  	s0 =	sld [smem:$0x3F93];
	_ =	swait.ge [sflag:s4], $0x0  }
0x19: {  	s7 =	sld [smem:$0x3F94]  }
0x1a: {  	s8 =	sadd.s32 $0xFFFFE003, lr  }
0x1b: {  	s9 =	sadd.s32 $0xFFFFFEF7, lr;
	s5 =	simm.s32 $0xFFFFFFFF;
	p2 =	slt.u32 s8, $0xFFFFF086  }
0x1c: {  	p1 =	slt.u32 s9, $0xF7A;
	s5 =	simm.s32 @!p2 $0x0  }
0x1d: {  	s5 =	simm.s32 @p1 $0x1;
	p0 =	seq.s32 s7, s2  }
0x1e: {  	s7 =	smul.u32 @!p0 $0xF7A, s2;
	p2 =	seq.s32 @!p0 s5, $0x0  }
0x1f: {  	s9 =	smul.u32 $0xF7A, s1;
	s8 =	simm.s32 @!p0 $0x1BF5;
	p2 =	por !p2, p0  }
0x20: {  	[sflag:s8] =	ssyncset.s32 @!p0 $0xFFFFF086;
	s6 =	sadd.s32 @!p0 s3, s7;
	s7 =	simm.s32 @!p0 $0x108  }
0x21: {  	s3 =	sadd.s32 s3, s9;
	s6 =	sadd.s32 @!p0 $0x88, s6;
	s7 =	simm.s32 @p2 $0x1082  }
0x22: {  	[simem:s7], [sflag:s8] =	dma.local @!p0 [hbm:s6], $0xF7A  }
0x23: {  	s9 =	sor.u32 $0xD0000000, s2;
	s6 =	simm.s32 $0x108;
	_ =	swait.ge @!p0 [sflag:s8], $0x0  }
0x24: {  	s3 =	sadd.s32 $0x88, s3;
	s6 =	simm.s32 @!p1 $0x1082;
	[sflag:s4] =	ssyncset.s32 $0xFFFFF086  }
0x25: {  	[simem:s6], [sflag:s4] =	dma.local [hbm:s3], $0xF7A  }
0x26: {  	[smem:$0x3F94] =	sst s1;
	(tag) =	ssettag s2;
	_ =	strace s9  }
0x27: {  	s1 =	sld [smem:$0x3FA4]  }
0x28: {  	s2 =	sld [smem:$0x3FA5]  }
0x29: {  	s4 =	sld [smem:$0x3FA7]  }
0x2a: {  	p0 =	seq.s32 s5, $0x0;
	s5 =	sld [smem:$0x3FA8]  }
0x2b: {  	s6 =	sld [smem:$0x3FA9]  }
0x2c: {  	s7 =	sld [smem:$0x3FAA]  }
0x2d: {  	s3 =	simm.s32 $0x108;
	s8 =	sld [smem:$0x3FAB]  }
0x2e: {  	s3 =	simm.s32 @!p0 $0x1082;
	s9 =	sld [smem:$0x3FAC]  }
0x2f: {  	lr =	sadd.s32 s0, s3;
	s0 =	sld [smem:$0x3FA3]  }
0x30: {  	s3 =	sld [smem:$0x3FA6]  }
0x31: {  	[smem:$0x3FAF] =	sst s10  }
0x32: {  	s10 =	sld [smem:$0x3FAD];
	_ =	sdelay $0x3  }
0x33: {  	p0 =	seq.s32 s10, $0x1;
	s10 =	sld [smem:$0x3FAF];
	_ =	sdelay $0x3  }
0x34: {  	[smem:$0x3FAF] =	sst s10  }
0x35: {  	s10 =	sld [smem:$0x3FAE];
	_ =	sdelay $0x3  }
0x36: {  	p1 =	seq.s32 s10, $0x1;
	s10 =	sld [smem:$0x3FAF];
	_ =	sdelay $0x3  }
0x37: {  	[smem:$0x3FAF] =	sst s10  }
0x38: {  	s10 =	sld [smem:$0x3FB0]  }
0x39: {  	_ = 	snop;
	(pc) =	sbr.ind lr, $3  }
0x3a: {  	_ = 	snop  }
0x3b: {  	_ = 	snop  }
0x3c: {  	p2 =	seq.s32 s10, $0x1;
	s10 =	sld [smem:$0x3FAF]  }
0x3d: {  	_ =	shalt  }
0x3e: {  	_ =	shalt  }
0x3f: {  	_ =	shalt  }
0x40: {  	_ =	shalt  }
0x41: {  	_ =	shalt  }
0x42: {  	_ =	shalt  }
0x43: {  	_ =	shalt  }
0x44: {  	_ =	shalt  }
0x45: {  	_ =	shalt  }
0x46: {  	_ =	shalt  }
0x47: {  	_ =	shalt  }
0x48: {  	_ =	shalt  }
0x49: {  	_ =	shalt  }
0x4a: {  	_ =	shalt  }
0x4b: {  	_ =	shalt  }
0x4c: {  	_ =	shalt  }
0x4d: {  	_ =	shalt  }
0x4e: {  	_ =	shalt  }
0x4f: {  	_ =	shalt  }
0x50: {  	_ =	shalt  }
0x51: {  	_ =	shalt  }
0x52: {  	_ =	shalt  }
0x53: {  	_ =	shalt  }
0x54: {  	_ =	shalt  }
0x55: {  	_ =	shalt  }
0x56: {  	_ =	shalt  }
0x57: {  	_ =	shalt  }
0x58: {  	_ =	shalt  }
0x59: {  	_ =	shalt  }
0x5a: {  	_ =	shalt  }
0x5b: {  	_ =	shalt  }
0x5c: {  	_ =	shalt  }
0x5d: {  	_ =	shalt  }
0x5e: {  	_ =	shalt  }
0x5f: {  	_ =	shalt  }
0x60: {  	_ =	shalt  }
0x61: {  	_ =	shalt  }
0x62: {  	_ =	shalt  }
0x63: {  	_ =	shalt  }
0x64: {  	_ =	shalt  }
0x65: {  	_ =	shalt  }
0x66: {  	_ =	shalt  }
0x67: {  	_ =	shalt  }
0x68: {  	_ =	shalt  }
0x69: {  	_ =	shalt  }
0x6a: {  	_ =	shalt  }
0x6b: {  	_ =	shalt  }
0x6c: {  	_ =	shalt  }
0x6d: {  	_ =	shalt  }
0x6e: {  	_ =	shalt  }
0x6f: {  	_ =	shalt  }
0x70: {  	_ =	shalt  }
0x71: {  	_ =	shalt  }
0x72: {  	_ =	shalt  }
0x73: {  	_ =	shalt  }
0x74: {  	_ =	shalt  }
0x75: {  	_ =	shalt  }
0x76: {  	_ =	shalt  }
0x77: {  	_ =	shalt  }
0x78: {  	_ =	shalt  }
0x79: {  	_ =	shalt  }
0x7a: {  	_ =	shalt  }
0x7b: {  	_ =	shalt  }
0x7c: {  	_ =	shalt  }
0x7d: {  	_ =	shalt  }
0x7e: {  	_ =	shalt  }
0x7f: {  	_ =	shalt  }
0x80: {  	_ =	shalt  }
0x81: {  	_ =	shalt  }
0x82: {  	_ =	shalt  }
0x83: {  	_ =	shalt  }
0x84: {  	_ =	shalt  }
0x85: {  	_ =	shalt  }
0x86: {  	_ =	shalt  }
0x87: {  	_ =	shalt  }
.Lfunc_end0:
.L_simem_size_0:
called_computation.1_lowered:
.L_overlay_start_0:
0x88: {  	s2 =	sld [smem:$0x3FD9]  }
0x89: {  	s3 =	sld [smem:$0x3FFE];
	_ =	sdelay $0x1  }
0x8a: {  	s1 =	srdreg.scid  }
0x8b: {  	s0 =	sand.u32 $0x1, s1  }
0x8c: {  	s17 =	sshll.u32 s0, $0xA;
	s2 =	sadd.s32 s3, s2  }
0x8d: {  	s2 =	sadd.s32 s2, s17  }
0x8e: {  	[smem:$0x3FBB] =	sst s2  }
0x8f: {  	_ = 	snop  }
0x90: {  	s2 =	sld [smem:$0x3FD0];
	(tm) =	ssettm $0x1  }
0x91: {  	s18 =	sld [smem:$0x3FFB];
	_ =	sdelay $0x3  }
0x92: {  	_ =	strace s18  }
0x93: {  	s3 =	sld [smem:$0x3FFC];
	_ =	sdelay $0x3  }
0x94: {  	_ =	strace s3  }
0x95: {  	s3 =	sld [smem:$0x3FFD];
	_ =	sdelay $0x3  }
0x96: {  	_ =	strace s3  }
0x97: {  	_ =	strace $0x8FFFFFFF  }
0x98: {  	s19 =	sld [smem:$0x3FDB];
	_ =	sdelay $0x1  }
0x99: {  	s4 =	simm.s32 $_scs_section_size  }
0x9a: {  	s5 =	simm.s32 $_size__tile_overlayer_lowered;
	s6 =	simm.s32 $_tile_overlayer_lowered  }
0x9b: {  	s22 =	simm.s32 $0x1BFF;
	s21 =	sshll.u32 s6, $0x1;
	s3 =	sadd.s32 s4, s19  }
0x9c: {  	s7 =	simm.s32 $0x0;
	s20 =	sshll.u32 s5, $0x1;
	s5 =	sadd.s32 s21, s3  }
0x9d: {  	[timem:s7], [sflag:s22] =	dma.local [hbm:s5], s20  }
0x9e: {  	_ =	swait.ge [sflag:s22], s20  }
0x9f: {  	s4 =	ssub.s32 $0x0, s20;
	[sflag:s22] =	ssyncset.done $0x0  }
0xa0: {  	[sflag:s22] =	ssyncadd.s32 s4;
	_ =	sdelay $0x1  }
0xa1: {  	s23 =	simm.s32 $0x1B8B  }
0xa2: {  	_ =	swait.ge [sflag:s23], $0x1  }
0xa3: {  	[sflag:s23] =	ssyncset.done $0x0  }
0xa4: {  	s25 =	simm.s32 $0x1B8E;
	s24 =	sld [smem:$0x3FFE];
	[sflag:s23] =	ssyncadd.s32 $0xFFFFFFFF  }
0xa5: {  	s26 =	simm.s32 $execute0_lowered;
	[smem:$0x3FD2] =	sst s25  }
0xa6: {  	s5 =	sshll.u32 s26, $0x1;
	_ =	strace $0x80000049;
	[dreg:$0x1] =	wrdreg $0xFFFFFFFF  }
0xa7: {  	s28 =	simm.s32 $_size_execute0_lowered;
	s3 =	sadd.s32 s3, s5;
	[dreg:$0x0] =	wrdreg $0x0  }
0xa8: {  	s5 =	sshll.u32 s28, $0x1;
	[dreg:$0x2] =	wrdreg s3  }
0xa9: {  	[dreg:$0x3] =	wrdreg s5  }
0xaa: {  	[dreg:$0x4] =	wrdreg $0xC0  }
0xab: {  	_ =	task [dreg:s7], $0x5FFFF  }
0xac: {  	[dreg:$0x1] =	wrdreg $0xFFFFFFFF  }
0xad: {  	[dreg:$0x0] =	wrdreg $0x60  }
0xae: {  	[dreg:$0x2] =	wrdreg s2  }
0xaf: {  	[dreg:$0x3] =	wrdreg s24  }
0xb0: {  	[dreg:$0x4] =	wrdreg $0x0  }
0xb1: {  	[dreg:$0x5] =	wrdreg $0x9  }
0xb2: {  	_ =	task.clear_ibuf [dreg:s7], $0x6FFFF;
	_ =	strace $0x90000049  }
0xb3: {  	s29 =	simm.s32 $0x9;
	_ =	strace $0x8000004B  }
0xb4: {  	_ =	swait.ge [sflag:s29], $0x1  }
0xb5: {  	[sflag:s29] =	ssyncadd.s32 $0xFFFFFFFF  }
0xb6: {  	_ =	strace $0x9000004B  }
0xb7: {  	_ =	sfence  }
0xb8: {  	s30 =	sld [smem:$0x0];
	_ =	sdelay $0x2  }
0xb9: {  	s31 =	sshll.u32 s1, $0xD;
	s1 =	sshrl.u32 s1, $0x2  }
0xba: {  	s3 =	sand.u32 $0x4000, s31;
	s1 =	sadd.s32 s1, s30  }
0xbb: {  	s0 =	sor.u32 s3, s0;
	s1 =	sshll.u32 s1, $0x11  }
0xbc: {  	s0 =	sor.u32 s1, s0  }
0xbd: {  	s0 =	sadd.s32 $0x8F2B, s0  }
0xbe: {  	[sflag:s0] =	ssyncadd.remote.s32 $0x1  }
0xbf: {  	_ =	sfence.sel $0xFFFF  }
0xc0: {  	[dreg:$0x0] =	wrdreg $0xFFFFFFFF;
	(pc) =	sbr.abs _section_cstart, $3  }
0xc1: {  	[dreg:$0x1] =	wrdreg $0xFFFFFFFF  }
0xc2: {  	_ =	task.clear_ibuf [dreg:s7], $0x2FFFF;
	_ =	strace $0x9FFFFFFF  }
0xc3: {  	(tm) =	ssettm $0x7FFFFFFF  }
tec
execute0_lowered:
.L_overlay_start_1:
0x0: {  	(tag) =	ssettag $0x1  }
0x1: {  	s0 =	rddreg [dreg:$0x1];
	s1 =	simm.s32 $0x0;
	s2 =	srdreg.scid  }
0x2: {  	s21 =	stileid.u32;
	[smem:$0x7FF] =	sst s1;
	s3 =	sadd.s32 $0xD600, s0  }
0x3: {  	s4 =	sand.u32 $0x1, s2;
	s5 =	sadd.s32 $0x3800, s0;
	s6 =	smul.u32 $0x14000, s21  }
0x4: {  	s7 =	sadd.s32 $0x17A00, s0;
	s9 =	sshll.u32 s21, $0x1;
	s0 =	sadd.s32 $0x17400, s0  }
0x5: {  	s2 =	ssub.s32 $0x2, s4;
	s25 =	sor.u32 s4, s9;
	s15 =	smul.u32 $0x140000, s4  }
0x6: {  	s4 =	smul.u32 $0x4E2, s4;
	s8 =	sshrl.u32 s2, $0x1;
	s9 =	sor.u32 $0x2800, s6  }
0x7: {  	s10 =	sadd.s32 $0x5000, s6;
	s11 =	sadd.s32 $0x7800, s6;
	s12 =	smul.u32 $0x4E2, s25  }
0x8: {  	s13 =	sadd.s32 $0xA000, s6;
	s14 =	sadd.s32 $0xC800, s6;
	s16 =	sadd.s32 $0xF000, s6  }
0x9: {  	s17 =	sadd.s32 $0x11800, s6;
	s2 =	ssub.s32 s2, s8;
	s8 =	smul.u32 $0x2710, s25  }
0xa: {  	s6 =	sadd.s32 s6, s15;
	s26 =	sadd.s32 s15, s9;
	s19 =	sadd.s32 s15, s10  }
0xb: {  	s20 =	sadd.s32 s15, s11;
	s25 =	sadd.s32 s15, s14;
	s18 =	sadd.s32 s5, s12  }
0xc: {  	s6 =	sshrl.u32 s6, $0x3;
	s22 =	sshrl.u32 s20, $0x3;
	[dreg:$0x4] =	wrdreg s18  }
0xd: {  	s8 =	sshrl.u32 s8, $0x3;
	s18 =	sshrl.u32 s26, $0x3;
	s6 =	sadd.s32 s7, s6  }
0xe: {  	s26 =	sadd.s32 s15, s16;
	[dreg:$0x5] =	wrdreg s6;
	s18 =	sadd.s32 s7, s18  }
0xf: {  	s6 =	sshrl.u32 s19, $0x3;
	s19 =	sadd.s32 s15, s13;
	s15 =	sadd.s32 s15, s17  }
0x10: {  	s20 =	sadd.s32 $0xA, s8;
	[dreg:$0x6] =	wrdreg s18;
	s6 =	sadd.s32 s7, s6  }
0x11: {  	s23 =	sshrl.u32 s19, $0x3;
	[dreg:$0x7] =	wrdreg s6;
	s6 =	sadd.s32 s7, s22  }
0x12: {  	s15 =	sshrl.u32 s15, $0x3;
	s24 =	sadd.s32 s7, s23;
	[dreg:$0x8] =	wrdreg s6  }
0x13: {  	s18 =	sshrl.u32 s26, $0x3;
	s19 =	sadd.s32 s7, s15;
	[dreg:$0x9] =	wrdreg s24  }
0x14: {  	s22 =	sadd.s32 s3, s12;
	s12 =	smul.u32 $0x9C4, s21;
	[dreg:$0xc] =	wrdreg s19  }
0x15: {  	s23 =	sadd.s32 s5, s20;
	s15 =	smul.u32 $0x50000, s21;
	[dreg:$0xd] =	wrdreg s22  }
0x16: {  	s6 =	sshrl.u32 s25, $0x3;
	[dreg:$0xe] =	wrdreg s23;
	s24 =	sadd.s32 $0x14, s8  }
0x17: {  	s25 =	sadd.s32 $0x1E, s8;
	s19 =	rddreg [dreg:$0x0];
	s6 =	sadd.s32 s7, s6  }
0x18: {  	s26 =	sadd.s32 s5, s24;
	s8 =	sadd.s32 s5, s25;
	[dreg:$0xa] =	wrdreg s6  }
0x19: {  	s5 =	sadd.s32 s12, s5;
	s6 =	sadd.s32 s7, s18;
	[dreg:$0x10] =	wrdreg s26  }
0x1a: {  	s7 =	sadd.s32 s3, s24;
	[dreg:$0x12] =	wrdreg s8;
	s21 =	sadd.s32 s4, s5  }
0x1b: {  	s18 =	sshrl.u32 s15, $0x2;
	s5 =	simm.s32 $0x19000;
	[dreg:$0xb] =	wrdreg s6  }
0x1c: {  	s8 =	simm.s32 $0x19300;
	s15 =	simm.s32 $0x16800;
	[dreg:$0x11] =	wrdreg s7  }
0x1d: {  	s6 =	sadd.s32 s3, s20;
	s20 =	rddreg [dreg:$0x2];
	s7 =	simm.s32 $0x19080  }
0x1e: {  	[dreg:$0xf] =	wrdreg s6;
	s6 =	sadd.s32 s3, s25;
	s3 =	sadd.s32 s12, s3  }
0x1f: {  	s28 =	sadd.s32 s18, s20;
	s29 =	sadd.s32 s9, s20;
	s23 =	sadd.s32 s10, s20  }
0x20: {  	s18 =	sadd.s32 s11, s20;
	s26 =	sadd.s32 s13, s20;
	[dreg:$0x13] =	wrdreg s6  }
0x21: {  	s24 =	sadd.s32 s14, s20;
	_ =	strace $0x8000004A;
	[dreg:$0x14] =	wrdreg s0  }
0x22: {  	s30 =	sadd.s32 s16, s20;
	s31 =	sadd.s32 s17, s20;
	[dreg:$0x17] =	wrdreg s23  }
0x23: {  	s25 =	smax.u32 s2, $0x1;
	s2 =	simm.s32 $0x14000;
	[dreg:$0x1a] =	wrdreg s24  }
0x24: {  	s22 =	sadd.s32 s4, s3;
	s3 =	simm.s32 $0x0;
	[dreg:$0x1d] =	wrdreg s25  }
0x25: {  	s9 =	simm.s32 $0x19100;
	s10 =	simm.s32 $0x19380;
	[dreg:$0x1e] =	wrdreg s3  }
0x26: {  	s11 =	simm.s32 $0x19180;
	s12 =	simm.s32 $0x7;
	[dreg:$0x15] =	wrdreg s28  }
0x27: {  	s13 =	simm.s32 $0x50;
	s14 =	simm.s32 $0x8;
	[dreg:$0x16] =	wrdreg s29  }
0x28: {  	s16 =	simm.s32 $0x1;
	s17 =	simm.s32 $0x2;
	[dreg:$0x18] =	wrdreg s18  }
0x29: {  	s4 =	simm.s32 $0x19200;
	s6 =	simm.s32 $0x19280;
	[dreg:$0x19] =	wrdreg s26  }
0x2a: {  	s23 =	simm.s32 $0x3;
	s0 =	simm.s32 $0x9;
	[dreg:$0x1b] =	wrdreg s30  }
0x2b: {  	s24 =	simm.s32 $0x4;
	s25 =	simm.s32 $0xA;
	[dreg:$0x1c] =	wrdreg s31  }
.LBB2_1:
0x2c: {  	s3 =	rddreg [dreg:$0x14]  }
0x2d: {  	[tilespmem:s2], [sflag:$0xB] =	stream.linear.gather [hbm4b:s3+s1], $0x2800, $0x38;
	[tilespmem:$0x19400] =	vst v63  }
0x2e: {  	s3 =	simm.s32 $0xB  }
0x2f: {  	_ =	swait.ge [sflag:s3], $0x2800  }
0x30: {  	[sflag:s3] =	ssyncset.done $0x0  }
0x31: {  	[sflag:s3] =	ssyncadd.s32 $0xFFFFD800  }
0x32: {  	[spmem:s28] =	stream.linear.scatter [tilespmem:s2], [sflag:$0xB], $0x2800, $0x38;
	[tilespmem:$0x19400] =	vst v63  }
0x33: {  	_ =	swait.ge [sflag:s3], $0x2800  }
0x34: {  	[sflag:s3] =	ssyncset.done $0x0  }
0x35: {  	[sflag:s3] =	ssyncadd.s32 $0xFFFFD800  }
0x36: {  	[spmem:s29] =	stream.linear.scatter [tilespmem:s2], [sflag:$0xB], $0x2800, $0x38;
	[tilespmem:$0x19400] =	vst v63  }
0x37: {  	_ =	swait.ge [sflag:s3], $0x2800  }
0x38: {  	[sflag:s3] =	ssyncset.done $0x0  }
0x39: {  	s29 =	rddreg [dreg:$0x17];
	[sflag:s3] =	ssyncadd.s32 $0xFFFFD800  }
0x3a: {  	[spmem:s29] =	stream.linear.scatter [tilespmem:s2], [sflag:$0xB], $0x2800, $0x38;
	[tilespmem:$0x19400] =	vst v63  }
0x3b: {  	_ =	swait.ge [sflag:s3], $0x2800  }
0x3c: {  	[sflag:s3] =	ssyncset.done $0x0  }
0x3d: {  	[sflag:s3] =	ssyncadd.s32 $0xFFFFD800  }
0x3e: {  	[spmem:s18] =	stream.linear.scatter [tilespmem:s2], [sflag:$0xB], $0x2800, $0x38;
	[tilespmem:$0x19400] =	vst v63  }
0x3f: {  	_ =	swait.ge [sflag:s3], $0x2800  }
0x40: {  	[sflag:s3] =	ssyncset.done $0x0  }
0x41: {  	[sflag:s3] =	ssyncadd.s32 $0xFFFFD800  }
0x42: {  	[spmem:s26] =	stream.linear.scatter [tilespmem:s2], [sflag:$0xB], $0x2800, $0x38;
	[tilespmem:$0x19400] =	vst v63  }
0x43: {  	_ =	swait.ge [sflag:s3], $0x2800  }
0x44: {  	[sflag:s3] =	ssyncset.done $0x0  }
0x45: {  	s29 =	rddreg [dreg:$0x1a];
	[sflag:s3] =	ssyncadd.s32 $0xFFFFD800  }
0x46: {  	[spmem:s29] =	stream.linear.scatter [tilespmem:s2], [sflag:$0xB], $0x2800, $0x38;
	[tilespmem:$0x19400] =	vst v63  }
0x47: {  	_ =	swait.ge [sflag:s3], $0x2800  }
0x48: {  	[sflag:s3] =	ssyncset.done $0x0  }
0x49: {  	[sflag:s3] =	ssyncadd.s32 $0xFFFFD800  }
0x4a: {  	[spmem:s30] =	stream.linear.scatter [tilespmem:s2], [sflag:$0xB], $0x2800, $0x38;
	[tilespmem:$0x19400] =	vst v63  }
0x4b: {  	_ =	swait.ge [sflag:s3], $0x2800  }
0x4c: {  	[sflag:s3] =	ssyncset.done $0x0  }
0x4d: {  	[sflag:s3] =	ssyncadd.s32 $0xFFFFD800  }
0x4e: {  	[spmem:s31] =	stream.linear.scatter [tilespmem:s2], [sflag:$0xB], $0x2800, $0x38;
	[tilespmem:$0x19400] =	vst v63  }
0x4f: {  	_ =	swait.ge [sflag:s3], $0x2800  }
0x50: {  	[sflag:s3] =	ssyncset.done $0x0  }
0x51: {  	[sflag:s3] =	ssyncadd.s32 $0xFFFFD800  }
0x52: {  	[bflag:$0x0] =	sbarrier.arrive $0xFFFF  }
0x53: {  	s18 =	rddreg [dreg:$0x4]  }
0x54: {  	[tilespmem:s4], [sflag:$0x7] =	stream.linear.gather [hbm4b:s18+s1], $0x50, $0x38;
	[tilespmem:$0x19400] =	vst v63  }
0x55: {  	s26 =	rddreg [dreg:$0xd]  }
0x56: {  	[tilespmem:s5], [sflag:$0x7] =	stream.linear.gather [hbm4b:s26+s1], $0x50, $0x38;
	[tilespmem:$0x19400] =	vst v63  }
0x57: {  	s28 =	rddreg [dreg:$0xe]  }
0x58: {  	[tilespmem:s6], [sflag:$0x8] =	stream.linear.gather [hbm4b:s28+s1], $0x50, $0x38;
	[tilespmem:$0x19400] =	vst v63  }
0x59: {  	s29 =	rddreg [dreg:$0xf]  }
0x5a: {  	[tilespmem:s7], [sflag:$0x8] =	stream.linear.gather [hbm4b:s29+s1], $0x50, $0x38;
	[tilespmem:$0x19400] =	vst v63  }
0x5b: {  	s31 =	rddreg [dreg:$0x10]  }
0x5c: {  	[tilespmem:s8], [sflag:$0x9] =	stream.linear.gather [hbm4b:s31+s1], $0x50, $0x38;
	[tilespmem:$0x19400] =	vst v63  }
0x5d: {  	s18 =	rddreg [dreg:$0x11]  }
0x5e: {  	[tilespmem:s9], [sflag:$0x9] =	stream.linear.gather [hbm4b:s18+s1], $0x50, $0x38;
	[tilespmem:$0x19400] =	vst v63  }
0x5f: {  	s26 =	rddreg [dreg:$0x12]  }
0x60: {  	[tilespmem:s10], [sflag:$0xA] =	stream.linear.gather [hbm4b:s26+s1], $0x50, $0x38;
	[tilespmem:$0x19400] =	vst v63  }
0x61: {  	s28 =	rddreg [dreg:$0x13]  }
0x62: {  	[tilespmem:s11], [sflag:$0xA] =	stream.linear.gather [hbm4b:s28+s1], $0x50, $0x38;
	[tilespmem:$0x19400] =	vst v63  }
0x63: {  	_ =	swait.ge [sflag:s12], $0x50  }
0x64: {  	[sflag:s12] =	ssyncset.done $0x0  }
0x65: {  	[sflag:s12] =	ssyncadd.s32 $0xFFFFFFB0  }
0x66: {  	_ =	swait.ge [sflag:s12], $0x50  }
0x67: {  	[sflag:s12] =	ssyncset.done $0x0  }
0x68: {  	[sflag:s12] =	ssyncadd.s32 $0xFFFFFFB0  }
0x69: {  	[tilespmem:s2], [sflag:$0x1] =	stream.indirect.gather [hbm4b:s19+s13], $0x80, s5, s13, $0xb8;
	[tilespmem:$0x19400] =	vst v63  }
0x6a: {  	_ =	swait.ge [sflag:s14], $0x50  }
0x6b: {  	[sflag:s14] =	ssyncset.done $0x0  }
0x6c: {  	[sflag:s14] =	ssyncadd.s32 $0xFFFFFFB0  }
0x6d: {  	_ =	swait.ge [sflag:s14], $0x50  }
0x6e: {  	[sflag:s14] =	ssyncset.done $0x0  }
0x6f: {  	[sflag:s14] =	ssyncadd.s32 $0xFFFFFFB0  }
0x70: {  	[tilespmem:s15], [sflag:$0x2] =	stream.indirect.gather [hbm4b:s19+s13], $0x80, s7, s13, $0xb8;
	[tilespmem:$0x19400] =	vst v63  }
0x71: {  	_ =	swait.ge [sflag:s16], $0x2800  }
0x72: {  	[sflag:s16] =	ssyncset.done $0x0  }
0x73: {  	[sflag:s16] =	ssyncadd.s32 $0xFFFFD800  }
0x74: {  	[spmem:s20] =	stream.indirect.scatter.add.f32 [tilespmem:s2], [sflag:$0x3], $0x80, s4, s13, $0xb8;
	[tilespmem:$0x19400] =	vst v63  }
0x75: {  	_ =	swait.ge [sflag:s17], $0x2800  }
0x76: {  	[sflag:s17] =	ssyncset.done $0x0  }
0x77: {  	[sflag:s17] =	ssyncadd.s32 $0xFFFFD800  }
0x78: {  	[spmem:s20] =	stream.indirect.scatter.add.f32 [tilespmem:s15], [sflag:$0x4], $0x80, s6, s13, $0xb8;
	[tilespmem:$0x19400] =	vst v63  }
0x79: {  	_ =	swait.ge [sflag:s23], $0x2800  }
0x7a: {  	s30 =	sadd.s32 $0x0, s21;
	[sflag:s23] =	ssyncset.done $0x0  }
0x7b: {  	s30 =	sadd.s32 $0x28, s30;
	s29 =	sadd.s32 $0x0, s22;
	[sflag:s23] =	ssyncadd.s32 $0xFFFFD800  }
0x7c: {  	[tilespmem:s4], [sflag:$0x7] =	stream.linear.gather [hbm4b:s30+s1], $0x50, $0x38;
	[tilespmem:$0x19400] =	vst v63  }
0x7d: {  	s30 =	sadd.s32 $0x28, s29  }
0x7e: {  	[tilespmem:s5], [sflag:$0x7] =	stream.linear.gather [hbm4b:s30+s1], $0x50, $0x38;
	[tilespmem:$0x19400] =	vst v63  }
0x7f: {  	_ =	swait.ge [sflag:s0], $0x50  }
0x80: {  	[sflag:s0] =	ssyncset.done $0x0  }
0x81: {  	[sflag:s0] =	ssyncadd.s32 $0xFFFFFFB0  }
0x82: {  	_ =	swait.ge [sflag:s0], $0x50  }
0x83: {  	[sflag:s0] =	ssyncset.done $0x0  }
0x84: {  	p0 =	por $0x0, $0x0;
	[sflag:s0] =	ssyncadd.s32 $0xFFFFFFB0  }
0x85: {  	[tilespmem:s2], [sflag:$0x1] =	stream.indirect.gather [hbm4b:s19+s13], $0x80, s9, s13, $0xb8;
	[tilespmem:$0x19400] =	vst v63  }
0x86: {  	s31 =	simm.s32 @!p0 $0x0;
	_ =	swait.ge [sflag:s24], $0x2800  }
0x87: {  	s18 =	simm.s32 @!p0 $0x19280;
	s30 =	sadd.s32 @!p0 $0x0, s21;
	[sflag:s24] =	ssyncset.done $0x0  }
0x88: {  	s26 =	sadd.s32 @!p0 $0x0, s22;
	s30 =	sadd.s32 @!p0 $0x32, s30;
	[sflag:s24] =	ssyncadd.s32 $0xFFFFD800  }
0x89: {  	[tilespmem:s18], [sflag:$0x8] =	stream.linear.gather @!p0 [hbm4b:s30+s31], $0x50, $0x38;
	[tilespmem:$0x19400] =	vst v63  }
0x8a: {  	s26 =	sadd.s32 @!p0 $0x32, s26;
	s18 =	simm.s32 @!p0 $0x19080  }
0x8b: {  	[tilespmem:s18], [sflag:$0x8] =	stream.linear.gather @!p0 [hbm4b:s26+s31], $0x50, $0x38;
	[tilespmem:$0x19400] =	vst v63  }
0x8c: {  	_ =	swait.ge [sflag:s25], $0x50  }
0x8d: {  	[sflag:s25] =	ssyncset.done $0x0  }
0x8e: {  	[sflag:s25] =	ssyncadd.s32 $0xFFFFFFB0  }
0x8f: {  	_ =	swait.ge [sflag:s25], $0x50  }
0x90: {  	[sflag:s25] =	ssyncset.done $0x0  }
0x91: {  	[sflag:s25] =	ssyncadd.s32 $0xFFFFFFB0  }
0x92: {  	[tilespmem:s15], [sflag:$0x2] =	stream.indirect.gather [hbm4b:s19+s13], $0x80, s11, s13, $0xb8;
	[tilespmem:$0x19400] =	vst v63  }
0x93: {  	_ =	swait.ge [sflag:s16], $0x2800  }
0x94: {  	[sflag:s16] =	ssyncset.done $0x0  }
0x95: {  	[sflag:s16] =	ssyncadd.s32 $0xFFFFD800  }
0x96: {  	[spmem:s20] =	stream.indirect.scatter.add.f32 [tilespmem:s2], [sflag:$0x3], $0x80, s8, s13, $0xb8;
	[tilespmem:$0x19400] =	vst v63  }
0x97: {  	_ =	swait.ge [sflag:s17], $0x2800  }
0x98: {  	[sflag:s17] =	ssyncset.done $0x0  }
0x99: {  	p0 =	por $0x1, $0x1;
	[sflag:s17] =	ssyncadd.s32 $0xFFFFD800  }
0x9a: {  	[spmem:s20] =	stream.indirect.scatter.add.f32 [tilespmem:s15], [sflag:$0x4], $0x80, s10, s13, $0xb8;
	[tilespmem:$0x19400] =	vst v63  }
0x9b: {  	s18 =	sadd.s32 @p0 $0x0, s21;
	_ =	swait.ge [sflag:s23], $0x2800  }
0x9c: {  	s26 =	simm.s32 @p0 $0x19300;
	s31 =	simm.s32 @p0 $0x0;
	[sflag:s23] =	ssyncset.done $0x0  }
0x9d: {  	s28 =	sadd.s32 @p0 $0x0, s22;
	s30 =	sadd.s32 @p0 $0x3C, s18;
	[sflag:s23] =	ssyncadd.s32 $0xFFFFD800  }
0x9e: {  	[tilespmem:s26], [sflag:$0x9] =	stream.linear.gather @p0 [hbm4b:s30+s31], $0x50, $0x38;
	[tilespmem:$0x19400] =	vst v63  }
0x9f: {  	s26 =	simm.s32 @p0 $0x19100;
	s30 =	sadd.s32 @p0 $0x3C, s28  }
0xa0: {  	[tilespmem:s26], [sflag:$0x9] =	stream.linear.gather @p0 [hbm4b:s30+s31], $0x50, $0x38;
	[tilespmem:$0x19400] =	vst v63  }
0xa1: {  	s26 =	simm.s32 @p0 $0x4  }
0xa2: {  	_ =	swait.ge @p0 [sflag:s26], $0x2800  }
0xa3: {  	[sflag:s26] =	ssyncset.done @p0 $0x0  }
0xa4: {  	s18 =	sadd.s32 @p0 $0x46, s18;
	[sflag:s26] =	ssyncadd.s32 @p0 $0xFFFFD800;
	s26 =	simm.s32 @p0 $0x19380  }
0xa5: {  	[tilespmem:s26], [sflag:$0xA] =	stream.linear.gather @p0 [hbm4b:s18+s31], $0x50, $0x38;
	[tilespmem:$0x19400] =	vst v63  }
0xa6: {  	s18 =	sadd.s32 @p0 $0x46, s28;
	s26 =	simm.s32 @p0 $0x19180  }
0xa7: {  	[tilespmem:s26], [sflag:$0xA] =	stream.linear.gather @p0 [hbm4b:s18+s31], $0x50, $0x38;
	[tilespmem:$0x19400] =	vst v63  }
0xa8: {  	s18 =	simm.s32 @!p0 $0x4  }
0xa9: {  	_ =	swait.ge @!p0 [sflag:s18], $0x2800  }
0xaa: {  	[sflag:s18] =	ssyncset.done @!p0 $0x0  }
0xab: {  	[sflag:s18] =	ssyncadd.s32 @!p0 $0xFFFFD800  }
0xac: {  	_ =	swait.ge [sflag:s12], $0x50  }
0xad: {  	[sflag:s12] =	ssyncset.done $0x0  }
0xae: {  	[sflag:s12] =	ssyncadd.s32 $0xFFFFFFB0  }
0xaf: {  	_ =	swait.ge [sflag:s12], $0x50  }
0xb0: {  	s30 =	simm.s32 $0x28;
	[sflag:s12] =	ssyncset.done $0x0  }
.LBB2_2:
0xb1: {  	[sflag:s12] =	ssyncadd.s32 $0xFFFFFFB0;
	s31 =	smov.u32 s30;
	s30 =	sadd.s32 $0x28, s30  }
0xb2: {  	[tilespmem:s2], [sflag:$0x1] =	stream.indirect.gather [hbm4b:s19+s13], $0x80, s5, s13, $0xb8;
	[tilespmem:$0x19400] =	vst v63  }
0xb3: {  	p0 =	sne.s32 s30, $0x4D8;
	_ =	swait.ge [sflag:s14], $0x50  }
0xb4: {  	[sflag:s14] =	ssyncset.done $0x0  }
0xb5: {  	[sflag:s14] =	ssyncadd.s32 $0xFFFFFFB0  }
0xb6: {  	_ =	swait.ge [sflag:s14], $0x50  }
0xb7: {  	[sflag:s14] =	ssyncset.done $0x0  }
0xb8: {  	[sflag:s14] =	ssyncadd.s32 $0xFFFFFFB0  }
0xb9: {  	[tilespmem:s15], [sflag:$0x2] =	stream.indirect.gather [hbm4b:s19+s13], $0x80, s7, s13, $0xb8;
	[tilespmem:$0x19400] =	vst v63  }
0xba: {  	_ =	swait.ge [sflag:s16], $0x2800  }
0xbb: {  	[sflag:s16] =	ssyncset.done $0x0  }
0xbc: {  	[sflag:s16] =	ssyncadd.s32 $0xFFFFD800  }
0xbd: {  	[spmem:s20] =	stream.indirect.scatter.add.f32 [tilespmem:s2], [sflag:$0x3], $0x80, s4, s13, $0xb8;
	[tilespmem:$0x19400] =	vst v63  }
0xbe: {  	_ =	swait.ge [sflag:s17], $0x2800  }
0xbf: {  	[sflag:s17] =	ssyncset.done $0x0  }
0xc0: {  	[sflag:s17] =	ssyncadd.s32 $0xFFFFD800  }
0xc1: {  	[spmem:s20] =	stream.indirect.scatter.add.f32 [tilespmem:s15], [sflag:$0x4], $0x80, s6, s13, $0xb8;
	[tilespmem:$0x19400] =	vst v63  }
0xc2: {  	s18 =	sadd.s32 s31, s21;
	_ =	swait.ge [sflag:s23], $0x2800  }
0xc3: {  	s26 =	sadd.s32 s31, s22;
	s18 =	sadd.s32 $0x28, s18;
	[sflag:s23] =	ssyncset.done $0x0  }
0xc4: {  	[sflag:s23] =	ssyncadd.s32 $0xFFFFD800  }
0xc5: {  	[tilespmem:s4], [sflag:$0x7] =	stream.linear.gather [hbm4b:s18+s1], $0x50, $0x38;
	[tilespmem:$0x19400] =	vst v63  }
0xc6: {  	s18 =	sadd.s32 $0x28, s26  }
0xc7: {  	[tilespmem:s5], [sflag:$0x7] =	stream.linear.gather [hbm4b:s18+s1], $0x50, $0x38;
	[tilespmem:$0x19400] =	vst v63  }
0xc8: {  	_ =	swait.ge [sflag:s0], $0x50  }
0xc9: {  	[sflag:s0] =	ssyncset.done $0x0  }
0xca: {  	[sflag:s0] =	ssyncadd.s32 $0xFFFFFFB0  }
0xcb: {  	_ =	swait.ge [sflag:s0], $0x50  }
0xcc: {  	[sflag:s0] =	ssyncset.done $0x0  }
0xcd: {  	p1 =	seq.s32 s31, $0x4B0;
	[sflag:s0] =	ssyncadd.s32 $0xFFFFFFB0  }
0xce: {  	[tilespmem:s2], [sflag:$0x1] =	stream.indirect.gather [hbm4b:s19+s13], $0x80, s9, s13, $0xb8;
	[tilespmem:$0x19400] =	vst v63  }
0xcf: {  	s26 =	simm.s32 @!p1 $0x0;
	s18 =	sadd.s32 @!p1 s31, s21;
	_ =	swait.ge [sflag:s24], $0x2800  }
0xd0: {  	s28 =	simm.s32 @!p1 $0x19280;
	s18 =	sadd.s32 @!p1 $0x32, s18;
	[sflag:s24] =	ssyncset.done $0x0  }
0xd1: {  	s29 =	sadd.s32 @!p1 s31, s22;
	s3 =	simm.s32 @!p1 $0x19080;
	[sflag:s24] =	ssyncadd.s32 $0xFFFFD800  }
0xd2: {  	[tilespmem:s28], [sflag:$0x8] =	stream.linear.gather @!p1 [hbm4b:s18+s26], $0x50, $0x38;
	[tilespmem:$0x19400] =	vst v63  }
0xd3: {  	s18 =	sadd.s32 @!p1 $0x32, s29  }
0xd4: {  	[tilespmem:s3], [sflag:$0x8] =	stream.linear.gather @!p1 [hbm4b:s18+s26], $0x50, $0x38;
	[tilespmem:$0x19400] =	vst v63  }
0xd5: {  	_ =	swait.ge [sflag:s25], $0x50  }
0xd6: {  	[sflag:s25] =	ssyncset.done $0x0  }
0xd7: {  	[sflag:s25] =	ssyncadd.s32 $0xFFFFFFB0  }
0xd8: {  	_ =	swait.ge [sflag:s25], $0x50  }
0xd9: {  	[sflag:s25] =	ssyncset.done $0x0  }
0xda: {  	[sflag:s25] =	ssyncadd.s32 $0xFFFFFFB0  }
0xdb: {  	[tilespmem:s15], [sflag:$0x2] =	stream.indirect.gather [hbm4b:s19+s13], $0x80, s11, s13, $0xb8;
	[tilespmem:$0x19400] =	vst v63  }
0xdc: {  	_ =	swait.ge [sflag:s16], $0x2800  }
0xdd: {  	[sflag:s16] =	ssyncset.done $0x0  }
0xde: {  	[sflag:s16] =	ssyncadd.s32 $0xFFFFD800  }
0xdf: {  	[spmem:s20] =	stream.indirect.scatter.add.f32 [tilespmem:s2], [sflag:$0x3], $0x80, s8, s13, $0xb8;
	[tilespmem:$0x19400] =	vst v63  }
0xe0: {  	_ =	swait.ge [sflag:s17], $0x2800  }
0xe1: {  	[sflag:s17] =	ssyncset.done $0x0  }
0xe2: {  	p1 =	sne.s32 s31, $0x4B0;
	[sflag:s17] =	ssyncadd.s32 $0xFFFFD800  }
0xe3: {  	[spmem:s20] =	stream.indirect.scatter.add.f32 [tilespmem:s15], [sflag:$0x4], $0x80, s10, s13, $0xb8;
	[tilespmem:$0x19400] =	vst v63  }
0xe4: {  	s3 =	sadd.s32 @p1 s31, s21;
	s18 =	simm.s32 @p1 $0x19300;
	_ =	swait.ge [sflag:s23], $0x2800  }
0xe5: {  	s28 =	simm.s32 @p1 $0x0;
	s26 =	sadd.s32 @p1 $0x3C, s3;
	[sflag:s23] =	ssyncset.done $0x0  }
0xe6: {  	s29 =	sadd.s32 @p1 s31, s22;
	s31 =	simm.s32 @p1 $0x19100;
	[sflag:s23] =	ssyncadd.s32 $0xFFFFD800  }
0xe7: {  	[tilespmem:s18], [sflag:$0x9] =	stream.linear.gather @p1 [hbm4b:s26+s28], $0x50, $0x38;
	[tilespmem:$0x19400] =	vst v63  }
0xe8: {  	s3 =	sadd.s32 @p1 $0x46, s3;
	s18 =	sadd.s32 @p1 $0x3C, s29;
	s26 =	simm.s32 @p1 $0x4  }
0xe9: {  	[tilespmem:s31], [sflag:$0x9] =	stream.linear.gather @p1 [hbm4b:s18+s28], $0x50, $0x38;
	[tilespmem:$0x19400] =	vst v63  }
0xea: {  	s18 =	sadd.s32 @p1 $0x46, s29;
	_ =	swait.ge @p1 [sflag:s26], $0x2800  }
0xeb: {  	s29 =	simm.s32 @p1 $0x19380;
	[sflag:s26] =	ssyncset.done @p1 $0x0  }
0xec: {  	[sflag:s26] =	ssyncadd.s32 @p1 $0xFFFFD800;
	s26 =	simm.s32 @p1 $0x19180  }
0xed: {  	[tilespmem:s29], [sflag:$0xA] =	stream.linear.gather @p1 [hbm4b:s3+s28], $0x50, $0x38;
	[tilespmem:$0x19400] =	vst v63  }
0xee: {  	s3 =	simm.s32 @!p1 $0x4  }
0xef: {  	[tilespmem:s26], [sflag:$0xA] =	stream.linear.gather @p1 [hbm4b:s18+s28], $0x50, $0x38;
	[tilespmem:$0x19400] =	vst v63  }
0xf0: {  	_ =	swait.ge @!p1 [sflag:s3], $0x2800  }
0xf1: {  	[sflag:s3] =	ssyncset.done @!p1 $0x0  }
0xf2: {  	[sflag:s3] =	ssyncadd.s32 @!p1 $0xFFFFD800  }
.Ltmp0:
0xf3: {  	_ =	swait.ge [sflag:s12], $0x50;
	(pc) =	sbr.rel @p0 .LBB2_2-.Ltmp0, $4  }
0xf4: {  	[sflag:s12] =	ssyncset.done $0x0  }
0xf5: {  	[sflag:s12] =	ssyncadd.s32 $0xFFFFFFB0  }
0xf6: {  	_ =	swait.ge [sflag:s12], $0x50  }
0xf7: {  	[sflag:s12] =	ssyncset.done $0x0  }
0xf8: {  	[sflag:s12] =	ssyncadd.s32 $0xFFFFFFB0  }
0xf9: {  	[tilespmem:s2], [sflag:$0x1] =	stream.indirect.gather [hbm4b:s19+s13], $0x80, s5, s13, $0xb8;
	[tilespmem:$0x19400] =	vst v63  }
0xfa: {  	_ =	swait.ge [sflag:s16], $0x2800  }
0xfb: {  	[sflag:s16] =	ssyncset.done $0x0  }
0xfc: {  	[sflag:s16] =	ssyncadd.s32 $0xFFFFD800  }
0xfd: {  	[spmem:s20] =	stream.indirect.scatter.add.f32 [tilespmem:s2], [sflag:$0x3], $0x80, s4, s13, $0xb8;
	[tilespmem:$0x19400] =	vst v63  }
0xfe: {  	_ =	swait.ge [sflag:s23], $0x2800  }
0xff: {  	[sflag:s23] =	ssyncset.done $0x0  }
0x100: {  	s3 =	stileid.u32;
	[sflag:s23] =	ssyncadd.s32 $0xFFFFD800  }
0x101: {  	s3 =	sshll.u32 s3, $0x6;
	[bflag:$0x0] =	sbarrier.arrive $0xFFFF  }
0x102: {  	s18 =	sor.u32 $0x1C05, s3;
	s26 =	rddreg [dreg:$0x15]  }
0x103: {  	s30 =	sor.u32 $0x1C06, s3;
	s28 =	rddreg [dreg:$0x5];
	s26 =	sshrl.u32 s26, $0x3  }
0x104: {  	[hbm:s28], [sflag:s18] =	dma.local [spmem:s26], $0x500  }
0x105: {  	[dreg:$0x1f] =	wrdreg s30  }
0x106: {  	s26 =	rddreg [dreg:$0x16]  }
0x107: {  	s28 =	rddreg [dreg:$0x6];
	s3 =	sshrl.u32 s26, $0x3  }
0x108: {  	[hbm:s28], [sflag:s30] =	dma.local [spmem:s3], $0x500  }
0x109: {  	s3 =	simm.s32 $0x5  }
0x10a: {  	_ =	swait.ge [sflag:s3], $0x500  }
0x10b: {  	s29 =	simm.s32 $0x6;
	[sflag:s3] =	ssyncset.done $0x0;
	s26 =	rddreg [dreg:$0x17]  }
0x10c: {  	s28 =	rddreg [dreg:$0x7];
	[sflag:s3] =	ssyncadd.s32 $0xFFFFFB00;
	s26 =	sshrl.u32 s26, $0x3  }
0x10d: {  	[hbm:s28], [sflag:s18] =	dma.local [spmem:s26], $0x500  }
0x10e: {  	_ =	swait.ge [sflag:s29], $0x500  }
0x10f: {  	[sflag:s29] =	ssyncset.done $0x0;
	s26 =	rddreg [dreg:$0x18]  }
0x110: {  	s28 =	rddreg [dreg:$0x8];
	[sflag:s29] =	ssyncadd.s32 $0xFFFFFB00;
	s26 =	sshrl.u32 s26, $0x3  }
0x111: {  	[hbm:s28], [sflag:s30] =	dma.local [spmem:s26], $0x500  }
0x112: {  	_ =	swait.ge [sflag:s3], $0x500  }
0x113: {  	[sflag:s3] =	ssyncset.done $0x0;
	s26 =	rddreg [dreg:$0x19]  }
0x114: {  	s28 =	rddreg [dreg:$0x9];
	[sflag:s3] =	ssyncadd.s32 $0xFFFFFB00;
	s26 =	sshrl.u32 s26, $0x3  }
0x115: {  	[hbm:s28], [sflag:s18] =	dma.local [spmem:s26], $0x500  }
0x116: {  	_ =	swait.ge [sflag:s29], $0x500  }
0x117: {  	[sflag:s29] =	ssyncset.done $0x0;
	s26 =	rddreg [dreg:$0x1a]  }
0x118: {  	s28 =	rddreg [dreg:$0xa];
	[sflag:s29] =	ssyncadd.s32 $0xFFFFFB00;
	s26 =	sshrl.u32 s26, $0x3  }
0x119: {  	[hbm:s28], [sflag:s30] =	dma.local [spmem:s26], $0x500  }
0x11a: {  	_ =	swait.ge [sflag:s3], $0x500  }
0x11b: {  	[sflag:s3] =	ssyncset.done $0x0;
	s30 =	rddreg [dreg:$0x1b]  }
0x11c: {  	s28 =	rddreg [dreg:$0xb];
	[sflag:s3] =	ssyncadd.s32 $0xFFFFFB00;
	s26 =	sshrl.u32 s30, $0x3  }
0x11d: {  	[hbm:s28], [sflag:s18] =	dma.local [spmem:s26], $0x500  }
0x11e: {  	_ =	swait.ge [sflag:s29], $0x500  }
0x11f: {  	s31 =	rddreg [dreg:$0x1c]  }
0x120: {  	[sflag:s29] =	ssyncset.done $0x0;
	s26 =	rddreg [dreg:$0xc]  }
0x121: {  	s28 =	rddreg [dreg:$0x1f];
	[sflag:s29] =	ssyncadd.s32 $0xFFFFFB00;
	s18 =	sshrl.u32 s31, $0x3  }
0x122: {  	[hbm:s26], [sflag:s28] =	dma.local [spmem:s18], $0x500  }
0x123: {  	s26 =	rddreg [dreg:$0x19]  }
0x124: {  	s18 =	rddreg [dreg:$0x18];
	_ =	swait.ge [sflag:s3], $0x500  }
0x125: {  	[sflag:s3] =	ssyncset.done $0x0  }
0x126: {  	[sflag:s3] =	ssyncadd.s32 $0xFFFFFB00  }
0x127: {  	_ =	swait.ge [sflag:s29], $0x500  }
0x128: {  	s28 =	rddreg [dreg:$0x1e]  }
0x129: {  	s3 =	rddreg [dreg:$0x1d];
	s28 =	sadd.s32 $0x1, s28  }
0x12a: {  	p0 =	sne.s32 s28, s3  }
.Ltmp1:
0x12b: {  	_ = 	snop;
	(pc) =	sbr.rel @p0 .LBB2_1-.Ltmp1, $4  }
0x12c: {  	[sflag:s29] =	ssyncset.done $0x0  }
0x12d: {  	[sflag:s29] =	ssyncadd.s32 $0xFFFFFB00;
	s29 =	rddreg [dreg:$0x16]  }
0x12e: {  	[dreg:$0x1e] =	wrdreg s28  }
0x12f: {  	s28 =	rddreg [dreg:$0x15]  }
0x130: {  	_ =	sfence.sel $0x180000  }
0x131: {  	[bflag:$0x0] =	sbarrier.arrive $0xFFFF  }
0x132: {  	_ =	strace $0x9000004A  }
0x133: {  	s0 =	stileid.u32;
	[bflag:$0x2] =	sbarrier.arrive $0xFFFF  }
0x134: {  	p0 =	sne.s32 s0, $0x0;
	s0 =	rddreg [dreg:$0x3]  }
0x135: {  	s0 =	sadd.s32 @!p0 $0x100000, s0  }
0x136: {  	[sflag:s0] =	ssyncadd.tile.s32 @!p0 $0x1;
	_ =	shalt  }
.Lfunc_end2:
_tile_overlayer_lowered:
.L_overlay_start_2:
0x137: {  	(tag) =	ssettag $0x2  }
0x138: {  	s0 =	rddreg [dreg:$0x0];
	s2 =	stileid.u32  }
0x139: {  	s1 =	rddreg [dreg:$0x1];
	p0 =	sne.s32 s2, $0x0  }
0x13a: {  	s3 =	rddreg [dreg:$0x2];
	[bflag:$0x3] =	sbarrier.arrive $0xFFFF;
	s2 =	simm.s32 @!p0 $0x1C0B  }
0x13b: {  	[timem:s3], [sflag:s2] =	dma.local @!p0 [hbm:s0], s1  }
0x13c: {  	s0 =	simm.s32 @!p0 $0xB  }
0x13d: {  	_ =	swait.ge @!p0 [sflag:s0], s1  }
0x13e: {  	s1 =	ssub.s32 @!p0 $0x0, s1;
	[sflag:s0] =	ssyncset.done @!p0 $0x0  }
0x13f: {  	[sflag:s0] =	ssyncadd.s32 @!p0 s1  }
0x140: {  	[bflag:$0x3] =	sbarrier.arrive $0xFFFF  }
0x141: {  	_ =	shalt  }

// kernel: kernel.14.cloned.1.call-start
scs
__scs_entry_jumppad:
0x0: {  	(pc) =	sbr.rel $0x88, $3  }
0x1: {  	(tag) =	ssettag $0x0;
	lr =	simm.s32 $0x1  }
0x2: {  	[smem:$0x3F94] =	sst lr;
	_ =	strace $0xD0000000  }
0x3: {  	_ = 	snop  }
0x4: {  	_ = 	snop  }
0x5: {  	_ = 	snop  }
0x6: {  	_ = 	snop  }
0x7: {  	_ = 	snop  }
__scs_overlays_trampoline_lowered:
0x8: {  	[smem:$0x3FA3] =	sst s0  }
0x9: {  	[smem:$0x3FA4] =	sst s1  }
0xa: {  	[smem:$0x3FA5] =	sst s2  }
0xb: {  	[smem:$0x3FA6] =	sst s3  }
0xc: {  	[smem:$0x3FA7] =	sst s4  }
0xd: {  	[smem:$0x3FA8] =	sst s5  }
0xe: {  	[smem:$0x3FA9] =	sst s6  }
0xf: {  	[smem:$0x3FAA] =	sst s7  }
0x10: {  	[smem:$0x3FAB] =	sst s8  }
0x11: {  	[smem:$0x3FAC] =	sst s9;
	s0 =	simm.s32 @!p0 $0x0  }
0x12: {  	s1 =	sld [smem:$0x3F92];
	s0 =	simm.s32 @p0 $0x1  }
0x13: {  	[smem:$0x3FAD] =	sst s0;
	s0 =	simm.s32 @!p1 $0x0  }
0x14: {  	s2 =	sld [smem:$0x3F91];
	s0 =	simm.s32 @p1 $0x1  }
0x15: {  	[smem:$0x3FAE] =	sst s0;
	s0 =	simm.s32 @!p2 $0x0  }
0x16: {  	s3 =	sld [smem:$0x3FDB];
	s0 =	simm.s32 @p2 $0x1  }
0x17: {  	s4 =	simm.s32 $0x1BF5;
	[smem:$0x3FB0] =	sst s0  }
0x18: {  	s0 =	sld [smem:$0x3F93];
	_ =	swait.ge [sflag:s4], $0x0  }
0x19: {  	s7 =	sld [smem:$0x3F94]  }
0x1a: {  	s8 =	sadd.s32 $0xFFFFE003, lr  }
0x1b: {  	s9 =	sadd.s32 $0xFFFFFEF7, lr;
	s5 =	simm.s32 $0xFFFFFFFF;
	p2 =	slt.u32 s8, $0xFFFFF086  }
0x1c: {  	p1 =	slt.u32 s9, $0xF7A;
	s5 =	simm.s32 @!p2 $0x0  }
0x1d: {  	s5 =	simm.s32 @p1 $0x1;
	p0 =	seq.s32 s7, s2  }
0x1e: {  	s7 =	smul.u32 @!p0 $0xF7A, s2;
	p2 =	seq.s32 @!p0 s5, $0x0  }
0x1f: {  	s9 =	smul.u32 $0xF7A, s1;
	s8 =	simm.s32 @!p0 $0x1BF5;
	p2 =	por !p2, p0  }
0x20: {  	[sflag:s8] =	ssyncset.s32 @!p0 $0xFFFFF086;
	s6 =	sadd.s32 @!p0 s3, s7;
	s7 =	simm.s32 @!p0 $0x108  }
0x21: {  	s3 =	sadd.s32 s3, s9;
	s6 =	sadd.s32 @!p0 $0x88, s6;
	s7 =	simm.s32 @p2 $0x1082  }
0x22: {  	[simem:s7], [sflag:s8] =	dma.local @!p0 [hbm:s6], $0xF7A  }
0x23: {  	s9 =	sor.u32 $0xD0000000, s2;
	s6 =	simm.s32 $0x108;
	_ =	swait.ge @!p0 [sflag:s8], $0x0  }
0x24: {  	s3 =	sadd.s32 $0x88, s3;
	s6 =	simm.s32 @!p1 $0x1082;
	[sflag:s4] =	ssyncset.s32 $0xFFFFF086  }
0x25: {  	[simem:s6], [sflag:s4] =	dma.local [hbm:s3], $0xF7A  }
0x26: {  	[smem:$0x3F94] =	sst s1;
	(tag) =	ssettag s2;
	_ =	strace s9  }
0x27: {  	s1 =	sld [smem:$0x3FA4]  }
0x28: {  	s2 =	sld [smem:$0x3FA5]  }
0x29: {  	s4 =	sld [smem:$0x3FA7]  }
0x2a: {  	p0 =	seq.s32 s5, $0x0;
	s5 =	sld [smem:$0x3FA8]  }
0x2b: {  	s6 =	sld [smem:$0x3FA9]  }
0x2c: {  	s7 =	sld [smem:$0x3FAA]  }
0x2d: {  	s3 =	simm.s32 $0x108;
	s8 =	sld [smem:$0x3FAB]  }
0x2e: {  	s3 =	simm.s32 @!p0 $0x1082;
	s9 =	sld [smem:$0x3FAC]  }
0x2f: {  	lr =	sadd.s32 s0, s3;
	s0 =	sld [smem:$0x3FA3]  }
0x30: {  	s3 =	sld [smem:$0x3FA6]  }
0x31: {  	[smem:$0x3FAF] =	sst s10  }
0x32: {  	s10 =	sld [smem:$0x3FAD];
	_ =	sdelay $0x3  }
0x33: {  	p0 =	seq.s32 s10, $0x1;
	s10 =	sld [smem:$0x3FAF];
	_ =	sdelay $0x3  }
0x34: {  	[smem:$0x3FAF] =	sst s10  }
0x35: {  	s10 =	sld [smem:$0x3FAE];
	_ =	sdelay $0x3  }
0x36: {  	p1 =	seq.s32 s10, $0x1;
	s10 =	sld [smem:$0x3FAF];
	_ =	sdelay $0x3  }
0x37: {  	[smem:$0x3FAF] =	sst s10  }
0x38: {  	s10 =	sld [smem:$0x3FB0]  }
0x39: {  	_ = 	snop;
	(pc) =	sbr.ind lr, $3  }
0x3a: {  	_ = 	snop  }
0x3b: {  	_ = 	snop  }
0x3c: {  	p2 =	seq.s32 s10, $0x1;
	s10 =	sld [smem:$0x3FAF]  }
0x3d: {  	_ =	shalt  }
0x3e: {  	_ =	shalt  }
0x3f: {  	_ =	shalt  }
0x40: {  	_ =	shalt  }
0x41: {  	_ =	shalt  }
0x42: {  	_ =	shalt  }
0x43: {  	_ =	shalt  }
0x44: {  	_ =	shalt  }
0x45: {  	_ =	shalt  }
0x46: {  	_ =	shalt  }
0x47: {  	_ =	shalt  }
0x48: {  	_ =	shalt  }
0x49: {  	_ =	shalt  }
0x4a: {  	_ =	shalt  }
0x4b: {  	_ =	shalt  }
0x4c: {  	_ =	shalt  }
0x4d: {  	_ =	shalt  }
0x4e: {  	_ =	shalt  }
0x4f: {  	_ =	shalt  }
0x50: {  	_ =	shalt  }
0x51: {  	_ =	shalt  }
0x52: {  	_ =	shalt  }
0x53: {  	_ =	shalt  }
0x54: {  	_ =	shalt  }
0x55: {  	_ =	shalt  }
0x56: {  	_ =	shalt  }
0x57: {  	_ =	shalt  }
0x58: {  	_ =	shalt  }
0x59: {  	_ =	shalt  }
0x5a: {  	_ =	shalt  }
0x5b: {  	_ =	shalt  }
0x5c: {  	_ =	shalt  }
0x5d: {  	_ =	shalt  }
0x5e: {  	_ =	shalt  }
0x5f: {  	_ =	shalt  }
0x60: {  	_ =	shalt  }
0x61: {  	_ =	shalt  }
0x62: {  	_ =	shalt  }
0x63: {  	_ =	shalt  }
0x64: {  	_ =	shalt  }
0x65: {  	_ =	shalt  }
0x66: {  	_ =	shalt  }
0x67: {  	_ =	shalt  }
0x68: {  	_ =	shalt  }
0x69: {  	_ =	shalt  }
0x6a: {  	_ =	shalt  }
0x6b: {  	_ =	shalt  }
0x6c: {  	_ =	shalt  }
0x6d: {  	_ =	shalt  }
0x6e: {  	_ =	shalt  }
0x6f: {  	_ =	shalt  }
0x70: {  	_ =	shalt  }
0x71: {  	_ =	shalt  }
0x72: {  	_ =	shalt  }
0x73: {  	_ =	shalt  }
0x74: {  	_ =	shalt  }
0x75: {  	_ =	shalt  }
0x76: {  	_ =	shalt  }
0x77: {  	_ =	shalt  }
0x78: {  	_ =	shalt  }
0x79: {  	_ =	shalt  }
0x7a: {  	_ =	shalt  }
0x7b: {  	_ =	shalt  }
0x7c: {  	_ =	shalt  }
0x7d: {  	_ =	shalt  }
0x7e: {  	_ =	shalt  }
0x7f: {  	_ =	shalt  }
0x80: {  	_ =	shalt  }
0x81: {  	_ =	shalt  }
0x82: {  	_ =	shalt  }
0x83: {  	_ =	shalt  }
0x84: {  	_ =	shalt  }
0x85: {  	_ =	shalt  }
0x86: {  	_ =	shalt  }
0x87: {  	_ =	shalt  }
.Lfunc_end0:
.L_simem_size_0:
called_computation.2_lowered:
.L_overlay_start_0:
0x88: {  	s2 =	sld [smem:$0x3FD9]  }
0x89: {  	s3 =	sld [smem:$0x3FFE];
	_ =	sdelay $0x1  }
0x8a: {  	s1 =	srdreg.scid  }
0x8b: {  	s0 =	sand.u32 $0x1, s1  }
0x8c: {  	s17 =	sshll.u32 s0, $0xA;
	s2 =	sadd.s32 s3, s2  }
0x8d: {  	s2 =	sadd.s32 s2, s17  }
0x8e: {  	[smem:$0x3FBB] =	sst s2  }
0x8f: {  	_ = 	snop  }
0x90: {  	s2 =	sld [smem:$0x3FD0];
	(tm) =	ssettm $0x1  }
0x91: {  	s18 =	sld [smem:$0x3FFB];
	_ =	sdelay $0x3  }
0x92: {  	_ =	strace s18  }
0x93: {  	s3 =	sld [smem:$0x3FFC];
	_ =	sdelay $0x3  }
0x94: {  	_ =	strace s3  }
0x95: {  	s3 =	sld [smem:$0x3FFD];
	_ =	sdelay $0x3  }
0x96: {  	_ =	strace s3  }
0x97: {  	_ =	strace $0x8FFFFFFF  }
0x98: {  	s19 =	sld [smem:$0x3FDB];
	_ =	sdelay $0x1  }
0x99: {  	s4 =	simm.s32 $_scs_section_size  }
0x9a: {  	s5 =	simm.s32 $_size__tile_overlayer_lowered;
	s6 =	simm.s32 $_tile_overlayer_lowered  }
0x9b: {  	s22 =	simm.s32 $0x1BFF;
	s21 =	sshll.u32 s6, $0x1;
	s3 =	sadd.s32 s4, s19  }
0x9c: {  	s7 =	simm.s32 $0x0;
	s20 =	sshll.u32 s5, $0x1;
	s5 =	sadd.s32 s21, s3  }
0x9d: {  	[timem:s7], [sflag:s22] =	dma.local [hbm:s5], s20  }
0x9e: {  	_ =	swait.ge [sflag:s22], s20  }
0x9f: {  	s4 =	ssub.s32 $0x0, s20;
	[sflag:s22] =	ssyncset.done $0x0  }
0xa0: {  	[sflag:s22] =	ssyncadd.s32 s4;
	_ =	sdelay $0x1  }
0xa1: {  	s23 =	simm.s32 $0x1B8B  }
0xa2: {  	_ =	swait.ge [sflag:s23], $0x1  }
0xa3: {  	[sflag:s23] =	ssyncset.done $0x0  }
0xa4: {  	s25 =	simm.s32 $0x1B8E;
	s24 =	sld [smem:$0x3FFE];
	[sflag:s23] =	ssyncadd.s32 $0xFFFFFFFF  }
0xa5: {  	s26 =	simm.s32 $execute0_lowered;
	[smem:$0x3FD2] =	sst s25  }
0xa6: {  	s5 =	sshll.u32 s26, $0x1;
	_ =	strace $0x8000004C;
	[dreg:$0x1] =	wrdreg $0xFFFFFFFF  }
0xa7: {  	s28 =	simm.s32 $_size_execute0_lowered;
	s3 =	sadd.s32 s3, s5;
	[dreg:$0x0] =	wrdreg $0x0  }
0xa8: {  	s5 =	sshll.u32 s28, $0x1;
	[dreg:$0x2] =	wrdreg s3  }
0xa9: {  	[dreg:$0x3] =	wrdreg s5  }
0xaa: {  	[dreg:$0x4] =	wrdreg $0xC0  }
0xab: {  	_ =	task [dreg:s7], $0x5FFFF  }
0xac: {  	[dreg:$0x1] =	wrdreg $0xFFFFFFFF  }
0xad: {  	[dreg:$0x0] =	wrdreg $0x60  }
0xae: {  	[dreg:$0x2] =	wrdreg s24  }
0xaf: {  	[dreg:$0x3] =	wrdreg s2  }
0xb0: {  	[dreg:$0x4] =	wrdreg $0x9  }
0xb1: {  	_ =	task.clear_ibuf [dreg:s7], $0x5FFFF;
	_ =	strace $0x9000004C  }
0xb2: {  	s29 =	simm.s32 $0x9;
	_ =	strace $0x8000004E  }
0xb3: {  	_ =	swait.ge [sflag:s29], $0x1  }
0xb4: {  	[sflag:s29] =	ssyncadd.s32 $0xFFFFFFFF  }
0xb5: {  	_ =	strace $0x9000004E  }
0xb6: {  	_ =	sfence  }
0xb7: {  	s30 =	sld [smem:$0x0];
	_ =	sdelay $0x2  }
0xb8: {  	s31 =	sshll.u32 s1, $0xD;
	s1 =	sshrl.u32 s1, $0x2  }
0xb9: {  	s3 =	sand.u32 $0x4000, s31;
	s1 =	sadd.s32 s1, s30  }
0xba: {  	s0 =	sor.u32 s3, s0;
	s1 =	sshll.u32 s1, $0x11  }
0xbb: {  	s0 =	sor.u32 s1, s0  }
0xbc: {  	s0 =	sadd.s32 $0x8F2B, s0  }
0xbd: {  	[sflag:s0] =	ssyncadd.remote.s32 $0x1  }
0xbe: {  	_ =	sfence.sel $0xFFFF  }
0xbf: {  	[dreg:$0x0] =	wrdreg $0xFFFFFFFF;
	(pc) =	sbr.abs _section_cstart, $3  }
0xc0: {  	[dreg:$0x1] =	wrdreg $0xFFFFFFFF  }
0xc1: {  	_ =	task.clear_ibuf [dreg:s7], $0x2FFFF;
	_ =	strace $0x9FFFFFFF  }
0xc2: {  	(tm) =	ssettm $0x7FFFFFFF  }
0xc3: {  	_ =	shalt  }
tec
execute0_lowered:
.L_overlay_start_1:
0x0: {  	(tag) =	ssettag $0x1  }
0x1: {  	s1 =	srdreg.scid;
	s0 =	stileid.u32  }
0x2: {  	s20 =	rddreg [dreg:$0x0];
	s28 =	sand.u32 $0x1, s1;
	s3 =	sshll.u32 s0, $0x1  }
0x3: {  	s21 =	rddreg [dreg:$0x1];
	s2 =	simm.s32 $0x0;
	s10 =	sor.u32 s28, s3  }
0x4: {  	[smem:$0x7FF] =	sst s2;
	s17 =	sadd.s32 $0xDEC00, s20;
	s19 =	sshll.u32 s10, $0x5  }
0x5: {  	s4 =	simm.s32 $0x4;
	_ =	strace $0x8000004D;
	s3 =	sadd.s32 s17, s19  }
0x6: {  	[tilespmem:s2], [sflag:$0x4] =	stream.linear.gather [hbm4b:s3+s2], $0x40, $0x38;
	[tilespmem:$0x4080] =	vst v63  }
0x7: {  	_ =	swait.ge [sflag:s4], $0x40  }
0x8: {  	s6 =	simm.s32 $0x40;
	s7 =	simm.s32 $0x80;
	[sflag:s4] =	ssyncset.done $0x0  }
0x9: {  	s8 =	simm.s32 $0x1;
	s5 =	sadd.s32 $0xB7A00, s20;
	[sflag:s4] =	ssyncadd.s32 $0xFFFFFFC0  }
0xa: {  	[tilespmem:s7], [sflag:$0x1] =	stream.indirect.gather [hbm4b:s5+s6], $0x80, s2, s6, $0xb8;
	[tilespmem:$0x4080] =	vst v63  }
0xb: {  	_ =	swait.ge [sflag:s8], $0x2000  }
0xc: {  	s22 =	sshll.u32 s10, $0xC;
	s18 =	sshll.u32 s10, $0x8;
	[sflag:s8] =	ssyncset.done $0x0  }
0xd: {  	s10 =	simm.s32 $0x2;
	s9 =	sadd.s32 s21, s22;
	[sflag:s8] =	ssyncadd.s32 $0xFFFFE000  }
0xe: {  	[hbm4b:s9+s2] =	stream.linear.scatter [tilespmem:s7], [sflag:$0x2], $0x2000, $0x38;
	[tilespmem:$0x4080] =	vst v63  }
0xf: {  	s13 =	sor.u32 $0x40, s18;
	_ =	swait.ge [sflag:s10], $0x2000  }
0x10: {  	s23 =	sshrl.u32 s13, $0x3;
	[sflag:s10] =	ssyncset.done $0x0  }
0x11: {  	s11 =	sadd.s32 s17, s23;
	[sflag:s10] =	ssyncadd.s32 $0xFFFFE000  }
0x12: {  	[tilespmem:s2], [sflag:$0x4] =	stream.linear.gather [hbm4b:s11+s2], $0x40, $0x38;
	[tilespmem:$0x4080] =	vst v63  }
0x13: {  	_ =	swait.ge [sflag:s4], $0x40  }
0x14: {  	[sflag:s4] =	ssyncset.done $0x0  }
0x15: {  	s12 =	simm.s32 $0x2080;
	[sflag:s4] =	ssyncadd.s32 $0xFFFFFFC0  }
0x16: {  	[tilespmem:s12], [sflag:$0x1] =	stream.indirect.gather [hbm4b:s5+s6], $0x80, s2, s6, $0xb8;
	[tilespmem:$0x4080] =	vst v63  }
0x17: {  	_ =	swait.ge [sflag:s8], $0x2000  }
0x18: {  	s24 =	sshll.u32 s13, $0x4;
	[sflag:s8] =	ssyncset.done $0x0  }
0x19: {  	s13 =	simm.s32 $0x3;
	s14 =	sadd.s32 s21, s24;
	[sflag:s8] =	ssyncadd.s32 $0xFFFFE000  }
0x1a: {  	[hbm4b:s14+s2] =	stream.linear.scatter [tilespmem:s12], [sflag:$0x3], $0x2000, $0x38;
	[tilespmem:$0x4080] =	vst v63  }
0x1b: {  	s16 =	sor.u32 $0x80, s18;
	_ =	swait.ge [sflag:s13], $0x2000  }
0x1c: {  	s25 =	sshrl.u32 s16, $0x3;
	[sflag:s13] =	ssyncset.done $0x0  }
0x1d: {  	s15 =	sadd.s32 s17, s25;
	[sflag:s13] =	ssyncadd.s32 $0xFFFFE000  }
0x1e: {  	[tilespmem:s2], [sflag:$0x4] =	stream.linear.gather [hbm4b:s15+s2], $0x40, $0x38;
	[tilespmem:$0x4080] =	vst v63  }
0x1f: {  	_ =	swait.ge [sflag:s4], $0x40  }
0x20: {  	[sflag:s4] =	ssyncset.done $0x0  }
0x21: {  	[sflag:s4] =	ssyncadd.s32 $0xFFFFFFC0  }
0x22: {  	[tilespmem:s7], [sflag:$0x1] =	stream.indirect.gather [hbm4b:s5+s6], $0x80, s2, s6, $0xb8;
	[tilespmem:$0x4080] =	vst v63  }
0x23: {  	_ =	swait.ge [sflag:s8], $0x2000  }
0x24: {  	s26 =	sshll.u32 s16, $0x4;
	[sflag:s8] =	ssyncset.done $0x0  }
0x25: {  	s16 =	sadd.s32 s21, s26;
	[sflag:s8] =	ssyncadd.s32 $0xFFFFE000  }
0x26: {  	[hbm4b:s16+s2] =	stream.linear.scatter [tilespmem:s7], [sflag:$0x2], $0x2000, $0x38;
	[tilespmem:$0x4080] =	vst v63  }
0x27: {  	s18 =	sor.u32 $0xC0, s18;
	_ =	swait.ge [sflag:s10], $0x2000  }
0x28: {  	s30 =	sshrl.u32 s18, $0x3;
	[sflag:s10] =	ssyncset.done $0x0  }
0x29: {  	s17 =	sadd.s32 s17, s30;
	[sflag:s10] =	ssyncadd.s32 $0xFFFFE000  }
0x2a: {  	[tilespmem:s2], [sflag:$0x4] =	stream.linear.gather [hbm4b:s17+s2], $0x40, $0x38;
	[tilespmem:$0x4080] =	vst v63  }
0x2b: {  	_ =	swait.ge [sflag:s4], $0x40  }
0x2c: {  	[sflag:s4] =	ssyncset.done $0x0  }
0x2d: {  	[sflag:s4] =	ssyncadd.s32 $0xFFFFFFC0  }
0x2e: {  	[tilespmem:s12], [sflag:$0x1] =	stream.indirect.gather [hbm4b:s5+s6], $0x80, s2, s6, $0xb8;
	[tilespmem:$0x4080] =	vst v63  }
0x2f: {  	_ =	swait.ge [sflag:s8], $0x2000  }
0x30: {  	s29 =	sshll.u32 s18, $0x4;
	[sflag:s8] =	ssyncset.done $0x0  }
0x31: {  	s18 =	sadd.s32 s21, s29;
	[sflag:s8] =	ssyncadd.s32 $0xFFFFE000  }
0x32: {  	[hbm4b:s18+s2] =	stream.linear.scatter [tilespmem:s12], [sflag:$0x3], $0x2000, $0x38;
	[tilespmem:$0x4080] =	vst v63  }
0x33: {  	_ =	swait.ge [sflag:s13], $0x2000  }
0x34: {  	s31 =	sadd.s32 $0xDF000, s20;
	[sflag:s13] =	ssyncset.done $0x0  }
0x35: {  	s19 =	sadd.s32 s31, s19;
	[sflag:s13] =	ssyncadd.s32 $0xFFFFE000  }
0x36: {  	[tilespmem:s2], [sflag:$0x4] =	stream.linear.gather [hbm4b:s19+s2], $0x40, $0x38;
	[tilespmem:$0x4080] =	vst v63  }
0x37: {  	_ =	swait.ge [sflag:s4], $0x40  }
0x38: {  	[sflag:s4] =	ssyncset.done $0x0  }
0x39: {  	s20 =	sadd.s32 $0x3800, s20;
	[sflag:s4] =	ssyncadd.s32 $0xFFFFFFC0  }
0x3a: {  	[tilespmem:s7], [sflag:$0x1] =	stream.indirect.gather [hbm4b:s20+s6], $0x80, s2, s6, $0xb8;
	[tilespmem:$0x4080] =	vst v63  }
0x3b: {  	_ =	swait.ge [sflag:s8], $0x2000  }
0x3c: {  	s1 =	sadd.s32 $0x20000, s21;
	[sflag:s8] =	ssyncset.done $0x0  }
0x3d: {  	s21 =	sadd.s32 s22, s1;
	[sflag:s8] =	ssyncadd.s32 $0xFFFFE000  }
0x3e: {  	[hbm4b:s21+s2] =	stream.linear.scatter [tilespmem:s7], [sflag:$0x2], $0x2000, $0x38;
	[tilespmem:$0x4080] =	vst v63  }
0x3f: {  	_ =	swait.ge [sflag:s10], $0x2000  }
0x40: {  	[sflag:s10] =	ssyncset.done $0x0  }
0x41: {  	s22 =	sadd.s32 s31, s23;
	[sflag:s10] =	ssyncadd.s32 $0xFFFFE000  }
0x42: {  	[tilespmem:s2], [sflag:$0x4] =	stream.linear.gather [hbm4b:s22+s2], $0x40, $0x38;
	[tilespmem:$0x4080] =	vst v63  }
0x43: {  	_ =	swait.ge [sflag:s4], $0x40  }
0x44: {  	[sflag:s4] =	ssyncset.done $0x0  }
0x45: {  	[sflag:s4] =	ssyncadd.s32 $0xFFFFFFC0  }
0x46: {  	[tilespmem:s12], [sflag:$0x1] =	stream.indirect.gather [hbm4b:s20+s6], $0x80, s2, s6, $0xb8;
	[tilespmem:$0x4080] =	vst v63  }
0x47: {  	_ =	swait.ge [sflag:s8], $0x2000  }
0x48: {  	[sflag:s8] =	ssyncset.done $0x0  }
0x49: {  	s23 =	sadd.s32 s24, s1;
	[sflag:s8] =	ssyncadd.s32 $0xFFFFE000  }
0x4a: {  	[hbm4b:s23+s2] =	stream.linear.scatter [tilespmem:s12], [sflag:$0x3], $0x2000, $0x38;
	[tilespmem:$0x4080] =	vst v63  }
0x4b: {  	_ =	swait.ge [sflag:s13], $0x2000  }
0x4c: {  	[sflag:s13] =	ssyncset.done $0x0  }
0x4d: {  	s24 =	sadd.s32 s31, s25;
	[sflag:s13] =	ssyncadd.s32 $0xFFFFE000  }
0x4e: {  	[tilespmem:s2], [sflag:$0x4] =	stream.linear.gather [hbm4b:s24+s2], $0x40, $0x38;
	[tilespmem:$0x4080] =	vst v63  }
0x4f: {  	_ =	swait.ge [sflag:s4], $0x40  }
0x50: {  	[sflag:s4] =	ssyncset.done $0x0  }
0x51: {  	[sflag:s4] =	ssyncadd.s32 $0xFFFFFFC0  }
0x52: {  	[tilespmem:s7], [sflag:$0x1] =	stream.indirect.gather [hbm4b:s20+s6], $0x80, s2, s6, $0xb8;
	[tilespmem:$0x4080] =	vst v63  }
0x53: {  	_ =	swait.ge [sflag:s8], $0x2000  }
0x54: {  	[sflag:s8] =	ssyncset.done $0x0  }
0x55: {  	s25 =	sadd.s32 s26, s1;
	[sflag:s8] =	ssyncadd.s32 $0xFFFFE000  }
0x56: {  	[hbm4b:s25+s2] =	stream.linear.scatter [tilespmem:s7], [sflag:$0x2], $0x2000, $0x38;
	[tilespmem:$0x4080] =	vst v63  }
0x57: {  	_ =	swait.ge [sflag:s10], $0x2000  }
0x58: {  	[sflag:s10] =	ssyncset.done $0x0  }
0x59: {  	s28 =	ssub.s32 $0x2, s28;
	s26 =	sadd.s32 s31, s30;
	[sflag:s10] =	ssyncadd.s32 $0xFFFFE000  }
0x5a: {  	[tilespmem:s2], [sflag:$0x4] =	stream.linear.gather [hbm4b:s26+s2], $0x40, $0x38;
	[tilespmem:$0x4080] =	vst v63  }
0x5b: {  	s31 =	sshrl.u32 s28, $0x1;
	_ =	swait.ge [sflag:s4], $0x40  }
0x5c: {  	s30 =	ssub.s32 s28, s31;
	[sflag:s4] =	ssyncset.done $0x0  }
0x5d: {  	s31 =	smax.u32 s30, $0x1;
	[sflag:s4] =	ssyncadd.s32 $0xFFFFFFC0  }
0x5e: {  	[tilespmem:s12], [sflag:$0x1] =	stream.indirect.gather [hbm4b:s20+s6], $0x80, s2, s6, $0xb8;
	[tilespmem:$0x4080] =	vst v63  }
0x5f: {  	p0 =	sne.s32 s31, $0x1;
	_ =	swait.ge [sflag:s8], $0x2000  }
.Ltmp0:
0x60: {  	[sflag:s8] =	ssyncset.done $0x0;
	(pc) =	sbr.rel @!p0 .LBB2_2-.Ltmp0, $4  }
0x61: {  	s28 =	sadd.s32 s29, s1;
	[sflag:s8] =	ssyncadd.s32 $0xFFFFE000  }
0x62: {  	[hbm4b:s28+s2] =	stream.linear.scatter [tilespmem:s12], [sflag:$0x3], $0x2000, $0x38;
	[tilespmem:$0x4080] =	vst v63  }
0x63: {  	_ =	swait.ge [sflag:s13], $0x2000  }
0x64: {  	s29 =	sadd.s32 $0xFFFFFFFF, s31;
	[sflag:s13] =	ssyncset.done $0x0  }
.LBB2_1:
0x65: {  	p0 =	sne.s32 s29, $0x1;
	s29 =	sadd.s32 $0xFFFFFFFF, s29;
	[sflag:s13] =	ssyncadd.s32 $0xFFFFE000  }
0x66: {  	[tilespmem:s2], [sflag:$0x4] =	stream.linear.gather [hbm4b:s3+s2], $0x40, $0x38;
	[tilespmem:$0x4080] =	vst v63  }
0x67: {  	_ =	swait.ge [sflag:s4], $0x40  }
0x68: {  	[sflag:s4] =	ssyncset.done $0x0  }
0x69: {  	[sflag:s4] =	ssyncadd.s32 $0xFFFFFFC0  }
0x6a: {  	[tilespmem:s7], [sflag:$0x1] =	stream.indirect.gather [hbm4b:s5+s6], $0x80, s2, s6, $0xb8;
	[tilespmem:$0x4080] =	vst v63  }
0x6b: {  	_ =	swait.ge [sflag:s8], $0x2000  }
0x6c: {  	[sflag:s8] =	ssyncset.done $0x0  }
0x6d: {  	[sflag:s8] =	ssyncadd.s32 $0xFFFFE000  }
0x6e: {  	[hbm4b:s9+s2] =	stream.linear.scatter [tilespmem:s7], [sflag:$0x2], $0x2000, $0x38;
	[tilespmem:$0x4080] =	vst v63  }
0x6f: {  	_ =	swait.ge [sflag:s10], $0x2000  }
0x70: {  	[sflag:s10] =	ssyncset.done $0x0  }
0x71: {  	[sflag:s10] =	ssyncadd.s32 $0xFFFFE000  }
0x72: {  	[tilespmem:s2], [sflag:$0x4] =	stream.linear.gather [hbm4b:s11+s2], $0x40, $0x38;
	[tilespmem:$0x4080] =	vst v63  }
0x73: {  	_ =	swait.ge [sflag:s4], $0x40  }
0x74: {  	[sflag:s4] =	ssyncset.done $0x0  }
0x75: {  	[sflag:s4] =	ssyncadd.s32 $0xFFFFFFC0  }
0x76: {  	[tilespmem:s12], [sflag:$0x1] =	stream.indirect.gather [hbm4b:s5+s6], $0x80, s2, s6, $0xb8;
	[tilespmem:$0x4080] =	vst v63  }
0x77: {  	_ =	swait.ge [sflag:s8], $0x2000  }
0x78: {  	[sflag:s8] =	ssyncset.done $0x0  }
0x79: {  	[sflag:s8] =	ssyncadd.s32 $0xFFFFE000  }
0x7a: {  	[hbm4b:s14+s2] =	stream.linear.scatter [tilespmem:s12], [sflag:$0x3], $0x2000, $0x38;
	[tilespmem:$0x4080] =	vst v63  }
0x7b: {  	_ =	swait.ge [sflag:s13], $0x2000  }
0x7c: {  	[sflag:s13] =	ssyncset.done $0x0  }
0x7d: {  	[sflag:s13] =	ssyncadd.s32 $0xFFFFE000  }
0x7e: {  	[tilespmem:s2], [sflag:$0x4] =	stream.linear.gather [hbm4b:s15+s2], $0x40, $0x38;
	[tilespmem:$0x4080] =	vst v63  }
0x7f: {  	_ =	swait.ge [sflag:s4], $0x40  }
0x80: {  	[sflag:s4] =	ssyncset.done $0x0  }
0x81: {  	[sflag:s4] =	ssyncadd.s32 $0xFFFFFFC0  }
0x82: {  	[tilespmem:s7], [sflag:$0x1] =	stream.indirect.gather [hbm4b:s5+s6], $0x80, s2, s6, $0xb8;
	[tilespmem:$0x4080] =	vst v63  }
0x83: {  	_ =	swait.ge [sflag:s8], $0x2000  }
0x84: {  	[sflag:s8] =	ssyncset.done $0x0  }
0x85: {  	[sflag:s8] =	ssyncadd.s32 $0xFFFFE000  }
0x86: {  	[hbm4b:s16+s2] =	stream.linear.scatter [tilespmem:s7], [sflag:$0x2], $0x2000, $0x38;
	[tilespmem:$0x4080] =	vst v63  }
0x87: {  	_ =	swait.ge [sflag:s10], $0x2000  }
0x88: {  	[sflag:s10] =	ssyncset.done $0x0  }
0x89: {  	[sflag:s10] =	ssyncadd.s32 $0xFFFFE000  }
0x8a: {  	[tilespmem:s2], [sflag:$0x4] =	stream.linear.gather [hbm4b:s17+s2], $0x40, $0x38;
	[tilespmem:$0x4080] =	vst v63  }
0x8b: {  	_ =	swait.ge [sflag:s4], $0x40  }
0x8c: {  	[sflag:s4] =	ssyncset.done $0x0  }
0x8d: {  	[sflag:s4] =	ssyncadd.s32 $0xFFFFFFC0  }
0x8e: {  	[tilespmem:s12], [sflag:$0x1] =	stream.indirect.gather [hbm4b:s5+s6], $0x80, s2, s6, $0xb8;
	[tilespmem:$0x4080] =	vst v63  }
0x8f: {  	_ =	swait.ge [sflag:s8], $0x2000  }
0x90: {  	[sflag:s8] =	ssyncset.done $0x0  }
0x91: {  	[sflag:s8] =	ssyncadd.s32 $0xFFFFE000  }
0x92: {  	[hbm4b:s18+s2] =	stream.linear.scatter [tilespmem:s12], [sflag:$0x3], $0x2000, $0x38;
	[tilespmem:$0x4080] =	vst v63  }
0x93: {  	_ =	swait.ge [sflag:s13], $0x2000  }
0x94: {  	[sflag:s13] =	ssyncset.done $0x0  }
0x95: {  	[sflag:s13] =	ssyncadd.s32 $0xFFFFE000  }
0x96: {  	[tilespmem:s2], [sflag:$0x4] =	stream.linear.gather [hbm4b:s19+s2], $0x40, $0x38;
	[tilespmem:$0x4080] =	vst v63  }
0x97: {  	_ =	swait.ge [sflag:s4], $0x40  }
0x98: {  	[sflag:s4] =	ssyncset.done $0x0  }
0x99: {  	[sflag:s4] =	ssyncadd.s32 $0xFFFFFFC0  }
0x9a: {  	[tilespmem:s7], [sflag:$0x1] =	stream.indirect.gather [hbm4b:s20+s6], $0x80, s2, s6, $0xb8;
	[tilespmem:$0x4080] =	vst v63  }
0x9b: {  	_ =	swait.ge [sflag:s8], $0x2000  }
0x9c: {  	[sflag:s8] =	ssyncset.done $0x0  }
0x9d: {  	[sflag:s8] =	ssyncadd.s32 $0xFFFFE000  }
0x9e: {  	[hbm4b:s21+s2] =	stream.linear.scatter [tilespmem:s7], [sflag:$0x2], $0x2000, $0x38;
	[tilespmem:$0x4080] =	vst v63  }
0x9f: {  	_ =	swait.ge [sflag:s10], $0x2000  }
0xa0: {  	[sflag:s10] =	ssyncset.done $0x0  }
0xa1: {  	[sflag:s10] =	ssyncadd.s32 $0xFFFFE000  }
0xa2: {  	[tilespmem:s2], [sflag:$0x4] =	stream.linear.gather [hbm4b:s22+s2], $0x40, $0x38;
	[tilespmem:$0x4080] =	vst v63  }
0xa3: {  	_ =	swait.ge [sflag:s4], $0x40  }
0xa4: {  	[sflag:s4] =	ssyncset.done $0x0  }
0xa5: {  	[sflag:s4] =	ssyncadd.s32 $0xFFFFFFC0  }
0xa6: {  	[tilespmem:s12], [sflag:$0x1] =	stream.indirect.gather [hbm4b:s20+s6], $0x80, s2, s6, $0xb8;
	[tilespmem:$0x4080] =	vst v63  }
0xa7: {  	_ =	swait.ge [sflag:s8], $0x2000  }
0xa8: {  	[sflag:s8] =	ssyncset.done $0x0  }
0xa9: {  	[sflag:s8] =	ssyncadd.s32 $0xFFFFE000  }
0xaa: {  	[hbm4b:s23+s2] =	stream.linear.scatter [tilespmem:s12], [sflag:$0x3], $0x2000, $0x38;
	[tilespmem:$0x4080] =	vst v63  }
0xab: {  	_ =	swait.ge [sflag:s13], $0x2000  }
0xac: {  	[sflag:s13] =	ssyncset.done $0x0  }
0xad: {  	[sflag:s13] =	ssyncadd.s32 $0xFFFFE000  }
0xae: {  	[tilespmem:s2], [sflag:$0x4] =	stream.linear.gather [hbm4b:s24+s2], $0x40, $0x38;
	[tilespmem:$0x4080] =	vst v63  }
0xaf: {  	_ =	swait.ge [sflag:s4], $0x40  }
0xb0: {  	[sflag:s4] =	ssyncset.done $0x0  }
0xb1: {  	[sflag:s4] =	ssyncadd.s32 $0xFFFFFFC0  }
0xb2: {  	[tilespmem:s7], [sflag:$0x1] =	stream.indirect.gather [hbm4b:s20+s6], $0x80, s2, s6, $0xb8;
	[tilespmem:$0x4080] =	vst v63  }
0xb3: {  	_ =	swait.ge [sflag:s8], $0x2000  }
0xb4: {  	[sflag:s8] =	ssyncset.done $0x0  }
0xb5: {  	[sflag:s8] =	ssyncadd.s32 $0xFFFFE000  }
0xb6: {  	[hbm4b:s25+s2] =	stream.linear.scatter [tilespmem:s7], [sflag:$0x2], $0x2000, $0x38;
	[tilespmem:$0x4080] =	vst v63  }
0xb7: {  	_ =	swait.ge [sflag:s10], $0x2000  }
0xb8: {  	[sflag:s10] =	ssyncset.done $0x0  }
0xb9: {  	[sflag:s10] =	ssyncadd.s32 $0xFFFFE000  }
0xba: {  	[tilespmem:s2], [sflag:$0x4] =	stream.linear.gather [hbm4b:s26+s2], $0x40, $0x38;
	[tilespmem:$0x4080] =	vst v63  }
0xbb: {  	_ =	swait.ge [sflag:s4], $0x40  }
0xbc: {  	[sflag:s4] =	ssyncset.done $0x0  }
0xbd: {  	[sflag:s4] =	ssyncadd.s32 $0xFFFFFFC0  }
0xbe: {  	[tilespmem:s12], [sflag:$0x1] =	stream.indirect.gather [hbm4b:s20+s6], $0x80, s2, s6, $0xb8;
	[tilespmem:$0x4080] =	vst v63  }
0xbf: {  	_ =	swait.ge [sflag:s8], $0x2000  }
.Ltmp1:
0xc0: {  	[sflag:s8] =	ssyncset.done $0x0;
	(pc) =	sbr.rel @p0 .LBB2_1-.Ltmp1, $4  }
0xc1: {  	[sflag:s8] =	ssyncadd.s32 $0xFFFFE000  }
0xc2: {  	[hbm4b:s28+s2] =	stream.linear.scatter [tilespmem:s12], [sflag:$0x3], $0x2000, $0x38;
	[tilespmem:$0x4080] =	vst v63  }
0xc3: {  	_ =	swait.ge [sflag:s13], $0x2000  }
0xc4: {  	[sflag:s13] =	ssyncset.done $0x0  }
.LBB2_2:
0xc5: {  	[sflag:s13] =	ssyncadd.s32 $0xFFFFE000  }
0xc6: {  	_ =	sfence.sel $0x180000  }
0xc7: {  	[bflag:$0x0] =	sbarrier.arrive $0xFFFF  }
0xc8: {  	_ =	strace $0x9000004D  }
0xc9: {  	[bflag:$0x2] =	sbarrier.arrive $0xFFFF  }
0xca: {  	p0 =	sne.s32 s0, $0x0;
	s0 =	rddreg [dreg:$0x2]  }
0xcb: {  	s0 =	sadd.s32 @!p0 $0x100000, s0  }
0xcc: {  	[sflag:s0] =	ssyncadd.tile.s32 @!p0 $0x1;
	_ =	shalt  }
.Lfunc_end2:
_tile_overlayer_lowered:
.L_overlay_start_2:
0xcd: {  	(tag) =	ssettag $0x2  }
0xce: {  	s0 =	rddreg [dreg:$0x0];
	s2 =	stileid.u32  }
0xcf: {  	s1 =	rddreg [dreg:$0x1];
	p0 =	sne.s32 s2, $0x0  }
0xd0: {  	s3 =	rddreg [dreg:$0x2];
	[bflag:$0x3] =	sbarrier.arrive $0xFFFF;
	s2 =	simm.s32 @!p0 $0x1C04  }
0xd1: {  	[timem:s3], [sflag:s2] =	dma.local @!p0 [hbm:s0], s1  }
0xd2: {  	s0 =	simm.s32 @!p0 $0x4  }
0xd3: {  	_ =	swait.ge @!p0 [sflag:s0], s1  }
0xd4: {  	s1 =	ssub.s32 @!p0 $0x0, s1;
	[sflag:s0] =	ssyncset.done @!p0 $0x0  }
0xd5: {  	[sflag:s0] =	ssyncadd.s32 @!p0 s1  }
0xd6: {  	[bflag:$0x3] =	sbarrier.arrive $0xFFFF  }
0xd7: {  	_ =	shalt  }

// kernel: kernel.8.cloned.1.call-start
scs
__scs_entry_jumppad:
0x0: {  	(pc) =	sbr.rel $0x88, $3  }
0x1: {  	(tag) =	ssettag $0x0;
	lr =	simm.s32 $0x1  }
0x2: {  	[smem:$0x3F94] =	sst lr;
	_ =	strace $0xD0000000  }
0x3: {  	_ = 	snop  }
0x4: {  	_ = 	snop  }
0x5: {  	_ = 	snop  }
0x6: {  	_ = 	snop  }
0x7: {  	_ = 	snop  }
__scs_overlays_trampoline_lowered:
0x8: {  	[smem:$0x3FA3] =	sst s0  }
0x9: {  	[smem:$0x3FA4] =	sst s1  }
0xa: {  	[smem:$0x3FA5] =	sst s2  }
0xb: {  	[smem:$0x3FA6] =	sst s3  }
0xc: {  	[smem:$0x3FA7] =	sst s4  }
0xd: {  	[smem:$0x3FA8] =	sst s5  }
0xe: {  	[smem:$0x3FA9] =	sst s6  }
0xf: {  	[smem:$0x3FAA] =	sst s7  }
0x10: {  	[smem:$0x3FAB] =	sst s8  }
0x11: {  	[smem:$0x3FAC] =	sst s9;
	s0 =	simm.s32 @!p0 $0x0  }
0x12: {  	s1 =	sld [smem:$0x3F92];
	s0 =	simm.s32 @p0 $0x1  }
0x13: {  	[smem:$0x3FAD] =	sst s0;
	s0 =	simm.s32 @!p1 $0x0  }
0x14: {  	s2 =	sld [smem:$0x3F91];
	s0 =	simm.s32 @p1 $0x1  }
0x15: {  	[smem:$0x3FAE] =	sst s0;
	s0 =	simm.s32 @!p2 $0x0  }
0x16: {  	s3 =	sld [smem:$0x3FDB];
	s0 =	simm.s32 @p2 $0x1  }
0x17: {  	s4 =	simm.s32 $0x1BF5;
	[smem:$0x3FB0] =	sst s0  }
0x18: {  	s0 =	sld [smem:$0x3F93];
	_ =	swait.ge [sflag:s4], $0x0  }
0x19: {  	s7 =	sld [smem:$0x3F94]  }
0x1a: {  	s8 =	sadd.s32 $0xFFFFE003, lr  }
0x1b: {  	s9 =	sadd.s32 $0xFFFFFEF7, lr;
	s5 =	simm.s32 $0xFFFFFFFF;
	p2 =	slt.u32 s8, $0xFFFFF086  }
0x1c: {  	p1 =	slt.u32 s9, $0xF7A;
	s5 =	simm.s32 @!p2 $0x0  }
0x1d: {  	s5 =	simm.s32 @p1 $0x1;
	p0 =	seq.s32 s7, s2  }
0x1e: {  	s7 =	smul.u32 @!p0 $0xF7A, s2;
	p2 =	seq.s32 @!p0 s5, $0x0  }
0x1f: {  	s9 =	smul.u32 $0xF7A, s1;
	s8 =	simm.s32 @!p0 $0x1BF5;
	p2 =	por !p2, p0  }
0x20: {  	[sflag:s8] =	ssyncset.s32 @!p0 $0xFFFFF086;
	s6 =	sadd.s32 @!p0 s3, s7;
	s7 =	simm.s32 @!p0 $0x108  }
0x21: {  	s3 =	sadd.s32 s3, s9;
	s6 =	sadd.s32 @!p0 $0x88, s6;
	s7 =	simm.s32 @p2 $0x1082  }
0x22: {  	[simem:s7], [sflag:s8] =	dma.local @!p0 [hbm:s6], $0xF7A  }
0x23: {  	s9 =	sor.u32 $0xD0000000, s2;
	s6 =	simm.s32 $0x108;
	_ =	swait.ge @!p0 [sflag:s8], $0x0  }
0x24: {  	s3 =	sadd.s32 $0x88, s3;
	s6 =	simm.s32 @!p1 $0x1082;
	[sflag:s4] =	ssyncset.s32 $0xFFFFF086  }
0x25: {  	[simem:s6], [sflag:s4] =	dma.local [hbm:s3], $0xF7A  }
0x26: {  	[smem:$0x3F94] =	sst s1;
	(tag) =	ssettag s2;
	_ =	strace s9  }
0x27: {  	s1 =	sld [smem:$0x3FA4]  }
0x28: {  	s2 =	sld [smem:$0x3FA5]  }
0x29: {  	s4 =	sld [smem:$0x3FA7]  }
0x2a: {  	p0 =	seq.s32 s5, $0x0;
	s5 =	sld [smem:$0x3FA8]  }
0x2b: {  	s6 =	sld [smem:$0x3FA9]  }
0x2c: {  	s7 =	sld [smem:$0x3FAA]  }
0x2d: {  	s3 =	simm.s32 $0x108;
	s8 =	sld [smem:$0x3FAB]  }
0x2e: {  	s3 =	simm.s32 @!p0 $0x1082;
	s9 =	sld [smem:$0x3FAC]  }
0x2f: {  	lr =	sadd.s32 s0, s3;
	s0 =	sld [smem:$0x3FA3]  }
0x30: {  	s3 =	sld [smem:$0x3FA6]  }
0x31: {  	[smem:$0x3FAF] =	sst s10  }
0x32: {  	s10 =	sld [smem:$0x3FAD];
	_ =	sdelay $0x3  }
0x33: {  	p0 =	seq.s32 s10, $0x1;
	s10 =	sld [smem:$0x3FAF];
	_ =	sdelay $0x3  }
0x34: {  	[smem:$0x3FAF] =	sst s10  }
0x35: {  	s10 =	sld [smem:$0x3FAE];
	_ =	sdelay $0x3  }
0x36: {  	p1 =	seq.s32 s10, $0x1;
	s10 =	sld [smem:$0x3FAF];
	_ =	sdelay $0x3  }
0x37: {  	[smem:$0x3FAF] =	sst s10  }
0x38: {  	s10 =	sld [smem:$0x3FB0]  }
0x39: {  	_ = 	snop;
	(pc) =	sbr.ind lr, $3  }
0x3a: {  	_ = 	snop  }
0x3b: {  	_ = 	snop  }
0x3c: {  	p2 =	seq.s32 s10, $0x1;
	s10 =	sld [smem:$0x3FAF]  }
0x3d: {  	_ =	shalt  }
0x3e: {  	_ =	shalt  }
0x3f: {  	_ =	shalt  }
0x40: {  	_ =	shalt  }
0x41: {  	_ =	shalt  }
0x42: {  	_ =	shalt  }
0x43: {  	_ =	shalt  }
0x44: {  	_ =	shalt  }
0x45: {  	_ =	shalt  }
0x46: {  	_ =	shalt  }
0x47: {  	_ =	shalt  }
0x48: {  	_ =	shalt  }
0x49: {  	_ =	shalt  }
0x4a: {  	_ =	shalt  }
0x4b: {  	_ =	shalt  }
0x4c: {  	_ =	shalt  }
0x4d: {  	_ =	shalt  }
0x4e: {  	_ =	shalt  }
0x4f: {  	_ =	shalt  }
0x50: {  	_ =	shalt  }
0x51: {  	_ =	shalt  }
0x52: {  	_ =	shalt  }
0x53: {  	_ =	shalt  }
0x54: {  	_ =	shalt  }
0x55: {  	_ =	shalt  }
0x56: {  	_ =	shalt  }
0x57: {  	_ =	shalt  }
0x58: {  	_ =	shalt  }
0x59: {  	_ =	shalt  }
0x5a: {  	_ =	shalt  }
0x5b: {  	_ =	shalt  }
0x5c: {  	_ =	shalt  }
0x5d: {  	_ =	shalt  }
0x5e: {  	_ =	shalt  }
0x5f: {  	_ =	shalt  }
0x60: {  	_ =	shalt  }
0x61: {  	_ =	shalt  }
0x62: {  	_ =	shalt  }
0x63: {  	_ =	shalt  }
0x64: {  	_ =	shalt  }
0x65: {  	_ =	shalt  }
0x66: {  	_ =	shalt  }
0x67: {  	_ =	shalt  }
0x68: {  	_ =	shalt  }
0x69: {  	_ =	shalt  }
0x6a: {  	_ =	shalt  }
0x6b: {  	_ =	shalt  }
0x6c: {  	_ =	shalt  }
0x6d: {  	_ =	shalt  }
0x6e: {  	_ =	shalt  }
0x6f: {  	_ =	shalt  }
0x70: {  	_ =	shalt  }
0x71: {  	_ =	shalt  }
0x72: {  	_ =	shalt  }
0x73: {  	_ =	shalt  }
0x74: {  	_ =	shalt  }
0x75: {  	_ =	shalt  }
0x76: {  	_ =	shalt  }
0x77: {  	_ =	shalt  }
0x78: {  	_ =	shalt  }
0x79: {  	_ =	shalt  }
0x7a: {  	_ =	shalt  }
0x7b: {  	_ =	shalt  }
0x7c: {  	_ =	shalt  }
0x7d: {  	_ =	shalt  }
0x7e: {  	_ =	shalt  }
0x7f: {  	_ =	shalt  }
0x80: {  	_ =	shalt  }
0x81: {  	_ =	shalt  }
0x82: {  	_ =	shalt  }
0x83: {  	_ =	shalt  }
0x84: {  	_ =	shalt  }
0x85: {  	_ =	shalt  }
0x86: {  	_ =	shalt  }
0x87: {  	_ =	shalt  }
.Lfunc_end0:
.L_simem_size_0:
called_computation_lowered:
.L_overlay_start_0:
0x88: {  	s2 =	sld [smem:$0x3FD9]  }
0x89: {  	s3 =	sld [smem:$0x3FFE];
	_ =	sdelay $0x1  }
0x8a: {  	s1 =	srdreg.scid  }
0x8b: {  	s0 =	sand.u32 $0x1, s1  }
0x8c: {  	s17 =	sshll.u32 s0, $0xA;
	s2 =	sadd.s32 s3, s2  }
0x8d: {  	s2 =	sadd.s32 s2, s17  }
0x8e: {  	[smem:$0x3FBB] =	sst s2  }
0x8f: {  	_ = 	snop  }
0x90: {  	s2 =	sld [smem:$0x3FC8]  }
0x91: {  	s18 =	sld [smem:$0x3FD0];
	(tm) =	ssettm $0x1  }
0x92: {  	s4 =	sld [smem:$0x3FFB];
	_ =	sdelay $0x3  }
0x93: {  	_ =	strace s4  }
0x94: {  	s4 =	sld [smem:$0x3FFC];
	_ =	sdelay $0x3  }
0x95: {  	_ =	strace s4  }
0x96: {  	s4 =	sld [smem:$0x3FFD];
	_ =	sdelay $0x3  }
0x97: {  	_ =	strace s4  }
0x98: {  	_ =	strace $0x8FFFFFFF  }
0x99: {  	s19 =	sld [smem:$0x3FDB];
	_ =	sdelay $0x1  }
0x9a: {  	s5 =	simm.s32 $_scs_section_size  }
0x9b: {  	s6 =	simm.s32 $_size__tile_overlayer_lowered;
	s7 =	simm.s32 $_tile_overlayer_lowered  }
0x9c: {  	s22 =	simm.s32 $0x1BFF;
	s21 =	sshll.u32 s7, $0x1;
	s4 =	sadd.s32 s5, s19  }
0x9d: {  	s8 =	simm.s32 $0x0;
	s20 =	sshll.u32 s6, $0x1;
	s6 =	sadd.s32 s21, s4  }
0x9e: {  	[timem:s8], [sflag:s22] =	dma.local [hbm:s6], s20  }
0x9f: {  	_ =	swait.ge [sflag:s22], s20  }
0xa0: {  	s5 =	ssub.s32 $0x0, s20;
	[sflag:s22] =	ssyncset.done $0x0  }
0xa1: {  	[sflag:s22] =	ssyncadd.s32 s5;
	_ =	sdelay $0x1  }
0xa2: {  	s23 =	simm.s32 $0x1B8B  }
0xa3: {  	_ =	swait.ge [sflag:s23], $0x1  }
0xa4: {  	[sflag:s23] =	ssyncset.done $0x0  }
0xa5: {  	s25 =	simm.s32 $0x1B8E;
	s24 =	sld [smem:$0x3FFE];
	[sflag:s23] =	ssyncadd.s32 $0xFFFFFFFF  }
0xa6: {  	s26 =	simm.s32 $execute0_lowered;
	[smem:$0x3FD2] =	sst s25  }
0xa7: {  	s6 =	sshll.u32 s26, $0x1;
	_ =	strace $0x80000046;
	[dreg:$0x1] =	wrdreg $0xFFFFFFFF  }
0xa8: {  	s28 =	simm.s32 $_size_execute0_lowered;
	s4 =	sadd.s32 s4, s6;
	[dreg:$0x0] =	wrdreg $0x0  }
0xa9: {  	s6 =	sshll.u32 s28, $0x1;
	[dreg:$0x2] =	wrdreg s4  }
0xaa: {  	[dreg:$0x3] =	wrdreg s6  }
0xab: {  	[dreg:$0x4] =	wrdreg $0xC0  }
0xac: {  	_ =	task [dreg:s8], $0x5FFFF  }
0xad: {  	[dreg:$0x1] =	wrdreg $0xFFFFFFFF  }
0xae: {  	[dreg:$0x0] =	wrdreg $0x60  }
0xaf: {  	[dreg:$0x2] =	wrdreg s2  }
0xb0: {  	[dreg:$0x3] =	wrdreg s24  }
0xb1: {  	[dreg:$0x4] =	wrdreg s18  }
0xb2: {  	[dreg:$0x5] =	wrdreg $0x0  }
0xb3: {  	[dreg:$0x6] =	wrdreg $0x9  }
0xb4: {  	_ =	task.clear_ibuf [dreg:s8], $0x7FFFF;
	_ =	strace $0x90000046  }
0xb5: {  	s29 =	simm.s32 $0x9;
	_ =	strace $0x80000048  }
0xb6: {  	_ =	swait.ge [sflag:s29], $0x1  }
0xb7: {  	[sflag:s29] =	ssyncadd.s32 $0xFFFFFFFF  }
0xb8: {  	_ =	strace $0x90000048  }
0xb9: {  	_ =	sfence  }
0xba: {  	s30 =	sld [smem:$0x0];
	_ =	sdelay $0x2  }
0xbb: {  	s31 =	sshll.u32 s1, $0xD;
	s1 =	sshrl.u32 s1, $0x2  }
0xbc: {  	s3 =	sand.u32 $0x4000, s31;
	s1 =	sadd.s32 s1, s30  }
0xbd: {  	s0 =	sor.u32 s3, s0;
	s1 =	sshll.u32 s1, $0x11  }
0xbe: {  	s0 =	sor.u32 s1, s0  }
0xbf: {  	s0 =	sadd.s32 $0x8F2B, s0  }
0xc0: {  	[sflag:s0] =	ssyncadd.remote.s32 $0x1  }
0xc1: {  	_ =	sfence.sel $0xFFFF  }
0xc2: {  	[dreg:$0x0] =	wrdreg $0xFFFFFFFF;
	(pc) =	sbr.abs _section_cstart, $3  }
0xc3: {  	[dreg:$0x1] =	wrdreg $0xFFFFFFFF  }
0xc4: {  	_ =	task.clear_ibuf [dreg:s8], $0x2FFFF;
	_ =	strace $0x9FFFFFFF  }
0xc5: {  	(tm) =	ssettm $0x7FFFFFFF  }
tec
execute0_lowered:
.L_overlay_start_1:
0x0: {  	(tag) =	ssettag $0x1  }
0x1: {  	s0 =	srdreg.scid  }
0x2: {  	s1 =	rddreg [dreg:$0x1];
	s21 =	stileid.u32  }
0x3: {  	s30 =	rddreg [dreg:$0x3];
	s29 =	simm.s32 $0x19100;
	s6 =	sand.u32 $0x1, s0  }
0x4: {  	s10 =	sadd.s32 $0x17A00, s1;
	s11 =	sadd.s32 $0x67A00, s1;
	s9 =	smul.u32 $0x14000, s21  }
0x5: {  	s19 =	sshll.u32 s21, $0x1;
	s0 =	ssub.s32 $0x2, s6;
	s12 =	smul.u32 $0x140000, s6  }
0x6: {  	s13 =	sor.u32 s6, s19;
	s6 =	smul.u32 $0x4E2, s6;
	s2 =	sshrl.u32 s0, $0x1  }
0x7: {  	s3 =	sadd.s32 $0x5000, s9;
	s4 =	sadd.s32 $0x7800, s9;
	s5 =	sadd.s32 $0xA000, s9  }
0x8: {  	s7 =	sadd.s32 $0xC800, s9;
	s8 =	sadd.s32 $0xF000, s9;
	s0 =	ssub.s32 s0, s2  }
0x9: {  	s2 =	sor.u32 $0x2800, s9;
	s14 =	sadd.s32 s9, s12;
	s9 =	sadd.s32 $0x11800, s9  }
0xa: {  	s16 =	sadd.s32 s12, s3;
	s17 =	sadd.s32 s12, s4;
	s14 =	sshrl.u32 s14, $0x3  }
0xb: {  	s19 =	sadd.s32 s12, s7;
	s16 =	sshrl.u32 s16, $0x3;
	s15 =	sadd.s32 s11, s14  }
0xc: {  	s17 =	sshrl.u32 s17, $0x3;
	s22 =	sadd.s32 s11, s16;
	[dreg:$0x5] =	wrdreg s15  }
0xd: {  	s19 =	sshrl.u32 s19, $0x3;
	s23 =	sadd.s32 s11, s17;
	[dreg:$0x7] =	wrdreg s22  }
0xe: {  	s24 =	sadd.s32 s12, s5;
	s25 =	sadd.s32 s11, s19;
	[dreg:$0x8] =	wrdreg s23  }
0xf: {  	s20 =	sadd.s32 s12, s2;
	s14 =	sadd.s32 s10, s14;
	[dreg:$0xa] =	wrdreg s25  }
0x10: {  	s16 =	sadd.s32 s10, s16;
	s15 =	sshrl.u32 s20, $0x3;
	[dreg:$0xd] =	wrdreg s14  }
0x11: {  	s20 =	sadd.s32 s12, s8;
	[dreg:$0xf] =	wrdreg s16;
	s18 =	sadd.s32 s11, s15  }
0x12: {  	s20 =	sshrl.u32 s20, $0x3;
	s15 =	sadd.s32 s10, s15;
	[dreg:$0x6] =	wrdreg s18  }
0x13: {  	s12 =	sadd.s32 s12, s9;
	s26 =	sadd.s32 s11, s20;
	[dreg:$0xe] =	wrdreg s15  }
0x14: {  	s18 =	sshrl.u32 s24, $0x3;
	s24 =	sadd.s32 s10, s19;
	[dreg:$0xb] =	wrdreg s26  }
0x15: {  	s12 =	sshrl.u32 s12, $0x3;
	s22 =	sadd.s32 s11, s18;
	[dreg:$0x12] =	wrdreg s24  }
0x16: {  	s25 =	smul.u32 $0x2710, s13;
	s11 =	sadd.s32 s11, s12;
	[dreg:$0x9] =	wrdreg s22  }
0x17: {  	s14 =	smul.u32 $0x4E2, s13;
	s23 =	sadd.s32 s10, s18;
	[dreg:$0xc] =	wrdreg s11  }
0x18: {  	s13 =	smul.u32 $0x50000, s21;
	s26 =	sadd.s32 s10, s20;
	[dreg:$0x11] =	wrdreg s23  }
0x19: {  	s18 =	sadd.s32 $0xD600, s1;
	s22 =	sadd.s32 s10, s17;
	[dreg:$0x13] =	wrdreg s26  }
0x1a: {  	s10 =	sadd.s32 s10, s12;
	s17 =	simm.s32 $0x0;
	[dreg:$0x10] =	wrdreg s22  }
0x1b: {  	s11 =	sshrl.u32 s25, $0x3;
	s12 =	sadd.s32 $0x3800, s1;
	[dreg:$0x14] =	wrdreg s10  }
0x1c: {  	[smem:$0x7FF] =	sst s17;
	s15 =	sadd.s32 $0xA, s11;
	s10 =	sadd.s32 s18, s14  }
0x1d: {  	s16 =	sadd.s32 $0x14, s11;
	[dreg:$0x16] =	wrdreg s10;
	s19 =	sadd.s32 s18, s15  }
0x1e: {  	s25 =	smul.u32 $0x9C4, s21;
	s23 =	sadd.s32 s12, s16;
	[dreg:$0x18] =	wrdreg s19  }
0x1f: {  	s11 =	sadd.s32 $0x1E, s11;
	s24 =	sadd.s32 s18, s16;
	[dreg:$0x19] =	wrdreg s23  }
0x20: {  	s20 =	sadd.s32 s12, s14;
	s26 =	sadd.s32 s12, s11;
	[dreg:$0x1a] =	wrdreg s24  }
0x21: {  	s14 =	sshrl.u32 s13, $0x2;
	s11 =	sadd.s32 s18, s11;
	[dreg:$0x1b] =	wrdreg s26  }
0x22: {  	s22 =	sadd.s32 s12, s15;
	s12 =	sadd.s32 s25, s12;
	[dreg:$0x1c] =	wrdreg s11  }
0x23: {  	s10 =	sadd.s32 s25, s18;
	s26 =	rddreg [dreg:$0x0];
	s31 =	sadd.s32 s6, s12  }
0x24: {  	s28 =	sadd.s32 s6, s10;
	s6 =	sadd.s32 $0x17400, s1;
	s1 =	sadd.s32 s14, s30  }
0x25: {  	s15 =	sadd.s32 s2, s30;
	_ =	strace $0x80000047;
	[dreg:$0x1e] =	wrdreg s1  }
0x26: {  	s0 =	smax.u32 s0, $0x1;
	s16 =	sadd.s32 s3, s30;
	[dreg:$0x1f] =	wrdreg s15  }
0x27: {  	s21 =	sadd.s32 s7, s30;
	s18 =	sadd.s32 s4, s30;
	[smem:$0x7F6] =	sst s16  }
0x28: {  	s13 =	simm.s32 $0x19280;
	s19 =	sadd.s32 s5, s30;
	[smem:$0x7F7] =	sst s18  }
0x29: {  	s25 =	sadd.s32 $0x4D8, s20;
	s2 =	simm.s32 $0x1;
	[smem:$0x7F8] =	sst s19  }
0x2a: {  	s3 =	simm.s32 $0x2;
	s23 =	sadd.s32 s8, s30;
	[smem:$0x7F9] =	sst s21  }
0x2b: {  	s24 =	sadd.s32 s9, s30;
	s10 =	simm.s32 $0x14000;
	[smem:$0x7FA] =	sst s23  }
0x2c: {  	s12 =	simm.s32 $0x19200;
	s14 =	simm.s32 $0x19300;
	[smem:$0x7FB] =	sst s24  }
0x2d: {  	s8 =	simm.s32 $0x4;
	s9 =	simm.s32 $0xA;
	[smem:$0x7FC] =	sst s0  }
0x2e: {  	s5 =	simm.s32 $0x0;
	[smem:$0x7FD] =	sst s25;
	s15 =	simm.s32 $0x19380  }
0x2f: {  	s16 =	simm.s32 $0x7;
	s19 =	simm.s32 $0x50;
	s21 =	simm.s32 $0x8  }
0x30: {  	s23 =	simm.s32 $0x3;
	s25 =	simm.s32 $0x9;
	[dreg:$0x15] =	wrdreg s20  }
0x31: {  	s24 =	simm.s32 $0x19000;
	s18 =	simm.s32 $0x19080;
	[dreg:$0x17] =	wrdreg s22  }
0x32: {  	s0 =	simm.s32 $0x19180;
	s1 =	simm.s32 $0x16800;
	[dreg:$0x1d] =	wrdreg s6  }
.LBB2_1:
0x33: {  	[tilespmem:s10], [sflag:$0xB] =	stream.linear.gather [hbm4b:s6+s17], $0x2800, $0x38;
	[tilespmem:$0x19400] =	vst v63  }
0x34: {  	[smem:$0x7F5] =	sst s5;
	s5 =	simm.s32 $0xB  }
0x35: {  	_ =	swait.ge [sflag:s5], $0x2800  }
0x36: {  	[sflag:s5] =	ssyncset.done $0x0  }
0x37: {  	s4 =	rddreg [dreg:$0x1e];
	[sflag:s5] =	ssyncadd.s32 $0xFFFFD800  }
0x38: {  	[spmem:s4] =	stream.linear.scatter [tilespmem:s10], [sflag:$0xB], $0x2800, $0x38;
	[tilespmem:$0x19400] =	vst v63  }
0x39: {  	_ =	swait.ge [sflag:s5], $0x2800  }
0x3a: {  	[sflag:s5] =	ssyncset.done $0x0  }
0x3b: {  	s7 =	rddreg [dreg:$0x1f];
	[sflag:s5] =	ssyncadd.s32 $0xFFFFD800  }
0x3c: {  	[spmem:s7] =	stream.linear.scatter [tilespmem:s10], [sflag:$0xB], $0x2800, $0x38;
	[tilespmem:$0x19400] =	vst v63  }
0x3d: {  	_ =	swait.ge [sflag:s5], $0x2800  }
0x3e: {  	s11 =	sld [smem:$0x7F6]  }
0x3f: {  	[sflag:s5] =	ssyncset.done $0x0  }
0x40: {  	[sflag:s5] =	ssyncadd.s32 $0xFFFFD800  }
0x41: {  	[spmem:s11] =	stream.linear.scatter [tilespmem:s10], [sflag:$0xB], $0x2800, $0x38;
	[tilespmem:$0x19400] =	vst v63  }
0x42: {  	_ =	swait.ge [sflag:s5], $0x2800  }
0x43: {  	s6 =	sld [smem:$0x7F7]  }
0x44: {  	[sflag:s5] =	ssyncset.done $0x0  }
0x45: {  	[sflag:s5] =	ssyncadd.s32 $0xFFFFD800  }
0x46: {  	[spmem:s6] =	stream.linear.scatter [tilespmem:s10], [sflag:$0xB], $0x2800, $0x38;
	[tilespmem:$0x19400] =	vst v63  }
0x47: {  	_ =	swait.ge [sflag:s5], $0x2800  }
0x48: {  	s7 =	sld [smem:$0x7F8]  }
0x49: {  	[sflag:s5] =	ssyncset.done $0x0  }
0x4a: {  	[sflag:s5] =	ssyncadd.s32 $0xFFFFD800  }
0x4b: {  	[spmem:s7] =	stream.linear.scatter [tilespmem:s10], [sflag:$0xB], $0x2800, $0x38;
	[tilespmem:$0x19400] =	vst v63  }
0x4c: {  	_ =	swait.ge [sflag:s5], $0x2800  }
0x4d: {  	s11 =	sld [smem:$0x7F9]  }
0x4e: {  	[sflag:s5] =	ssyncset.done $0x0  }
0x4f: {  	[sflag:s5] =	ssyncadd.s32 $0xFFFFD800  }
0x50: {  	[spmem:s11] =	stream.linear.scatter [tilespmem:s10], [sflag:$0xB], $0x2800, $0x38;
	[tilespmem:$0x19400] =	vst v63  }
0x51: {  	_ =	swait.ge [sflag:s5], $0x2800  }
0x52: {  	s6 =	sld [smem:$0x7FA]  }
0x53: {  	[sflag:s5] =	ssyncset.done $0x0  }
0x54: {  	[sflag:s5] =	ssyncadd.s32 $0xFFFFD800  }
0x55: {  	[spmem:s6] =	stream.linear.scatter [tilespmem:s10], [sflag:$0xB], $0x2800, $0x38;
	[tilespmem:$0x19400] =	vst v63  }
0x56: {  	_ =	swait.ge [sflag:s5], $0x2800  }
0x57: {  	s7 =	sld [smem:$0x7FB]  }
0x58: {  	[sflag:s5] =	ssyncset.done $0x0  }
0x59: {  	[sflag:s5] =	ssyncadd.s32 $0xFFFFD800  }
0x5a: {  	[spmem:s7] =	stream.linear.scatter [tilespmem:s10], [sflag:$0xB], $0x2800, $0x38;
	[tilespmem:$0x19400] =	vst v63  }
0x5b: {  	_ =	swait.ge [sflag:s5], $0x2800  }
0x5c: {  	[sflag:s5] =	ssyncset.done $0x0  }
0x5d: {  	[sflag:s5] =	ssyncadd.s32 $0xFFFFD800  }
0x5e: {  	s11 =	rddreg [dreg:$0x2]  }
0x5f: {  	[tilespmem:s10], [sflag:$0xB] =	stream.linear.gather [hbm4b:s11+s17], $0x2800, $0x38;
	[tilespmem:$0x19400] =	vst v63  }
0x60: {  	_ =	swait.ge [sflag:s5], $0x2800  }
0x61: {  	[sflag:s5] =	ssyncset.done $0x0  }
0x62: {  	[sflag:s5] =	ssyncadd.s32 $0xFFFFD800  }
0x63: {  	[bflag:$0x0] =	sbarrier.arrive $0xFFFF  }
0x64: {  	[tilespmem:s12], [sflag:$0x7] =	stream.linear.gather [hbm4b:s20+s17], $0x50, $0x38;
	[tilespmem:$0x19400] =	vst v63  }
0x65: {  	_ = 	snop  }
0x66: {  	[tilespmem:s13], [sflag:$0x8] =	stream.linear.gather [hbm4b:s22+s17], $0x50, $0x38;
	[tilespmem:$0x19400] =	vst v63  }
0x67: {  	s5 =	rddreg [dreg:$0x19]  }
0x68: {  	[tilespmem:s14], [sflag:$0x9] =	stream.linear.gather [hbm4b:s5+s17], $0x50, $0x38;
	[tilespmem:$0x19400] =	vst v63  }
0x69: {  	s6 =	rddreg [dreg:$0x1b]  }
0x6a: {  	[tilespmem:s15], [sflag:$0xA] =	stream.linear.gather [hbm4b:s6+s17], $0x50, $0x38;
	[tilespmem:$0x19400] =	vst v63  }
0x6b: {  	_ =	swait.ge [sflag:s16], $0x50  }
0x6c: {  	[sflag:s16] =	ssyncset.done $0x0  }
0x6d: {  	[sflag:s16] =	ssyncadd.s32 $0xFFFFFFB0  }
0x6e: {  	[spmem:s30] =	stream.indirect.scatter.add.f32 [tilespmem:s10], [sflag:$0x3], $0x80, s12, s19, $0xb8;
	[tilespmem:$0x19400] =	vst v63  }
0x6f: {  	_ =	swait.ge [sflag:s21], $0x50  }
0x70: {  	[sflag:s21] =	ssyncset.done $0x0  }
0x71: {  	[sflag:s21] =	ssyncadd.s32 $0xFFFFFFB0  }
0x72: {  	[spmem:s30] =	stream.indirect.scatter.add.f32 [tilespmem:s10], [sflag:$0x4], $0x80, s13, s19, $0xb8;
	[tilespmem:$0x19400] =	vst v63  }
0x73: {  	_ =	swait.ge [sflag:s23], $0x2800  }
0x74: {  	s7 =	sadd.s32 $0x0, s31;
	[sflag:s23] =	ssyncset.done $0x0  }
0x75: {  	s11 =	sadd.s32 $0x28, s7;
	[sflag:s23] =	ssyncadd.s32 $0xFFFFD800  }
0x76: {  	[tilespmem:s12], [sflag:$0x7] =	stream.linear.gather [hbm4b:s11+s17], $0x50, $0x38;
	[tilespmem:$0x19400] =	vst v63  }
0x77: {  	_ =	swait.ge [sflag:s25], $0x50  }
0x78: {  	[sflag:s25] =	ssyncset.done $0x0  }
0x79: {  	[sflag:s25] =	ssyncadd.s32 $0xFFFFFFB0  }
0x7a: {  	[spmem:s30] =	stream.indirect.scatter.add.f32 [tilespmem:s10], [sflag:$0x3], $0x80, s14, s19, $0xb8;
	[tilespmem:$0x19400] =	vst v63  }
0x7b: {  	_ =	swait.ge [sflag:s8], $0x2800  }
0x7c: {  	[sflag:s8] =	ssyncset.done $0x0  }
0x7d: {  	s20 =	sadd.s32 $0x32, s7;
	[sflag:s8] =	ssyncadd.s32 $0xFFFFD800  }
0x7e: {  	[tilespmem:s13], [sflag:$0x8] =	stream.linear.gather [hbm4b:s20+s17], $0x50, $0x38;
	[tilespmem:$0x19400] =	vst v63  }
0x7f: {  	_ =	swait.ge [sflag:s9], $0x50  }
0x80: {  	[sflag:s9] =	ssyncset.done $0x0  }
0x81: {  	[sflag:s9] =	ssyncadd.s32 $0xFFFFFFB0  }
0x82: {  	[spmem:s30] =	stream.indirect.scatter.add.f32 [tilespmem:s10], [sflag:$0x4], $0x80, s15, s19, $0xb8;
	[tilespmem:$0x19400] =	vst v63  }
0x83: {  	_ =	swait.ge [sflag:s23], $0x2800  }
0x84: {  	[sflag:s23] =	ssyncset.done $0x0  }
0x85: {  	s22 =	sadd.s32 $0x3C, s7;
	[sflag:s23] =	ssyncadd.s32 $0xFFFFD800  }
0x86: {  	[tilespmem:s14], [sflag:$0x9] =	stream.linear.gather [hbm4b:s22+s17], $0x50, $0x38;
	[tilespmem:$0x19400] =	vst v63  }
0x87: {  	_ =	swait.ge [sflag:s8], $0x2800  }
0x88: {  	[sflag:s8] =	ssyncset.done $0x0  }
0x89: {  	s4 =	simm.s32 $0x28;
	s5 =	sadd.s32 $0x46, s7;
	[sflag:s8] =	ssyncadd.s32 $0xFFFFD800  }
.LBB2_2:
0x8a: {  	[tilespmem:s15], [sflag:$0xA] =	stream.linear.gather [hbm4b:s5+s17], $0x50, $0x38;
	[tilespmem:$0x19400] =	vst v63  }
0x8b: {  	s5 =	smov.u32 s4  }
0x8c: {  	p0 =	sne.s32 s4, $0x488;
	s4 =	sadd.s32 $0x28, s4;
	_ =	swait.ge [sflag:s16], $0x50  }
0x8d: {  	[sflag:s16] =	ssyncset.done $0x0  }
0x8e: {  	[sflag:s16] =	ssyncadd.s32 $0xFFFFFFB0  }
0x8f: {  	[spmem:s30] =	stream.indirect.scatter.add.f32 [tilespmem:s10], [sflag:$0x3], $0x80, s12, s19, $0xb8;
	[tilespmem:$0x19400] =	vst v63  }
0x90: {  	_ =	swait.ge [sflag:s21], $0x50  }
0x91: {  	[sflag:s21] =	ssyncset.done $0x0  }
0x92: {  	[sflag:s21] =	ssyncadd.s32 $0xFFFFFFB0  }
0x93: {  	[spmem:s30] =	stream.indirect.scatter.add.f32 [tilespmem:s10], [sflag:$0x4], $0x80, s13, s19, $0xb8;
	[tilespmem:$0x19400] =	vst v63  }
0x94: {  	_ =	swait.ge [sflag:s23], $0x2800  }
0x95: {  	s5 =	sadd.s32 s5, s31;
	[sflag:s23] =	ssyncset.done $0x0  }
0x96: {  	s6 =	sadd.s32 $0x28, s5;
	[sflag:s23] =	ssyncadd.s32 $0xFFFFD800  }
0x97: {  	[tilespmem:s12], [sflag:$0x7] =	stream.linear.gather [hbm4b:s6+s17], $0x50, $0x38;
	[tilespmem:$0x19400] =	vst v63  }
0x98: {  	_ =	swait.ge [sflag:s25], $0x50  }
0x99: {  	[sflag:s25] =	ssyncset.done $0x0  }
0x9a: {  	[sflag:s25] =	ssyncadd.s32 $0xFFFFFFB0  }
0x9b: {  	[spmem:s30] =	stream.indirect.scatter.add.f32 [tilespmem:s10], [sflag:$0x3], $0x80, s14, s19, $0xb8;
	[tilespmem:$0x19400] =	vst v63  }
0x9c: {  	_ =	swait.ge [sflag:s8], $0x2800  }
0x9d: {  	[sflag:s8] =	ssyncset.done $0x0  }
0x9e: {  	s6 =	sadd.s32 $0x32, s5;
	[sflag:s8] =	ssyncadd.s32 $0xFFFFD800  }
0x9f: {  	[tilespmem:s13], [sflag:$0x8] =	stream.linear.gather [hbm4b:s6+s17], $0x50, $0x38;
	[tilespmem:$0x19400] =	vst v63  }
0xa0: {  	_ =	swait.ge [sflag:s9], $0x50  }
0xa1: {  	[sflag:s9] =	ssyncset.done $0x0  }
0xa2: {  	[sflag:s9] =	ssyncadd.s32 $0xFFFFFFB0  }
0xa3: {  	[spmem:s30] =	stream.indirect.scatter.add.f32 [tilespmem:s10], [sflag:$0x4], $0x80, s15, s19, $0xb8;
	[tilespmem:$0x19400] =	vst v63  }
0xa4: {  	_ =	swait.ge [sflag:s23], $0x2800  }
0xa5: {  	[sflag:s23] =	ssyncset.done $0x0  }
.Ltmp0:
0xa6: {  	s6 =	sadd.s32 $0x3C, s5;
	[sflag:s23] =	ssyncadd.s32 $0xFFFFD800;
	(pc) =	sbr.rel @p0 .LBB2_2-.Ltmp0, $4  }
0xa7: {  	[tilespmem:s14], [sflag:$0x9] =	stream.linear.gather [hbm4b:s6+s17], $0x50, $0x38;
	[tilespmem:$0x19400] =	vst v63  }
0xa8: {  	_ =	swait.ge [sflag:s8], $0x2800  }
0xa9: {  	[sflag:s8] =	ssyncset.done $0x0  }
0xaa: {  	s5 =	sadd.s32 $0x46, s5;
	[sflag:s8] =	ssyncadd.s32 $0xFFFFD800  }
0xab: {  	[tilespmem:s15], [sflag:$0xA] =	stream.linear.gather [hbm4b:s5+s17], $0x50, $0x38;
	[tilespmem:$0x19400] =	vst v63  }
0xac: {  	_ =	swait.ge [sflag:s16], $0x50  }
0xad: {  	[sflag:s16] =	ssyncset.done $0x0  }
0xae: {  	[sflag:s16] =	ssyncadd.s32 $0xFFFFFFB0  }
0xaf: {  	[spmem:s30] =	stream.indirect.scatter.add.f32 [tilespmem:s10], [sflag:$0x3], $0x80, s12, s19, $0xb8;
	[tilespmem:$0x19400] =	vst v63  }
0xb0: {  	_ =	swait.ge [sflag:s21], $0x50  }
0xb1: {  	[sflag:s21] =	ssyncset.done $0x0  }
0xb2: {  	[sflag:s21] =	ssyncadd.s32 $0xFFFFFFB0  }
0xb3: {  	[spmem:s30] =	stream.indirect.scatter.add.f32 [tilespmem:s10], [sflag:$0x4], $0x80, s13, s19, $0xb8;
	[tilespmem:$0x19400] =	vst v63  }
0xb4: {  	_ =	swait.ge [sflag:s23], $0x2800  }
0xb5: {  	s4 =	sld [smem:$0x7FD]  }
0xb6: {  	[sflag:s23] =	ssyncset.done $0x0  }
0xb7: {  	s22 =	simm.s32 $0x0;
	[sflag:s23] =	ssyncadd.s32 $0xFFFFD800  }
0xb8: {  	[tilespmem:s12], [sflag:$0x7] =	stream.linear.gather [hbm4b:s4+s22], $0x50, $0x38;
	[tilespmem:$0x19400] =	vst v63  }
0xb9: {  	_ =	swait.ge [sflag:s25], $0x50  }
0xba: {  	[sflag:s25] =	ssyncset.done $0x0  }
0xbb: {  	[sflag:s25] =	ssyncadd.s32 $0xFFFFFFB0  }
0xbc: {  	[spmem:s30] =	stream.indirect.scatter.add.f32 [tilespmem:s10], [sflag:$0x3], $0x80, s14, s19, $0xb8;
	[tilespmem:$0x19400] =	vst v63  }
0xbd: {  	_ =	swait.ge [sflag:s8], $0x2800  }
0xbe: {  	[sflag:s8] =	ssyncset.done $0x0  }
0xbf: {  	[sflag:s8] =	ssyncadd.s32 $0xFFFFD800  }
0xc0: {  	_ =	swait.ge [sflag:s9], $0x50  }
0xc1: {  	[sflag:s9] =	ssyncset.done $0x0  }
0xc2: {  	[sflag:s9] =	ssyncadd.s32 $0xFFFFFFB0  }
0xc3: {  	[spmem:s30] =	stream.indirect.scatter.add.f32 [tilespmem:s10], [sflag:$0x4], $0x80, s15, s19, $0xb8;
	[tilespmem:$0x19400] =	vst v63  }
0xc4: {  	_ =	swait.ge [sflag:s23], $0x2800  }
0xc5: {  	[sflag:s23] =	ssyncset.done $0x0  }
0xc6: {  	[sflag:s23] =	ssyncadd.s32 $0xFFFFD800  }
0xc7: {  	_ =	swait.ge [sflag:s8], $0x2800  }
0xc8: {  	[sflag:s8] =	ssyncset.done $0x0  }
0xc9: {  	[sflag:s8] =	ssyncadd.s32 $0xFFFFD800  }
0xca: {  	_ =	swait.ge [sflag:s16], $0x50  }
0xcb: {  	[sflag:s16] =	ssyncset.done $0x0  }
0xcc: {  	[sflag:s16] =	ssyncadd.s32 $0xFFFFFFB0  }
0xcd: {  	[spmem:s30] =	stream.indirect.scatter.add.f32 [tilespmem:s10], [sflag:$0x3], $0x80, s12, s19, $0xb8;
	[tilespmem:$0x19400] =	vst v63  }
0xce: {  	_ =	swait.ge [sflag:s23], $0x2800  }
0xcf: {  	[sflag:s23] =	ssyncset.done $0x0  }
0xd0: {  	[sflag:s23] =	ssyncadd.s32 $0xFFFFD800  }
0xd1: {  	[bflag:$0x0] =	sbarrier.arrive $0xFFFF  }
0xd2: {  	s6 =	stileid.u32;
	s7 =	rddreg [dreg:$0x1e]  }
0xd3: {  	s5 =	sshll.u32 s6, $0x6;
	s6 =	rddreg [dreg:$0x5];
	s4 =	sshrl.u32 s7, $0x3  }
0xd4: {  	s11 =	sor.u32 $0x1C05, s5;
	[smem:$0x7EB] =	sst s4  }
0xd5: {  	[hbm:s6], [sflag:s11] =	dma.local [spmem:s4], $0x500  }
0xd6: {  	s4 =	rddreg [dreg:$0x1f]  }
0xd7: {  	s20 =	rddreg [dreg:$0x6];
	s4 =	sshrl.u32 s4, $0x3  }
0xd8: {  	s22 =	sor.u32 $0x1C06, s5;
	s7 =	simm.s32 $0x5;
	[smem:$0x7EC] =	sst s4  }
0xd9: {  	[hbm:s20], [sflag:s22] =	dma.local [spmem:s4], $0x500  }
0xda: {  	_ =	swait.ge [sflag:s7], $0x500  }
0xdb: {  	s5 =	sld [smem:$0x7F6];
	_ =	sdelay $0x2  }
0xdc: {  	[sflag:s7] =	ssyncset.done $0x0;
	s6 =	rddreg [dreg:$0x7];
	s4 =	sshrl.u32 s5, $0x3  }
0xdd: {  	[sflag:s7] =	ssyncadd.s32 $0xFFFFFB00;
	[smem:$0x7ED] =	sst s4  }
0xde: {  	[hbm:s6], [sflag:s11] =	dma.local [spmem:s4], $0x500  }
0xdf: {  	s4 =	simm.s32 $0x6  }
0xe0: {  	_ =	swait.ge [sflag:s4], $0x500  }
0xe1: {  	s20 =	sld [smem:$0x7F7];
	_ =	sdelay $0x2  }
0xe2: {  	[sflag:s4] =	ssyncset.done $0x0;
	s6 =	rddreg [dreg:$0x8];
	s20 =	sshrl.u32 s20, $0x3  }
0xe3: {  	[sflag:s4] =	ssyncadd.s32 $0xFFFFFB00;
	[smem:$0x7EE] =	sst s20  }
0xe4: {  	[hbm:s6], [sflag:s22] =	dma.local [spmem:s20], $0x500  }
0xe5: {  	_ =	swait.ge [sflag:s7], $0x500  }
0xe6: {  	s20 =	sld [smem:$0x7F8];
	_ =	sdelay $0x2  }
0xe7: {  	[sflag:s7] =	ssyncset.done $0x0;
	s6 =	rddreg [dreg:$0x9];
	s5 =	sshrl.u32 s20, $0x3  }
0xe8: {  	[sflag:s7] =	ssyncadd.s32 $0xFFFFFB00;
	[smem:$0x7EF] =	sst s5  }
0xe9: {  	[hbm:s6], [sflag:s11] =	dma.local [spmem:s5], $0x500  }
0xea: {  	_ =	swait.ge [sflag:s4], $0x500  }
0xeb: {  	s20 =	sld [smem:$0x7F9];
	_ =	sdelay $0x2  }
0xec: {  	[sflag:s4] =	ssyncset.done $0x0;
	s6 =	rddreg [dreg:$0xa];
	s5 =	sshrl.u32 s20, $0x3  }
0xed: {  	[sflag:s4] =	ssyncadd.s32 $0xFFFFFB00;
	[smem:$0x7F0] =	sst s5  }
0xee: {  	[hbm:s6], [sflag:s22] =	dma.local [spmem:s5], $0x500  }
0xef: {  	_ =	swait.ge [sflag:s7], $0x500  }
0xf0: {  	s20 =	sld [smem:$0x7FA];
	_ =	sdelay $0x1  }
0xf1: {  	s5 =	rddreg [dreg:$0xb]  }
0xf2: {  	[sflag:s7] =	ssyncset.done $0x0;
	[smem:$0x7F1] =	sst s11;
	s6 =	sshrl.u32 s20, $0x3  }
0xf3: {  	[sflag:s7] =	ssyncadd.s32 $0xFFFFFB00;
	[smem:$0x7F2] =	sst s6  }
0xf4: {  	[hbm:s5], [sflag:s11] =	dma.local [spmem:s6], $0x500  }
0xf5: {  	_ =	swait.ge [sflag:s4], $0x500  }
0xf6: {  	s11 =	sld [smem:$0x7FB];
	_ =	sdelay $0x1  }
0xf7: {  	s5 =	rddreg [dreg:$0xc]  }
0xf8: {  	[sflag:s4] =	ssyncset.done $0x0;
	[smem:$0x7F3] =	sst s22;
	s6 =	sshrl.u32 s11, $0x3  }
0xf9: {  	[sflag:s4] =	ssyncadd.s32 $0xFFFFFB00;
	[smem:$0x7F4] =	sst s6  }
0xfa: {  	[hbm:s5], [sflag:s22] =	dma.local [spmem:s6], $0x500  }
0xfb: {  	_ =	swait.ge [sflag:s7], $0x500  }
0xfc: {  	[sflag:s7] =	ssyncset.done $0x0  }
0xfd: {  	[sflag:s7] =	ssyncadd.s32 $0xFFFFFB00  }
0xfe: {  	_ =	swait.ge [sflag:s4], $0x500  }
0xff: {  	s5 =	simm.s32 $0xB;
	[sflag:s4] =	ssyncset.done $0x0  }
0x100: {  	s7 =	simm.s32 $0x0;
	s6 =	rddreg [dreg:$0x1d];
	[sflag:s4] =	ssyncadd.s32 $0xFFFFFB00  }
0x101: {  	[tilespmem:s10], [sflag:$0xB] =	stream.linear.gather [hbm4b:s6+s7], $0x2800, $0x38;
	[tilespmem:$0x19400] =	vst v63  }
0x102: {  	_ =	swait.ge [sflag:s5], $0x2800  }
0x103: {  	[sflag:s5] =	ssyncset.done $0x0  }
0x104: {  	s22 =	rddreg [dreg:$0x1e];
	[sflag:s5] =	ssyncadd.s32 $0xFFFFD800  }
0x105: {  	[spmem:s22] =	stream.linear.scatter [tilespmem:s10], [sflag:$0xB], $0x2800, $0x38;
	[tilespmem:$0x19400] =	vst v63  }
0x106: {  	_ =	swait.ge [sflag:s5], $0x2800  }
0x107: {  	[sflag:s5] =	ssyncset.done $0x0  }
0x108: {  	s6 =	rddreg [dreg:$0x1f];
	[sflag:s5] =	ssyncadd.s32 $0xFFFFD800  }
0x109: {  	[spmem:s6] =	stream.linear.scatter [tilespmem:s10], [sflag:$0xB], $0x2800, $0x38;
	[tilespmem:$0x19400] =	vst v63  }
0x10a: {  	_ =	swait.ge [sflag:s5], $0x2800  }
0x10b: {  	s7 =	sld [smem:$0x7F6]  }
0x10c: {  	[sflag:s5] =	ssyncset.done $0x0  }
0x10d: {  	[sflag:s5] =	ssyncadd.s32 $0xFFFFD800  }
0x10e: {  	[spmem:s7] =	stream.linear.scatter [tilespmem:s10], [sflag:$0xB], $0x2800, $0x38;
	[tilespmem:$0x19400] =	vst v63  }
0x10f: {  	_ =	swait.ge [sflag:s5], $0x2800  }
0x110: {  	s22 =	sld [smem:$0x7F7]  }
0x111: {  	[sflag:s5] =	ssyncset.done $0x0  }
0x112: {  	[sflag:s5] =	ssyncadd.s32 $0xFFFFD800  }
0x113: {  	[spmem:s22] =	stream.linear.scatter [tilespmem:s10], [sflag:$0xB], $0x2800, $0x38;
	[tilespmem:$0x19400] =	vst v63  }
0x114: {  	_ =	swait.ge [sflag:s5], $0x2800  }
0x115: {  	s6 =	sld [smem:$0x7F8]  }
0x116: {  	[sflag:s5] =	ssyncset.done $0x0  }
0x117: {  	[sflag:s5] =	ssyncadd.s32 $0xFFFFD800  }
0x118: {  	[spmem:s6] =	stream.linear.scatter [tilespmem:s10], [sflag:$0xB], $0x2800, $0x38;
	[tilespmem:$0x19400] =	vst v63  }
0x119: {  	_ =	swait.ge [sflag:s5], $0x2800  }
0x11a: {  	s7 =	sld [smem:$0x7F9]  }
0x11b: {  	[sflag:s5] =	ssyncset.done $0x0  }
0x11c: {  	[sflag:s5] =	ssyncadd.s32 $0xFFFFD800  }
0x11d: {  	[spmem:s7] =	stream.linear.scatter [tilespmem:s10], [sflag:$0xB], $0x2800, $0x38;
	[tilespmem:$0x19400] =	vst v63  }
0x11e: {  	_ =	swait.ge [sflag:s5], $0x2800  }
0x11f: {  	[sflag:s5] =	ssyncset.done $0x0  }
0x120: {  	[sflag:s5] =	ssyncadd.s32 $0xFFFFD800  }
0x121: {  	[spmem:s20] =	stream.linear.scatter [tilespmem:s10], [sflag:$0xB], $0x2800, $0x38;
	[tilespmem:$0x19400] =	vst v63  }
0x122: {  	_ =	swait.ge [sflag:s5], $0x2800  }
0x123: {  	[sflag:s5] =	ssyncset.done $0x0  }
0x124: {  	[sflag:s5] =	ssyncadd.s32 $0xFFFFD800  }
0x125: {  	[spmem:s11] =	stream.linear.scatter [tilespmem:s10], [sflag:$0xB], $0x2800, $0x38;
	[tilespmem:$0x19400] =	vst v63  }
0x126: {  	_ =	swait.ge [sflag:s5], $0x2800  }
0x127: {  	[sflag:s5] =	ssyncset.done $0x0  }
0x128: {  	[sflag:s5] =	ssyncadd.s32 $0xFFFFD800  }
0x129: {  	[bflag:$0x0] =	sbarrier.arrive $0xFFFF  }
0x12a: {  	s6 =	simm.s32 $0x0;
	s22 =	rddreg [dreg:$0x15]  }
0x12b: {  	[tilespmem:s12], [sflag:$0x7] =	stream.linear.gather [hbm4b:s22+s6], $0x50, $0x38;
	[tilespmem:$0x19400] =	vst v63  }
0x12c: {  	s4 =	rddreg [dreg:$0x16]  }
0x12d: {  	[tilespmem:s24], [sflag:$0x7] =	stream.linear.gather [hbm4b:s4+s6], $0x50, $0x38;
	[tilespmem:$0x19400] =	vst v63  }
0x12e: {  	s7 =	rddreg [dreg:$0x17]  }
0x12f: {  	[tilespmem:s13], [sflag:$0x8] =	stream.linear.gather [hbm4b:s7+s6], $0x50, $0x38;
	[tilespmem:$0x19400] =	vst v63  }
0x130: {  	s11 =	rddreg [dreg:$0x18]  }
0x131: {  	[tilespmem:s18], [sflag:$0x8] =	stream.linear.gather [hbm4b:s11+s6], $0x50, $0x38;
	[tilespmem:$0x19400] =	vst v63  }
0x132: {  	s20 =	rddreg [dreg:$0x19]  }
0x133: {  	[tilespmem:s14], [sflag:$0x9] =	stream.linear.gather [hbm4b:s20+s6], $0x50, $0x38;
	[tilespmem:$0x19400] =	vst v63  }
0x134: {  	s22 =	rddreg [dreg:$0x1a]  }
0x135: {  	[tilespmem:s29], [sflag:$0x9] =	stream.linear.gather [hbm4b:s22+s6], $0x50, $0x38;
	[tilespmem:$0x19400] =	vst v63  }
0x136: {  	s4 =	rddreg [dreg:$0x1b]  }
0x137: {  	[tilespmem:s15], [sflag:$0xA] =	stream.linear.gather [hbm4b:s4+s6], $0x50, $0x38;
	[tilespmem:$0x19400] =	vst v63  }
0x138: {  	s7 =	rddreg [dreg:$0x1c]  }
0x139: {  	[tilespmem:s0], [sflag:$0xA] =	stream.linear.gather [hbm4b:s7+s6], $0x50, $0x38;
	[tilespmem:$0x19400] =	vst v63  }
0x13a: {  	_ =	swait.ge [sflag:s16], $0x50  }
0x13b: {  	[sflag:s16] =	ssyncset.done $0x0  }
0x13c: {  	[sflag:s16] =	ssyncadd.s32 $0xFFFFFFB0  }
0x13d: {  	_ =	swait.ge [sflag:s16], $0x50  }
0x13e: {  	[sflag:s16] =	ssyncset.done $0x0  }
0x13f: {  	[sflag:s16] =	ssyncadd.s32 $0xFFFFFFB0  }
0x140: {  	[tilespmem:s10], [sflag:$0x1] =	stream.indirect.gather [hbm4b:s26+s19], $0x80, s24, s19, $0xb8;
	[tilespmem:$0x19400] =	vst v63  }
0x141: {  	_ =	swait.ge [sflag:s21], $0x50  }
0x142: {  	[sflag:s21] =	ssyncset.done $0x0  }
0x143: {  	[sflag:s21] =	ssyncadd.s32 $0xFFFFFFB0  }
0x144: {  	_ =	swait.ge [sflag:s21], $0x50  }
0x145: {  	[sflag:s21] =	ssyncset.done $0x0  }
0x146: {  	[sflag:s21] =	ssyncadd.s32 $0xFFFFFFB0  }
0x147: {  	[tilespmem:s1], [sflag:$0x2] =	stream.indirect.gather [hbm4b:s26+s19], $0x80, s18, s19, $0xb8;
	[tilespmem:$0x19400] =	vst v63  }
0x148: {  	_ =	swait.ge [sflag:s2], $0x2800  }
0x149: {  	[sflag:s2] =	ssyncset.done $0x0  }
0x14a: {  	[sflag:s2] =	ssyncadd.s32 $0xFFFFD800  }
0x14b: {  	[spmem:s30] =	stream.indirect.scatter.add.f32 [tilespmem:s10], [sflag:$0x3], $0x80, s12, s19, $0xb8;
	[tilespmem:$0x19400] =	vst v63  }
0x14c: {  	_ =	swait.ge [sflag:s3], $0x2800  }
0x14d: {  	[sflag:s3] =	ssyncset.done $0x0  }
0x14e: {  	[sflag:s3] =	ssyncadd.s32 $0xFFFFD800  }
0x14f: {  	[spmem:s30] =	stream.indirect.scatter.add.f32 [tilespmem:s1], [sflag:$0x4], $0x80, s13, s19, $0xb8;
	[tilespmem:$0x19400] =	vst v63  }
0x150: {  	_ =	swait.ge [sflag:s23], $0x2800  }
0x151: {  	s11 =	sadd.s32 $0x0, s31;
	[sflag:s23] =	ssyncset.done $0x0  }
0x152: {  	s20 =	sadd.s32 $0x0, s28;
	s4 =	sadd.s32 $0x28, s11;
	[sflag:s23] =	ssyncadd.s32 $0xFFFFD800  }
0x153: {  	[tilespmem:s12], [sflag:$0x7] =	stream.linear.gather [hbm4b:s4+s17], $0x50, $0x38;
	[tilespmem:$0x19400] =	vst v63  }
0x154: {  	s22 =	sadd.s32 $0x28, s20  }
0x155: {  	[tilespmem:s24], [sflag:$0x7] =	stream.linear.gather [hbm4b:s22+s17], $0x50, $0x38;
	[tilespmem:$0x19400] =	vst v63  }
0x156: {  	_ =	swait.ge [sflag:s25], $0x50  }
0x157: {  	[sflag:s25] =	ssyncset.done $0x0  }
0x158: {  	[sflag:s25] =	ssyncadd.s32 $0xFFFFFFB0  }
0x159: {  	_ =	swait.ge [sflag:s25], $0x50  }
0x15a: {  	[sflag:s25] =	ssyncset.done $0x0  }
0x15b: {  	p0 =	por $0x0, $0x0;
	[sflag:s25] =	ssyncadd.s32 $0xFFFFFFB0  }
0x15c: {  	[tilespmem:s10], [sflag:$0x1] =	stream.indirect.gather [hbm4b:s26+s19], $0x80, s29, s19, $0xb8;
	[tilespmem:$0x19400] =	vst v63  }
0x15d: {  	s20 =	simm.s32 @!p0 $0x19280;
	_ =	swait.ge [sflag:s8], $0x2800  }
0x15e: {  	s7 =	simm.s32 @!p0 $0x0;
	s4 =	sadd.s32 @!p0 $0x0, s31;
	[sflag:s8] =	ssyncset.done $0x0  }
0x15f: {  	s4 =	sadd.s32 @!p0 $0x32, s4;
	s22 =	sadd.s32 @!p0 $0x0, s28;
	[sflag:s8] =	ssyncadd.s32 $0xFFFFD800  }
0x160: {  	[tilespmem:s20], [sflag:$0x8] =	stream.linear.gather @!p0 [hbm4b:s4+s7], $0x50, $0x38;
	[tilespmem:$0x19400] =	vst v63  }
0x161: {  	s4 =	simm.s32 @!p0 $0x19080;
	s20 =	sadd.s32 @!p0 $0x32, s22  }
0x162: {  	[tilespmem:s4], [sflag:$0x8] =	stream.linear.gather @!p0 [hbm4b:s20+s7], $0x50, $0x38;
	[tilespmem:$0x19400] =	vst v63  }
0x163: {  	_ =	swait.ge [sflag:s9], $0x50  }
0x164: {  	[sflag:s9] =	ssyncset.done $0x0  }
0x165: {  	[sflag:s9] =	ssyncadd.s32 $0xFFFFFFB0  }
0x166: {  	_ =	swait.ge [sflag:s9], $0x50  }
0x167: {  	[sflag:s9] =	ssyncset.done $0x0  }
0x168: {  	[sflag:s9] =	ssyncadd.s32 $0xFFFFFFB0  }
0x169: {  	[tilespmem:s1], [sflag:$0x2] =	stream.indirect.gather [hbm4b:s26+s19], $0x80, s0, s19, $0xb8;
	[tilespmem:$0x19400] =	vst v63  }
0x16a: {  	_ =	swait.ge [sflag:s2], $0x2800  }
0x16b: {  	[sflag:s2] =	ssyncset.done $0x0  }
0x16c: {  	[sflag:s2] =	ssyncadd.s32 $0xFFFFD800  }
0x16d: {  	[spmem:s30] =	stream.indirect.scatter.add.f32 [tilespmem:s10], [sflag:$0x3], $0x80, s14, s19, $0xb8;
	[tilespmem:$0x19400] =	vst v63  }
0x16e: {  	_ =	swait.ge [sflag:s3], $0x2800  }
0x16f: {  	[sflag:s3] =	ssyncset.done $0x0  }
0x170: {  	p0 =	por $0x1, $0x1;
	[sflag:s3] =	ssyncadd.s32 $0xFFFFD800  }
0x171: {  	[spmem:s30] =	stream.indirect.scatter.add.f32 [tilespmem:s1], [sflag:$0x4], $0x80, s15, s19, $0xb8;
	[tilespmem:$0x19400] =	vst v63  }
0x172: {  	s4 =	sadd.s32 @p0 $0x0, s31;
	_ =	swait.ge [sflag:s23], $0x2800  }
0x173: {  	s7 =	simm.s32 @p0 $0x19300;
	s22 =	simm.s32 @p0 $0x0;
	[sflag:s23] =	ssyncset.done $0x0  }
0x174: {  	s5 =	sadd.s32 @p0 $0x0, s28;
	s20 =	sadd.s32 @p0 $0x3C, s4;
	[sflag:s23] =	ssyncadd.s32 $0xFFFFD800  }
0x175: {  	[tilespmem:s7], [sflag:$0x9] =	stream.linear.gather @p0 [hbm4b:s20+s22], $0x50, $0x38;
	[tilespmem:$0x19400] =	vst v63  }
0x176: {  	s7 =	simm.s32 @p0 $0x19100;
	s20 =	sadd.s32 @p0 $0x3C, s5  }
0x177: {  	[tilespmem:s7], [sflag:$0x9] =	stream.linear.gather @p0 [hbm4b:s20+s22], $0x50, $0x38;
	[tilespmem:$0x19400] =	vst v63  }
0x178: {  	s7 =	simm.s32 @p0 $0x4  }
0x179: {  	_ =	swait.ge @p0 [sflag:s7], $0x2800  }
0x17a: {  	[sflag:s7] =	ssyncset.done @p0 $0x0  }
0x17b: {  	s4 =	sadd.s32 @p0 $0x46, s4;
	[sflag:s7] =	ssyncadd.s32 @p0 $0xFFFFD800;
	s7 =	simm.s32 @p0 $0x19380  }
0x17c: {  	[tilespmem:s7], [sflag:$0xA] =	stream.linear.gather @p0 [hbm4b:s4+s22], $0x50, $0x38;
	[tilespmem:$0x19400] =	vst v63  }
0x17d: {  	s4 =	sadd.s32 @p0 $0x46, s5;
	s5 =	simm.s32 @p0 $0x19180  }
0x17e: {  	[tilespmem:s5], [sflag:$0xA] =	stream.linear.gather @p0 [hbm4b:s4+s22], $0x50, $0x38;
	[tilespmem:$0x19400] =	vst v63  }
0x17f: {  	s4 =	simm.s32 @!p0 $0x4  }
0x180: {  	_ =	swait.ge @!p0 [sflag:s4], $0x2800  }
0x181: {  	[sflag:s4] =	ssyncset.done @!p0 $0x0  }
0x182: {  	[sflag:s4] =	ssyncadd.s32 @!p0 $0xFFFFD800  }
0x183: {  	_ =	swait.ge [sflag:s16], $0x50  }
0x184: {  	[sflag:s16] =	ssyncset.done $0x0  }
0x185: {  	[sflag:s16] =	ssyncadd.s32 $0xFFFFFFB0  }
0x186: {  	_ =	swait.ge [sflag:s16], $0x50  }
0x187: {  	s7 =	simm.s32 $0x28;
	[sflag:s16] =	ssyncset.done $0x0  }
.LBB2_4:
0x188: {  	[sflag:s16] =	ssyncadd.s32 $0xFFFFFFB0;
	s4 =	smov.u32 s7;
	s7 =	sadd.s32 $0x28, s7  }
0x189: {  	[tilespmem:s10], [sflag:$0x1] =	stream.indirect.gather [hbm4b:s26+s19], $0x80, s24, s19, $0xb8;
	[tilespmem:$0x19400] =	vst v63  }
0x18a: {  	p0 =	sne.s32 s7, $0x4D8;
	_ =	swait.ge [sflag:s21], $0x50  }
0x18b: {  	[sflag:s21] =	ssyncset.done $0x0  }
0x18c: {  	[sflag:s21] =	ssyncadd.s32 $0xFFFFFFB0  }
0x18d: {  	_ =	swait.ge [sflag:s21], $0x50  }
0x18e: {  	[sflag:s21] =	ssyncset.done $0x0  }
0x18f: {  	[sflag:s21] =	ssyncadd.s32 $0xFFFFFFB0  }
0x190: {  	[tilespmem:s1], [sflag:$0x2] =	stream.indirect.gather [hbm4b:s26+s19], $0x80, s18, s19, $0xb8;
	[tilespmem:$0x19400] =	vst v63  }
0x191: {  	_ =	swait.ge [sflag:s2], $0x2800  }
0x192: {  	[sflag:s2] =	ssyncset.done $0x0  }
0x193: {  	[sflag:s2] =	ssyncadd.s32 $0xFFFFD800  }
0x194: {  	[spmem:s30] =	stream.indirect.scatter.add.f32 [tilespmem:s10], [sflag:$0x3], $0x80, s12, s19, $0xb8;
	[tilespmem:$0x19400] =	vst v63  }
0x195: {  	_ =	swait.ge [sflag:s3], $0x2800  }
0x196: {  	[sflag:s3] =	ssyncset.done $0x0  }
0x197: {  	[sflag:s3] =	ssyncadd.s32 $0xFFFFD800  }
0x198: {  	[spmem:s30] =	stream.indirect.scatter.add.f32 [tilespmem:s1], [sflag:$0x4], $0x80, s13, s19, $0xb8;
	[tilespmem:$0x19400] =	vst v63  }
0x199: {  	s5 =	sadd.s32 s4, s31;
	_ =	swait.ge [sflag:s23], $0x2800  }
0x19a: {  	s20 =	sadd.s32 s4, s28;
	s5 =	sadd.s32 $0x28, s5;
	[sflag:s23] =	ssyncset.done $0x0  }
0x19b: {  	[sflag:s23] =	ssyncadd.s32 $0xFFFFD800  }
0x19c: {  	[tilespmem:s12], [sflag:$0x7] =	stream.linear.gather [hbm4b:s5+s17], $0x50, $0x38;
	[tilespmem:$0x19400] =	vst v63  }
0x19d: {  	s5 =	sadd.s32 $0x28, s20  }
0x19e: {  	[tilespmem:s24], [sflag:$0x7] =	stream.linear.gather [hbm4b:s5+s17], $0x50, $0x38;
	[tilespmem:$0x19400] =	vst v63  }
0x19f: {  	_ =	swait.ge [sflag:s25], $0x50  }
0x1a0: {  	[sflag:s25] =	ssyncset.done $0x0  }
0x1a1: {  	[sflag:s25] =	ssyncadd.s32 $0xFFFFFFB0  }
0x1a2: {  	_ =	swait.ge [sflag:s25], $0x50  }
0x1a3: {  	[sflag:s25] =	ssyncset.done $0x0  }
0x1a4: {  	p1 =	seq.s32 s4, $0x4B0;
	[sflag:s25] =	ssyncadd.s32 $0xFFFFFFB0  }
0x1a5: {  	[tilespmem:s10], [sflag:$0x1] =	stream.indirect.gather [hbm4b:s26+s19], $0x80, s29, s19, $0xb8;
	[tilespmem:$0x19400] =	vst v63  }
0x1a6: {  	s20 =	simm.s32 @!p1 $0x0;
	s5 =	sadd.s32 @!p1 s4, s31;
	_ =	swait.ge [sflag:s8], $0x2800  }
0x1a7: {  	s22 =	simm.s32 @!p1 $0x19280;
	s5 =	sadd.s32 @!p1 $0x32, s5;
	[sflag:s8] =	ssyncset.done $0x0  }
0x1a8: {  	s6 =	sadd.s32 @!p1 s4, s28;
	s11 =	simm.s32 @!p1 $0x19080;
	[sflag:s8] =	ssyncadd.s32 $0xFFFFD800  }
0x1a9: {  	[tilespmem:s22], [sflag:$0x8] =	stream.linear.gather @!p1 [hbm4b:s5+s20], $0x50, $0x38;
	[tilespmem:$0x19400] =	vst v63  }
0x1aa: {  	s5 =	sadd.s32 @!p1 $0x32, s6  }
0x1ab: {  	[tilespmem:s11], [sflag:$0x8] =	stream.linear.gather @!p1 [hbm4b:s5+s20], $0x50, $0x38;
	[tilespmem:$0x19400] =	vst v63  }
0x1ac: {  	_ =	swait.ge [sflag:s9], $0x50  }
0x1ad: {  	[sflag:s9] =	ssyncset.done $0x0  }
0x1ae: {  	[sflag:s9] =	ssyncadd.s32 $0xFFFFFFB0  }
0x1af: {  	_ =	swait.ge [sflag:s9], $0x50  }
0x1b0: {  	[sflag:s9] =	ssyncset.done $0x0  }
0x1b1: {  	[sflag:s9] =	ssyncadd.s32 $0xFFFFFFB0  }
0x1b2: {  	[tilespmem:s1], [sflag:$0x2] =	stream.indirect.gather [hbm4b:s26+s19], $0x80, s0, s19, $0xb8;
	[tilespmem:$0x19400] =	vst v63  }
0x1b3: {  	_ =	swait.ge [sflag:s2], $0x2800  }
0x1b4: {  	[sflag:s2] =	ssyncset.done $0x0  }
0x1b5: {  	[sflag:s2] =	ssyncadd.s32 $0xFFFFD800  }
0x1b6: {  	[spmem:s30] =	stream.indirect.scatter.add.f32 [tilespmem:s10], [sflag:$0x3], $0x80, s14, s19, $0xb8;
	[tilespmem:$0x19400] =	vst v63  }
0x1b7: {  	_ =	swait.ge [sflag:s3], $0x2800  }
0x1b8: {  	[sflag:s3] =	ssyncset.done $0x0  }
0x1b9: {  	p1 =	sne.s32 s4, $0x4B0;
	[sflag:s3] =	ssyncadd.s32 $0xFFFFD800  }
0x1ba: {  	[spmem:s30] =	stream.indirect.scatter.add.f32 [tilespmem:s1], [sflag:$0x4], $0x80, s15, s19, $0xb8;
	[tilespmem:$0x19400] =	vst v63  }
0x1bb: {  	s5 =	sadd.s32 @p1 s4, s31;
	s6 =	simm.s32 @p1 $0x19300;
	_ =	swait.ge [sflag:s23], $0x2800  }
0x1bc: {  	s20 =	simm.s32 @p1 $0x0;
	s11 =	sadd.s32 @p1 $0x3C, s5;
	[sflag:s23] =	ssyncset.done $0x0  }
0x1bd: {  	s4 =	sadd.s32 @p1 s4, s28;
	s22 =	simm.s32 @p1 $0x19100;
	[sflag:s23] =	ssyncadd.s32 $0xFFFFD800  }
0x1be: {  	[tilespmem:s6], [sflag:$0x9] =	stream.linear.gather @p1 [hbm4b:s11+s20], $0x50, $0x38;
	[tilespmem:$0x19400] =	vst v63  }
0x1bf: {  	s5 =	sadd.s32 @p1 $0x46, s5;
	s6 =	sadd.s32 @p1 $0x3C, s4;
	s11 =	simm.s32 @p1 $0x4  }
0x1c0: {  	[tilespmem:s22], [sflag:$0x9] =	stream.linear.gather @p1 [hbm4b:s6+s20], $0x50, $0x38;
	[tilespmem:$0x19400] =	vst v63  }
0x1c1: {  	s4 =	sadd.s32 @p1 $0x46, s4;
	_ =	swait.ge @p1 [sflag:s11], $0x2800  }
0x1c2: {  	s6 =	simm.s32 @p1 $0x19380;
	[sflag:s11] =	ssyncset.done @p1 $0x0  }
0x1c3: {  	[sflag:s11] =	ssyncadd.s32 @p1 $0xFFFFD800;
	s11 =	simm.s32 @p1 $0x19180  }
0x1c4: {  	[tilespmem:s6], [sflag:$0xA] =	stream.linear.gather @p1 [hbm4b:s5+s20], $0x50, $0x38;
	[tilespmem:$0x19400] =	vst v63  }
0x1c5: {  	s5 =	simm.s32 @!p1 $0x4  }
0x1c6: {  	[tilespmem:s11], [sflag:$0xA] =	stream.linear.gather @p1 [hbm4b:s4+s20], $0x50, $0x38;
	[tilespmem:$0x19400] =	vst v63  }
0x1c7: {  	_ =	swait.ge @!p1 [sflag:s5], $0x2800  }
0x1c8: {  	[sflag:s5] =	ssyncset.done @!p1 $0x0  }
0x1c9: {  	[sflag:s5] =	ssyncadd.s32 @!p1 $0xFFFFD800  }
.Ltmp1:
0x1ca: {  	_ =	swait.ge [sflag:s16], $0x50;
	(pc) =	sbr.rel @p0 .LBB2_4-.Ltmp1, $4  }
0x1cb: {  	[sflag:s16] =	ssyncset.done $0x0  }
0x1cc: {  	[sflag:s16] =	ssyncadd.s32 $0xFFFFFFB0  }
0x1cd: {  	_ =	swait.ge [sflag:s16], $0x50  }
0x1ce: {  	[sflag:s16] =	ssyncset.done $0x0  }
0x1cf: {  	[sflag:s16] =	ssyncadd.s32 $0xFFFFFFB0  }
0x1d0: {  	[tilespmem:s10], [sflag:$0x1] =	stream.indirect.gather [hbm4b:s26+s19], $0x80, s24, s19, $0xb8;
	[tilespmem:$0x19400] =	vst v63  }
0x1d1: {  	_ =	swait.ge [sflag:s2], $0x2800  }
0x1d2: {  	[sflag:s2] =	ssyncset.done $0x0  }
0x1d3: {  	[sflag:s2] =	ssyncadd.s32 $0xFFFFD800  }
0x1d4: {  	[spmem:s30] =	stream.indirect.scatter.add.f32 [tilespmem:s10], [sflag:$0x3], $0x80, s12, s19, $0xb8;
	[tilespmem:$0x19400] =	vst v63  }
0x1d5: {  	_ =	swait.ge [sflag:s23], $0x2800  }
0x1d6: {  	[sflag:s23] =	ssyncset.done $0x0  }
0x1d7: {  	[sflag:s23] =	ssyncadd.s32 $0xFFFFD800  }
0x1d8: {  	[bflag:$0x0] =	sbarrier.arrive $0xFFFF  }
0x1d9: {  	s11 =	sld [smem:$0x7F1]  }
0x1da: {  	s5 =	sld [smem:$0x7EB];
	_ =	sdelay $0x1  }
0x1db: {  	s4 =	rddreg [dreg:$0xd]  }
0x1dc: {  	[hbm:s4], [sflag:s11] =	dma.local [spmem:s5], $0x500  }
0x1dd: {  	s7 =	sld [smem:$0x7F3]  }
0x1de: {  	s5 =	sld [smem:$0x7EC];
	_ =	sdelay $0x1  }
0x1df: {  	s4 =	rddreg [dreg:$0xe]  }
0x1e0: {  	[hbm:s4], [sflag:s7] =	dma.local [spmem:s5], $0x500  }
0x1e1: {  	s5 =	simm.s32 $0x5  }
0x1e2: {  	_ =	swait.ge [sflag:s5], $0x500  }
0x1e3: {  	s6 =	sld [smem:$0x7ED]  }
0x1e4: {  	[sflag:s5] =	ssyncset.done $0x0  }
0x1e5: {  	s20 =	rddreg [dreg:$0xf];
	[sflag:s5] =	ssyncadd.s32 $0xFFFFFB00  }
0x1e6: {  	[hbm:s20], [sflag:s11] =	dma.local [spmem:s6], $0x500  }
0x1e7: {  	s6 =	simm.s32 $0x6  }
0x1e8: {  	_ =	swait.ge [sflag:s6], $0x500  }
0x1e9: {  	s20 =	sld [smem:$0x7EE]  }
0x1ea: {  	[sflag:s6] =	ssyncset.done $0x0  }
0x1eb: {  	s22 =	rddreg [dreg:$0x10];
	[sflag:s6] =	ssyncadd.s32 $0xFFFFFB00  }
0x1ec: {  	[hbm:s22], [sflag:s7] =	dma.local [spmem:s20], $0x500  }
0x1ed: {  	_ =	swait.ge [sflag:s5], $0x500  }
0x1ee: {  	s22 =	sld [smem:$0x7EF]  }
0x1ef: {  	[sflag:s5] =	ssyncset.done $0x0  }
0x1f0: {  	s20 =	rddreg [dreg:$0x11];
	[sflag:s5] =	ssyncadd.s32 $0xFFFFFB00  }
0x1f1: {  	[hbm:s20], [sflag:s11] =	dma.local [spmem:s22], $0x500  }
0x1f2: {  	_ =	swait.ge [sflag:s6], $0x500  }
0x1f3: {  	s22 =	sld [smem:$0x7F0]  }
0x1f4: {  	[sflag:s6] =	ssyncset.done $0x0  }
0x1f5: {  	s20 =	rddreg [dreg:$0x12];
	[sflag:s6] =	ssyncadd.s32 $0xFFFFFB00  }
0x1f6: {  	[hbm:s20], [sflag:s7] =	dma.local [spmem:s22], $0x500  }
0x1f7: {  	_ =	swait.ge [sflag:s5], $0x500  }
0x1f8: {  	s22 =	sld [smem:$0x7F2]  }
0x1f9: {  	[sflag:s5] =	ssyncset.done $0x0  }
0x1fa: {  	s20 =	rddreg [dreg:$0x13];
	[sflag:s5] =	ssyncadd.s32 $0xFFFFFB00  }
0x1fb: {  	[hbm:s20], [sflag:s11] =	dma.local [spmem:s22], $0x500  }
0x1fc: {  	_ =	swait.ge [sflag:s6], $0x500  }
0x1fd: {  	s22 =	sld [smem:$0x7F4]  }
0x1fe: {  	[sflag:s6] =	ssyncset.done $0x0  }
0x1ff: {  	s20 =	rddreg [dreg:$0x14];
	[sflag:s6] =	ssyncadd.s32 $0xFFFFFB00  }
0x200: {  	[hbm:s20], [sflag:s7] =	dma.local [spmem:s22], $0x500  }
0x201: {  	_ =	swait.ge [sflag:s5], $0x500  }
0x202: {  	[sflag:s5] =	ssyncset.done $0x0  }
0x203: {  	[sflag:s5] =	ssyncadd.s32 $0xFFFFFB00  }
0x204: {  	_ =	swait.ge [sflag:s6], $0x500  }
0x205: {  	s20 =	sld [smem:$0x7F5]  }
0x206: {  	s22 =	sld [smem:$0x7FC];
	_ =	sdelay $0x1  }
0x207: {  	s5 =	sadd.s32 $0x1, s20  }
0x208: {  	p0 =	sne.s32 s5, s22  }
.Ltmp2:
0x209: {  	_ = 	snop;
	(pc) =	sbr.rel @p0 .LBB2_1-.Ltmp2, $4  }
0x20a: {  	[sflag:s6] =	ssyncset.done $0x0  }
0x20b: {  	[sflag:s6] =	ssyncadd.s32 $0xFFFFFB00;
	s6 =	rddreg [dreg:$0x1d]  }
0x20c: {  	s20 =	rddreg [dreg:$0x15]  }
0x20d: {  	s22 =	rddreg [dreg:$0x17]  }
0x20e: {  	_ =	sfence.sel $0x180000  }
0x20f: {  	[bflag:$0x0] =	sbarrier.arrive $0xFFFF  }
0x210: {  	_ =	strace $0x90000047  }
0x211: {  	s0 =	stileid.u32;
	[bflag:$0x2] =	sbarrier.arrive $0xFFFF  }
0x212: {  	p0 =	sne.s32 s0, $0x0;
	s0 =	rddreg [dreg:$0x4]  }
0x213: {  	s0 =	sadd.s32 @!p0 $0x100000, s0  }
0x214: {  	[sflag:s0] =	ssyncadd.tile.s32 @!p0 $0x1;
	_ =	shalt  }
.Lfunc_end2:
_tile_overlayer_lowered:
.L_overlay_start_2:
0x215: {  	(tag) =	ssettag $0x2  }
0x216: {  	s0 =	rddreg [dreg:$0x0];
	s2 =	stileid.u32  }
0x217: {  	s1 =	rddreg [dreg:$0x1];
	p0 =	sne.s32 s2, $0x0  }
0x218: {  	s3 =	rddreg [dreg:$0x2];
	[bflag:$0x3] =	sbarrier.arrive $0xFFFF;
	s2 =	simm.s32 @!p0 $0x1C0B  }
0x219: {  	[timem:s3], [sflag:s2] =	dma.local @!p0 [hbm:s0], s1  }
0x21a: {  	s0 =	simm.s32 @!p0 $0xB  }
0x21b: {  	_ =	swait.ge @!p0 [sflag:s0], s1  }
0x21c: {  	s1 =	ssub.s32 @!p0 $0x0, s1;
	[sflag:s0] =	ssyncset.done @!p0 $0x0  }
0x21d: {  	[sflag:s0] =	ssyncadd.s32 @!p0 s1  }
0x21e: {  	[bflag:$0x3] =	sbarrier.arrive $0xFFFF  }
0x21f: {  	_ =	shalt  }

</sc_bundles>
